<compile_context>
chip_gen: v7x
topology: tpu7x:2x2x1
jax: 0.10.2.dev20260603
libtpu: 0.0.44.dev20260713+nightly
codegen_flags: <defaults>
</compile_context>

<pallas_src>
import functools

import jax
import jax.numpy as jnp
from jax import lax
from jax.experimental import pallas as pl
from jax.experimental.pallas import tpu as pltpu
from jax.experimental.pallas import tpu_sc as plsc

NV = 10000
NE = 5000
NNZ = 320000
D = 128
NC = 2
NS = 16
NW = NC * NS
CH = 128
CPW = 80
NCHUNK = NW * CPW
NNZ_PAD = NCHUNK * CH
V_PAD = 10240
E_PAD = 5120
BM = 512

_F32 = jnp.float32


def _relu(v):
    return jnp.maximum(v, 0.0)


def _mesh():
    return plsc.VectorSubcoreMesh(core_axis_name="c", subcore_axis_name="s",
                                  num_cores=NC, num_subcores=NS)


def _zero_rows(rows_v):
    @pl.loop(0, 64)
    def _(i):
        for k in range(D // 16):
            rows_v[i, pl.ds(16 * k, 16)] = jnp.zeros((16,), _F32)


HALF = CPW // 2


@functools.cache
def _sc_pass(dst_pad):
    rpt = dst_pad // NS

    def body(src, gidx, sidx, acc_out,
             gi_all, si_all, rows0, rows1, acc_sh, sem0, sem1):
        cid = lax.axis_index("c")
        sid = lax.axis_index("s")
        wid = cid * NS + sid

        _zero_rows(rows0)

        @pl.loop(0, rpt // 64)
        def _(j):
            pltpu.sync_copy(rows0.at[pl.ds(0, 64)],
                            acc_sh.at[pl.ds(sid * rpt + j * 64, 64)])

        plsc.subcore_barrier()

        for half in range(CPW // HALF):
            base = wid * CPW + half * HALF
            pltpu.sync_copy(gidx.at[pl.ds(base, HALF)], gi_all)
            pltpu.sync_copy(sidx.at[pl.ds(base, HALF)], si_all)
            pltpu.async_copy(src.at[gi_all.at[0]], rows0, sem0)

            @pl.loop(0, HALF // 2)
            def _(jj):
                j0 = 2 * jj
                pltpu.async_copy(src.at[gi_all.at[j0 + 1]], rows1, sem1)
                pltpu.make_async_copy(src.at[gi_all.at[j0]], rows0,
                                      sem0).wait()
                pltpu.sync_copy(rows0, acc_sh.at[si_all.at[j0]], add=True)

                @pl.when(jj < HALF // 2 - 1)
                def _():
                    pltpu.async_copy(src.at[gi_all.at[j0 + 2]], rows0, sem0)

                pltpu.make_async_copy(src.at[gi_all.at[j0 + 1]], rows1,
                                      sem1).wait()
                pltpu.sync_copy(rows1, acc_sh.at[si_all.at[j0 + 1]], add=True)

        plsc.subcore_barrier()

        @pl.loop(0, rpt // 64)
        def _(j):
            r0 = sid * rpt + j * 64
            pltpu.sync_copy(acc_sh.at[pl.ds(r0, 64)], rows0.at[pl.ds(0, 64)])
            pltpu.sync_copy(rows0.at[pl.ds(0, 64)],
                            acc_out.at[cid, pl.ds(r0, 64)])

    return pl.kernel(
        body,
        out_type=jax.ShapeDtypeStruct((NC, dst_pad, D), _F32),
        mesh=_mesh(),
        scratch_types=[
            pltpu.VMEM((HALF, CH), jnp.int32),
            pltpu.VMEM((HALF, CH), jnp.int32),
            pltpu.VMEM((CH, D), _F32),
            pltpu.VMEM((CH, D), _F32),
            pltpu.VMEM_SHARED((dst_pad, D), _F32),
            pltpu.SemaphoreType.DMA,
            pltpu.SemaphoreType.DMA,
        ],
    )


CW = 128


@functools.cache
def _sc_counts():
    rpt = V_PAD // NS
    cpt = NCHUNK // NS

    def body(idx2, cnt_out, si_all, z_v, ones_v, cnt_sh):
        cid = lax.axis_index("c")
        sid = lax.axis_index("s")

        @pl.loop(0, CH)
        def _(i):
            for k in range(CW // 16):
                z_v[i, pl.ds(16 * k, 16)] = jnp.zeros((16,), _F32)
                ones_v[i, pl.ds(16 * k, 16)] = jnp.ones((16,), _F32)

        @pl.loop(0, rpt // CH)
        def _(j):
            pltpu.sync_copy(z_v, cnt_sh.at[pl.ds(sid * rpt + j * CH, CH)])

        plsc.subcore_barrier()

        for b in range(cpt // HALF):
            base = sid * cpt + b * HALF
            pltpu.sync_copy(idx2.at[cid, pl.ds(base, HALF)], si_all)

            @pl.loop(0, HALF)
            def _(j):
                pltpu.sync_copy(ones_v, cnt_sh.at[si_all.at[j]], add=True)

        plsc.subcore_barrier()

        @pl.loop(0, rpt // CH)
        def _(j):
            r0 = sid * rpt + j * CH
            pltpu.sync_copy(cnt_sh.at[pl.ds(r0, CH)], z_v)
            pltpu.sync_copy(z_v, cnt_out.at[cid, pl.ds(r0, CH)])

    return pl.kernel(
        body,
        out_type=jax.ShapeDtypeStruct((NC, V_PAD, CW), _F32),
        mesh=_mesh(),
        scratch_types=[
            pltpu.VMEM((HALF, CH), jnp.int32),
            pltpu.VMEM((CH, CW), _F32),
            pltpu.VMEM((CH, CW), _F32),
            pltpu.VMEM_SHARED((V_PAD, CW), _F32),
        ],
    )


def _dot(a, b):
    return jnp.dot(a, b, preferred_element_type=_F32)


def _a_body(pd_r, x_r, Wt1_r, bt1_r, Wt2_r, bt2_r, Wv_r, bv_r, topo_r, h0_r):
    t = _relu(_dot(pd_r[...], Wt1_r[...]) + bt1_r[...])
    topo_r[...] = _relu(_dot(t, Wt2_r[...]) + bt2_r[...])
    h0_r[...] = _relu(_dot(x_r[...], Wv_r[...]) + bv_r[...])


def _inv_counts(cnt_r):
    return 1.0 / jnp.maximum(cnt_r[...][:, 0], 1.0)


def _e_body(acc_r, ce_r, y_r):
    s = acc_r[0] + acc_r[1]
    y_r[...] = s * _inv_counts(ce_r)[:, None]


def _b_body(acc_r, cv_r, t_r, We_r, be_r, Wtl_r, btl_r, Wv_r, bv_r,
            t1_r, h1_r):
    z = (acc_r[0] + acc_r[1]) * _inv_counts(cv_r)[:, None]
    xc = _relu(_dot(z, We_r[...]) + be_r[...])
    t1 = _dot(t_r[...], Wtl_r[...]) + btl_r[...]
    t1_r[...] = t1
    xn = _relu(xc + xc * t1)
    h1_r[...] = _relu(_dot(xn, Wv_r[...]) + bv_r[...])


def _c_body(acc_r, cv_r, t_r, We_r, be_r, Wtl_r, btl_r, x2_r, t2_r):
    z = (acc_r[0] + acc_r[1]) * _inv_counts(cv_r)[:, None]
    xc = _relu(_dot(z, We_r[...]) + be_r[...])
    t2 = _dot(t_r[...], Wtl_r[...]) + btl_r[...]
    t2_r[...] = t2
    x2_r[...] = _relu(xc + xc * t2)


def _row_spec(w=D):
    return pl.BlockSpec((BM, w), lambda i: (i, 0))


def _full2(shape):
    return pl.BlockSpec(shape, lambda i: (0, 0))


def _bias_spec():
    return pl.BlockSpec((D,), lambda i: (0,))


def _part_spec(w=D):
    return pl.BlockSpec((NC, BM, w), lambda i: (0, i, 0))


_a_call = pl.pallas_call(
    _a_body,
    grid=(V_PAD // BM,),
    in_specs=[
        pl.BlockSpec((BM, 5), lambda i: (i, 0)),
        _row_spec(),
        _full2((5, D)), _bias_spec(),
        _full2((D, D)), _bias_spec(),
        _full2((D, D)), _bias_spec(),
    ],
    out_specs=[_row_spec(), _row_spec()],
    out_shape=[
        jax.ShapeDtypeStruct((V_PAD, D), _F32),
        jax.ShapeDtypeStruct((V_PAD, D), _F32),
    ],
)

_e_call = pl.pallas_call(
    _e_body,
    grid=(E_PAD // BM,),
    in_specs=[_part_spec(), _row_spec(CW)],
    out_specs=_row_spec(),
    out_shape=jax.ShapeDtypeStruct((E_PAD, D), _F32),
)

_b_call = pl.pallas_call(
    _b_body,
    grid=(V_PAD // BM,),
    in_specs=[
        _part_spec(), _row_spec(CW), _row_spec(),
        _full2((D, D)), _bias_spec(),
        _full2((D, D)), _bias_spec(),
        _full2((D, D)), _bias_spec(),
    ],
    out_specs=[_row_spec(), _row_spec()],
    out_shape=[
        jax.ShapeDtypeStruct((V_PAD, D), _F32),
        jax.ShapeDtypeStruct((V_PAD, D), _F32),
    ],
)

_c_call = pl.pallas_call(
    _c_body,
    grid=(V_PAD // BM,),
    in_specs=[
        _part_spec(), _row_spec(CW), _row_spec(),
        _full2((D, D)), _bias_spec(),
        _full2((D, D)), _bias_spec(),
    ],
    out_specs=[_row_spec(), _row_spec()],
    out_shape=[
        jax.ShapeDtypeStruct((V_PAD, D), _F32),
        jax.ShapeDtypeStruct((V_PAD, D), _F32),
    ],
)


def kernel(x, hg, pd, Wt1, bt1, Wt2, bt2, Wv2e0, bv2e0, We2v0, be2v0,
           Wtl0, btl0, Wv2e1, bv2e1, We2v1, be2v1, Wtl1, btl1):
    padn = NNZ_PAD - NNZ
    arp = jnp.arange(padn, dtype=jnp.int32)
    vp = jnp.concatenate(
        [hg[0], NV + arp % (V_PAD - NV)]).reshape(NCHUNK, CH)
    ep = jnp.concatenate(
        [hg[1], NE + arp % (E_PAD - NE)]).reshape(NCHUNK, CH)

    topo1, h0 = _a_call(pd, x, Wt1, bt1, Wt2, bt2, Wv2e0, bv2e0)
    cnt = _sc_counts()(jnp.stack([ep, vp]))
    ce, cv = cnt[0], cnt[1]

    acc_e0 = _sc_pass(E_PAD)(h0, vp, ep)
    y0 = _e_call(acc_e0, ce[:E_PAD])
    acc_v0 = _sc_pass(V_PAD)(y0, ep, vp)
    t1, h1 = _b_call(acc_v0, cv, topo1,
                     We2v0, be2v0, Wtl0, btl0, Wv2e1, bv2e1)

    acc_e1 = _sc_pass(E_PAD)(h1, vp, ep)
    y1 = _e_call(acc_e1, ce[:E_PAD])
    acc_v1 = _sc_pass(V_PAD)(y1, ep, vp)
    x2, t2 = _c_call(acc_v1, cv,
                     t1, We2v1, be2v1, Wtl1, btl1)

    return (x2[:NV], t2[:NV])

# --- scband reference (transcript-rebuilt; emitter-appended) ---
"""Pipeline reference for scband-pdhnhn-68118181314625 (READ-ONLY COPY).

The authoritative reference and input builder live on the scoring server;
editing this copy changes nothing except your own understanding.
"""

import jax, jax.numpy as jnp
import numpy as np

N_V = 10000
N_E_HYPER = 5000
NNZ = 320000
D_IN = 128
D_H = 128
PD_C = 5


def setup_inputs(seed: int = 0) -> dict:
    key = jax.random.key(seed)
    ks = jax.random.split(key, 16)
    inp = {}
    inp["x"] = jax.random.normal(ks[0], (N_V, D_IN), dtype=jnp.float32)
    inp["hg"] = jax.random.randint(ks[1], (2, NNZ), 0, N_E_HYPER, dtype=jnp.int32)
    inp["pd"] = jax.random.uniform(ks[2], (N_V, PD_C), dtype=jnp.float32)

    def lin(k, fi, fo):
        return jax.random.normal(k, (fi, fo), dtype=jnp.float32) * (1.0 / np.sqrt(fi))

    inp["Wt1"] = lin(ks[3], PD_C, D_IN); inp["bt1"] = jnp.zeros((D_IN,), jnp.float32)
    inp["Wt2"] = lin(ks[4], D_IN, D_IN); inp["bt2"] = jnp.zeros((D_IN,), jnp.float32)
    inp["Wv2e0"] = lin(ks[5], D_IN, D_H); inp["bv2e0"] = jnp.zeros((D_H,), jnp.float32)
    inp["We2v0"] = lin(ks[6], D_H, D_H); inp["be2v0"] = jnp.zeros((D_H,), jnp.float32)
    inp["Wtl0"] = lin(ks[7], D_IN, D_H); inp["btl0"] = jnp.zeros((D_H,), jnp.float32)
    inp["Wv2e1"] = lin(ks[8], D_H, D_H); inp["bv2e1"] = jnp.zeros((D_H,), jnp.float32)
    inp["We2v1"] = lin(ks[9], D_H, D_H); inp["be2v1"] = jnp.zeros((D_H,), jnp.float32)
    inp["Wtl1"] = lin(ks[10], D_H, D_H); inp["btl1"] = jnp.zeros((D_H,), jnp.float32)
    return inp


def _segment_mean(vals, ids, num):
    s = jax.ops.segment_sum(vals, ids, num_segments=num)
    c = jax.ops.segment_sum(jnp.ones((ids.shape[0],), dtype=vals.dtype), ids, num_segments=num)
    return s / jnp.clip(c, 1.0)[:, None]


def _hnhn_conv(x, vidx, eidx, Wv2e, bv2e, We2v, be2v):
    # HNHN: vertex->hyperedge linear + act, mean-aggregate to hyperedges,
    # mean-aggregate back to vertices, hyperedge->vertex linear + act.
    h = jax.nn.relu(x @ Wv2e + bv2e)
    y = _segment_mean(h[vidx], eidx, N_E_HYPER)
    x = _segment_mean(y[eidx], vidx, N_V) @ We2v + be2v
    return jax.nn.relu(x)


def reference(x, hg, pd, Wt1, bt1, Wt2, bt2, Wv2e0, bv2e0, We2v0, be2v0, Wtl0, btl0, Wv2e1, bv2e1, We2v1, be2v1, Wtl1, btl1):
    vidx = hg[0]
    eidx = hg[1]
    # topology branch: per-node persistence-diagram features -> MLP
    topo = jax.nn.relu(pd @ Wt1 + bt1)
    topo = jax.nn.relu(topo @ Wt2 + bt2)
    layers = [
        (Wv2e0, bv2e0, We2v0, be2v0, Wtl0, btl0),
        (Wv2e1, bv2e1, We2v1, be2v1, Wtl1, btl1),
    ]
    for (Wv2e, bv2e, We2v, be2v, Wtl, btl) in layers:
        x = _hnhn_conv(x, vidx, eidx, Wv2e, bv2e, We2v, be2v)
        topo = topo @ Wtl + btl
        # dropout is identity in eval mode
        x = x + x * topo
        x = jax.nn.relu(x)
    return (x, topo)

if __name__ == "__main__":
    import jax
    _d = setup_inputs()
    print(jax.jit(kernel)(*tuple(_d.values())))

</pallas_src>

<mosaic_0001>
#map = affine_map<(d0, d1) -> (0, 0)>
#map1 = affine_map<(d0, d1) -> (0, 0, 0)>
module attributes {stable_mosaic.version = 14 : i64} {
  func.func @body(%arg0: i32, %arg1: i32, %arg2: memref<5120x128xf32, #tpu.memory_space<hbm>>, %arg3: memref<2560x128xi32, #tpu.memory_space<hbm>>, %arg4: memref<2560x128xi32, #tpu.memory_space<hbm>>, %arg5: memref<2x10240x128xf32, #tpu.memory_space<hbm>>, %arg6: memref<40x128xi32, #tpu.memory_space<vmem>>, %arg7: memref<40x128xi32, #tpu.memory_space<vmem>>, %arg8: memref<128x128xf32, #tpu.memory_space<vmem>>, %arg9: memref<128x128xf32, #tpu.memory_space<vmem>>, %arg10: memref<10240x128xf32, #tpu.memory_space<vmem_shared>>, %arg11: memref<!tpu.dma_semaphore, #tpu.memory_space<semaphore_mem>>, %arg12: memref<!tpu.dma_semaphore, #tpu.memory_space<semaphore_mem>>) attributes {dimension_semantics = [#tpu.dimension_semantics<core_parallel>, #tpu.dimension_semantics<subcore_parallel>], iteration_bounds = array<i64: 2, 16>, scalar_prefetch = 0 : i64, scratch_operands = 7 : i64, tpu.core_type = #tpu.core_type<sc_vector_subcore>, window_params = [{transform_indices = #map}, {transform_indices = #map}, {transform_indices = #map}, {transform_indices = #map1}]} {
    %mul3A = arith.constant 16 : i32
    %mul3A_0 = arith.muli %arg0, %mul3A : i32
    %add3A = arith.addi %mul3A_0, %arg1 : i32
    %scan3A = arith.constant 0 : i32
    %scan3A_1 = arith.constant 64 : i32
    %scan3A_2 = arith.addi %scan3A, %scan3A_1 : i32
    %scan3A_3 = arith.constant 1 : i32
    scf.for %scan3A_47 = %scan3A to %scan3A_2 step %scan3A_3  : i32 {
      %mul3A_48 = arith.constant 1 : i32
      %mul3A_49 = arith.muli %scan3A_47, %mul3A_48 : i32
      %add3A_50 = arith.constant 0 : i32
      %add3A_51 = arith.addi %add3A_50, %mul3A_49 : i32
      %broadcast_in_dim3A = arith.constant 0.000000e+00 : f32
      %broadcast_in_dim3A_52 = vector.broadcast %broadcast_in_dim3A : f32 to vector<16xf32>
      %swap3A = arith.index_cast %add3A_51 : i32 to index
      %swap3A_53 = arith.constant 0 : index
      %swap3A_54 = tpu.vector_load %arg8[%swap3A, %swap3A_53] {strides = array<i32>} : memref<128x128xf32, #tpu.memory_space<vmem>>, vector<1x16xf32>,
      %swap3A_55 = vector.shape_cast %swap3A_54 : vector<1x16xf32> to vector<16xf32>
      %swap3A_56 = vector.shape_cast %broadcast_in_dim3A_52 : vector<16xf32> to vector<1x16xf32>
      tpu.vector_store %arg8[%swap3A, %swap3A_53], %swap3A_56 {strides = array<i32>} : memref<128x128xf32, #tpu.memory_space<vmem>>, vector<1x16xf32>,
      %broadcast_in_dim3A_57 = arith.constant 0.000000e+00 : f32
      %broadcast_in_dim3A_58 = vector.broadcast %broadcast_in_dim3A_57 : f32 to vector<16xf32>
      %swap3A_59 = arith.index_cast %add3A_51 : i32 to index
      %swap3A_60 = arith.constant 16 : index
      %swap3A_61 = tpu.vector_load %arg8[%swap3A_59, %swap3A_60] {strides = array<i32>} : memref<128x128xf32, #tpu.memory_space<vmem>>, vector<1x16xf32>,
      %swap3A_62 = vector.shape_cast %swap3A_61 : vector<1x16xf32> to vector<16xf32>
      %swap3A_63 = vector.shape_cast %broadcast_in_dim3A_58 : vector<16xf32> to vector<1x16xf32>
      tpu.vector_store %arg8[%swap3A_59, %swap3A_60], %swap3A_63 {strides = array<i32>} : memref<128x128xf32, #tpu.memory_space<vmem>>, vector<1x16xf32>,
      %broadcast_in_dim3A_64 = arith.constant 0.000000e+00 : f32
      %broadcast_in_dim3A_65 = vector.broadcast %broadcast_in_dim3A_64 : f32 to vector<16xf32>
      %swap3A_66 = arith.index_cast %add3A_51 : i32 to index
      %swap3A_67 = arith.constant 32 : index
      %swap3A_68 = tpu.vector_load %arg8[%swap3A_66, %swap3A_67] {strides = array<i32>} : memref<128x128xf32, #tpu.memory_space<vmem>>, vector<1x16xf32>,
      %swap3A_69 = vector.shape_cast %swap3A_68 : vector<1x16xf32> to vector<16xf32>
      %swap3A_70 = vector.shape_cast %broadcast_in_dim3A_65 : vector<16xf32> to vector<1x16xf32>
      tpu.vector_store %arg8[%swap3A_66, %swap3A_67], %swap3A_70 {strides = array<i32>} : memref<128x128xf32, #tpu.memory_space<vmem>>, vector<1x16xf32>,
      %broadcast_in_dim3A_71 = arith.constant 0.000000e+00 : f32
      %broadcast_in_dim3A_72 = vector.broadcast %broadcast_in_dim3A_71 : f32 to vector<16xf32>
      %swap3A_73 = arith.index_cast %add3A_51 : i32 to index
      %swap3A_74 = arith.constant 48 : index
      %swap3A_75 = tpu.vector_load %arg8[%swap3A_73, %swap3A_74] {strides = array<i32>} : memref<128x128xf32, #tpu.memory_space<vmem>>, vector<1x16xf32>,
      %swap3A_76 = vector.shape_cast %swap3A_75 : vector<1x16xf32> to vector<16xf32>
      %swap3A_77 = vector.shape_cast %broadcast_in_dim3A_72 : vector<16xf32> to vector<1x16xf32>
      tpu.vector_store %arg8[%swap3A_73, %swap3A_74], %swap3A_77 {strides = array<i32>} : memref<128x128xf32, #tpu.memory_space<vmem>>, vector<1x16xf32>,
      %broadcast_in_dim3A_78 = arith.constant 0.000000e+00 : f32
      %broadcast_in_dim3A_79 = vector.broadcast %broadcast_in_dim3A_78 : f32 to vector<16xf32>
      %swap3A_80 = arith.index_cast %add3A_51 : i32 to index
      %swap3A_81 = arith.constant 64 : index
      %swap3A_82 = tpu.vector_load %arg8[%swap3A_80, %swap3A_81] {strides = array<i32>} : memref<128x128xf32, #tpu.memory_space<vmem>>, vector<1x16xf32>,
      %swap3A_83 = vector.shape_cast %swap3A_82 : vector<1x16xf32> to vector<16xf32>
      %swap3A_84 = vector.shape_cast %broadcast_in_dim3A_79 : vector<16xf32> to vector<1x16xf32>
      tpu.vector_store %arg8[%swap3A_80, %swap3A_81], %swap3A_84 {strides = array<i32>} : memref<128x128xf32, #tpu.memory_space<vmem>>, vector<1x16xf32>,
      %broadcast_in_dim3A_85 = arith.constant 0.000000e+00 : f32
      %broadcast_in_dim3A_86 = vector.broadcast %broadcast_in_dim3A_85 : f32 to vector<16xf32>
      %swap3A_87 = arith.index_cast %add3A_51 : i32 to index
      %swap3A_88 = arith.constant 80 : index
      %swap3A_89 = tpu.vector_load %arg8[%swap3A_87, %swap3A_88] {strides = array<i32>} : memref<128x128xf32, #tpu.memory_space<vmem>>, vector<1x16xf32>,
      %swap3A_90 = vector.shape_cast %swap3A_89 : vector<1x16xf32> to vector<16xf32>
      %swap3A_91 = vector.shape_cast %broadcast_in_dim3A_86 : vector<16xf32> to vector<1x16xf32>
      tpu.vector_store %arg8[%swap3A_87, %swap3A_88], %swap3A_91 {strides = array<i32>} : memref<128x128xf32, #tpu.memory_space<vmem>>, vector<1x16xf32>,
      %broadcast_in_dim3A_92 = arith.constant 0.000000e+00 : f32
      %broadcast_in_dim3A_93 = vector.broadcast %broadcast_in_dim3A_92 : f32 to vector<16xf32>
      %swap3A_94 = arith.index_cast %add3A_51 : i32 to index
      %swap3A_95 = arith.constant 96 : index
      %swap3A_96 = tpu.vector_load %arg8[%swap3A_94, %swap3A_95] {strides = array<i32>} : memref<128x128xf32, #tpu.memory_space<vmem>>, vector<1x16xf32>,
      %swap3A_97 = vector.shape_cast %swap3A_96 : vector<1x16xf32> to vector<16xf32>
      %swap3A_98 = vector.shape_cast %broadcast_in_dim3A_93 : vector<16xf32> to vector<1x16xf32>
      tpu.vector_store %arg8[%swap3A_94, %swap3A_95], %swap3A_98 {strides = array<i32>} : memref<128x128xf32, #tpu.memory_space<vmem>>, vector<1x16xf32>,
      %broadcast_in_dim3A_99 = arith.constant 0.000000e+00 : f32
      %broadcast_in_dim3A_100 = vector.broadcast %broadcast_in_dim3A_99 : f32 to vector<16xf32>
      %swap3A_101 = arith.index_cast %add3A_51 : i32 to index
      %swap3A_102 = arith.constant 112 : index
      %swap3A_103 = tpu.vector_load %arg8[%swap3A_101, %swap3A_102] {strides = array<i32>} : memref<128x128xf32, #tpu.memory_space<vmem>>, vector<1x16xf32>,
      %swap3A_104 = vector.shape_cast %swap3A_103 : vector<1x16xf32> to vector<16xf32>
      %swap3A_105 = vector.shape_cast %broadcast_in_dim3A_100 : vector<16xf32> to vector<1x16xf32>
      tpu.vector_store %arg8[%swap3A_101, %swap3A_102], %swap3A_105 {strides = array<i32>} : memref<128x128xf32, #tpu.memory_space<vmem>>, vector<1x16xf32>,
    }
    %scan3A_4 = arith.constant 64 : i32
    %scan3A_5 = arith.constant 0 : i32
    %scan3A_6 = arith.constant 10 : i32
    %scan3A_7 = arith.addi %scan3A_5, %scan3A_6 : i32
    %scan3A_8 = arith.constant 1 : i32
    scf.for %scan3A_47 = %scan3A_5 to %scan3A_7 step %scan3A_8  : i32 {
      %mul3A_48 = arith.constant 1 : i32
      %mul3A_49 = arith.muli %scan3A_47, %mul3A_48 : i32
      %add3A_50 = arith.constant 0 : i32
      %add3A_51 = arith.addi %add3A_50, %mul3A_49 : i32
      %mul3A_52 = arith.constant 640 : i32
      %mul3A_53 = arith.muli %arg1, %mul3A_52 : i32
      %mul3A_54 = arith.constant 64 : i32
      %mul3A_55 = arith.muli %add3A_51, %mul3A_54 : i32
      %add3A_56 = arith.addi %mul3A_53, %mul3A_55 : i32
      "tpu.region"() ({
        %run_scoped3A = tpu.sem_alloc : memref<!tpu.dma_semaphore, #tpu.memory_space<semaphore_mem>>
        %dma_start3A_57 = arith.constant 0 : i32
        %dma_start3A_58 = arith.constant 0 : i32
        %dma_start3A_59 = tpu.memref_slice %arg8[%dma_start3A_57, %dma_start3A_58] : memref<128x128xf32, #tpu.memory_space<vmem>> -> memref<64x128xf32, #tpu.memory_space<vmem>>
        %dma_start3A_60 = arith.constant 0 : i32
        %dma_start3A_61 = tpu.memref_slice %arg10[%add3A_56, %dma_start3A_60] : memref<10240x128xf32, #tpu.memory_space<vmem_shared>> -> memref<64x128xf32, #tpu.memory_space<vmem_shared>>
        %dma_start3A_62 = arith.constant 0 : i32
        %dma_start3A_63 = tpu.memref_slice %arg10[%add3A_56, %dma_start3A_62] : memref<10240x128xf32, #tpu.memory_space<vmem_shared>> -> memref<64x128xf32, #tpu.memory_space<vmem_shared>>
        %dma_start3A_64 = arith.constant 0 : i32
        %dma_start3A_65 = arith.constant 0 : i32
        %dma_start3A_66 = tpu.memref_slice %arg8[%dma_start3A_64, %dma_start3A_65] : memref<128x128xf32, #tpu.memory_space<vmem>> -> memref<64x128xf32, #tpu.memory_space<vmem>>
        tpu.enqueue_dma source(%dma_start3A_66 : memref<64x128xf32, #tpu.memory_space<vmem>>) target(%dma_start3A_63 : memref<64x128xf32, #tpu.memory_space<vmem_shared>>) target_semaphore(%run_scoped3A : memref<!tpu.dma_semaphore, #tpu.memory_space<semaphore_mem>>)
        %dma_wait3A = arith.constant 0 : i32
        %dma_wait3A_67 = arith.constant 0 : i32
        %dma_wait3A_68 = tpu.memref_slice %arg8[%dma_wait3A, %dma_wait3A_67] : memref<128x128xf32, #tpu.memory_space<vmem>> -> memref<64x128xf32, #tpu.memory_space<vmem>>
        %dma_wait3A_69 = arith.constant 0 : i32
        %dma_wait3A_70 = tpu.memref_slice %arg10[%add3A_56, %dma_wait3A_69] : memref<10240x128xf32, #tpu.memory_space<vmem_shared>> -> memref<64x128xf32, #tpu.memory_space<vmem_shared>>
        %dma_wait3A_71 = arith.constant 0 : i32
        %dma_wait3A_72 = tpu.memref_slice %arg10[%add3A_56, %dma_wait3A_71] : memref<10240x128xf32, #tpu.memory_space<vmem_shared>> -> memref<64x128xf32, #tpu.memory_space<vmem_shared>>
        %dma_wait3A_73 = arith.constant 0 : i32
        %dma_wait3A_74 = arith.constant 0 : i32
        %dma_wait3A_75 = tpu.memref_slice %arg8[%dma_wait3A_73, %dma_wait3A_74] : memref<128x128xf32, #tpu.memory_space<vmem>> -> memref<64x128xf32, #tpu.memory_space<vmem>>
        tpu.wait_dma2 semaphore(%run_scoped3A : memref<!tpu.dma_semaphore, #tpu.memory_space<semaphore_mem>>) src(%dma_wait3A_75 : memref<64x128xf32, #tpu.memory_space<vmem>>) dst(%dma_wait3A_72 : memref<64x128xf32, #tpu.memory_space<vmem_shared>>)
        tpu.yield
      }) : () -> ()
    }
    %scan3A_9 = arith.constant 10 : i32
    %barrier3A = arith.constant 0 : index
    tpu.barrier barrier_id(%barrier3A)
    %mul3A_10 = arith.constant 80 : i32
    %mul3A_11 = arith.muli %add3A, %mul3A_10 : i32
    %add3A_12 = arith.constant 0 : i32
    %add3A_13 = arith.addi %mul3A_11, %add3A_12 : i32
    "tpu.region"() ({
      %run_scoped3A = tpu.sem_alloc : memref<!tpu.dma_semaphore, #tpu.memory_space<semaphore_mem>>
      %dma_start3A_47 = arith.constant 0 : i32
      %dma_start3A_48 = tpu.memref_slice %arg3[%add3A_13, %dma_start3A_47] : memref<2560x128xi32, #tpu.memory_space<hbm>> -> memref<40x128xi32, #tpu.memory_space<hbm>>
      %dma_start3A_49 = arith.constant 0 : i32
      %dma_start3A_50 = tpu.memref_slice %arg3[%add3A_13, %dma_start3A_49] : memref<2560x128xi32, #tpu.memory_space<hbm>> -> memref<40x128xi32, #tpu.memory_space<hbm>>
      tpu.enqueue_dma source(%dma_start3A_50 : memref<40x128xi32, #tpu.memory_space<hbm>>) target(%arg6 : memref<40x128xi32, #tpu.memory_space<vmem>>) target_semaphore(%run_scoped3A : memref<!tpu.dma_semaphore, #tpu.memory_space<semaphore_mem>>)
      %dma_wait3A = arith.constant 0 : i32
      %dma_wait3A_51 = tpu.memref_slice %arg3[%add3A_13, %dma_wait3A] : memref<2560x128xi32, #tpu.memory_space<hbm>> -> memref<40x128xi32, #tpu.memory_space<hbm>>
      %dma_wait3A_52 = arith.constant 0 : i32
      %dma_wait3A_53 = tpu.memref_slice %arg3[%add3A_13, %dma_wait3A_52] : memref<2560x128xi32, #tpu.memory_space<hbm>> -> memref<40x128xi32, #tpu.memory_space<hbm>>
      tpu.wait_dma2 semaphore(%run_scoped3A : memref<!tpu.dma_semaphore, #tpu.memory_space<semaphore_mem>>) src(%dma_wait3A_53 : memref<40x128xi32, #tpu.memory_space<hbm>>) dst(%arg6 : memref<40x128xi32, #tpu.memory_space<vmem>>)
      tpu.yield
    }) : () -> ()
    "tpu.region"() ({
      %run_scoped3A = tpu.sem_alloc : memref<!tpu.dma_semaphore, #tpu.memory_space<semaphore_mem>>
      %dma_start3A_47 = arith.constant 0 : i32
      %dma_start3A_48 = tpu.memref_slice %arg4[%add3A_13, %dma_start3A_47] : memref<2560x128xi32, #tpu.memory_space<hbm>> -> memref<40x128xi32, #tpu.memory_space<hbm>>
      %dma_start3A_49 = arith.constant 0 : i32
      %dma_start3A_50 = tpu.memref_slice %arg4[%add3A_13, %dma_start3A_49] : memref<2560x128xi32, #tpu.memory_space<hbm>> -> memref<40x128xi32, #tpu.memory_space<hbm>>
      tpu.enqueue_dma source(%dma_start3A_50 : memref<40x128xi32, #tpu.memory_space<hbm>>) target(%arg7 : memref<40x128xi32, #tpu.memory_space<vmem>>) target_semaphore(%run_scoped3A : memref<!tpu.dma_semaphore, #tpu.memory_space<semaphore_mem>>)
      %dma_wait3A = arith.constant 0 : i32
      %dma_wait3A_51 = tpu.memref_slice %arg4[%add3A_13, %dma_wait3A] : memref<2560x128xi32, #tpu.memory_space<hbm>> -> memref<40x128xi32, #tpu.memory_space<hbm>>
      %dma_wait3A_52 = arith.constant 0 : i32
      %dma_wait3A_53 = tpu.memref_slice %arg4[%add3A_13, %dma_wait3A_52] : memref<2560x128xi32, #tpu.memory_space<hbm>> -> memref<40x128xi32, #tpu.memory_space<hbm>>
      tpu.wait_dma2 semaphore(%run_scoped3A : memref<!tpu.dma_semaphore, #tpu.memory_space<semaphore_mem>>) src(%dma_wait3A_53 : memref<40x128xi32, #tpu.memory_space<hbm>>) dst(%arg7 : memref<40x128xi32, #tpu.memory_space<vmem>>)
      tpu.yield
    }) : () -> ()
    %dma_start3A = arith.constant 0 : i32
    %dma_start3A_14 = arith.constant 0 : i32
    %dma_start3A_15 = tpu.memref_slice %arg6[%dma_start3A, %dma_start3A_14] : memref<40x128xi32, #tpu.memory_space<vmem>> -> memref<1x128xi32, #tpu.memory_space<vmem>>
    %dma_start3A_16 = tpu.memref_squeeze %dma_start3A_15 : memref<1x128xi32, #tpu.memory_space<vmem>> -> memref<128xi32, #tpu.memory_space<vmem>>
    %dma_start3A_17 = arith.constant 0 : i32
    %dma_start3A_18 = arith.constant 0 : i32
    %dma_start3A_19 = tpu.memref_slice %arg2[%dma_start3A_17, %dma_start3A_18] : memref<5120x128xf32, #tpu.memory_space<hbm>> -> memref<5120x128xf32, #tpu.memory_space<hbm>>
    tpu.enqueue_indirect_dma source(%dma_start3A_19 : memref<5120x128xf32, #tpu.memory_space<hbm>>) target(%arg8 : memref<128x128xf32, #tpu.memory_space<vmem>>) offsets(%dma_start3A_16 : memref<128xi32, #tpu.memory_space<vmem>>) semaphore(%arg11 : memref<!tpu.dma_semaphore, #tpu.memory_space<semaphore_mem>>)
    %scan3A_20 = arith.constant 0 : i32
    %scan3A_21 = arith.constant 20 : i32
    %scan3A_22 = arith.addi %scan3A_20, %scan3A_21 : i32
    %scan3A_23 = arith.constant 1 : i32
    scf.for %scan3A_47 = %scan3A_20 to %scan3A_22 step %scan3A_23  : i32 {
      %mul3A_48 = arith.constant 1 : i32
      %mul3A_49 = arith.muli %scan3A_47, %mul3A_48 : i32
      %add3A_50 = arith.constant 0 : i32
      %add3A_51 = arith.addi %add3A_50, %mul3A_49 : i32
      %mul3A_52 = arith.constant 2 : i32
      %mul3A_53 = arith.muli %mul3A_52, %add3A_51 : i32
      %add3A_54 = arith.constant 1 : i32
      %add3A_55 = arith.addi %mul3A_53, %add3A_54 : i32
      %dma_start3A_56 = arith.constant 0 : i32
      %dma_start3A_57 = tpu.memref_slice %arg6[%add3A_55, %dma_start3A_56] : memref<40x128xi32, #tpu.memory_space<vmem>> -> memref<1x128xi32, #tpu.memory_space<vmem>>
      %dma_start3A_58 = tpu.memref_squeeze %dma_start3A_57 : memref<1x128xi32, #tpu.memory_space<vmem>> -> memref<128xi32, #tpu.memory_space<vmem>>
      %dma_start3A_59 = arith.constant 0 : i32
      %dma_start3A_60 = arith.constant 0 : i32
      %dma_start3A_61 = tpu.memref_slice %arg2[%dma_start3A_59, %dma_start3A_60] : memref<5120x128xf32, #tpu.memory_space<hbm>> -> memref<5120x128xf32, #tpu.memory_space<hbm>>
      tpu.enqueue_indirect_dma source(%dma_start3A_61 : memref<5120x128xf32, #tpu.memory_space<hbm>>) target(%arg9 : memref<128x128xf32, #tpu.memory_space<vmem>>) offsets(%dma_start3A_58 : memref<128xi32, #tpu.memory_space<vmem>>) semaphore(%arg12 : memref<!tpu.dma_semaphore, #tpu.memory_space<semaphore_mem>>)
      %dma_wait3A = arith.constant 0 : i32
      %dma_wait3A_62 = tpu.memref_slice %arg6[%mul3A_53, %dma_wait3A] : memref<40x128xi32, #tpu.memory_space<vmem>> -> memref<1x128xi32, #tpu.memory_space<vmem>>
      %dma_wait3A_63 = tpu.memref_squeeze %dma_wait3A_62 : memref<1x128xi32, #tpu.memory_space<vmem>> -> memref<128xi32, #tpu.memory_space<vmem>>
      %dma_wait3A_64 = arith.constant 0 : i32
      %dma_wait3A_65 = arith.constant 0 : i32
      %dma_wait3A_66 = tpu.memref_slice %arg2[%dma_wait3A_64, %dma_wait3A_65] : memref<5120x128xf32, #tpu.memory_space<hbm>> -> memref<5120x128xf32, #tpu.memory_space<hbm>>
      tpu.wait_indirect_dma semaphore(%arg11 : memref<!tpu.dma_semaphore, #tpu.memory_space<semaphore_mem>>) src(%dma_wait3A_66 : memref<5120x128xf32, #tpu.memory_space<hbm>>) dst(%arg8 : memref<128x128xf32, #tpu.memory_space<vmem>>)
      "tpu.region"() ({
        %run_scoped3A = tpu.sem_alloc : memref<!tpu.dma_semaphore, #tpu.memory_space<semaphore_mem>>
        %dma_start3A_79 = arith.constant 0 : i32
        %dma_start3A_80 = tpu.memref_slice %arg7[%mul3A_53, %dma_start3A_79] : memref<40x128xi32, #tpu.memory_space<vmem>> -> memref<1x128xi32, #tpu.memory_space<vmem>>
        %dma_start3A_81 = tpu.memref_squeeze %dma_start3A_80 : memref<1x128xi32, #tpu.memory_space<vmem>> -> memref<128xi32, #tpu.memory_space<vmem>>
        %dma_start3A_82 = arith.constant 0 : i32
        %dma_start3A_83 = arith.constant 0 : i32
        %dma_start3A_84 = tpu.memref_slice %arg10[%dma_start3A_82, %dma_start3A_83] : memref<10240x128xf32, #tpu.memory_space<vmem_shared>> -> memref<10240x128xf32, #tpu.memory_space<vmem_shared>>
        tpu.enqueue_indirect_dma source(%arg8 : memref<128x128xf32, #tpu.memory_space<vmem>>) target(%dma_start3A_84 : memref<10240x128xf32, #tpu.memory_space<vmem_shared>>) offsets(%dma_start3A_81 : memref<128xi32, #tpu.memory_space<vmem>>) semaphore(%run_scoped3A : memref<!tpu.dma_semaphore, #tpu.memory_space<semaphore_mem>>) {add = true}
        %dma_wait3A_85 = arith.constant 0 : i32
        %dma_wait3A_86 = tpu.memref_slice %arg7[%mul3A_53, %dma_wait3A_85] : memref<40x128xi32, #tpu.memory_space<vmem>> -> memref<1x128xi32, #tpu.memory_space<vmem>>
        %dma_wait3A_87 = tpu.memref_squeeze %dma_wait3A_86 : memref<1x128xi32, #tpu.memory_space<vmem>> -> memref<128xi32, #tpu.memory_space<vmem>>
        %dma_wait3A_88 = arith.constant 0 : i32
        %dma_wait3A_89 = arith.constant 0 : i32
        %dma_wait3A_90 = tpu.memref_slice %arg10[%dma_wait3A_88, %dma_wait3A_89] : memref<10240x128xf32, #tpu.memory_space<vmem_shared>> -> memref<10240x128xf32, #tpu.memory_space<vmem_shared>>
        tpu.wait_indirect_dma semaphore(%run_scoped3A : memref<!tpu.dma_semaphore, #tpu.memory_space<semaphore_mem>>) src(%arg8 : memref<128x128xf32, #tpu.memory_space<vmem>>) dst(%dma_wait3A_90 : memref<10240x128xf32, #tpu.memory_space<vmem_shared>>)
        tpu.yield
      }) : () -> ()
      %lt3A = arith.constant 19 : i32
      %lt3A_67 = arith.cmpi slt, %add3A_51, %lt3A : i32
      %convert_element_type3A = arith.extui %lt3A_67 : i1 to i32
      %cond3A = arith.constant 0 : i32
      %cond3A_68 = arith.cmpi ne, %convert_element_type3A, %cond3A : i32
      scf.if %cond3A_68 {
        %add3A_79 = arith.constant 2 : i32
        %add3A_80 = arith.addi %mul3A_53, %add3A_79 : i32
        %dma_start3A_81 = arith.constant 0 : i32
        %dma_start3A_82 = tpu.memref_slice %arg6[%add3A_80, %dma_start3A_81] : memref<40x128xi32, #tpu.memory_space<vmem>> -> memref<1x128xi32, #tpu.memory_space<vmem>>
        %dma_start3A_83 = tpu.memref_squeeze %dma_start3A_82 : memref<1x128xi32, #tpu.memory_space<vmem>> -> memref<128xi32, #tpu.memory_space<vmem>>
        %dma_start3A_84 = arith.constant 0 : i32
        %dma_start3A_85 = arith.constant 0 : i32
        %dma_start3A_86 = tpu.memref_slice %arg2[%dma_start3A_84, %dma_start3A_85] : memref<5120x128xf32, #tpu.memory_space<hbm>> -> memref<5120x128xf32, #tpu.memory_space<hbm>>
        tpu.enqueue_indirect_dma source(%dma_start3A_86 : memref<5120x128xf32, #tpu.memory_space<hbm>>) target(%arg8 : memref<128x128xf32, #tpu.memory_space<vmem>>) offsets(%dma_start3A_83 : memref<128xi32, #tpu.memory_space<vmem>>) semaphore(%arg11 : memref<!tpu.dma_semaphore, #tpu.memory_space<semaphore_mem>>)
      } else {
      }
      %add3A_69 = arith.constant 1 : i32
      %add3A_70 = arith.addi %mul3A_53, %add3A_69 : i32
      %dma_wait3A_71 = arith.constant 0 : i32
      %dma_wait3A_72 = tpu.memref_slice %arg6[%add3A_70, %dma_wait3A_71] : memref<40x128xi32, #tpu.memory_space<vmem>> -> memref<1x128xi32, #tpu.memory_space<vmem>>
      %dma_wait3A_73 = tpu.memref_squeeze %dma_wait3A_72 : memref<1x128xi32, #tpu.memory_space<vmem>> -> memref<128xi32, #tpu.memory_space<vmem>>
      %dma_wait3A_74 = arith.constant 0 : i32
      %dma_wait3A_75 = arith.constant 0 : i32
      %dma_wait3A_76 = tpu.memref_slice %arg2[%dma_wait3A_74, %dma_wait3A_75] : memref<5120x128xf32, #tpu.memory_space<hbm>> -> memref<5120x128xf32, #tpu.memory_space<hbm>>
      tpu.wait_indirect_dma semaphore(%arg12 : memref<!tpu.dma_semaphore, #tpu.memory_space<semaphore_mem>>) src(%dma_wait3A_76 : memref<5120x128xf32, #tpu.memory_space<hbm>>) dst(%arg9 : memref<128x128xf32, #tpu.memory_space<vmem>>)
      %add3A_77 = arith.constant 1 : i32
      %add3A_78 = arith.addi %mul3A_53, %add3A_77 : i32
      "tpu.region"() ({
        %run_scoped3A = tpu.sem_alloc : memref<!tpu.dma_semaphore, #tpu.memory_space<semaphore_mem>>
        %dma_start3A_79 = arith.constant 0 : i32
        %dma_start3A_80 = tpu.memref_slice %arg7[%add3A_78, %dma_start3A_79] : memref<40x128xi32, #tpu.memory_space<vmem>> -> memref<1x128xi32, #tpu.memory_space<vmem>>
        %dma_start3A_81 = tpu.memref_squeeze %dma_start3A_80 : memref<1x128xi32, #tpu.memory_space<vmem>> -> memref<128xi32, #tpu.memory_space<vmem>>
        %dma_start3A_82 = arith.constant 0 : i32
        %dma_start3A_83 = arith.constant 0 : i32
        %dma_start3A_84 = tpu.memref_slice %arg10[%dma_start3A_82, %dma_start3A_83] : memref<10240x128xf32, #tpu.memory_space<vmem_shared>> -> memref<10240x128xf32, #tpu.memory_space<vmem_shared>>
        tpu.enqueue_indirect_dma source(%arg9 : memref<128x128xf32, #tpu.memory_space<vmem>>) target(%dma_start3A_84 : memref<10240x128xf32, #tpu.memory_space<vmem_shared>>) offsets(%dma_start3A_81 : memref<128xi32, #tpu.memory_space<vmem>>) semaphore(%run_scoped3A : memref<!tpu.dma_semaphore, #tpu.memory_space<semaphore_mem>>) {add = true}
        %dma_wait3A_85 = arith.constant 0 : i32
        %dma_wait3A_86 = tpu.memref_slice %arg7[%add3A_78, %dma_wait3A_85] : memref<40x128xi32, #tpu.memory_space<vmem>> -> memref<1x128xi32, #tpu.memory_space<vmem>>
        %dma_wait3A_87 = tpu.memref_squeeze %dma_wait3A_86 : memref<1x128xi32, #tpu.memory_space<vmem>> -> memref<128xi32, #tpu.memory_space<vmem>>
        %dma_wait3A_88 = arith.constant 0 : i32
        %dma_wait3A_89 = arith.constant 0 : i32
        %dma_wait3A_90 = tpu.memref_slice %arg10[%dma_wait3A_88, %dma_wait3A_89] : memref<10240x128xf32, #tpu.memory_space<vmem_shared>> -> memref<10240x128xf32, #tpu.memory_space<vmem_shared>>
        tpu.wait_indirect_dma semaphore(%run_scoped3A : memref<!tpu.dma_semaphore, #tpu.memory_space<semaphore_mem>>) src(%arg9 : memref<128x128xf32, #tpu.memory_space<vmem>>) dst(%dma_wait3A_90 : memref<10240x128xf32, #tpu.memory_space<vmem_shared>>)
        tpu.yield
      }) : () -> ()
    }
    %scan3A_24 = arith.constant 20 : i32
    %mul3A_25 = arith.constant 80 : i32
    %mul3A_26 = arith.muli %add3A, %mul3A_25 : i32
    %add3A_27 = arith.constant 40 : i32
    %add3A_28 = arith.addi %mul3A_26, %add3A_27 : i32
    "tpu.region"() ({
      %run_scoped3A = tpu.sem_alloc : memref<!tpu.dma_semaphore, #tpu.memory_space<semaphore_mem>>
      %dma_start3A_47 = arith.constant 0 : i32
      %dma_start3A_48 = tpu.memref_slice %arg3[%add3A_28, %dma_start3A_47] : memref<2560x128xi32, #tpu.memory_space<hbm>> -> memref<40x128xi32, #tpu.memory_space<hbm>>
      %dma_start3A_49 = arith.constant 0 : i32
      %dma_start3A_50 = tpu.memref_slice %arg3[%add3A_28, %dma_start3A_49] : memref<2560x128xi32, #tpu.memory_space<hbm>> -> memref<40x128xi32, #tpu.memory_space<hbm>>
      tpu.enqueue_dma source(%dma_start3A_50 : memref<40x128xi32, #tpu.memory_space<hbm>>) target(%arg6 : memref<40x128xi32, #tpu.memory_space<vmem>>) target_semaphore(%run_scoped3A : memref<!tpu.dma_semaphore, #tpu.memory_space<semaphore_mem>>)
      %dma_wait3A = arith.constant 0 : i32
      %dma_wait3A_51 = tpu.memref_slice %arg3[%add3A_28, %dma_wait3A] : memref<2560x128xi32, #tpu.memory_space<hbm>> -> memref<40x128xi32, #tpu.memory_space<hbm>>
      %dma_wait3A_52 = arith.constant 0 : i32
      %dma_wait3A_53 = tpu.memref_slice %arg3[%add3A_28, %dma_wait3A_52] : memref<2560x128xi32, #tpu.memory_space<hbm>> -> memref<40x128xi32, #tpu.memory_space<hbm>>
      tpu.wait_dma2 semaphore(%run_scoped3A : memref<!tpu.dma_semaphore, #tpu.memory_space<semaphore_mem>>) src(%dma_wait3A_53 : memref<40x128xi32, #tpu.memory_space<hbm>>) dst(%arg6 : memref<40x128xi32, #tpu.memory_space<vmem>>)
      tpu.yield
    }) : () -> ()
    "tpu.region"() ({
      %run_scoped3A = tpu.sem_alloc : memref<!tpu.dma_semaphore, #tpu.memory_space<semaphore_mem>>
      %dma_start3A_47 = arith.constant 0 : i32
      %dma_start3A_48 = tpu.memref_slice %arg4[%add3A_28, %dma_start3A_47] : memref<2560x128xi32, #tpu.memory_space<hbm>> -> memref<40x128xi32, #tpu.memory_space<hbm>>
      %dma_start3A_49 = arith.constant 0 : i32
      %dma_start3A_50 = tpu.memref_slice %arg4[%add3A_28, %dma_start3A_49] : memref<2560x128xi32, #tpu.memory_space<hbm>> -> memref<40x128xi32, #tpu.memory_space<hbm>>
      tpu.enqueue_dma source(%dma_start3A_50 : memref<40x128xi32, #tpu.memory_space<hbm>>) target(%arg7 : memref<40x128xi32, #tpu.memory_space<vmem>>) target_semaphore(%run_scoped3A : memref<!tpu.dma_semaphore, #tpu.memory_space<semaphore_mem>>)
      %dma_wait3A = arith.constant 0 : i32
      %dma_wait3A_51 = tpu.memref_slice %arg4[%add3A_28, %dma_wait3A] : memref<2560x128xi32, #tpu.memory_space<hbm>> -> memref<40x128xi32, #tpu.memory_space<hbm>>
      %dma_wait3A_52 = arith.constant 0 : i32
      %dma_wait3A_53 = tpu.memref_slice %arg4[%add3A_28, %dma_wait3A_52] : memref<2560x128xi32, #tpu.memory_space<hbm>> -> memref<40x128xi32, #tpu.memory_space<hbm>>
      tpu.wait_dma2 semaphore(%run_scoped3A : memref<!tpu.dma_semaphore, #tpu.memory_space<semaphore_mem>>) src(%dma_wait3A_53 : memref<40x128xi32, #tpu.memory_space<hbm>>) dst(%arg7 : memref<40x128xi32, #tpu.memory_space<vmem>>)
      tpu.yield
    }) : () -> ()
    %dma_start3A_29 = arith.constant 0 : i32
    %dma_start3A_30 = arith.constant 0 : i32
    %dma_start3A_31 = tpu.memref_slice %arg6[%dma_start3A_29, %dma_start3A_30] : memref<40x128xi32, #tpu.memory_space<vmem>> -> memref<1x128xi32, #tpu.memory_space<vmem>>
    %dma_start3A_32 = tpu.memref_squeeze %dma_start3A_31 : memref<1x128xi32, #tpu.memory_space<vmem>> -> memref<128xi32, #tpu.memory_space<vmem>>
    %dma_start3A_33 = arith.constant 0 : i32
    %dma_start3A_34 = arith.constant 0 : i32
    %dma_start3A_35 = tpu.memref_slice %arg2[%dma_start3A_33, %dma_start3A_34] : memref<5120x128xf32, #tpu.memory_space<hbm>> -> memref<5120x128xf32, #tpu.memory_space<hbm>>
    tpu.enqueue_indirect_dma source(%dma_start3A_35 : memref<5120x128xf32, #tpu.memory_space<hbm>>) target(%arg8 : memref<128x128xf32, #tpu.memory_space<vmem>>) offsets(%dma_start3A_32 : memref<128xi32, #tpu.memory_space<vmem>>) semaphore(%arg11 : memref<!tpu.dma_semaphore, #tpu.memory_space<semaphore_mem>>)
    %scan3A_36 = arith.constant 0 : i32
    %scan3A_37 = arith.constant 20 : i32
    %scan3A_38 = arith.addi %scan3A_36, %scan3A_37 : i32
    %scan3A_39 = arith.constant 1 : i32
    scf.for %scan3A_47 = %scan3A_36 to %scan3A_38 step %scan3A_39  : i32 {
      %mul3A_48 = arith.constant 1 : i32
      %mul3A_49 = arith.muli %scan3A_47, %mul3A_48 : i32
      %add3A_50 = arith.constant 0 : i32
      %add3A_51 = arith.addi %add3A_50, %mul3A_49 : i32
      %mul3A_52 = arith.constant 2 : i32
      %mul3A_53 = arith.muli %mul3A_52, %add3A_51 : i32
      %add3A_54 = arith.constant 1 : i32
      %add3A_55 = arith.addi %mul3A_53, %add3A_54 : i32
      %dma_start3A_56 = arith.constant 0 : i32
      %dma_start3A_57 = tpu.memref_slice %arg6[%add3A_55, %dma_start3A_56] : memref<40x128xi32, #tpu.memory_space<vmem>> -> memref<1x128xi32, #tpu.memory_space<vmem>>
      %dma_start3A_58 = tpu.memref_squeeze %dma_start3A_57 : memref<1x128xi32, #tpu.memory_space<vmem>> -> memref<128xi32, #tpu.memory_space<vmem>>
      %dma_start3A_59 = arith.constant 0 : i32
      %dma_start3A_60 = arith.constant 0 : i32
      %dma_start3A_61 = tpu.memref_slice %arg2[%dma_start3A_59, %dma_start3A_60] : memref<5120x128xf32, #tpu.memory_space<hbm>> -> memref<5120x128xf32, #tpu.memory_space<hbm>>
      tpu.enqueue_indirect_dma source(%dma_start3A_61 : memref<5120x128xf32, #tpu.memory_space<hbm>>) target(%arg9 : memref<128x128xf32, #tpu.memory_space<vmem>>) offsets(%dma_start3A_58 : memref<128xi32, #tpu.memory_space<vmem>>) semaphore(%arg12 : memref<!tpu.dma_semaphore, #tpu.memory_space<semaphore_mem>>)
      %dma_wait3A = arith.constant 0 : i32
      %dma_wait3A_62 = tpu.memref_slice %arg6[%mul3A_53, %dma_wait3A] : memref<40x128xi32, #tpu.memory_space<vmem>> -> memref<1x128xi32, #tpu.memory_space<vmem>>
      %dma_wait3A_63 = tpu.memref_squeeze %dma_wait3A_62 : memref<1x128xi32, #tpu.memory_space<vmem>> -> memref<128xi32, #tpu.memory_space<vmem>>
      %dma_wait3A_64 = arith.constant 0 : i32
      %dma_wait3A_65 = arith.constant 0 : i32
      %dma_wait3A_66 = tpu.memref_slice %arg2[%dma_wait3A_64, %dma_wait3A_65] : memref<5120x128xf32, #tpu.memory_space<hbm>> -> memref<5120x128xf32, #tpu.memory_space<hbm>>
      tpu.wait_indirect_dma semaphore(%arg11 : memref<!tpu.dma_semaphore, #tpu.memory_space<semaphore_mem>>) src(%dma_wait3A_66 : memref<5120x128xf32, #tpu.memory_space<hbm>>) dst(%arg8 : memref<128x128xf32, #tpu.memory_space<vmem>>)
      "tpu.region"() ({
        %run_scoped3A = tpu.sem_alloc : memref<!tpu.dma_semaphore, #tpu.memory_space<semaphore_mem>>
        %dma_start3A_79 = arith.constant 0 : i32
        %dma_start3A_80 = tpu.memref_slice %arg7[%mul3A_53, %dma_start3A_79] : memref<40x128xi32, #tpu.memory_space<vmem>> -> memref<1x128xi32, #tpu.memory_space<vmem>>
        %dma_start3A_81 = tpu.memref_squeeze %dma_start3A_80 : memref<1x128xi32, #tpu.memory_space<vmem>> -> memref<128xi32, #tpu.memory_space<vmem>>
        %dma_start3A_82 = arith.constant 0 : i32
        %dma_start3A_83 = arith.constant 0 : i32
        %dma_start3A_84 = tpu.memref_slice %arg10[%dma_start3A_82, %dma_start3A_83] : memref<10240x128xf32, #tpu.memory_space<vmem_shared>> -> memref<10240x128xf32, #tpu.memory_space<vmem_shared>>
        tpu.enqueue_indirect_dma source(%arg8 : memref<128x128xf32, #tpu.memory_space<vmem>>) target(%dma_start3A_84 : memref<10240x128xf32, #tpu.memory_space<vmem_shared>>) offsets(%dma_start3A_81 : memref<128xi32, #tpu.memory_space<vmem>>) semaphore(%run_scoped3A : memref<!tpu.dma_semaphore, #tpu.memory_space<semaphore_mem>>) {add = true}
        %dma_wait3A_85 = arith.constant 0 : i32
        %dma_wait3A_86 = tpu.memref_slice %arg7[%mul3A_53, %dma_wait3A_85] : memref<40x128xi32, #tpu.memory_space<vmem>> -> memref<1x128xi32, #tpu.memory_space<vmem>>
        %dma_wait3A_87 = tpu.memref_squeeze %dma_wait3A_86 : memref<1x128xi32, #tpu.memory_space<vmem>> -> memref<128xi32, #tpu.memory_space<vmem>>
        %dma_wait3A_88 = arith.constant 0 : i32
        %dma_wait3A_89 = arith.constant 0 : i32
        %dma_wait3A_90 = tpu.memref_slice %arg10[%dma_wait3A_88, %dma_wait3A_89] : memref<10240x128xf32, #tpu.memory_space<vmem_shared>> -> memref<10240x128xf32, #tpu.memory_space<vmem_shared>>
        tpu.wait_indirect_dma semaphore(%run_scoped3A : memref<!tpu.dma_semaphore, #tpu.memory_space<semaphore_mem>>) src(%arg8 : memref<128x128xf32, #tpu.memory_space<vmem>>) dst(%dma_wait3A_90 : memref<10240x128xf32, #tpu.memory_space<vmem_shared>>)
        tpu.yield
      }) : () -> ()
      %lt3A = arith.constant 19 : i32
      %lt3A_67 = arith.cmpi slt, %add3A_51, %lt3A : i32
      %convert_element_type3A = arith.extui %lt3A_67 : i1 to i32
      %cond3A = arith.constant 0 : i32
      %cond3A_68 = arith.cmpi ne, %convert_element_type3A, %cond3A : i32
      scf.if %cond3A_68 {
        %add3A_79 = arith.constant 2 : i32
        %add3A_80 = arith.addi %mul3A_53, %add3A_79 : i32
        %dma_start3A_81 = arith.constant 0 : i32
        %dma_start3A_82 = tpu.memref_slice %arg6[%add3A_80, %dma_start3A_81] : memref<40x128xi32, #tpu.memory_space<vmem>> -> memref<1x128xi32, #tpu.memory_space<vmem>>
        %dma_start3A_83 = tpu.memref_squeeze %dma_start3A_82 : memref<1x128xi32, #tpu.memory_space<vmem>> -> memref<128xi32, #tpu.memory_space<vmem>>
        %dma_start3A_84 = arith.constant 0 : i32
        %dma_start3A_85 = arith.constant 0 : i32
        %dma_start3A_86 = tpu.memref_slice %arg2[%dma_start3A_84, %dma_start3A_85] : memref<5120x128xf32, #tpu.memory_space<hbm>> -> memref<5120x128xf32, #tpu.memory_space<hbm>>
        tpu.enqueue_indirect_dma source(%dma_start3A_86 : memref<5120x128xf32, #tpu.memory_space<hbm>>) target(%arg8 : memref<128x128xf32, #tpu.memory_space<vmem>>) offsets(%dma_start3A_83 : memref<128xi32, #tpu.memory_space<vmem>>) semaphore(%arg11 : memref<!tpu.dma_semaphore, #tpu.memory_space<semaphore_mem>>)
      } else {
      }
      %add3A_69 = arith.constant 1 : i32
      %add3A_70 = arith.addi %mul3A_53, %add3A_69 : i32
      %dma_wait3A_71 = arith.constant 0 : i32
      %dma_wait3A_72 = tpu.memref_slice %arg6[%add3A_70, %dma_wait3A_71] : memref<40x128xi32, #tpu.memory_space<vmem>> -> memref<1x128xi32, #tpu.memory_space<vmem>>
      %dma_wait3A_73 = tpu.memref_squeeze %dma_wait3A_72 : memref<1x128xi32, #tpu.memory_space<vmem>> -> memref<128xi32, #tpu.memory_space<vmem>>
      %dma_wait3A_74 = arith.constant 0 : i32
      %dma_wait3A_75 = arith.constant 0 : i32
      %dma_wait3A_76 = tpu.memref_slice %arg2[%dma_wait3A_74, %dma_wait3A_75] : memref<5120x128xf32, #tpu.memory_space<hbm>> -> memref<5120x128xf32, #tpu.memory_space<hbm>>
      tpu.wait_indirect_dma semaphore(%arg12 : memref<!tpu.dma_semaphore, #tpu.memory_space<semaphore_mem>>) src(%dma_wait3A_76 : memref<5120x128xf32, #tpu.memory_space<hbm>>) dst(%arg9 : memref<128x128xf32, #tpu.memory_space<vmem>>)
      %add3A_77 = arith.constant 1 : i32
      %add3A_78 = arith.addi %mul3A_53, %add3A_77 : i32
      "tpu.region"() ({
        %run_scoped3A = tpu.sem_alloc : memref<!tpu.dma_semaphore, #tpu.memory_space<semaphore_mem>>
        %dma_start3A_79 = arith.constant 0 : i32
        %dma_start3A_80 = tpu.memref_slice %arg7[%add3A_78, %dma_start3A_79] : memref<40x128xi32, #tpu.memory_space<vmem>> -> memref<1x128xi32, #tpu.memory_space<vmem>>
        %dma_start3A_81 = tpu.memref_squeeze %dma_start3A_80 : memref<1x128xi32, #tpu.memory_space<vmem>> -> memref<128xi32, #tpu.memory_space<vmem>>
        %dma_start3A_82 = arith.constant 0 : i32
        %dma_start3A_83 = arith.constant 0 : i32
        %dma_start3A_84 = tpu.memref_slice %arg10[%dma_start3A_82, %dma_start3A_83] : memref<10240x128xf32, #tpu.memory_space<vmem_shared>> -> memref<10240x128xf32, #tpu.memory_space<vmem_shared>>
        tpu.enqueue_indirect_dma source(%arg9 : memref<128x128xf32, #tpu.memory_space<vmem>>) target(%dma_start3A_84 : memref<10240x128xf32, #tpu.memory_space<vmem_shared>>) offsets(%dma_start3A_81 : memref<128xi32, #tpu.memory_space<vmem>>) semaphore(%run_scoped3A : memref<!tpu.dma_semaphore, #tpu.memory_space<semaphore_mem>>) {add = true}
        %dma_wait3A_85 = arith.constant 0 : i32
        %dma_wait3A_86 = tpu.memref_slice %arg7[%add3A_78, %dma_wait3A_85] : memref<40x128xi32, #tpu.memory_space<vmem>> -> memref<1x128xi32, #tpu.memory_space<vmem>>
        %dma_wait3A_87 = tpu.memref_squeeze %dma_wait3A_86 : memref<1x128xi32, #tpu.memory_space<vmem>> -> memref<128xi32, #tpu.memory_space<vmem>>
        %dma_wait3A_88 = arith.constant 0 : i32
        %dma_wait3A_89 = arith.constant 0 : i32
        %dma_wait3A_90 = tpu.memref_slice %arg10[%dma_wait3A_88, %dma_wait3A_89] : memref<10240x128xf32, #tpu.memory_space<vmem_shared>> -> memref<10240x128xf32, #tpu.memory_space<vmem_shared>>
        tpu.wait_indirect_dma semaphore(%run_scoped3A : memref<!tpu.dma_semaphore, #tpu.memory_space<semaphore_mem>>) src(%arg9 : memref<128x128xf32, #tpu.memory_space<vmem>>) dst(%dma_wait3A_90 : memref<10240x128xf32, #tpu.memory_space<vmem_shared>>)
        tpu.yield
      }) : () -> ()
    }
    %scan3A_40 = arith.constant 20 : i32
    %barrier3A_41 = arith.constant 0 : index
    tpu.barrier barrier_id(%barrier3A_41)
    %scan3A_42 = arith.constant 0 : i32
    %scan3A_43 = arith.constant 10 : i32
    %scan3A_44 = arith.addi %scan3A_42, %scan3A_43 : i32
    %scan3A_45 = arith.constant 1 : i32
    scf.for %scan3A_47 = %scan3A_42 to %scan3A_44 step %scan3A_45  : i32 {
      %mul3A_48 = arith.constant 1 : i32
      %mul3A_49 = arith.muli %scan3A_47, %mul3A_48 : i32
      %add3A_50 = arith.constant 0 : i32
      %add3A_51 = arith.addi %add3A_50, %mul3A_49 : i32
      %mul3A_52 = arith.constant 640 : i32
      %mul3A_53 = arith.muli %arg1, %mul3A_52 : i32
      %mul3A_54 = arith.constant 64 : i32
      %mul3A_55 = arith.muli %add3A_51, %mul3A_54 : i32
      %add3A_56 = arith.addi %mul3A_53, %mul3A_55 : i32
      "tpu.region"() ({
        %run_scoped3A = tpu.sem_alloc : memref<!tpu.dma_semaphore, #tpu.memory_space<semaphore_mem>>
        %dma_start3A_57 = arith.constant 0 : i32
        %dma_start3A_58 = arith.constant 0 : i32
        %dma_start3A_59 = tpu.memref_slice %arg8[%dma_start3A_57, %dma_start3A_58] : memref<128x128xf32, #tpu.memory_space<vmem>> -> memref<64x128xf32, #tpu.memory_space<vmem>>
        %dma_start3A_60 = arith.constant 0 : i32
        %dma_start3A_61 = tpu.memref_slice %arg10[%add3A_56, %dma_start3A_60] : memref<10240x128xf32, #tpu.memory_space<vmem_shared>> -> memref<64x128xf32, #tpu.memory_space<vmem_shared>>
        %dma_start3A_62 = arith.constant 0 : i32
        %dma_start3A_63 = arith.constant 0 : i32
        %dma_start3A_64 = tpu.memref_slice %arg8[%dma_start3A_62, %dma_start3A_63] : memref<128x128xf32, #tpu.memory_space<vmem>> -> memref<64x128xf32, #tpu.memory_space<vmem>>
        %dma_start3A_65 = arith.constant 0 : i32
        %dma_start3A_66 = tpu.memref_slice %arg10[%add3A_56, %dma_start3A_65] : memref<10240x128xf32, #tpu.memory_space<vmem_shared>> -> memref<64x128xf32, #tpu.memory_space<vmem_shared>>
        tpu.enqueue_dma source(%dma_start3A_66 : memref<64x128xf32, #tpu.memory_space<vmem_shared>>) target(%dma_start3A_64 : memref<64x128xf32, #tpu.memory_space<vmem>>) target_semaphore(%run_scoped3A : memref<!tpu.dma_semaphore, #tpu.memory_space<semaphore_mem>>)
        %dma_wait3A = arith.constant 0 : i32
        %dma_wait3A_67 = arith.constant 0 : i32
        %dma_wait3A_68 = tpu.memref_slice %arg8[%dma_wait3A, %dma_wait3A_67] : memref<128x128xf32, #tpu.memory_space<vmem>> -> memref<64x128xf32, #tpu.memory_space<vmem>>
        %dma_wait3A_69 = arith.constant 0 : i32
        %dma_wait3A_70 = tpu.memref_slice %arg10[%add3A_56, %dma_wait3A_69] : memref<10240x128xf32, #tpu.memory_space<vmem_shared>> -> memref<64x128xf32, #tpu.memory_space<vmem_shared>>
        %dma_wait3A_71 = arith.constant 0 : i32
        %dma_wait3A_72 = arith.constant 0 : i32
        %dma_wait3A_73 = tpu.memref_slice %arg8[%dma_wait3A_71, %dma_wait3A_72] : memref<128x128xf32, #tpu.memory_space<vmem>> -> memref<64x128xf32, #tpu.memory_space<vmem>>
        %dma_wait3A_74 = arith.constant 0 : i32
        %dma_wait3A_75 = tpu.memref_slice %arg10[%add3A_56, %dma_wait3A_74] : memref<10240x128xf32, #tpu.memory_space<vmem_shared>> -> memref<64x128xf32, #tpu.memory_space<vmem_shared>>
        tpu.wait_dma2 semaphore(%run_scoped3A : memref<!tpu.dma_semaphore, #tpu.memory_space<semaphore_mem>>) src(%dma_wait3A_75 : memref<64x128xf32, #tpu.memory_space<vmem_shared>>) dst(%dma_wait3A_73 : memref<64x128xf32, #tpu.memory_space<vmem>>)
        tpu.yield
      }) : () -> ()
      "tpu.region"() ({
        %run_scoped3A = tpu.sem_alloc : memref<!tpu.dma_semaphore, #tpu.memory_space<semaphore_mem>>
        %dma_start3A_57 = arith.constant 0 : i32
        %dma_start3A_58 = arith.constant 0 : i32
        %dma_start3A_59 = tpu.memref_slice %arg8[%dma_start3A_57, %dma_start3A_58] : memref<128x128xf32, #tpu.memory_space<vmem>> -> memref<64x128xf32, #tpu.memory_space<vmem>>
        %dma_start3A_60 = arith.constant 0 : i32
        %dma_start3A_61 = tpu.memref_slice %arg5[%arg0, %add3A_56, %dma_start3A_60] : memref<2x10240x128xf32, #tpu.memory_space<hbm>> -> memref<1x64x128xf32, #tpu.memory_space<hbm>>
        %dma_start3A_62 = tpu.memref_squeeze %dma_start3A_61 : memref<1x64x128xf32, #tpu.memory_space<hbm>> -> memref<64x128xf32, #tpu.memory_space<hbm>>
        %dma_start3A_63 = arith.constant 0 : i32
        %dma_start3A_64 = tpu.memref_slice %arg5[%arg0, %add3A_56, %dma_start3A_63] : memref<2x10240x128xf32, #tpu.memory_space<hbm>> -> memref<1x64x128xf32, #tpu.memory_space<hbm>>
        %dma_start3A_65 = tpu.memref_squeeze %dma_start3A_64 : memref<1x64x128xf32, #tpu.memory_space<hbm>> -> memref<64x128xf32, #tpu.memory_space<hbm>>
        %dma_start3A_66 = arith.constant 0 : i32
        %dma_start3A_67 = arith.constant 0 : i32
        %dma_start3A_68 = tpu.memref_slice %arg8[%dma_start3A_66, %dma_start3A_67] : memref<128x128xf32, #tpu.memory_space<vmem>> -> memref<64x128xf32, #tpu.memory_space<vmem>>
        tpu.enqueue_dma source(%dma_start3A_68 : memref<64x128xf32, #tpu.memory_space<vmem>>) target(%dma_start3A_65 : memref<64x128xf32, #tpu.memory_space<hbm>>) target_semaphore(%run_scoped3A : memref<!tpu.dma_semaphore, #tpu.memory_space<semaphore_mem>>)
        %dma_wait3A = arith.constant 0 : i32
        %dma_wait3A_69 = arith.constant 0 : i32
        %dma_wait3A_70 = tpu.memref_slice %arg8[%dma_wait3A, %dma_wait3A_69] : memref<128x128xf32, #tpu.memory_space<vmem>> -> memref<64x128xf32, #tpu.memory_space<vmem>>
        %dma_wait3A_71 = arith.constant 0 : i32
        %dma_wait3A_72 = tpu.memref_slice %arg5[%arg0, %add3A_56, %dma_wait3A_71] : memref<2x10240x128xf32, #tpu.memory_space<hbm>> -> memref<1x64x128xf32, #tpu.memory_space<hbm>>
        %dma_wait3A_73 = tpu.memref_squeeze %dma_wait3A_72 : memref<1x64x128xf32, #tpu.memory_space<hbm>> -> memref<64x128xf32, #tpu.memory_space<hbm>>
        %dma_wait3A_74 = arith.constant 0 : i32
        %dma_wait3A_75 = tpu.memref_slice %arg5[%arg0, %add3A_56, %dma_wait3A_74] : memref<2x10240x128xf32, #tpu.memory_space<hbm>> -> memref<1x64x128xf32, #tpu.memory_space<hbm>>
        %dma_wait3A_76 = tpu.memref_squeeze %dma_wait3A_75 : memref<1x64x128xf32, #tpu.memory_space<hbm>> -> memref<64x128xf32, #tpu.memory_space<hbm>>
        %dma_wait3A_77 = arith.constant 0 : i32
        %dma_wait3A_78 = arith.constant 0 : i32
        %dma_wait3A_79 = tpu.memref_slice %arg8[%dma_wait3A_77, %dma_wait3A_78] : memref<128x128xf32, #tpu.memory_space<vmem>> -> memref<64x128xf32, #tpu.memory_space<vmem>>
        tpu.wait_dma2 semaphore(%run_scoped3A : memref<!tpu.dma_semaphore, #tpu.memory_space<semaphore_mem>>) src(%dma_wait3A_79 : memref<64x128xf32, #tpu.memory_space<vmem>>) dst(%dma_wait3A_76 : memref<64x128xf32, #tpu.memory_space<hbm>>)
        tpu.yield
      }) : () -> ()
    }
    %scan3A_46 = arith.constant 10 : i32
    return
  }
}

#map = affine_map<(d0, d1) -> (0, 0, 0)>
module attributes {stable_mosaic.version = 14 : i64} {
  func.func @body(%arg0: i32, %arg1: i32, %arg2: memref<2x2560x128xi32, #tpu.memory_space<hbm>>, %arg3: memref<2x10240x128xf32, #tpu.memory_space<hbm>>, %arg4: memref<40x128xi32, #tpu.memory_space<vmem>>, %arg5: memref<128x128xf32, #tpu.memory_space<vmem>>, %arg6: memref<128x128xf32, #tpu.memory_space<vmem>>, %arg7: memref<10240x128xf32, #tpu.memory_space<vmem_shared>>) attributes {dimension_semantics = [#tpu.dimension_semantics<core_parallel>, #tpu.dimension_semantics<subcore_parallel>], iteration_bounds = array<i64: 2, 16>, scalar_prefetch = 0 : i64, scratch_operands = 4 : i64, tpu.core_type = #tpu.core_type<sc_vector_subcore>, window_params = [{transform_indices = #map}, {transform_indices = #map}]} {
    %scan3A = arith.constant 0 : i32
    %scan3A_0 = arith.constant 128 : i32
    %scan3A_1 = arith.addi %scan3A, %scan3A_0 : i32
    %scan3A_2 = arith.constant 1 : i32
    scf.for %scan3A_49 = %scan3A to %scan3A_1 step %scan3A_2  : i32 {
      %mul3A_50 = arith.constant 1 : i32
      %mul3A_51 = arith.muli %scan3A_49, %mul3A_50 : i32
      %add3A_52 = arith.constant 0 : i32
      %add3A_53 = arith.addi %add3A_52, %mul3A_51 : i32
      %broadcast_in_dim3A = arith.constant 0.000000e+00 : f32
      %broadcast_in_dim3A_54 = vector.broadcast %broadcast_in_dim3A : f32 to vector<16xf32>
      %swap3A = arith.index_cast %add3A_53 : i32 to index
      %swap3A_55 = arith.constant 0 : index
      %swap3A_56 = tpu.vector_load %arg5[%swap3A, %swap3A_55] {strides = array<i32>} : memref<128x128xf32, #tpu.memory_space<vmem>>, vector<1x16xf32>,
      %swap3A_57 = vector.shape_cast %swap3A_56 : vector<1x16xf32> to vector<16xf32>
      %swap3A_58 = vector.shape_cast %broadcast_in_dim3A_54 : vector<16xf32> to vector<1x16xf32>
      tpu.vector_store %arg5[%swap3A, %swap3A_55], %swap3A_58 {strides = array<i32>} : memref<128x128xf32, #tpu.memory_space<vmem>>, vector<1x16xf32>,
      %broadcast_in_dim3A_59 = arith.constant 1.000000e+00 : f32
      %broadcast_in_dim3A_60 = vector.broadcast %broadcast_in_dim3A_59 : f32 to vector<16xf32>
      %swap3A_61 = arith.index_cast %add3A_53 : i32 to index
      %swap3A_62 = arith.constant 0 : index
      %swap3A_63 = tpu.vector_load %arg6[%swap3A_61, %swap3A_62] {strides = array<i32>} : memref<128x128xf32, #tpu.memory_space<vmem>>, vector<1x16xf32>,
      %swap3A_64 = vector.shape_cast %swap3A_63 : vector<1x16xf32> to vector<16xf32>
      %swap3A_65 = vector.shape_cast %broadcast_in_dim3A_60 : vector<16xf32> to vector<1x16xf32>
      tpu.vector_store %arg6[%swap3A_61, %swap3A_62], %swap3A_65 {strides = array<i32>} : memref<128x128xf32, #tpu.memory_space<vmem>>, vector<1x16xf32>,
      %broadcast_in_dim3A_66 = arith.constant 0.000000e+00 : f32
      %broadcast_in_dim3A_67 = vector.broadcast %broadcast_in_dim3A_66 : f32 to vector<16xf32>
      %swap3A_68 = arith.index_cast %add3A_53 : i32 to index
      %swap3A_69 = arith.constant 16 : index
      %swap3A_70 = tpu.vector_load %arg5[%swap3A_68, %swap3A_69] {strides = array<i32>} : memref<128x128xf32, #tpu.memory_space<vmem>>, vector<1x16xf32>,
      %swap3A_71 = vector.shape_cast %swap3A_70 : vector<1x16xf32> to vector<16xf32>
      %swap3A_72 = vector.shape_cast %broadcast_in_dim3A_67 : vector<16xf32> to vector<1x16xf32>
      tpu.vector_store %arg5[%swap3A_68, %swap3A_69], %swap3A_72 {strides = array<i32>} : memref<128x128xf32, #tpu.memory_space<vmem>>, vector<1x16xf32>,
      %broadcast_in_dim3A_73 = arith.constant 1.000000e+00 : f32
      %broadcast_in_dim3A_74 = vector.broadcast %broadcast_in_dim3A_73 : f32 to vector<16xf32>
      %swap3A_75 = arith.index_cast %add3A_53 : i32 to index
      %swap3A_76 = arith.constant 16 : index
      %swap3A_77 = tpu.vector_load %arg6[%swap3A_75, %swap3A_76] {strides = array<i32>} : memref<128x128xf32, #tpu.memory_space<vmem>>, vector<1x16xf32>,
      %swap3A_78 = vector.shape_cast %swap3A_77 : vector<1x16xf32> to vector<16xf32>
      %swap3A_79 = vector.shape_cast %broadcast_in_dim3A_74 : vector<16xf32> to vector<1x16xf32>
      tpu.vector_store %arg6[%swap3A_75, %swap3A_76], %swap3A_79 {strides = array<i32>} : memref<128x128xf32, #tpu.memory_space<vmem>>, vector<1x16xf32>,
      %broadcast_in_dim3A_80 = arith.constant 0.000000e+00 : f32
      %broadcast_in_dim3A_81 = vector.broadcast %broadcast_in_dim3A_80 : f32 to vector<16xf32>
      %swap3A_82 = arith.index_cast %add3A_53 : i32 to index
      %swap3A_83 = arith.constant 32 : index
      %swap3A_84 = tpu.vector_load %arg5[%swap3A_82, %swap3A_83] {strides = array<i32>} : memref<128x128xf32, #tpu.memory_space<vmem>>, vector<1x16xf32>,
      %swap3A_85 = vector.shape_cast %swap3A_84 : vector<1x16xf32> to vector<16xf32>
      %swap3A_86 = vector.shape_cast %broadcast_in_dim3A_81 : vector<16xf32> to vector<1x16xf32>
      tpu.vector_store %arg5[%swap3A_82, %swap3A_83], %swap3A_86 {strides = array<i32>} : memref<128x128xf32, #tpu.memory_space<vmem>>, vector<1x16xf32>,
      %broadcast_in_dim3A_87 = arith.constant 1.000000e+00 : f32
      %broadcast_in_dim3A_88 = vector.broadcast %broadcast_in_dim3A_87 : f32 to vector<16xf32>
      %swap3A_89 = arith.index_cast %add3A_53 : i32 to index
      %swap3A_90 = arith.constant 32 : index
      %swap3A_91 = tpu.vector_load %arg6[%swap3A_89, %swap3A_90] {strides = array<i32>} : memref<128x128xf32, #tpu.memory_space<vmem>>, vector<1x16xf32>,
      %swap3A_92 = vector.shape_cast %swap3A_91 : vector<1x16xf32> to vector<16xf32>
      %swap3A_93 = vector.shape_cast %broadcast_in_dim3A_88 : vector<16xf32> to vector<1x16xf32>
      tpu.vector_store %arg6[%swap3A_89, %swap3A_90], %swap3A_93 {strides = array<i32>} : memref<128x128xf32, #tpu.memory_space<vmem>>, vector<1x16xf32>,
      %broadcast_in_dim3A_94 = arith.constant 0.000000e+00 : f32
      %broadcast_in_dim3A_95 = vector.broadcast %broadcast_in_dim3A_94 : f32 to vector<16xf32>
      %swap3A_96 = arith.index_cast %add3A_53 : i32 to index
      %swap3A_97 = arith.constant 48 : index
      %swap3A_98 = tpu.vector_load %arg5[%swap3A_96, %swap3A_97] {strides = array<i32>} : memref<128x128xf32, #tpu.memory_space<vmem>>, vector<1x16xf32>,
      %swap3A_99 = vector.shape_cast %swap3A_98 : vector<1x16xf32> to vector<16xf32>
      %swap3A_100 = vector.shape_cast %broadcast_in_dim3A_95 : vector<16xf32> to vector<1x16xf32>
      tpu.vector_store %arg5[%swap3A_96, %swap3A_97], %swap3A_100 {strides = array<i32>} : memref<128x128xf32, #tpu.memory_space<vmem>>, vector<1x16xf32>,
      %broadcast_in_dim3A_101 = arith.constant 1.000000e+00 : f32
      %broadcast_in_dim3A_102 = vector.broadcast %broadcast_in_dim3A_101 : f32 to vector<16xf32>
      %swap3A_103 = arith.index_cast %add3A_53 : i32 to index
      %swap3A_104 = arith.constant 48 : index
      %swap3A_105 = tpu.vector_load %arg6[%swap3A_103, %swap3A_104] {strides = array<i32>} : memref<128x128xf32, #tpu.memory_space<vmem>>, vector<1x16xf32>,
      %swap3A_106 = vector.shape_cast %swap3A_105 : vector<1x16xf32> to vector<16xf32>
      %swap3A_107 = vector.shape_cast %broadcast_in_dim3A_102 : vector<16xf32> to vector<1x16xf32>
      tpu.vector_store %arg6[%swap3A_103, %swap3A_104], %swap3A_107 {strides = array<i32>} : memref<128x128xf32, #tpu.memory_space<vmem>>, vector<1x16xf32>,
      %broadcast_in_dim3A_108 = arith.constant 0.000000e+00 : f32
      %broadcast_in_dim3A_109 = vector.broadcast %broadcast_in_dim3A_108 : f32 to vector<16xf32>
      %swap3A_110 = arith.index_cast %add3A_53 : i32 to index
      %swap3A_111 = arith.constant 64 : index
      %swap3A_112 = tpu.vector_load %arg5[%swap3A_110, %swap3A_111] {strides = array<i32>} : memref<128x128xf32, #tpu.memory_space<vmem>>, vector<1x16xf32>,
      %swap3A_113 = vector.shape_cast %swap3A_112 : vector<1x16xf32> to vector<16xf32>
      %swap3A_114 = vector.shape_cast %broadcast_in_dim3A_109 : vector<16xf32> to vector<1x16xf32>
      tpu.vector_store %arg5[%swap3A_110, %swap3A_111], %swap3A_114 {strides = array<i32>} : memref<128x128xf32, #tpu.memory_space<vmem>>, vector<1x16xf32>,
      %broadcast_in_dim3A_115 = arith.constant 1.000000e+00 : f32
      %broadcast_in_dim3A_116 = vector.broadcast %broadcast_in_dim3A_115 : f32 to vector<16xf32>
      %swap3A_117 = arith.index_cast %add3A_53 : i32 to index
      %swap3A_118 = arith.constant 64 : index
      %swap3A_119 = tpu.vector_load %arg6[%swap3A_117, %swap3A_118] {strides = array<i32>} : memref<128x128xf32, #tpu.memory_space<vmem>>, vector<1x16xf32>,
      %swap3A_120 = vector.shape_cast %swap3A_119 : vector<1x16xf32> to vector<16xf32>
      %swap3A_121 = vector.shape_cast %broadcast_in_dim3A_116 : vector<16xf32> to vector<1x16xf32>
      tpu.vector_store %arg6[%swap3A_117, %swap3A_118], %swap3A_121 {strides = array<i32>} : memref<128x128xf32, #tpu.memory_space<vmem>>, vector<1x16xf32>,
      %broadcast_in_dim3A_122 = arith.constant 0.000000e+00 : f32
      %broadcast_in_dim3A_123 = vector.broadcast %broadcast_in_dim3A_122 : f32 to vector<16xf32>
      %swap3A_124 = arith.index_cast %add3A_53 : i32 to index
      %swap3A_125 = arith.constant 80 : index
      %swap3A_126 = tpu.vector_load %arg5[%swap3A_124, %swap3A_125] {strides = array<i32>} : memref<128x128xf32, #tpu.memory_space<vmem>>, vector<1x16xf32>,
      %swap3A_127 = vector.shape_cast %swap3A_126 : vector<1x16xf32> to vector<16xf32>
      %swap3A_128 = vector.shape_cast %broadcast_in_dim3A_123 : vector<16xf32> to vector<1x16xf32>
      tpu.vector_store %arg5[%swap3A_124, %swap3A_125], %swap3A_128 {strides = array<i32>} : memref<128x128xf32, #tpu.memory_space<vmem>>, vector<1x16xf32>,
      %broadcast_in_dim3A_129 = arith.constant 1.000000e+00 : f32
      %broadcast_in_dim3A_130 = vector.broadcast %broadcast_in_dim3A_129 : f32 to vector<16xf32>
      %swap3A_131 = arith.index_cast %add3A_53 : i32 to index
      %swap3A_132 = arith.constant 80 : index
      %swap3A_133 = tpu.vector_load %arg6[%swap3A_131, %swap3A_132] {strides = array<i32>} : memref<128x128xf32, #tpu.memory_space<vmem>>, vector<1x16xf32>,
      %swap3A_134 = vector.shape_cast %swap3A_133 : vector<1x16xf32> to vector<16xf32>
      %swap3A_135 = vector.shape_cast %broadcast_in_dim3A_130 : vector<16xf32> to vector<1x16xf32>
      tpu.vector_store %arg6[%swap3A_131, %swap3A_132], %swap3A_135 {strides = array<i32>} : memref<128x128xf32, #tpu.memory_space<vmem>>, vector<1x16xf32>,
      %broadcast_in_dim3A_136 = arith.constant 0.000000e+00 : f32
      %broadcast_in_dim3A_137 = vector.broadcast %broadcast_in_dim3A_136 : f32 to vector<16xf32>
      %swap3A_138 = arith.index_cast %add3A_53 : i32 to index
      %swap3A_139 = arith.constant 96 : index
      %swap3A_140 = tpu.vector_load %arg5[%swap3A_138, %swap3A_139] {strides = array<i32>} : memref<128x128xf32, #tpu.memory_space<vmem>>, vector<1x16xf32>,
      %swap3A_141 = vector.shape_cast %swap3A_140 : vector<1x16xf32> to vector<16xf32>
      %swap3A_142 = vector.shape_cast %broadcast_in_dim3A_137 : vector<16xf32> to vector<1x16xf32>
      tpu.vector_store %arg5[%swap3A_138, %swap3A_139], %swap3A_142 {strides = array<i32>} : memref<128x128xf32, #tpu.memory_space<vmem>>, vector<1x16xf32>,
      %broadcast_in_dim3A_143 = arith.constant 1.000000e+00 : f32
      %broadcast_in_dim3A_144 = vector.broadcast %broadcast_in_dim3A_143 : f32 to vector<16xf32>
      %swap3A_145 = arith.index_cast %add3A_53 : i32 to index
      %swap3A_146 = arith.constant 96 : index
      %swap3A_147 = tpu.vector_load %arg6[%swap3A_145, %swap3A_146] {strides = array<i32>} : memref<128x128xf32, #tpu.memory_space<vmem>>, vector<1x16xf32>,
      %swap3A_148 = vector.shape_cast %swap3A_147 : vector<1x16xf32> to vector<16xf32>
      %swap3A_149 = vector.shape_cast %broadcast_in_dim3A_144 : vector<16xf32> to vector<1x16xf32>
      tpu.vector_store %arg6[%swap3A_145, %swap3A_146], %swap3A_149 {strides = array<i32>} : memref<128x128xf32, #tpu.memory_space<vmem>>, vector<1x16xf32>,
      %broadcast_in_dim3A_150 = arith.constant 0.000000e+00 : f32
      %broadcast_in_dim3A_151 = vector.broadcast %broadcast_in_dim3A_150 : f32 to vector<16xf32>
      %swap3A_152 = arith.index_cast %add3A_53 : i32 to index
      %swap3A_153 = arith.constant 112 : index
      %swap3A_154 = tpu.vector_load %arg5[%swap3A_152, %swap3A_153] {strides = array<i32>} : memref<128x128xf32, #tpu.memory_space<vmem>>, vector<1x16xf32>,
      %swap3A_155 = vector.shape_cast %swap3A_154 : vector<1x16xf32> to vector<16xf32>
      %swap3A_156 = vector.shape_cast %broadcast_in_dim3A_151 : vector<16xf32> to vector<1x16xf32>
      tpu.vector_store %arg5[%swap3A_152, %swap3A_153], %swap3A_156 {strides = array<i32>} : memref<128x128xf32, #tpu.memory_space<vmem>>, vector<1x16xf32>,
      %broadcast_in_dim3A_157 = arith.constant 1.000000e+00 : f32
      %broadcast_in_dim3A_158 = vector.broadcast %broadcast_in_dim3A_157 : f32 to vector<16xf32>
      %swap3A_159 = arith.index_cast %add3A_53 : i32 to index
      %swap3A_160 = arith.constant 112 : index
      %swap3A_161 = tpu.vector_load %arg6[%swap3A_159, %swap3A_160] {strides = array<i32>} : memref<128x128xf32, #tpu.memory_space<vmem>>, vector<1x16xf32>,
      %swap3A_162 = vector.shape_cast %swap3A_161 : vector<1x16xf32> to vector<16xf32>
      %swap3A_163 = vector.shape_cast %broadcast_in_dim3A_158 : vector<16xf32> to vector<1x16xf32>
      tpu.vector_store %arg6[%swap3A_159, %swap3A_160], %swap3A_163 {strides = array<i32>} : memref<128x128xf32, #tpu.memory_space<vmem>>, vector<1x16xf32>,
    }
    %scan3A_3 = arith.constant 128 : i32
    %scan3A_4 = arith.constant 0 : i32
    %scan3A_5 = arith.constant 5 : i32
    %scan3A_6 = arith.addi %scan3A_4, %scan3A_5 : i32
    %scan3A_7 = arith.constant 1 : i32
    scf.for %scan3A_49 = %scan3A_4 to %scan3A_6 step %scan3A_7  : i32 {
      %mul3A_50 = arith.constant 1 : i32
      %mul3A_51 = arith.muli %scan3A_49, %mul3A_50 : i32
      %add3A_52 = arith.constant 0 : i32
      %add3A_53 = arith.addi %add3A_52, %mul3A_51 : i32
      %mul3A_54 = arith.constant 640 : i32
      %mul3A_55 = arith.muli %arg1, %mul3A_54 : i32
      %mul3A_56 = arith.constant 128 : i32
      %mul3A_57 = arith.muli %add3A_53, %mul3A_56 : i32
      %add3A_58 = arith.addi %mul3A_55, %mul3A_57 : i32
      "tpu.region"() ({
        %run_scoped3A = tpu.sem_alloc : memref<!tpu.dma_semaphore, #tpu.memory_space<semaphore_mem>>
        %dma_start3A = arith.constant 0 : i32
        %dma_start3A_59 = tpu.memref_slice %arg7[%add3A_58, %dma_start3A] : memref<10240x128xf32, #tpu.memory_space<vmem_shared>> -> memref<128x128xf32, #tpu.memory_space<vmem_shared>>
        %dma_start3A_60 = arith.constant 0 : i32
        %dma_start3A_61 = tpu.memref_slice %arg7[%add3A_58, %dma_start3A_60] : memref<10240x128xf32, #tpu.memory_space<vmem_shared>> -> memref<128x128xf32, #tpu.memory_space<vmem_shared>>
        tpu.enqueue_dma source(%arg5 : memref<128x128xf32, #tpu.memory_space<vmem>>) target(%dma_start3A_61 : memref<128x128xf32, #tpu.memory_space<vmem_shared>>) target_semaphore(%run_scoped3A : memref<!tpu.dma_semaphore, #tpu.memory_space<semaphore_mem>>)
        %dma_wait3A = arith.constant 0 : i32
        %dma_wait3A_62 = tpu.memref_slice %arg7[%add3A_58, %dma_wait3A] : memref<10240x128xf32, #tpu.memory_space<vmem_shared>> -> memref<128x128xf32, #tpu.memory_space<vmem_shared>>
        %dma_wait3A_63 = arith.constant 0 : i32
        %dma_wait3A_64 = tpu.memref_slice %arg7[%add3A_58, %dma_wait3A_63] : memref<10240x128xf32, #tpu.memory_space<vmem_shared>> -> memref<128x128xf32, #tpu.memory_space<vmem_shared>>
        tpu.wait_dma2 semaphore(%run_scoped3A : memref<!tpu.dma_semaphore, #tpu.memory_space<semaphore_mem>>) src(%arg5 : memref<128x128xf32, #tpu.memory_space<vmem>>) dst(%dma_wait3A_64 : memref<128x128xf32, #tpu.memory_space<vmem_shared>>)
        tpu.yield
      }) : () -> ()
    }
    %scan3A_8 = arith.constant 5 : i32
    %barrier3A = arith.constant 0 : index
    tpu.barrier barrier_id(%barrier3A)
    %mul3A = arith.constant 160 : i32
    %mul3A_9 = arith.muli %arg1, %mul3A : i32
    %add3A = arith.constant 0 : i32
    %add3A_10 = arith.addi %mul3A_9, %add3A : i32
    "tpu.region"() ({
      %run_scoped3A = tpu.sem_alloc : memref<!tpu.dma_semaphore, #tpu.memory_space<semaphore_mem>>
      %dma_start3A = arith.constant 0 : i32
      %dma_start3A_49 = tpu.memref_slice %arg2[%arg0, %add3A_10, %dma_start3A] : memref<2x2560x128xi32, #tpu.memory_space<hbm>> -> memref<1x40x128xi32, #tpu.memory_space<hbm>>
      %dma_start3A_50 = tpu.memref_squeeze %dma_start3A_49 : memref<1x40x128xi32, #tpu.memory_space<hbm>> -> memref<40x128xi32, #tpu.memory_space<hbm>>
      %dma_start3A_51 = arith.constant 0 : i32
      %dma_start3A_52 = tpu.memref_slice %arg2[%arg0, %add3A_10, %dma_start3A_51] : memref<2x2560x128xi32, #tpu.memory_space<hbm>> -> memref<1x40x128xi32, #tpu.memory_space<hbm>>
      %dma_start3A_53 = tpu.memref_squeeze %dma_start3A_52 : memref<1x40x128xi32, #tpu.memory_space<hbm>> -> memref<40x128xi32, #tpu.memory_space<hbm>>
      tpu.enqueue_dma source(%dma_start3A_53 : memref<40x128xi32, #tpu.memory_space<hbm>>) target(%arg4 : memref<40x128xi32, #tpu.memory_space<vmem>>) target_semaphore(%run_scoped3A : memref<!tpu.dma_semaphore, #tpu.memory_space<semaphore_mem>>)
      %dma_wait3A = arith.constant 0 : i32
      %dma_wait3A_54 = tpu.memref_slice %arg2[%arg0, %add3A_10, %dma_wait3A] : memref<2x2560x128xi32, #tpu.memory_space<hbm>> -> memref<1x40x128xi32, #tpu.memory_space<hbm>>
      %dma_wait3A_55 = tpu.memref_squeeze %dma_wait3A_54 : memref<1x40x128xi32, #tpu.memory_space<hbm>> -> memref<40x128xi32, #tpu.memory_space<hbm>>
      %dma_wait3A_56 = arith.constant 0 : i32
      %dma_wait3A_57 = tpu.memref_slice %arg2[%arg0, %add3A_10, %dma_wait3A_56] : memref<2x2560x128xi32, #tpu.memory_space<hbm>> -> memref<1x40x128xi32, #tpu.memory_space<hbm>>
      %dma_wait3A_58 = tpu.memref_squeeze %dma_wait3A_57 : memref<1x40x128xi32, #tpu.memory_space<hbm>> -> memref<40x128xi32, #tpu.memory_space<hbm>>
      tpu.wait_dma2 semaphore(%run_scoped3A : memref<!tpu.dma_semaphore, #tpu.memory_space<semaphore_mem>>) src(%dma_wait3A_58 : memref<40x128xi32, #tpu.memory_space<hbm>>) dst(%arg4 : memref<40x128xi32, #tpu.memory_space<vmem>>)
      tpu.yield
    }) : () -> ()
    %scan3A_11 = arith.constant 0 : i32
    %scan3A_12 = arith.constant 40 : i32
    %scan3A_13 = arith.addi %scan3A_11, %scan3A_12 : i32
    %scan3A_14 = arith.constant 1 : i32
    scf.for %scan3A_49 = %scan3A_11 to %scan3A_13 step %scan3A_14  : i32 {
      %mul3A_50 = arith.constant 1 : i32
      %mul3A_51 = arith.muli %scan3A_49, %mul3A_50 : i32
      %add3A_52 = arith.constant 0 : i32
      %add3A_53 = arith.addi %add3A_52, %mul3A_51 : i32
      "tpu.region"() ({
        %run_scoped3A = tpu.sem_alloc : memref<!tpu.dma_semaphore, #tpu.memory_space<semaphore_mem>>
        %dma_start3A = arith.constant 0 : i32
        %dma_start3A_54 = tpu.memref_slice %arg4[%add3A_53, %dma_start3A] : memref<40x128xi32, #tpu.memory_space<vmem>> -> memref<1x128xi32, #tpu.memory_space<vmem>>
        %dma_start3A_55 = tpu.memref_squeeze %dma_start3A_54 : memref<1x128xi32, #tpu.memory_space<vmem>> -> memref<128xi32, #tpu.memory_space<vmem>>
        %dma_start3A_56 = arith.constant 0 : i32
        %dma_start3A_57 = arith.constant 0 : i32
        %dma_start3A_58 = tpu.memref_slice %arg7[%dma_start3A_56, %dma_start3A_57] : memref<10240x128xf32, #tpu.memory_space<vmem_shared>> -> memref<10240x128xf32, #tpu.memory_space<vmem_shared>>
        tpu.enqueue_indirect_dma source(%arg6 : memref<128x128xf32, #tpu.memory_space<vmem>>) target(%dma_start3A_58 : memref<10240x128xf32, #tpu.memory_space<vmem_shared>>) offsets(%dma_start3A_55 : memref<128xi32, #tpu.memory_space<vmem>>) semaphore(%run_scoped3A : memref<!tpu.dma_semaphore, #tpu.memory_space<semaphore_mem>>) {add = true}
        %dma_wait3A = arith.constant 0 : i32
        %dma_wait3A_59 = tpu.memref_slice %arg4[%add3A_53, %dma_wait3A] : memref<40x128xi32, #tpu.memory_space<vmem>> -> memref<1x128xi32, #tpu.memory_space<vmem>>
        %dma_wait3A_60 = tpu.memref_squeeze %dma_wait3A_59 : memref<1x128xi32, #tpu.memory_space<vmem>> -> memref<128xi32, #tpu.memory_space<vmem>>
        %dma_wait3A_61 = arith.constant 0 : i32
        %dma_wait3A_62 = arith.constant 0 : i32
        %dma_wait3A_63 = tpu.memref_slice %arg7[%dma_wait3A_61, %dma_wait3A_62] : memref<10240x128xf32, #tpu.memory_space<vmem_shared>> -> memref<10240x128xf32, #tpu.memory_space<vmem_shared>>
        tpu.wait_indirect_dma semaphore(%run_scoped3A : memref<!tpu.dma_semaphore, #tpu.memory_space<semaphore_mem>>) src(%arg6 : memref<128x128xf32, #tpu.memory_space<vmem>>) dst(%dma_wait3A_63 : memref<10240x128xf32, #tpu.memory_space<vmem_shared>>)
        tpu.yield
      }) : () -> ()
    }
    %scan3A_15 = arith.constant 40 : i32
    %mul3A_16 = arith.constant 160 : i32
    %mul3A_17 = arith.muli %arg1, %mul3A_16 : i32
    %add3A_18 = arith.constant 40 : i32
    %add3A_19 = arith.addi %mul3A_17, %add3A_18 : i32
    "tpu.region"() ({
      %run_scoped3A = tpu.sem_alloc : memref<!tpu.dma_semaphore, #tpu.memory_space<semaphore_mem>>
      %dma_start3A = arith.constant 0 : i32
      %dma_start3A_49 = tpu.memref_slice %arg2[%arg0, %add3A_19, %dma_start3A] : memref<2x2560x128xi32, #tpu.memory_space<hbm>> -> memref<1x40x128xi32, #tpu.memory_space<hbm>>
      %dma_start3A_50 = tpu.memref_squeeze %dma_start3A_49 : memref<1x40x128xi32, #tpu.memory_space<hbm>> -> memref<40x128xi32, #tpu.memory_space<hbm>>
      %dma_start3A_51 = arith.constant 0 : i32
      %dma_start3A_52 = tpu.memref_slice %arg2[%arg0, %add3A_19, %dma_start3A_51] : memref<2x2560x128xi32, #tpu.memory_space<hbm>> -> memref<1x40x128xi32, #tpu.memory_space<hbm>>
      %dma_start3A_53 = tpu.memref_squeeze %dma_start3A_52 : memref<1x40x128xi32, #tpu.memory_space<hbm>> -> memref<40x128xi32, #tpu.memory_space<hbm>>
      tpu.enqueue_dma source(%dma_start3A_53 : memref<40x128xi32, #tpu.memory_space<hbm>>) target(%arg4 : memref<40x128xi32, #tpu.memory_space<vmem>>) target_semaphore(%run_scoped3A : memref<!tpu.dma_semaphore, #tpu.memory_space<semaphore_mem>>)
      %dma_wait3A = arith.constant 0 : i32
      %dma_wait3A_54 = tpu.memref_slice %arg2[%arg0, %add3A_19, %dma_wait3A] : memref<2x2560x128xi32, #tpu.memory_space<hbm>> -> memref<1x40x128xi32, #tpu.memory_space<hbm>>
      %dma_wait3A_55 = tpu.memref_squeeze %dma_wait3A_54 : memref<1x40x128xi32, #tpu.memory_space<hbm>> -> memref<40x128xi32, #tpu.memory_space<hbm>>
      %dma_wait3A_56 = arith.constant 0 : i32
      %dma_wait3A_57 = tpu.memref_slice %arg2[%arg0, %add3A_19, %dma_wait3A_56] : memref<2x2560x128xi32, #tpu.memory_space<hbm>> -> memref<1x40x128xi32, #tpu.memory_space<hbm>>
      %dma_wait3A_58 = tpu.memref_squeeze %dma_wait3A_57 : memref<1x40x128xi32, #tpu.memory_space<hbm>> -> memref<40x128xi32, #tpu.memory_space<hbm>>
      tpu.wait_dma2 semaphore(%run_scoped3A : memref<!tpu.dma_semaphore, #tpu.memory_space<semaphore_mem>>) src(%dma_wait3A_58 : memref<40x128xi32, #tpu.memory_space<hbm>>) dst(%arg4 : memref<40x128xi32, #tpu.memory_space<vmem>>)
      tpu.yield
    }) : () -> ()
    %scan3A_20 = arith.constant 0 : i32
    %scan3A_21 = arith.constant 40 : i32
    %scan3A_22 = arith.addi %scan3A_20, %scan3A_21 : i32
    %scan3A_23 = arith.constant 1 : i32
    scf.for %scan3A_49 = %scan3A_20 to %scan3A_22 step %scan3A_23  : i32 {
      %mul3A_50 = arith.constant 1 : i32
      %mul3A_51 = arith.muli %scan3A_49, %mul3A_50 : i32
      %add3A_52 = arith.constant 0 : i32
      %add3A_53 = arith.addi %add3A_52, %mul3A_51 : i32
      "tpu.region"() ({
        %run_scoped3A = tpu.sem_alloc : memref<!tpu.dma_semaphore, #tpu.memory_space<semaphore_mem>>
        %dma_start3A = arith.constant 0 : i32
        %dma_start3A_54 = tpu.memref_slice %arg4[%add3A_53, %dma_start3A] : memref<40x128xi32, #tpu.memory_space<vmem>> -> memref<1x128xi32, #tpu.memory_space<vmem>>
        %dma_start3A_55 = tpu.memref_squeeze %dma_start3A_54 : memref<1x128xi32, #tpu.memory_space<vmem>> -> memref<128xi32, #tpu.memory_space<vmem>>
        %dma_start3A_56 = arith.constant 0 : i32
        %dma_start3A_57 = arith.constant 0 : i32
        %dma_start3A_58 = tpu.memref_slice %arg7[%dma_start3A_56, %dma_start3A_57] : memref<10240x128xf32, #tpu.memory_space<vmem_shared>> -> memref<10240x128xf32, #tpu.memory_space<vmem_shared>>
        tpu.enqueue_indirect_dma source(%arg6 : memref<128x128xf32, #tpu.memory_space<vmem>>) target(%dma_start3A_58 : memref<10240x128xf32, #tpu.memory_space<vmem_shared>>) offsets(%dma_start3A_55 : memref<128xi32, #tpu.memory_space<vmem>>) semaphore(%run_scoped3A : memref<!tpu.dma_semaphore, #tpu.memory_space<semaphore_mem>>) {add = true}
        %dma_wait3A = arith.constant 0 : i32
        %dma_wait3A_59 = tpu.memref_slice %arg4[%add3A_53, %dma_wait3A] : memref<40x128xi32, #tpu.memory_space<vmem>> -> memref<1x128xi32, #tpu.memory_space<vmem>>
        %dma_wait3A_60 = tpu.memref_squeeze %dma_wait3A_59 : memref<1x128xi32, #tpu.memory_space<vmem>> -> memref<128xi32, #tpu.memory_space<vmem>>
        %dma_wait3A_61 = arith.constant 0 : i32
        %dma_wait3A_62 = arith.constant 0 : i32
        %dma_wait3A_63 = tpu.memref_slice %arg7[%dma_wait3A_61, %dma_wait3A_62] : memref<10240x128xf32, #tpu.memory_space<vmem_shared>> -> memref<10240x128xf32, #tpu.memory_space<vmem_shared>>
        tpu.wait_indirect_dma semaphore(%run_scoped3A : memref<!tpu.dma_semaphore, #tpu.memory_space<semaphore_mem>>) src(%arg6 : memref<128x128xf32, #tpu.memory_space<vmem>>) dst(%dma_wait3A_63 : memref<10240x128xf32, #tpu.memory_space<vmem_shared>>)
        tpu.yield
      }) : () -> ()
    }
    %scan3A_24 = arith.constant 40 : i32
    %mul3A_25 = arith.constant 160 : i32
    %mul3A_26 = arith.muli %arg1, %mul3A_25 : i32
    %add3A_27 = arith.constant 80 : i32
    %add3A_28 = arith.addi %mul3A_26, %add3A_27 : i32
    "tpu.region"() ({
      %run_scoped3A = tpu.sem_alloc : memref<!tpu.dma_semaphore, #tpu.memory_space<semaphore_mem>>
      %dma_start3A = arith.constant 0 : i32
      %dma_start3A_49 = tpu.memref_slice %arg2[%arg0, %add3A_28, %dma_start3A] : memref<2x2560x128xi32, #tpu.memory_space<hbm>> -> memref<1x40x128xi32, #tpu.memory_space<hbm>>
      %dma_start3A_50 = tpu.memref_squeeze %dma_start3A_49 : memref<1x40x128xi32, #tpu.memory_space<hbm>> -> memref<40x128xi32, #tpu.memory_space<hbm>>
      %dma_start3A_51 = arith.constant 0 : i32
      %dma_start3A_52 = tpu.memref_slice %arg2[%arg0, %add3A_28, %dma_start3A_51] : memref<2x2560x128xi32, #tpu.memory_space<hbm>> -> memref<1x40x128xi32, #tpu.memory_space<hbm>>
      %dma_start3A_53 = tpu.memref_squeeze %dma_start3A_52 : memref<1x40x128xi32, #tpu.memory_space<hbm>> -> memref<40x128xi32, #tpu.memory_space<hbm>>
      tpu.enqueue_dma source(%dma_start3A_53 : memref<40x128xi32, #tpu.memory_space<hbm>>) target(%arg4 : memref<40x128xi32, #tpu.memory_space<vmem>>) target_semaphore(%run_scoped3A : memref<!tpu.dma_semaphore, #tpu.memory_space<semaphore_mem>>)
      %dma_wait3A = arith.constant 0 : i32
      %dma_wait3A_54 = tpu.memref_slice %arg2[%arg0, %add3A_28, %dma_wait3A] : memref<2x2560x128xi32, #tpu.memory_space<hbm>> -> memref<1x40x128xi32, #tpu.memory_space<hbm>>
      %dma_wait3A_55 = tpu.memref_squeeze %dma_wait3A_54 : memref<1x40x128xi32, #tpu.memory_space<hbm>> -> memref<40x128xi32, #tpu.memory_space<hbm>>
      %dma_wait3A_56 = arith.constant 0 : i32
      %dma_wait3A_57 = tpu.memref_slice %arg2[%arg0, %add3A_28, %dma_wait3A_56] : memref<2x2560x128xi32, #tpu.memory_space<hbm>> -> memref<1x40x128xi32, #tpu.memory_space<hbm>>
      %dma_wait3A_58 = tpu.memref_squeeze %dma_wait3A_57 : memref<1x40x128xi32, #tpu.memory_space<hbm>> -> memref<40x128xi32, #tpu.memory_space<hbm>>
      tpu.wait_dma2 semaphore(%run_scoped3A : memref<!tpu.dma_semaphore, #tpu.memory_space<semaphore_mem>>) src(%dma_wait3A_58 : memref<40x128xi32, #tpu.memory_space<hbm>>) dst(%arg4 : memref<40x128xi32, #tpu.memory_space<vmem>>)
      tpu.yield
    }) : () -> ()
    %scan3A_29 = arith.constant 0 : i32
    %scan3A_30 = arith.constant 40 : i32
    %scan3A_31 = arith.addi %scan3A_29, %scan3A_30 : i32
    %scan3A_32 = arith.constant 1 : i32
    scf.for %scan3A_49 = %scan3A_29 to %scan3A_31 step %scan3A_32  : i32 {
      %mul3A_50 = arith.constant 1 : i32
      %mul3A_51 = arith.muli %scan3A_49, %mul3A_50 : i32
      %add3A_52 = arith.constant 0 : i32
      %add3A_53 = arith.addi %add3A_52, %mul3A_51 : i32
      "tpu.region"() ({
        %run_scoped3A = tpu.sem_alloc : memref<!tpu.dma_semaphore, #tpu.memory_space<semaphore_mem>>
        %dma_start3A = arith.constant 0 : i32
        %dma_start3A_54 = tpu.memref_slice %arg4[%add3A_53, %dma_start3A] : memref<40x128xi32, #tpu.memory_space<vmem>> -> memref<1x128xi32, #tpu.memory_space<vmem>>
        %dma_start3A_55 = tpu.memref_squeeze %dma_start3A_54 : memref<1x128xi32, #tpu.memory_space<vmem>> -> memref<128xi32, #tpu.memory_space<vmem>>
        %dma_start3A_56 = arith.constant 0 : i32
        %dma_start3A_57 = arith.constant 0 : i32
        %dma_start3A_58 = tpu.memref_slice %arg7[%dma_start3A_56, %dma_start3A_57] : memref<10240x128xf32, #tpu.memory_space<vmem_shared>> -> memref<10240x128xf32, #tpu.memory_space<vmem_shared>>
        tpu.enqueue_indirect_dma source(%arg6 : memref<128x128xf32, #tpu.memory_space<vmem>>) target(%dma_start3A_58 : memref<10240x128xf32, #tpu.memory_space<vmem_shared>>) offsets(%dma_start3A_55 : memref<128xi32, #tpu.memory_space<vmem>>) semaphore(%run_scoped3A : memref<!tpu.dma_semaphore, #tpu.memory_space<semaphore_mem>>) {add = true}
        %dma_wait3A = arith.constant 0 : i32
        %dma_wait3A_59 = tpu.memref_slice %arg4[%add3A_53, %dma_wait3A] : memref<40x128xi32, #tpu.memory_space<vmem>> -> memref<1x128xi32, #tpu.memory_space<vmem>>
        %dma_wait3A_60 = tpu.memref_squeeze %dma_wait3A_59 : memref<1x128xi32, #tpu.memory_space<vmem>> -> memref<128xi32, #tpu.memory_space<vmem>>
        %dma_wait3A_61 = arith.constant 0 : i32
        %dma_wait3A_62 = arith.constant 0 : i32
        %dma_wait3A_63 = tpu.memref_slice %arg7[%dma_wait3A_61, %dma_wait3A_62] : memref<10240x128xf32, #tpu.memory_space<vmem_shared>> -> memref<10240x128xf32, #tpu.memory_space<vmem_shared>>
        tpu.wait_indirect_dma semaphore(%run_scoped3A : memref<!tpu.dma_semaphore, #tpu.memory_space<semaphore_mem>>) src(%arg6 : memref<128x128xf32, #tpu.memory_space<vmem>>) dst(%dma_wait3A_63 : memref<10240x128xf32, #tpu.memory_space<vmem_shared>>)
        tpu.yield
      }) : () -> ()
    }
    %scan3A_33 = arith.constant 40 : i32
    %mul3A_34 = arith.constant 160 : i32
    %mul3A_35 = arith.muli %arg1, %mul3A_34 : i32
    %add3A_36 = arith.constant 120 : i32
    %add3A_37 = arith.addi %mul3A_35, %add3A_36 : i32
    "tpu.region"() ({
      %run_scoped3A = tpu.sem_alloc : memref<!tpu.dma_semaphore, #tpu.memory_space<semaphore_mem>>
      %dma_start3A = arith.constant 0 : i32
      %dma_start3A_49 = tpu.memref_slice %arg2[%arg0, %add3A_37, %dma_start3A] : memref<2x2560x128xi32, #tpu.memory_space<hbm>> -> memref<1x40x128xi32, #tpu.memory_space<hbm>>
      %dma_start3A_50 = tpu.memref_squeeze %dma_start3A_49 : memref<1x40x128xi32, #tpu.memory_space<hbm>> -> memref<40x128xi32, #tpu.memory_space<hbm>>
      %dma_start3A_51 = arith.constant 0 : i32
      %dma_start3A_52 = tpu.memref_slice %arg2[%arg0, %add3A_37, %dma_start3A_51] : memref<2x2560x128xi32, #tpu.memory_space<hbm>> -> memref<1x40x128xi32, #tpu.memory_space<hbm>>
      %dma_start3A_53 = tpu.memref_squeeze %dma_start3A_52 : memref<1x40x128xi32, #tpu.memory_space<hbm>> -> memref<40x128xi32, #tpu.memory_space<hbm>>
      tpu.enqueue_dma source(%dma_start3A_53 : memref<40x128xi32, #tpu.memory_space<hbm>>) target(%arg4 : memref<40x128xi32, #tpu.memory_space<vmem>>) target_semaphore(%run_scoped3A : memref<!tpu.dma_semaphore, #tpu.memory_space<semaphore_mem>>)
      %dma_wait3A = arith.constant 0 : i32
      %dma_wait3A_54 = tpu.memref_slice %arg2[%arg0, %add3A_37, %dma_wait3A] : memref<2x2560x128xi32, #tpu.memory_space<hbm>> -> memref<1x40x128xi32, #tpu.memory_space<hbm>>
      %dma_wait3A_55 = tpu.memref_squeeze %dma_wait3A_54 : memref<1x40x128xi32, #tpu.memory_space<hbm>> -> memref<40x128xi32, #tpu.memory_space<hbm>>
      %dma_wait3A_56 = arith.constant 0 : i32
      %dma_wait3A_57 = tpu.memref_slice %arg2[%arg0, %add3A_37, %dma_wait3A_56] : memref<2x2560x128xi32, #tpu.memory_space<hbm>> -> memref<1x40x128xi32, #tpu.memory_space<hbm>>
      %dma_wait3A_58 = tpu.memref_squeeze %dma_wait3A_57 : memref<1x40x128xi32, #tpu.memory_space<hbm>> -> memref<40x128xi32, #tpu.memory_space<hbm>>
      tpu.wait_dma2 semaphore(%run_scoped3A : memref<!tpu.dma_semaphore, #tpu.memory_space<semaphore_mem>>) src(%dma_wait3A_58 : memref<40x128xi32, #tpu.memory_space<hbm>>) dst(%arg4 : memref<40x128xi32, #tpu.memory_space<vmem>>)
      tpu.yield
    }) : () -> ()
    %scan3A_38 = arith.constant 0 : i32
    %scan3A_39 = arith.constant 40 : i32
    %scan3A_40 = arith.addi %scan3A_38, %scan3A_39 : i32
    %scan3A_41 = arith.constant 1 : i32
    scf.for %scan3A_49 = %scan3A_38 to %scan3A_40 step %scan3A_41  : i32 {
      %mul3A_50 = arith.constant 1 : i32
      %mul3A_51 = arith.muli %scan3A_49, %mul3A_50 : i32
      %add3A_52 = arith.constant 0 : i32
      %add3A_53 = arith.addi %add3A_52, %mul3A_51 : i32
      "tpu.region"() ({
        %run_scoped3A = tpu.sem_alloc : memref<!tpu.dma_semaphore, #tpu.memory_space<semaphore_mem>>
        %dma_start3A = arith.constant 0 : i32
        %dma_start3A_54 = tpu.memref_slice %arg4[%add3A_53, %dma_start3A] : memref<40x128xi32, #tpu.memory_space<vmem>> -> memref<1x128xi32, #tpu.memory_space<vmem>>
        %dma_start3A_55 = tpu.memref_squeeze %dma_start3A_54 : memref<1x128xi32, #tpu.memory_space<vmem>> -> memref<128xi32, #tpu.memory_space<vmem>>
        %dma_start3A_56 = arith.constant 0 : i32
        %dma_start3A_57 = arith.constant 0 : i32
        %dma_start3A_58 = tpu.memref_slice %arg7[%dma_start3A_56, %dma_start3A_57] : memref<10240x128xf32, #tpu.memory_space<vmem_shared>> -> memref<10240x128xf32, #tpu.memory_space<vmem_shared>>
        tpu.enqueue_indirect_dma source(%arg6 : memref<128x128xf32, #tpu.memory_space<vmem>>) target(%dma_start3A_58 : memref<10240x128xf32, #tpu.memory_space<vmem_shared>>) offsets(%dma_start3A_55 : memref<128xi32, #tpu.memory_space<vmem>>) semaphore(%run_scoped3A : memref<!tpu.dma_semaphore, #tpu.memory_space<semaphore_mem>>) {add = true}
        %dma_wait3A = arith.constant 0 : i32
        %dma_wait3A_59 = tpu.memref_slice %arg4[%add3A_53, %dma_wait3A] : memref<40x128xi32, #tpu.memory_space<vmem>> -> memref<1x128xi32, #tpu.memory_space<vmem>>
        %dma_wait3A_60 = tpu.memref_squeeze %dma_wait3A_59 : memref<1x128xi32, #tpu.memory_space<vmem>> -> memref<128xi32, #tpu.memory_space<vmem>>
        %dma_wait3A_61 = arith.constant 0 : i32
        %dma_wait3A_62 = arith.constant 0 : i32
        %dma_wait3A_63 = tpu.memref_slice %arg7[%dma_wait3A_61, %dma_wait3A_62] : memref<10240x128xf32, #tpu.memory_space<vmem_shared>> -> memref<10240x128xf32, #tpu.memory_space<vmem_shared>>
        tpu.wait_indirect_dma semaphore(%run_scoped3A : memref<!tpu.dma_semaphore, #tpu.memory_space<semaphore_mem>>) src(%arg6 : memref<128x128xf32, #tpu.memory_space<vmem>>) dst(%dma_wait3A_63 : memref<10240x128xf32, #tpu.memory_space<vmem_shared>>)
        tpu.yield
      }) : () -> ()
    }
    %scan3A_42 = arith.constant 40 : i32
    %barrier3A_43 = arith.constant 0 : index
    tpu.barrier barrier_id(%barrier3A_43)
    %scan3A_44 = arith.constant 0 : i32
    %scan3A_45 = arith.constant 5 : i32
    %scan3A_46 = arith.addi %scan3A_44, %scan3A_45 : i32
    %scan3A_47 = arith.constant 1 : i32
    scf.for %scan3A_49 = %scan3A_44 to %scan3A_46 step %scan3A_47  : i32 {
      %mul3A_50 = arith.constant 1 : i32
      %mul3A_51 = arith.muli %scan3A_49, %mul3A_50 : i32
      %add3A_52 = arith.constant 0 : i32
      %add3A_53 = arith.addi %add3A_52, %mul3A_51 : i32
      %mul3A_54 = arith.constant 640 : i32
      %mul3A_55 = arith.muli %arg1, %mul3A_54 : i32
      %mul3A_56 = arith.constant 128 : i32
      %mul3A_57 = arith.muli %add3A_53, %mul3A_56 : i32
      %add3A_58 = arith.addi %mul3A_55, %mul3A_57 : i32
      "tpu.region"() ({
        %run_scoped3A = tpu.sem_alloc : memref<!tpu.dma_semaphore, #tpu.memory_space<semaphore_mem>>
        %dma_start3A = arith.constant 0 : i32
        %dma_start3A_59 = tpu.memref_slice %arg7[%add3A_58, %dma_start3A] : memref<10240x128xf32, #tpu.memory_space<vmem_shared>> -> memref<128x128xf32, #tpu.memory_space<vmem_shared>>
        %dma_start3A_60 = arith.constant 0 : i32
        %dma_start3A_61 = tpu.memref_slice %arg7[%add3A_58, %dma_start3A_60] : memref<10240x128xf32, #tpu.memory_space<vmem_shared>> -> memref<128x128xf32, #tpu.memory_space<vmem_shared>>
        tpu.enqueue_dma source(%dma_start3A_61 : memref<128x128xf32, #tpu.memory_space<vmem_shared>>) target(%arg5 : memref<128x128xf32, #tpu.memory_space<vmem>>) target_semaphore(%run_scoped3A : memref<!tpu.dma_semaphore, #tpu.memory_space<semaphore_mem>>)
        %dma_wait3A = arith.constant 0 : i32
        %dma_wait3A_62 = tpu.memref_slice %arg7[%add3A_58, %dma_wait3A] : memref<10240x128xf32, #tpu.memory_space<vmem_shared>> -> memref<128x128xf32, #tpu.memory_space<vmem_shared>>
        %dma_wait3A_63 = arith.constant 0 : i32
        %dma_wait3A_64 = tpu.memref_slice %arg7[%add3A_58, %dma_wait3A_63] : memref<10240x128xf32, #tpu.memory_space<vmem_shared>> -> memref<128x128xf32, #tpu.memory_space<vmem_shared>>
        tpu.wait_dma2 semaphore(%run_scoped3A : memref<!tpu.dma_semaphore, #tpu.memory_space<semaphore_mem>>) src(%dma_wait3A_64 : memref<128x128xf32, #tpu.memory_space<vmem_shared>>) dst(%arg5 : memref<128x128xf32, #tpu.memory_space<vmem>>)
        tpu.yield
      }) : () -> ()
      "tpu.region"() ({
        %run_scoped3A = tpu.sem_alloc : memref<!tpu.dma_semaphore, #tpu.memory_space<semaphore_mem>>
        %dma_start3A = arith.constant 0 : i32
        %dma_start3A_59 = tpu.memref_slice %arg3[%arg0, %add3A_58, %dma_start3A] : memref<2x10240x128xf32, #tpu.memory_space<hbm>> -> memref<1x128x128xf32, #tpu.memory_space<hbm>>
        %dma_start3A_60 = tpu.memref_squeeze %dma_start3A_59 : memref<1x128x128xf32, #tpu.memory_space<hbm>> -> memref<128x128xf32, #tpu.memory_space<hbm>>
        %dma_start3A_61 = arith.constant 0 : i32
        %dma_start3A_62 = tpu.memref_slice %arg3[%arg0, %add3A_58, %dma_start3A_61] : memref<2x10240x128xf32, #tpu.memory_space<hbm>> -> memref<1x128x128xf32, #tpu.memory_space<hbm>>
        %dma_start3A_63 = tpu.memref_squeeze %dma_start3A_62 : memref<1x128x128xf32, #tpu.memory_space<hbm>> -> memref<128x128xf32, #tpu.memory_space<hbm>>
        tpu.enqueue_dma source(%arg5 : memref<128x128xf32, #tpu.memory_space<vmem>>) target(%dma_start3A_63 : memref<128x128xf32, #tpu.memory_space<hbm>>) target_semaphore(%run_scoped3A : memref<!tpu.dma_semaphore, #tpu.memory_space<semaphore_mem>>)
        %dma_wait3A = arith.constant 0 : i32
        %dma_wait3A_64 = tpu.memref_slice %arg3[%arg0, %add3A_58, %dma_wait3A] : memref<2x10240x128xf32, #tpu.memory_space<hbm>> -> memref<1x128x128xf32, #tpu.memory_space<hbm>>
        %dma_wait3A_65 = tpu.memref_squeeze %dma_wait3A_64 : memref<1x128x128xf32, #tpu.memory_space<hbm>> -> memref<128x128xf32, #tpu.memory_space<hbm>>
        %dma_wait3A_66 = arith.constant 0 : i32
        %dma_wait3A_67 = tpu.memref_slice %arg3[%arg0, %add3A_58, %dma_wait3A_66] : memref<2x10240x128xf32, #tpu.memory_space<hbm>> -> memref<1x128x128xf32, #tpu.memory_space<hbm>>
        %dma_wait3A_68 = tpu.memref_squeeze %dma_wait3A_67 : memref<1x128x128xf32, #tpu.memory_space<hbm>> -> memref<128x128xf32, #tpu.memory_space<hbm>>
        tpu.wait_dma2 semaphore(%run_scoped3A : memref<!tpu.dma_semaphore, #tpu.memory_space<semaphore_mem>>) src(%arg5 : memref<128x128xf32, #tpu.memory_space<vmem>>) dst(%dma_wait3A_68 : memref<128x128xf32, #tpu.memory_space<hbm>>)
        tpu.yield
      }) : () -> ()
    }
    %scan3A_48 = arith.constant 5 : i32
    return
  }
}

#map = affine_map<(d0, d1) -> (0, 0)>
#map1 = affine_map<(d0, d1) -> (0, 0, 0)>
module attributes {stable_mosaic.version = 14 : i64} {
  func.func @body(%arg0: i32, %arg1: i32, %arg2: memref<10240x128xf32, #tpu.memory_space<hbm>>, %arg3: memref<2560x128xi32, #tpu.memory_space<hbm>>, %arg4: memref<2560x128xi32, #tpu.memory_space<hbm>>, %arg5: memref<2x5120x128xf32, #tpu.memory_space<hbm>>, %arg6: memref<40x128xi32, #tpu.memory_space<vmem>>, %arg7: memref<40x128xi32, #tpu.memory_space<vmem>>, %arg8: memref<128x128xf32, #tpu.memory_space<vmem>>, %arg9: memref<128x128xf32, #tpu.memory_space<vmem>>, %arg10: memref<5120x128xf32, #tpu.memory_space<vmem_shared>>, %arg11: memref<!tpu.dma_semaphore, #tpu.memory_space<semaphore_mem>>, %arg12: memref<!tpu.dma_semaphore, #tpu.memory_space<semaphore_mem>>) attributes {dimension_semantics = [#tpu.dimension_semantics<core_parallel>, #tpu.dimension_semantics<subcore_parallel>], iteration_bounds = array<i64: 2, 16>, scalar_prefetch = 0 : i64, scratch_operands = 7 : i64, tpu.core_type = #tpu.core_type<sc_vector_subcore>, window_params = [{transform_indices = #map}, {transform_indices = #map}, {transform_indices = #map}, {transform_indices = #map1}]} {
    %mul3A = arith.constant 16 : i32
    %mul3A_0 = arith.muli %arg0, %mul3A : i32
    %add3A = arith.addi %mul3A_0, %arg1 : i32
    %scan3A = arith.constant 0 : i32
    %scan3A_1 = arith.constant 64 : i32
    %scan3A_2 = arith.addi %scan3A, %scan3A_1 : i32
    %scan3A_3 = arith.constant 1 : i32
    scf.for %scan3A_47 = %scan3A to %scan3A_2 step %scan3A_3  : i32 {
      %mul3A_48 = arith.constant 1 : i32
      %mul3A_49 = arith.muli %scan3A_47, %mul3A_48 : i32
      %add3A_50 = arith.constant 0 : i32
      %add3A_51 = arith.addi %add3A_50, %mul3A_49 : i32
      %broadcast_in_dim3A = arith.constant 0.000000e+00 : f32
      %broadcast_in_dim3A_52 = vector.broadcast %broadcast_in_dim3A : f32 to vector<16xf32>
      %swap3A = arith.index_cast %add3A_51 : i32 to index
      %swap3A_53 = arith.constant 0 : index
      %swap3A_54 = tpu.vector_load %arg8[%swap3A, %swap3A_53] {strides = array<i32>} : memref<128x128xf32, #tpu.memory_space<vmem>>, vector<1x16xf32>,
      %swap3A_55 = vector.shape_cast %swap3A_54 : vector<1x16xf32> to vector<16xf32>
      %swap3A_56 = vector.shape_cast %broadcast_in_dim3A_52 : vector<16xf32> to vector<1x16xf32>
      tpu.vector_store %arg8[%swap3A, %swap3A_53], %swap3A_56 {strides = array<i32>} : memref<128x128xf32, #tpu.memory_space<vmem>>, vector<1x16xf32>,
      %broadcast_in_dim3A_57 = arith.constant 0.000000e+00 : f32
      %broadcast_in_dim3A_58 = vector.broadcast %broadcast_in_dim3A_57 : f32 to vector<16xf32>
      %swap3A_59 = arith.index_cast %add3A_51 : i32 to index
      %swap3A_60 = arith.constant 16 : index
      %swap3A_61 = tpu.vector_load %arg8[%swap3A_59, %swap3A_60] {strides = array<i32>} : memref<128x128xf32, #tpu.memory_space<vmem>>, vector<1x16xf32>,
      %swap3A_62 = vector.shape_cast %swap3A_61 : vector<1x16xf32> to vector<16xf32>
      %swap3A_63 = vector.shape_cast %broadcast_in_dim3A_58 : vector<16xf32> to vector<1x16xf32>
      tpu.vector_store %arg8[%swap3A_59, %swap3A_60], %swap3A_63 {strides = array<i32>} : memref<128x128xf32, #tpu.memory_space<vmem>>, vector<1x16xf32>,
      %broadcast_in_dim3A_64 = arith.constant 0.000000e+00 : f32
      %broadcast_in_dim3A_65 = vector.broadcast %broadcast_in_dim3A_64 : f32 to vector<16xf32>
      %swap3A_66 = arith.index_cast %add3A_51 : i32 to index
      %swap3A_67 = arith.constant 32 : index
      %swap3A_68 = tpu.vector_load %arg8[%swap3A_66, %swap3A_67] {strides = array<i32>} : memref<128x128xf32, #tpu.memory_space<vmem>>, vector<1x16xf32>,
      %swap3A_69 = vector.shape_cast %swap3A_68 : vector<1x16xf32> to vector<16xf32>
      %swap3A_70 = vector.shape_cast %broadcast_in_dim3A_65 : vector<16xf32> to vector<1x16xf32>
      tpu.vector_store %arg8[%swap3A_66, %swap3A_67], %swap3A_70 {strides = array<i32>} : memref<128x128xf32, #tpu.memory_space<vmem>>, vector<1x16xf32>,
      %broadcast_in_dim3A_71 = arith.constant 0.000000e+00 : f32
      %broadcast_in_dim3A_72 = vector.broadcast %broadcast_in_dim3A_71 : f32 to vector<16xf32>
      %swap3A_73 = arith.index_cast %add3A_51 : i32 to index
      %swap3A_74 = arith.constant 48 : index
      %swap3A_75 = tpu.vector_load %arg8[%swap3A_73, %swap3A_74] {strides = array<i32>} : memref<128x128xf32, #tpu.memory_space<vmem>>, vector<1x16xf32>,
      %swap3A_76 = vector.shape_cast %swap3A_75 : vector<1x16xf32> to vector<16xf32>
      %swap3A_77 = vector.shape_cast %broadcast_in_dim3A_72 : vector<16xf32> to vector<1x16xf32>
      tpu.vector_store %arg8[%swap3A_73, %swap3A_74], %swap3A_77 {strides = array<i32>} : memref<128x128xf32, #tpu.memory_space<vmem>>, vector<1x16xf32>,
      %broadcast_in_dim3A_78 = arith.constant 0.000000e+00 : f32
      %broadcast_in_dim3A_79 = vector.broadcast %broadcast_in_dim3A_78 : f32 to vector<16xf32>
      %swap3A_80 = arith.index_cast %add3A_51 : i32 to index
      %swap3A_81 = arith.constant 64 : index
      %swap3A_82 = tpu.vector_load %arg8[%swap3A_80, %swap3A_81] {strides = array<i32>} : memref<128x128xf32, #tpu.memory_space<vmem>>, vector<1x16xf32>,
      %swap3A_83 = vector.shape_cast %swap3A_82 : vector<1x16xf32> to vector<16xf32>
      %swap3A_84 = vector.shape_cast %broadcast_in_dim3A_79 : vector<16xf32> to vector<1x16xf32>
      tpu.vector_store %arg8[%swap3A_80, %swap3A_81], %swap3A_84 {strides = array<i32>} : memref<128x128xf32, #tpu.memory_space<vmem>>, vector<1x16xf32>,
      %broadcast_in_dim3A_85 = arith.constant 0.000000e+00 : f32
      %broadcast_in_dim3A_86 = vector.broadcast %broadcast_in_dim3A_85 : f32 to vector<16xf32>
      %swap3A_87 = arith.index_cast %add3A_51 : i32 to index
      %swap3A_88 = arith.constant 80 : index
      %swap3A_89 = tpu.vector_load %arg8[%swap3A_87, %swap3A_88] {strides = array<i32>} : memref<128x128xf32, #tpu.memory_space<vmem>>, vector<1x16xf32>,
      %swap3A_90 = vector.shape_cast %swap3A_89 : vector<1x16xf32> to vector<16xf32>
      %swap3A_91 = vector.shape_cast %broadcast_in_dim3A_86 : vector<16xf32> to vector<1x16xf32>
      tpu.vector_store %arg8[%swap3A_87, %swap3A_88], %swap3A_91 {strides = array<i32>} : memref<128x128xf32, #tpu.memory_space<vmem>>, vector<1x16xf32>,
      %broadcast_in_dim3A_92 = arith.constant 0.000000e+00 : f32
      %broadcast_in_dim3A_93 = vector.broadcast %broadcast_in_dim3A_92 : f32 to vector<16xf32>
      %swap3A_94 = arith.index_cast %add3A_51 : i32 to index
      %swap3A_95 = arith.constant 96 : index
      %swap3A_96 = tpu.vector_load %arg8[%swap3A_94, %swap3A_95] {strides = array<i32>} : memref<128x128xf32, #tpu.memory_space<vmem>>, vector<1x16xf32>,
      %swap3A_97 = vector.shape_cast %swap3A_96 : vector<1x16xf32> to vector<16xf32>
      %swap3A_98 = vector.shape_cast %broadcast_in_dim3A_93 : vector<16xf32> to vector<1x16xf32>
      tpu.vector_store %arg8[%swap3A_94, %swap3A_95], %swap3A_98 {strides = array<i32>} : memref<128x128xf32, #tpu.memory_space<vmem>>, vector<1x16xf32>,
      %broadcast_in_dim3A_99 = arith.constant 0.000000e+00 : f32
      %broadcast_in_dim3A_100 = vector.broadcast %broadcast_in_dim3A_99 : f32 to vector<16xf32>
      %swap3A_101 = arith.index_cast %add3A_51 : i32 to index
      %swap3A_102 = arith.constant 112 : index
      %swap3A_103 = tpu.vector_load %arg8[%swap3A_101, %swap3A_102] {strides = array<i32>} : memref<128x128xf32, #tpu.memory_space<vmem>>, vector<1x16xf32>,
      %swap3A_104 = vector.shape_cast %swap3A_103 : vector<1x16xf32> to vector<16xf32>
      %swap3A_105 = vector.shape_cast %broadcast_in_dim3A_100 : vector<16xf32> to vector<1x16xf32>
      tpu.vector_store %arg8[%swap3A_101, %swap3A_102], %swap3A_105 {strides = array<i32>} : memref<128x128xf32, #tpu.memory_space<vmem>>, vector<1x16xf32>,
    }
    %scan3A_4 = arith.constant 64 : i32
    %scan3A_5 = arith.constant 0 : i32
    %scan3A_6 = arith.constant 5 : i32
    %scan3A_7 = arith.addi %scan3A_5, %scan3A_6 : i32
    %scan3A_8 = arith.constant 1 : i32
    scf.for %scan3A_47 = %scan3A_5 to %scan3A_7 step %scan3A_8  : i32 {
      %mul3A_48 = arith.constant 1 : i32
      %mul3A_49 = arith.muli %scan3A_47, %mul3A_48 : i32
      %add3A_50 = arith.constant 0 : i32
      %add3A_51 = arith.addi %add3A_50, %mul3A_49 : i32
      %mul3A_52 = arith.constant 320 : i32
      %mul3A_53 = arith.muli %arg1, %mul3A_52 : i32
      %mul3A_54 = arith.constant 64 : i32
      %mul3A_55 = arith.muli %add3A_51, %mul3A_54 : i32
      %add3A_56 = arith.addi %mul3A_53, %mul3A_55 : i32
      "tpu.region"() ({
        %run_scoped3A = tpu.sem_alloc : memref<!tpu.dma_semaphore, #tpu.memory_space<semaphore_mem>>
        %dma_start3A_57 = arith.constant 0 : i32
        %dma_start3A_58 = arith.constant 0 : i32
        %dma_start3A_59 = tpu.memref_slice %arg8[%dma_start3A_57, %dma_start3A_58] : memref<128x128xf32, #tpu.memory_space<vmem>> -> memref<64x128xf32, #tpu.memory_space<vmem>>
        %dma_start3A_60 = arith.constant 0 : i32
        %dma_start3A_61 = tpu.memref_slice %arg10[%add3A_56, %dma_start3A_60] : memref<5120x128xf32, #tpu.memory_space<vmem_shared>> -> memref<64x128xf32, #tpu.memory_space<vmem_shared>>
        %dma_start3A_62 = arith.constant 0 : i32
        %dma_start3A_63 = tpu.memref_slice %arg10[%add3A_56, %dma_start3A_62] : memref<5120x128xf32, #tpu.memory_space<vmem_shared>> -> memref<64x128xf32, #tpu.memory_space<vmem_shared>>
        %dma_start3A_64 = arith.constant 0 : i32
        %dma_start3A_65 = arith.constant 0 : i32
        %dma_start3A_66 = tpu.memref_slice %arg8[%dma_start3A_64, %dma_start3A_65] : memref<128x128xf32, #tpu.memory_space<vmem>> -> memref<64x128xf32, #tpu.memory_space<vmem>>
        tpu.enqueue_dma source(%dma_start3A_66 : memref<64x128xf32, #tpu.memory_space<vmem>>) target(%dma_start3A_63 : memref<64x128xf32, #tpu.memory_space<vmem_shared>>) target_semaphore(%run_scoped3A : memref<!tpu.dma_semaphore, #tpu.memory_space<semaphore_mem>>)
        %dma_wait3A = arith.constant 0 : i32
        %dma_wait3A_67 = arith.constant 0 : i32
        %dma_wait3A_68 = tpu.memref_slice %arg8[%dma_wait3A, %dma_wait3A_67] : memref<128x128xf32, #tpu.memory_space<vmem>> -> memref<64x128xf32, #tpu.memory_space<vmem>>
        %dma_wait3A_69 = arith.constant 0 : i32
        %dma_wait3A_70 = tpu.memref_slice %arg10[%add3A_56, %dma_wait3A_69] : memref<5120x128xf32, #tpu.memory_space<vmem_shared>> -> memref<64x128xf32, #tpu.memory_space<vmem_shared>>
        %dma_wait3A_71 = arith.constant 0 : i32
        %dma_wait3A_72 = tpu.memref_slice %arg10[%add3A_56, %dma_wait3A_71] : memref<5120x128xf32, #tpu.memory_space<vmem_shared>> -> memref<64x128xf32, #tpu.memory_space<vmem_shared>>
        %dma_wait3A_73 = arith.constant 0 : i32
        %dma_wait3A_74 = arith.constant 0 : i32
        %dma_wait3A_75 = tpu.memref_slice %arg8[%dma_wait3A_73, %dma_wait3A_74] : memref<128x128xf32, #tpu.memory_space<vmem>> -> memref<64x128xf32, #tpu.memory_space<vmem>>
        tpu.wait_dma2 semaphore(%run_scoped3A : memref<!tpu.dma_semaphore, #tpu.memory_space<semaphore_mem>>) src(%dma_wait3A_75 : memref<64x128xf32, #tpu.memory_space<vmem>>) dst(%dma_wait3A_72 : memref<64x128xf32, #tpu.memory_space<vmem_shared>>)
        tpu.yield
      }) : () -> ()
    }
    %scan3A_9 = arith.constant 5 : i32
    %barrier3A = arith.constant 0 : index
    tpu.barrier barrier_id(%barrier3A)
    %mul3A_10 = arith.constant 80 : i32
    %mul3A_11 = arith.muli %add3A, %mul3A_10 : i32
    %add3A_12 = arith.constant 0 : i32
    %add3A_13 = arith.addi %mul3A_11, %add3A_12 : i32
    "tpu.region"() ({
      %run_scoped3A = tpu.sem_alloc : memref<!tpu.dma_semaphore, #tpu.memory_space<semaphore_mem>>
      %dma_start3A_47 = arith.constant 0 : i32
      %dma_start3A_48 = tpu.memref_slice %arg3[%add3A_13, %dma_start3A_47] : memref<2560x128xi32, #tpu.memory_space<hbm>> -> memref<40x128xi32, #tpu.memory_space<hbm>>
      %dma_start3A_49 = arith.constant 0 : i32
      %dma_start3A_50 = tpu.memref_slice %arg3[%add3A_13, %dma_start3A_49] : memref<2560x128xi32, #tpu.memory_space<hbm>> -> memref<40x128xi32, #tpu.memory_space<hbm>>
      tpu.enqueue_dma source(%dma_start3A_50 : memref<40x128xi32, #tpu.memory_space<hbm>>) target(%arg6 : memref<40x128xi32, #tpu.memory_space<vmem>>) target_semaphore(%run_scoped3A : memref<!tpu.dma_semaphore, #tpu.memory_space<semaphore_mem>>)
      %dma_wait3A = arith.constant 0 : i32
      %dma_wait3A_51 = tpu.memref_slice %arg3[%add3A_13, %dma_wait3A] : memref<2560x128xi32, #tpu.memory_space<hbm>> -> memref<40x128xi32, #tpu.memory_space<hbm>>
      %dma_wait3A_52 = arith.constant 0 : i32
      %dma_wait3A_53 = tpu.memref_slice %arg3[%add3A_13, %dma_wait3A_52] : memref<2560x128xi32, #tpu.memory_space<hbm>> -> memref<40x128xi32, #tpu.memory_space<hbm>>
      tpu.wait_dma2 semaphore(%run_scoped3A : memref<!tpu.dma_semaphore, #tpu.memory_space<semaphore_mem>>) src(%dma_wait3A_53 : memref<40x128xi32, #tpu.memory_space<hbm>>) dst(%arg6 : memref<40x128xi32, #tpu.memory_space<vmem>>)
      tpu.yield
    }) : () -> ()
    "tpu.region"() ({
      %run_scoped3A = tpu.sem_alloc : memref<!tpu.dma_semaphore, #tpu.memory_space<semaphore_mem>>
      %dma_start3A_47 = arith.constant 0 : i32
      %dma_start3A_48 = tpu.memref_slice %arg4[%add3A_13, %dma_start3A_47] : memref<2560x128xi32, #tpu.memory_space<hbm>> -> memref<40x128xi32, #tpu.memory_space<hbm>>
      %dma_start3A_49 = arith.constant 0 : i32
      %dma_start3A_50 = tpu.memref_slice %arg4[%add3A_13, %dma_start3A_49] : memref<2560x128xi32, #tpu.memory_space<hbm>> -> memref<40x128xi32, #tpu.memory_space<hbm>>
      tpu.enqueue_dma source(%dma_start3A_50 : memref<40x128xi32, #tpu.memory_space<hbm>>) target(%arg7 : memref<40x128xi32, #tpu.memory_space<vmem>>) target_semaphore(%run_scoped3A : memref<!tpu.dma_semaphore, #tpu.memory_space<semaphore_mem>>)
      %dma_wait3A = arith.constant 0 : i32
      %dma_wait3A_51 = tpu.memref_slice %arg4[%add3A_13, %dma_wait3A] : memref<2560x128xi32, #tpu.memory_space<hbm>> -> memref<40x128xi32, #tpu.memory_space<hbm>>
      %dma_wait3A_52 = arith.constant 0 : i32
      %dma_wait3A_53 = tpu.memref_slice %arg4[%add3A_13, %dma_wait3A_52] : memref<2560x128xi32, #tpu.memory_space<hbm>> -> memref<40x128xi32, #tpu.memory_space<hbm>>
      tpu.wait_dma2 semaphore(%run_scoped3A : memref<!tpu.dma_semaphore, #tpu.memory_space<semaphore_mem>>) src(%dma_wait3A_53 : memref<40x128xi32, #tpu.memory_space<hbm>>) dst(%arg7 : memref<40x128xi32, #tpu.memory_space<vmem>>)
      tpu.yield
    }) : () -> ()
    %dma_start3A = arith.constant 0 : i32
    %dma_start3A_14 = arith.constant 0 : i32
    %dma_start3A_15 = tpu.memref_slice %arg6[%dma_start3A, %dma_start3A_14] : memref<40x128xi32, #tpu.memory_space<vmem>> -> memref<1x128xi32, #tpu.memory_space<vmem>>
    %dma_start3A_16 = tpu.memref_squeeze %dma_start3A_15 : memref<1x128xi32, #tpu.memory_space<vmem>> -> memref<128xi32, #tpu.memory_space<vmem>>
    %dma_start3A_17 = arith.constant 0 : i32
    %dma_start3A_18 = arith.constant 0 : i32
    %dma_start3A_19 = tpu.memref_slice %arg2[%dma_start3A_17, %dma_start3A_18] : memref<10240x128xf32, #tpu.memory_space<hbm>> -> memref<10240x128xf32, #tpu.memory_space<hbm>>
    tpu.enqueue_indirect_dma source(%dma_start3A_19 : memref<10240x128xf32, #tpu.memory_space<hbm>>) target(%arg8 : memref<128x128xf32, #tpu.memory_space<vmem>>) offsets(%dma_start3A_16 : memref<128xi32, #tpu.memory_space<vmem>>) semaphore(%arg11 : memref<!tpu.dma_semaphore, #tpu.memory_space<semaphore_mem>>)
    %scan3A_20 = arith.constant 0 : i32
    %scan3A_21 = arith.constant 20 : i32
    %scan3A_22 = arith.addi %scan3A_20, %scan3A_21 : i32
    %scan3A_23 = arith.constant 1 : i32
    scf.for %scan3A_47 = %scan3A_20 to %scan3A_22 step %scan3A_23  : i32 {
      %mul3A_48 = arith.constant 1 : i32
      %mul3A_49 = arith.muli %scan3A_47, %mul3A_48 : i32
      %add3A_50 = arith.constant 0 : i32
      %add3A_51 = arith.addi %add3A_50, %mul3A_49 : i32
      %mul3A_52 = arith.constant 2 : i32
      %mul3A_53 = arith.muli %mul3A_52, %add3A_51 : i32
      %add3A_54 = arith.constant 1 : i32
      %add3A_55 = arith.addi %mul3A_53, %add3A_54 : i32
      %dma_start3A_56 = arith.constant 0 : i32
      %dma_start3A_57 = tpu.memref_slice %arg6[%add3A_55, %dma_start3A_56] : memref<40x128xi32, #tpu.memory_space<vmem>> -> memref<1x128xi32, #tpu.memory_space<vmem>>
      %dma_start3A_58 = tpu.memref_squeeze %dma_start3A_57 : memref<1x128xi32, #tpu.memory_space<vmem>> -> memref<128xi32, #tpu.memory_space<vmem>>
      %dma_start3A_59 = arith.constant 0 : i32
      %dma_start3A_60 = arith.constant 0 : i32
      %dma_start3A_61 = tpu.memref_slice %arg2[%dma_start3A_59, %dma_start3A_60] : memref<10240x128xf32, #tpu.memory_space<hbm>> -> memref<10240x128xf32, #tpu.memory_space<hbm>>
      tpu.enqueue_indirect_dma source(%dma_start3A_61 : memref<10240x128xf32, #tpu.memory_space<hbm>>) target(%arg9 : memref<128x128xf32, #tpu.memory_space<vmem>>) offsets(%dma_start3A_58 : memref<128xi32, #tpu.memory_space<vmem>>) semaphore(%arg12 : memref<!tpu.dma_semaphore, #tpu.memory_space<semaphore_mem>>)
      %dma_wait3A = arith.constant 0 : i32
      %dma_wait3A_62 = tpu.memref_slice %arg6[%mul3A_53, %dma_wait3A] : memref<40x128xi32, #tpu.memory_space<vmem>> -> memref<1x128xi32, #tpu.memory_space<vmem>>
      %dma_wait3A_63 = tpu.memref_squeeze %dma_wait3A_62 : memref<1x128xi32, #tpu.memory_space<vmem>> -> memref<128xi32, #tpu.memory_space<vmem>>
      %dma_wait3A_64 = arith.constant 0 : i32
      %dma_wait3A_65 = arith.constant 0 : i32
      %dma_wait3A_66 = tpu.memref_slice %arg2[%dma_wait3A_64, %dma_wait3A_65] : memref<10240x128xf32, #tpu.memory_space<hbm>> -> memref<10240x128xf32, #tpu.memory_space<hbm>>
      tpu.wait_indirect_dma semaphore(%arg11 : memref<!tpu.dma_semaphore, #tpu.memory_space<semaphore_mem>>) src(%dma_wait3A_66 : memref<10240x128xf32, #tpu.memory_space<hbm>>) dst(%arg8 : memref<128x128xf32, #tpu.memory_space<vmem>>)
      "tpu.region"() ({
        %run_scoped3A = tpu.sem_alloc : memref<!tpu.dma_semaphore, #tpu.memory_space<semaphore_mem>>
        %dma_start3A_79 = arith.constant 0 : i32
        %dma_start3A_80 = tpu.memref_slice %arg7[%mul3A_53, %dma_start3A_79] : memref<40x128xi32, #tpu.memory_space<vmem>> -> memref<1x128xi32, #tpu.memory_space<vmem>>
        %dma_start3A_81 = tpu.memref_squeeze %dma_start3A_80 : memref<1x128xi32, #tpu.memory_space<vmem>> -> memref<128xi32, #tpu.memory_space<vmem>>
        %dma_start3A_82 = arith.constant 0 : i32
        %dma_start3A_83 = arith.constant 0 : i32
        %dma_start3A_84 = tpu.memref_slice %arg10[%dma_start3A_82, %dma_start3A_83] : memref<5120x128xf32, #tpu.memory_space<vmem_shared>> -> memref<5120x128xf32, #tpu.memory_space<vmem_shared>>
        tpu.enqueue_indirect_dma source(%arg8 : memref<128x128xf32, #tpu.memory_space<vmem>>) target(%dma_start3A_84 : memref<5120x128xf32, #tpu.memory_space<vmem_shared>>) offsets(%dma_start3A_81 : memref<128xi32, #tpu.memory_space<vmem>>) semaphore(%run_scoped3A : memref<!tpu.dma_semaphore, #tpu.memory_space<semaphore_mem>>) {add = true}
        %dma_wait3A_85 = arith.constant 0 : i32
        %dma_wait3A_86 = tpu.memref_slice %arg7[%mul3A_53, %dma_wait3A_85] : memref<40x128xi32, #tpu.memory_space<vmem>> -> memref<1x128xi32, #tpu.memory_space<vmem>>
        %dma_wait3A_87 = tpu.memref_squeeze %dma_wait3A_86 : memref<1x128xi32, #tpu.memory_space<vmem>> -> memref<128xi32, #tpu.memory_space<vmem>>
        %dma_wait3A_88 = arith.constant 0 : i32
        %dma_wait3A_89 = arith.constant 0 : i32
        %dma_wait3A_90 = tpu.memref_slice %arg10[%dma_wait3A_88, %dma_wait3A_89] : memref<5120x128xf32, #tpu.memory_space<vmem_shared>> -> memref<5120x128xf32, #tpu.memory_space<vmem_shared>>
        tpu.wait_indirect_dma semaphore(%run_scoped3A : memref<!tpu.dma_semaphore, #tpu.memory_space<semaphore_mem>>) src(%arg8 : memref<128x128xf32, #tpu.memory_space<vmem>>) dst(%dma_wait3A_90 : memref<5120x128xf32, #tpu.memory_space<vmem_shared>>)
        tpu.yield
      }) : () -> ()
      %lt3A = arith.constant 19 : i32
      %lt3A_67 = arith.cmpi slt, %add3A_51, %lt3A : i32
      %convert_element_type3A = arith.extui %lt3A_67 : i1 to i32
      %cond3A = arith.constant 0 : i32
      %cond3A_68 = arith.cmpi ne, %convert_element_type3A, %cond3A : i32
      scf.if %cond3A_68 {
        %add3A_79 = arith.constant 2 : i32
        %add3A_80 = arith.addi %mul3A_53, %add3A_79 : i32
        %dma_start3A_81 = arith.constant 0 : i32
        %dma_start3A_82 = tpu.memref_slice %arg6[%add3A_80, %dma_start3A_81] : memref<40x128xi32, #tpu.memory_space<vmem>> -> memref<1x128xi32, #tpu.memory_space<vmem>>
        %dma_start3A_83 = tpu.memref_squeeze %dma_start3A_82 : memref<1x128xi32, #tpu.memory_space<vmem>> -> memref<128xi32, #tpu.memory_space<vmem>>
        %dma_start3A_84 = arith.constant 0 : i32
        %dma_start3A_85 = arith.constant 0 : i32
        %dma_start3A_86 = tpu.memref_slice %arg2[%dma_start3A_84, %dma_start3A_85] : memref<10240x128xf32, #tpu.memory_space<hbm>> -> memref<10240x128xf32, #tpu.memory_space<hbm>>
        tpu.enqueue_indirect_dma source(%dma_start3A_86 : memref<10240x128xf32, #tpu.memory_space<hbm>>) target(%arg8 : memref<128x128xf32, #tpu.memory_space<vmem>>) offsets(%dma_start3A_83 : memref<128xi32, #tpu.memory_space<vmem>>) semaphore(%arg11 : memref<!tpu.dma_semaphore, #tpu.memory_space<semaphore_mem>>)
      } else {
      }
      %add3A_69 = arith.constant 1 : i32
      %add3A_70 = arith.addi %mul3A_53, %add3A_69 : i32
      %dma_wait3A_71 = arith.constant 0 : i32
      %dma_wait3A_72 = tpu.memref_slice %arg6[%add3A_70, %dma_wait3A_71] : memref<40x128xi32, #tpu.memory_space<vmem>> -> memref<1x128xi32, #tpu.memory_space<vmem>>
      %dma_wait3A_73 = tpu.memref_squeeze %dma_wait3A_72 : memref<1x128xi32, #tpu.memory_space<vmem>> -> memref<128xi32, #tpu.memory_space<vmem>>
      %dma_wait3A_74 = arith.constant 0 : i32
      %dma_wait3A_75 = arith.constant 0 : i32
      %dma_wait3A_76 = tpu.memref_slice %arg2[%dma_wait3A_74, %dma_wait3A_75] : memref<10240x128xf32, #tpu.memory_space<hbm>> -> memref<10240x128xf32, #tpu.memory_space<hbm>>
      tpu.wait_indirect_dma semaphore(%arg12 : memref<!tpu.dma_semaphore, #tpu.memory_space<semaphore_mem>>) src(%dma_wait3A_76 : memref<10240x128xf32, #tpu.memory_space<hbm>>) dst(%arg9 : memref<128x128xf32, #tpu.memory_space<vmem>>)
      %add3A_77 = arith.constant 1 : i32
      %add3A_78 = arith.addi %mul3A_53, %add3A_77 : i32
      "tpu.region"() ({
        %run_scoped3A = tpu.sem_alloc : memref<!tpu.dma_semaphore, #tpu.memory_space<semaphore_mem>>
        %dma_start3A_79 = arith.constant 0 : i32
        %dma_start3A_80 = tpu.memref_slice %arg7[%add3A_78, %dma_start3A_79] : memref<40x128xi32, #tpu.memory_space<vmem>> -> memref<1x128xi32, #tpu.memory_space<vmem>>
        %dma_start3A_81 = tpu.memref_squeeze %dma_start3A_80 : memref<1x128xi32, #tpu.memory_space<vmem>> -> memref<128xi32, #tpu.memory_space<vmem>>
        %dma_start3A_82 = arith.constant 0 : i32
        %dma_start3A_83 = arith.constant 0 : i32
        %dma_start3A_84 = tpu.memref_slice %arg10[%dma_start3A_82, %dma_start3A_83] : memref<5120x128xf32, #tpu.memory_space<vmem_shared>> -> memref<5120x128xf32, #tpu.memory_space<vmem_shared>>
        tpu.enqueue_indirect_dma source(%arg9 : memref<128x128xf32, #tpu.memory_space<vmem>>) target(%dma_start3A_84 : memref<5120x128xf32, #tpu.memory_space<vmem_shared>>) offsets(%dma_start3A_81 : memref<128xi32, #tpu.memory_space<vmem>>) semaphore(%run_scoped3A : memref<!tpu.dma_semaphore, #tpu.memory_space<semaphore_mem>>) {add = true}
        %dma_wait3A_85 = arith.constant 0 : i32
        %dma_wait3A_86 = tpu.memref_slice %arg7[%add3A_78, %dma_wait3A_85] : memref<40x128xi32, #tpu.memory_space<vmem>> -> memref<1x128xi32, #tpu.memory_space<vmem>>
        %dma_wait3A_87 = tpu.memref_squeeze %dma_wait3A_86 : memref<1x128xi32, #tpu.memory_space<vmem>> -> memref<128xi32, #tpu.memory_space<vmem>>
        %dma_wait3A_88 = arith.constant 0 : i32
        %dma_wait3A_89 = arith.constant 0 : i32
        %dma_wait3A_90 = tpu.memref_slice %arg10[%dma_wait3A_88, %dma_wait3A_89] : memref<5120x128xf32, #tpu.memory_space<vmem_shared>> -> memref<5120x128xf32, #tpu.memory_space<vmem_shared>>
        tpu.wait_indirect_dma semaphore(%run_scoped3A : memref<!tpu.dma_semaphore, #tpu.memory_space<semaphore_mem>>) src(%arg9 : memref<128x128xf32, #tpu.memory_space<vmem>>) dst(%dma_wait3A_90 : memref<5120x128xf32, #tpu.memory_space<vmem_shared>>)
        tpu.yield
      }) : () -> ()
    }
    %scan3A_24 = arith.constant 20 : i32
    %mul3A_25 = arith.constant 80 : i32
    %mul3A_26 = arith.muli %add3A, %mul3A_25 : i32
    %add3A_27 = arith.constant 40 : i32
    %add3A_28 = arith.addi %mul3A_26, %add3A_27 : i32
    "tpu.region"() ({
      %run_scoped3A = tpu.sem_alloc : memref<!tpu.dma_semaphore, #tpu.memory_space<semaphore_mem>>
      %dma_start3A_47 = arith.constant 0 : i32
      %dma_start3A_48 = tpu.memref_slice %arg3[%add3A_28, %dma_start3A_47] : memref<2560x128xi32, #tpu.memory_space<hbm>> -> memref<40x128xi32, #tpu.memory_space<hbm>>
      %dma_start3A_49 = arith.constant 0 : i32
      %dma_start3A_50 = tpu.memref_slice %arg3[%add3A_28, %dma_start3A_49] : memref<2560x128xi32, #tpu.memory_space<hbm>> -> memref<40x128xi32, #tpu.memory_space<hbm>>
      tpu.enqueue_dma source(%dma_start3A_50 : memref<40x128xi32, #tpu.memory_space<hbm>>) target(%arg6 : memref<40x128xi32, #tpu.memory_space<vmem>>) target_semaphore(%run_scoped3A : memref<!tpu.dma_semaphore, #tpu.memory_space<semaphore_mem>>)
      %dma_wait3A = arith.constant 0 : i32
      %dma_wait3A_51 = tpu.memref_slice %arg3[%add3A_28, %dma_wait3A] : memref<2560x128xi32, #tpu.memory_space<hbm>> -> memref<40x128xi32, #tpu.memory_space<hbm>>
      %dma_wait3A_52 = arith.constant 0 : i32
      %dma_wait3A_53 = tpu.memref_slice %arg3[%add3A_28, %dma_wait3A_52] : memref<2560x128xi32, #tpu.memory_space<hbm>> -> memref<40x128xi32, #tpu.memory_space<hbm>>
      tpu.wait_dma2 semaphore(%run_scoped3A : memref<!tpu.dma_semaphore, #tpu.memory_space<semaphore_mem>>) src(%dma_wait3A_53 : memref<40x128xi32, #tpu.memory_space<hbm>>) dst(%arg6 : memref<40x128xi32, #tpu.memory_space<vmem>>)
      tpu.yield
    }) : () -> ()
    "tpu.region"() ({
      %run_scoped3A = tpu.sem_alloc : memref<!tpu.dma_semaphore, #tpu.memory_space<semaphore_mem>>
      %dma_start3A_47 = arith.constant 0 : i32
      %dma_start3A_48 = tpu.memref_slice %arg4[%add3A_28, %dma_start3A_47] : memref<2560x128xi32, #tpu.memory_space<hbm>> -> memref<40x128xi32, #tpu.memory_space<hbm>>
      %dma_start3A_49 = arith.constant 0 : i32
      %dma_start3A_50 = tpu.memref_slice %arg4[%add3A_28, %dma_start3A_49] : memref<2560x128xi32, #tpu.memory_space<hbm>> -> memref<40x128xi32, #tpu.memory_space<hbm>>
      tpu.enqueue_dma source(%dma_start3A_50 : memref<40x128xi32, #tpu.memory_space<hbm>>) target(%arg7 : memref<40x128xi32, #tpu.memory_space<vmem>>) target_semaphore(%run_scoped3A : memref<!tpu.dma_semaphore, #tpu.memory_space<semaphore_mem>>)
      %dma_wait3A = arith.constant 0 : i32
      %dma_wait3A_51 = tpu.memref_slice %arg4[%add3A_28, %dma_wait3A] : memref<2560x128xi32, #tpu.memory_space<hbm>> -> memref<40x128xi32, #tpu.memory_space<hbm>>
      %dma_wait3A_52 = arith.constant 0 : i32
      %dma_wait3A_53 = tpu.memref_slice %arg4[%add3A_28, %dma_wait3A_52] : memref<2560x128xi32, #tpu.memory_space<hbm>> -> memref<40x128xi32, #tpu.memory_space<hbm>>
      tpu.wait_dma2 semaphore(%run_scoped3A : memref<!tpu.dma_semaphore, #tpu.memory_space<semaphore_mem>>) src(%dma_wait3A_53 : memref<40x128xi32, #tpu.memory_space<hbm>>) dst(%arg7 : memref<40x128xi32, #tpu.memory_space<vmem>>)
      tpu.yield
    }) : () -> ()
    %dma_start3A_29 = arith.constant 0 : i32
    %dma_start3A_30 = arith.constant 0 : i32
    %dma_start3A_31 = tpu.memref_slice %arg6[%dma_start3A_29, %dma_start3A_30] : memref<40x128xi32, #tpu.memory_space<vmem>> -> memref<1x128xi32, #tpu.memory_space<vmem>>
    %dma_start3A_32 = tpu.memref_squeeze %dma_start3A_31 : memref<1x128xi32, #tpu.memory_space<vmem>> -> memref<128xi32, #tpu.memory_space<vmem>>
    %dma_start3A_33 = arith.constant 0 : i32
    %dma_start3A_34 = arith.constant 0 : i32
    %dma_start3A_35 = tpu.memref_slice %arg2[%dma_start3A_33, %dma_start3A_34] : memref<10240x128xf32, #tpu.memory_space<hbm>> -> memref<10240x128xf32, #tpu.memory_space<hbm>>
    tpu.enqueue_indirect_dma source(%dma_start3A_35 : memref<10240x128xf32, #tpu.memory_space<hbm>>) target(%arg8 : memref<128x128xf32, #tpu.memory_space<vmem>>) offsets(%dma_start3A_32 : memref<128xi32, #tpu.memory_space<vmem>>) semaphore(%arg11 : memref<!tpu.dma_semaphore, #tpu.memory_space<semaphore_mem>>)
    %scan3A_36 = arith.constant 0 : i32
    %scan3A_37 = arith.constant 20 : i32
    %scan3A_38 = arith.addi %scan3A_36, %scan3A_37 : i32
    %scan3A_39 = arith.constant 1 : i32
    scf.for %scan3A_47 = %scan3A_36 to %scan3A_38 step %scan3A_39  : i32 {
      %mul3A_48 = arith.constant 1 : i32
      %mul3A_49 = arith.muli %scan3A_47, %mul3A_48 : i32
      %add3A_50 = arith.constant 0 : i32
      %add3A_51 = arith.addi %add3A_50, %mul3A_49 : i32
      %mul3A_52 = arith.constant 2 : i32
      %mul3A_53 = arith.muli %mul3A_52, %add3A_51 : i32
      %add3A_54 = arith.constant 1 : i32
      %add3A_55 = arith.addi %mul3A_53, %add3A_54 : i32
      %dma_start3A_56 = arith.constant 0 : i32
      %dma_start3A_57 = tpu.memref_slice %arg6[%add3A_55, %dma_start3A_56] : memref<40x128xi32, #tpu.memory_space<vmem>> -> memref<1x128xi32, #tpu.memory_space<vmem>>
      %dma_start3A_58 = tpu.memref_squeeze %dma_start3A_57 : memref<1x128xi32, #tpu.memory_space<vmem>> -> memref<128xi32, #tpu.memory_space<vmem>>
      %dma_start3A_59 = arith.constant 0 : i32
      %dma_start3A_60 = arith.constant 0 : i32
      %dma_start3A_61 = tpu.memref_slice %arg2[%dma_start3A_59, %dma_start3A_60] : memref<10240x128xf32, #tpu.memory_space<hbm>> -> memref<10240x128xf32, #tpu.memory_space<hbm>>
      tpu.enqueue_indirect_dma source(%dma_start3A_61 : memref<10240x128xf32, #tpu.memory_space<hbm>>) target(%arg9 : memref<128x128xf32, #tpu.memory_space<vmem>>) offsets(%dma_start3A_58 : memref<128xi32, #tpu.memory_space<vmem>>) semaphore(%arg12 : memref<!tpu.dma_semaphore, #tpu.memory_space<semaphore_mem>>)
      %dma_wait3A = arith.constant 0 : i32
      %dma_wait3A_62 = tpu.memref_slice %arg6[%mul3A_53, %dma_wait3A] : memref<40x128xi32, #tpu.memory_space<vmem>> -> memref<1x128xi32, #tpu.memory_space<vmem>>
      %dma_wait3A_63 = tpu.memref_squeeze %dma_wait3A_62 : memref<1x128xi32, #tpu.memory_space<vmem>> -> memref<128xi32, #tpu.memory_space<vmem>>
      %dma_wait3A_64 = arith.constant 0 : i32
      %dma_wait3A_65 = arith.constant 0 : i32
      %dma_wait3A_66 = tpu.memref_slice %arg2[%dma_wait3A_64, %dma_wait3A_65] : memref<10240x128xf32, #tpu.memory_space<hbm>> -> memref<10240x128xf32, #tpu.memory_space<hbm>>
      tpu.wait_indirect_dma semaphore(%arg11 : memref<!tpu.dma_semaphore, #tpu.memory_space<semaphore_mem>>) src(%dma_wait3A_66 : memref<10240x128xf32, #tpu.memory_space<hbm>>) dst(%arg8 : memref<128x128xf32, #tpu.memory_space<vmem>>)
      "tpu.region"() ({
        %run_scoped3A = tpu.sem_alloc : memref<!tpu.dma_semaphore, #tpu.memory_space<semaphore_mem>>
        %dma_start3A_79 = arith.constant 0 : i32
        %dma_start3A_80 = tpu.memref_slice %arg7[%mul3A_53, %dma_start3A_79] : memref<40x128xi32, #tpu.memory_space<vmem>> -> memref<1x128xi32, #tpu.memory_space<vmem>>
        %dma_start3A_81 = tpu.memref_squeeze %dma_start3A_80 : memref<1x128xi32, #tpu.memory_space<vmem>> -> memref<128xi32, #tpu.memory_space<vmem>>
        %dma_start3A_82 = arith.constant 0 : i32
        %dma_start3A_83 = arith.constant 0 : i32
        %dma_start3A_84 = tpu.memref_slice %arg10[%dma_start3A_82, %dma_start3A_83] : memref<5120x128xf32, #tpu.memory_space<vmem_shared>> -> memref<5120x128xf32, #tpu.memory_space<vmem_shared>>
        tpu.enqueue_indirect_dma source(%arg8 : memref<128x128xf32, #tpu.memory_space<vmem>>) target(%dma_start3A_84 : memref<5120x128xf32, #tpu.memory_space<vmem_shared>>) offsets(%dma_start3A_81 : memref<128xi32, #tpu.memory_space<vmem>>) semaphore(%run_scoped3A : memref<!tpu.dma_semaphore, #tpu.memory_space<semaphore_mem>>) {add = true}
        %dma_wait3A_85 = arith.constant 0 : i32
        %dma_wait3A_86 = tpu.memref_slice %arg7[%mul3A_53, %dma_wait3A_85] : memref<40x128xi32, #tpu.memory_space<vmem>> -> memref<1x128xi32, #tpu.memory_space<vmem>>
        %dma_wait3A_87 = tpu.memref_squeeze %dma_wait3A_86 : memref<1x128xi32, #tpu.memory_space<vmem>> -> memref<128xi32, #tpu.memory_space<vmem>>
        %dma_wait3A_88 = arith.constant 0 : i32
        %dma_wait3A_89 = arith.constant 0 : i32
        %dma_wait3A_90 = tpu.memref_slice %arg10[%dma_wait3A_88, %dma_wait3A_89] : memref<5120x128xf32, #tpu.memory_space<vmem_shared>> -> memref<5120x128xf32, #tpu.memory_space<vmem_shared>>
        tpu.wait_indirect_dma semaphore(%run_scoped3A : memref<!tpu.dma_semaphore, #tpu.memory_space<semaphore_mem>>) src(%arg8 : memref<128x128xf32, #tpu.memory_space<vmem>>) dst(%dma_wait3A_90 : memref<5120x128xf32, #tpu.memory_space<vmem_shared>>)
        tpu.yield
      }) : () -> ()
      %lt3A = arith.constant 19 : i32
      %lt3A_67 = arith.cmpi slt, %add3A_51, %lt3A : i32
      %convert_element_type3A = arith.extui %lt3A_67 : i1 to i32
      %cond3A = arith.constant 0 : i32
      %cond3A_68 = arith.cmpi ne, %convert_element_type3A, %cond3A : i32
      scf.if %cond3A_68 {
        %add3A_79 = arith.constant 2 : i32
        %add3A_80 = arith.addi %mul3A_53, %add3A_79 : i32
        %dma_start3A_81 = arith.constant 0 : i32
        %dma_start3A_82 = tpu.memref_slice %arg6[%add3A_80, %dma_start3A_81] : memref<40x128xi32, #tpu.memory_space<vmem>> -> memref<1x128xi32, #tpu.memory_space<vmem>>
        %dma_start3A_83 = tpu.memref_squeeze %dma_start3A_82 : memref<1x128xi32, #tpu.memory_space<vmem>> -> memref<128xi32, #tpu.memory_space<vmem>>
        %dma_start3A_84 = arith.constant 0 : i32
        %dma_start3A_85 = arith.constant 0 : i32
        %dma_start3A_86 = tpu.memref_slice %arg2[%dma_start3A_84, %dma_start3A_85] : memref<10240x128xf32, #tpu.memory_space<hbm>> -> memref<10240x128xf32, #tpu.memory_space<hbm>>
        tpu.enqueue_indirect_dma source(%dma_start3A_86 : memref<10240x128xf32, #tpu.memory_space<hbm>>) target(%arg8 : memref<128x128xf32, #tpu.memory_space<vmem>>) offsets(%dma_start3A_83 : memref<128xi32, #tpu.memory_space<vmem>>) semaphore(%arg11 : memref<!tpu.dma_semaphore, #tpu.memory_space<semaphore_mem>>)
      } else {
      }
      %add3A_69 = arith.constant 1 : i32
      %add3A_70 = arith.addi %mul3A_53, %add3A_69 : i32
      %dma_wait3A_71 = arith.constant 0 : i32
      %dma_wait3A_72 = tpu.memref_slice %arg6[%add3A_70, %dma_wait3A_71] : memref<40x128xi32, #tpu.memory_space<vmem>> -> memref<1x128xi32, #tpu.memory_space<vmem>>
      %dma_wait3A_73 = tpu.memref_squeeze %dma_wait3A_72 : memref<1x128xi32, #tpu.memory_space<vmem>> -> memref<128xi32, #tpu.memory_space<vmem>>
      %dma_wait3A_74 = arith.constant 0 : i32
      %dma_wait3A_75 = arith.constant 0 : i32
      %dma_wait3A_76 = tpu.memref_slice %arg2[%dma_wait3A_74, %dma_wait3A_75] : memref<10240x128xf32, #tpu.memory_space<hbm>> -> memref<10240x128xf32, #tpu.memory_space<hbm>>
      tpu.wait_indirect_dma semaphore(%arg12 : memref<!tpu.dma_semaphore, #tpu.memory_space<semaphore_mem>>) src(%dma_wait3A_76 : memref<10240x128xf32, #tpu.memory_space<hbm>>) dst(%arg9 : memref<128x128xf32, #tpu.memory_space<vmem>>)
      %add3A_77 = arith.constant 1 : i32
      %add3A_78 = arith.addi %mul3A_53, %add3A_77 : i32
      "tpu.region"() ({
        %run_scoped3A = tpu.sem_alloc : memref<!tpu.dma_semaphore, #tpu.memory_space<semaphore_mem>>
        %dma_start3A_79 = arith.constant 0 : i32
        %dma_start3A_80 = tpu.memref_slice %arg7[%add3A_78, %dma_start3A_79] : memref<40x128xi32, #tpu.memory_space<vmem>> -> memref<1x128xi32, #tpu.memory_space<vmem>>
        %dma_start3A_81 = tpu.memref_squeeze %dma_start3A_80 : memref<1x128xi32, #tpu.memory_space<vmem>> -> memref<128xi32, #tpu.memory_space<vmem>>
        %dma_start3A_82 = arith.constant 0 : i32
        %dma_start3A_83 = arith.constant 0 : i32
        %dma_start3A_84 = tpu.memref_slice %arg10[%dma_start3A_82, %dma_start3A_83] : memref<5120x128xf32, #tpu.memory_space<vmem_shared>> -> memref<5120x128xf32, #tpu.memory_space<vmem_shared>>
        tpu.enqueue_indirect_dma source(%arg9 : memref<128x128xf32, #tpu.memory_space<vmem>>) target(%dma_start3A_84 : memref<5120x128xf32, #tpu.memory_space<vmem_shared>>) offsets(%dma_start3A_81 : memref<128xi32, #tpu.memory_space<vmem>>) semaphore(%run_scoped3A : memref<!tpu.dma_semaphore, #tpu.memory_space<semaphore_mem>>) {add = true}
        %dma_wait3A_85 = arith.constant 0 : i32
        %dma_wait3A_86 = tpu.memref_slice %arg7[%add3A_78, %dma_wait3A_85] : memref<40x128xi32, #tpu.memory_space<vmem>> -> memref<1x128xi32, #tpu.memory_space<vmem>>
        %dma_wait3A_87 = tpu.memref_squeeze %dma_wait3A_86 : memref<1x128xi32, #tpu.memory_space<vmem>> -> memref<128xi32, #tpu.memory_space<vmem>>
        %dma_wait3A_88 = arith.constant 0 : i32
        %dma_wait3A_89 = arith.constant 0 : i32
        %dma_wait3A_90 = tpu.memref_slice %arg10[%dma_wait3A_88, %dma_wait3A_89] : memref<5120x128xf32, #tpu.memory_space<vmem_shared>> -> memref<5120x128xf32, #tpu.memory_space<vmem_shared>>
        tpu.wait_indirect_dma semaphore(%run_scoped3A : memref<!tpu.dma_semaphore, #tpu.memory_space<semaphore_mem>>) src(%arg9 : memref<128x128xf32, #tpu.memory_space<vmem>>) dst(%dma_wait3A_90 : memref<5120x128xf32, #tpu.memory_space<vmem_shared>>)
        tpu.yield
      }) : () -> ()
    }
    %scan3A_40 = arith.constant 20 : i32
    %barrier3A_41 = arith.constant 0 : index
    tpu.barrier barrier_id(%barrier3A_41)
    %scan3A_42 = arith.constant 0 : i32
    %scan3A_43 = arith.constant 5 : i32
    %scan3A_44 = arith.addi %scan3A_42, %scan3A_43 : i32
    %scan3A_45 = arith.constant 1 : i32
    scf.for %scan3A_47 = %scan3A_42 to %scan3A_44 step %scan3A_45  : i32 {
      %mul3A_48 = arith.constant 1 : i32
      %mul3A_49 = arith.muli %scan3A_47, %mul3A_48 : i32
      %add3A_50 = arith.constant 0 : i32
      %add3A_51 = arith.addi %add3A_50, %mul3A_49 : i32
      %mul3A_52 = arith.constant 320 : i32
      %mul3A_53 = arith.muli %arg1, %mul3A_52 : i32
      %mul3A_54 = arith.constant 64 : i32
      %mul3A_55 = arith.muli %add3A_51, %mul3A_54 : i32
      %add3A_56 = arith.addi %mul3A_53, %mul3A_55 : i32
      "tpu.region"() ({
        %run_scoped3A = tpu.sem_alloc : memref<!tpu.dma_semaphore, #tpu.memory_space<semaphore_mem>>
        %dma_start3A_57 = arith.constant 0 : i32
        %dma_start3A_58 = arith.constant 0 : i32
        %dma_start3A_59 = tpu.memref_slice %arg8[%dma_start3A_57, %dma_start3A_58] : memref<128x128xf32, #tpu.memory_space<vmem>> -> memref<64x128xf32, #tpu.memory_space<vmem>>
        %dma_start3A_60 = arith.constant 0 : i32
        %dma_start3A_61 = tpu.memref_slice %arg10[%add3A_56, %dma_start3A_60] : memref<5120x128xf32, #tpu.memory_space<vmem_shared>> -> memref<64x128xf32, #tpu.memory_space<vmem_shared>>
        %dma_start3A_62 = arith.constant 0 : i32
        %dma_start3A_63 = arith.constant 0 : i32
        %dma_start3A_64 = tpu.memref_slice %arg8[%dma_start3A_62, %dma_start3A_63] : memref<128x128xf32, #tpu.memory_space<vmem>> -> memref<64x128xf32, #tpu.memory_space<vmem>>
        %dma_start3A_65 = arith.constant 0 : i32
        %dma_start3A_66 = tpu.memref_slice %arg10[%add3A_56, %dma_start3A_65] : memref<5120x128xf32, #tpu.memory_space<vmem_shared>> -> memref<64x128xf32, #tpu.memory_space<vmem_shared>>
        tpu.enqueue_dma source(%dma_start3A_66 : memref<64x128xf32, #tpu.memory_space<vmem_shared>>) target(%dma_start3A_64 : memref<64x128xf32, #tpu.memory_space<vmem>>) target_semaphore(%run_scoped3A : memref<!tpu.dma_semaphore, #tpu.memory_space<semaphore_mem>>)
        %dma_wait3A = arith.constant 0 : i32
        %dma_wait3A_67 = arith.constant 0 : i32
        %dma_wait3A_68 = tpu.memref_slice %arg8[%dma_wait3A, %dma_wait3A_67] : memref<128x128xf32, #tpu.memory_space<vmem>> -> memref<64x128xf32, #tpu.memory_space<vmem>>
        %dma_wait3A_69 = arith.constant 0 : i32
        %dma_wait3A_70 = tpu.memref_slice %arg10[%add3A_56, %dma_wait3A_69] : memref<5120x128xf32, #tpu.memory_space<vmem_shared>> -> memref<64x128xf32, #tpu.memory_space<vmem_shared>>
        %dma_wait3A_71 = arith.constant 0 : i32
        %dma_wait3A_72 = arith.constant 0 : i32
        %dma_wait3A_73 = tpu.memref_slice %arg8[%dma_wait3A_71, %dma_wait3A_72] : memref<128x128xf32, #tpu.memory_space<vmem>> -> memref<64x128xf32, #tpu.memory_space<vmem>>
        %dma_wait3A_74 = arith.constant 0 : i32
        %dma_wait3A_75 = tpu.memref_slice %arg10[%add3A_56, %dma_wait3A_74] : memref<5120x128xf32, #tpu.memory_space<vmem_shared>> -> memref<64x128xf32, #tpu.memory_space<vmem_shared>>
        tpu.wait_dma2 semaphore(%run_scoped3A : memref<!tpu.dma_semaphore, #tpu.memory_space<semaphore_mem>>) src(%dma_wait3A_75 : memref<64x128xf32, #tpu.memory_space<vmem_shared>>) dst(%dma_wait3A_73 : memref<64x128xf32, #tpu.memory_space<vmem>>)
        tpu.yield
      }) : () -> ()
      "tpu.region"() ({
        %run_scoped3A = tpu.sem_alloc : memref<!tpu.dma_semaphore, #tpu.memory_space<semaphore_mem>>
        %dma_start3A_57 = arith.constant 0 : i32
        %dma_start3A_58 = arith.constant 0 : i32
        %dma_start3A_59 = tpu.memref_slice %arg8[%dma_start3A_57, %dma_start3A_58] : memref<128x128xf32, #tpu.memory_space<vmem>> -> memref<64x128xf32, #tpu.memory_space<vmem>>
        %dma_start3A_60 = arith.constant 0 : i32
        %dma_start3A_61 = tpu.memref_slice %arg5[%arg0, %add3A_56, %dma_start3A_60] : memref<2x5120x128xf32, #tpu.memory_space<hbm>> -> memref<1x64x128xf32, #tpu.memory_space<hbm>>
        %dma_start3A_62 = tpu.memref_squeeze %dma_start3A_61 : memref<1x64x128xf32, #tpu.memory_space<hbm>> -> memref<64x128xf32, #tpu.memory_space<hbm>>
        %dma_start3A_63 = arith.constant 0 : i32
        %dma_start3A_64 = tpu.memref_slice %arg5[%arg0, %add3A_56, %dma_start3A_63] : memref<2x5120x128xf32, #tpu.memory_space<hbm>> -> memref<1x64x128xf32, #tpu.memory_space<hbm>>
        %dma_start3A_65 = tpu.memref_squeeze %dma_start3A_64 : memref<1x64x128xf32, #tpu.memory_space<hbm>> -> memref<64x128xf32, #tpu.memory_space<hbm>>
        %dma_start3A_66 = arith.constant 0 : i32
        %dma_start3A_67 = arith.constant 0 : i32
        %dma_start3A_68 = tpu.memref_slice %arg8[%dma_start3A_66, %dma_start3A_67] : memref<128x128xf32, #tpu.memory_space<vmem>> -> memref<64x128xf32, #tpu.memory_space<vmem>>
        tpu.enqueue_dma source(%dma_start3A_68 : memref<64x128xf32, #tpu.memory_space<vmem>>) target(%dma_start3A_65 : memref<64x128xf32, #tpu.memory_space<hbm>>) target_semaphore(%run_scoped3A : memref<!tpu.dma_semaphore, #tpu.memory_space<semaphore_mem>>)
        %dma_wait3A = arith.constant 0 : i32
        %dma_wait3A_69 = arith.constant 0 : i32
        %dma_wait3A_70 = tpu.memref_slice %arg8[%dma_wait3A, %dma_wait3A_69] : memref<128x128xf32, #tpu.memory_space<vmem>> -> memref<64x128xf32, #tpu.memory_space<vmem>>
        %dma_wait3A_71 = arith.constant 0 : i32
        %dma_wait3A_72 = tpu.memref_slice %arg5[%arg0, %add3A_56, %dma_wait3A_71] : memref<2x5120x128xf32, #tpu.memory_space<hbm>> -> memref<1x64x128xf32, #tpu.memory_space<hbm>>
        %dma_wait3A_73 = tpu.memref_squeeze %dma_wait3A_72 : memref<1x64x128xf32, #tpu.memory_space<hbm>> -> memref<64x128xf32, #tpu.memory_space<hbm>>
        %dma_wait3A_74 = arith.constant 0 : i32
        %dma_wait3A_75 = tpu.memref_slice %arg5[%arg0, %add3A_56, %dma_wait3A_74] : memref<2x5120x128xf32, #tpu.memory_space<hbm>> -> memref<1x64x128xf32, #tpu.memory_space<hbm>>
        %dma_wait3A_76 = tpu.memref_squeeze %dma_wait3A_75 : memref<1x64x128xf32, #tpu.memory_space<hbm>> -> memref<64x128xf32, #tpu.memory_space<hbm>>
        %dma_wait3A_77 = arith.constant 0 : i32
        %dma_wait3A_78 = arith.constant 0 : i32
        %dma_wait3A_79 = tpu.memref_slice %arg8[%dma_wait3A_77, %dma_wait3A_78] : memref<128x128xf32, #tpu.memory_space<vmem>> -> memref<64x128xf32, #tpu.memory_space<vmem>>
        tpu.wait_dma2 semaphore(%run_scoped3A : memref<!tpu.dma_semaphore, #tpu.memory_space<semaphore_mem>>) src(%dma_wait3A_79 : memref<64x128xf32, #tpu.memory_space<vmem>>) dst(%dma_wait3A_76 : memref<64x128xf32, #tpu.memory_space<hbm>>)
        tpu.yield
      }) : () -> ()
    }
    %scan3A_46 = arith.constant 5 : i32
    return
  }
}

#map = affine_map<(d0, d1) -> (0, 0)>
#map1 = affine_map<(d0, d1) -> (0, 0, 0)>
module attributes {stable_mosaic.version = 14 : i64} {
  func.func @body(%arg0: i32, %arg1: i32, %arg2: memref<10240x128xf32, #tpu.memory_space<hbm>>, %arg3: memref<2560x128xi32, #tpu.memory_space<hbm>>, %arg4: memref<2560x128xi32, #tpu.memory_space<hbm>>, %arg5: memref<2x5120x128xf32, #tpu.memory_space<hbm>>, %arg6: memref<40x128xi32, #tpu.memory_space<vmem>>, %arg7: memref<40x128xi32, #tpu.memory_space<vmem>>, %arg8: memref<128x128xf32, #tpu.memory_space<vmem>>, %arg9: memref<128x128xf32, #tpu.memory_space<vmem>>, %arg10: memref<5120x128xf32, #tpu.memory_space<vmem_shared>>, %arg11: memref<!tpu.dma_semaphore, #tpu.memory_space<semaphore_mem>>, %arg12: memref<!tpu.dma_semaphore, #tpu.memory_space<semaphore_mem>>) attributes {dimension_semantics = [#tpu.dimension_semantics<core_parallel>, #tpu.dimension_semantics<subcore_parallel>], iteration_bounds = array<i64: 2, 16>, scalar_prefetch = 0 : i64, scratch_operands = 7 : i64, tpu.core_type = #tpu.core_type<sc_vector_subcore>, window_params = [{transform_indices = #map}, {transform_indices = #map}, {transform_indices = #map}, {transform_indices = #map1}]} {
    %mul3A = arith.constant 16 : i32
    %mul3A_0 = arith.muli %arg0, %mul3A : i32
    %add3A = arith.addi %mul3A_0, %arg1 : i32
    %scan3A = arith.constant 0 : i32
    %scan3A_1 = arith.constant 64 : i32
    %scan3A_2 = arith.addi %scan3A, %scan3A_1 : i32
    %scan3A_3 = arith.constant 1 : i32
    scf.for %scan3A_47 = %scan3A to %scan3A_2 step %scan3A_3  : i32 {
      %mul3A_48 = arith.constant 1 : i32
      %mul3A_49 = arith.muli %scan3A_47, %mul3A_48 : i32
      %add3A_50 = arith.constant 0 : i32
      %add3A_51 = arith.addi %add3A_50, %mul3A_49 : i32
      %broadcast_in_dim3A = arith.constant 0.000000e+00 : f32
      %broadcast_in_dim3A_52 = vector.broadcast %broadcast_in_dim3A : f32 to vector<16xf32>
      %swap3A = arith.index_cast %add3A_51 : i32 to index
      %swap3A_53 = arith.constant 0 : index
      %swap3A_54 = tpu.vector_load %arg8[%swap3A, %swap3A_53] {strides = array<i32>} : memref<128x128xf32, #tpu.memory_space<vmem>>, vector<1x16xf32>,
      %swap3A_55 = vector.shape_cast %swap3A_54 : vector<1x16xf32> to vector<16xf32>
      %swap3A_56 = vector.shape_cast %broadcast_in_dim3A_52 : vector<16xf32> to vector<1x16xf32>
      tpu.vector_store %arg8[%swap3A, %swap3A_53], %swap3A_56 {strides = array<i32>} : memref<128x128xf32, #tpu.memory_space<vmem>>, vector<1x16xf32>,
      %broadcast_in_dim3A_57 = arith.constant 0.000000e+00 : f32
      %broadcast_in_dim3A_58 = vector.broadcast %broadcast_in_dim3A_57 : f32 to vector<16xf32>
      %swap3A_59 = arith.index_cast %add3A_51 : i32 to index
      %swap3A_60 = arith.constant 16 : index
      %swap3A_61 = tpu.vector_load %arg8[%swap3A_59, %swap3A_60] {strides = array<i32>} : memref<128x128xf32, #tpu.memory_space<vmem>>, vector<1x16xf32>,
      %swap3A_62 = vector.shape_cast %swap3A_61 : vector<1x16xf32> to vector<16xf32>
      %swap3A_63 = vector.shape_cast %broadcast_in_dim3A_58 : vector<16xf32> to vector<1x16xf32>
      tpu.vector_store %arg8[%swap3A_59, %swap3A_60], %swap3A_63 {strides = array<i32>} : memref<128x128xf32, #tpu.memory_space<vmem>>, vector<1x16xf32>,
      %broadcast_in_dim3A_64 = arith.constant 0.000000e+00 : f32
      %broadcast_in_dim3A_65 = vector.broadcast %broadcast_in_dim3A_64 : f32 to vector<16xf32>
      %swap3A_66 = arith.index_cast %add3A_51 : i32 to index
      %swap3A_67 = arith.constant 32 : index
      %swap3A_68 = tpu.vector_load %arg8[%swap3A_66, %swap3A_67] {strides = array<i32>} : memref<128x128xf32, #tpu.memory_space<vmem>>, vector<1x16xf32>,
      %swap3A_69 = vector.shape_cast %swap3A_68 : vector<1x16xf32> to vector<16xf32>
      %swap3A_70 = vector.shape_cast %broadcast_in_dim3A_65 : vector<16xf32> to vector<1x16xf32>
      tpu.vector_store %arg8[%swap3A_66, %swap3A_67], %swap3A_70 {strides = array<i32>} : memref<128x128xf32, #tpu.memory_space<vmem>>, vector<1x16xf32>,
      %broadcast_in_dim3A_71 = arith.constant 0.000000e+00 : f32
      %broadcast_in_dim3A_72 = vector.broadcast %broadcast_in_dim3A_71 : f32 to vector<16xf32>
      %swap3A_73 = arith.index_cast %add3A_51 : i32 to index
      %swap3A_74 = arith.constant 48 : index
      %swap3A_75 = tpu.vector_load %arg8[%swap3A_73, %swap3A_74] {strides = array<i32>} : memref<128x128xf32, #tpu.memory_space<vmem>>, vector<1x16xf32>,
      %swap3A_76 = vector.shape_cast %swap3A_75 : vector<1x16xf32> to vector<16xf32>
      %swap3A_77 = vector.shape_cast %broadcast_in_dim3A_72 : vector<16xf32> to vector<1x16xf32>
      tpu.vector_store %arg8[%swap3A_73, %swap3A_74], %swap3A_77 {strides = array<i32>} : memref<128x128xf32, #tpu.memory_space<vmem>>, vector<1x16xf32>,
      %broadcast_in_dim3A_78 = arith.constant 0.000000e+00 : f32
      %broadcast_in_dim3A_79 = vector.broadcast %broadcast_in_dim3A_78 : f32 to vector<16xf32>
      %swap3A_80 = arith.index_cast %add3A_51 : i32 to index
      %swap3A_81 = arith.constant 64 : index
      %swap3A_82 = tpu.vector_load %arg8[%swap3A_80, %swap3A_81] {strides = array<i32>} : memref<128x128xf32, #tpu.memory_space<vmem>>, vector<1x16xf32>,
      %swap3A_83 = vector.shape_cast %swap3A_82 : vector<1x16xf32> to vector<16xf32>
      %swap3A_84 = vector.shape_cast %broadcast_in_dim3A_79 : vector<16xf32> to vector<1x16xf32>
      tpu.vector_store %arg8[%swap3A_80, %swap3A_81], %swap3A_84 {strides = array<i32>} : memref<128x128xf32, #tpu.memory_space<vmem>>, vector<1x16xf32>,
      %broadcast_in_dim3A_85 = arith.constant 0.000000e+00 : f32
      %broadcast_in_dim3A_86 = vector.broadcast %broadcast_in_dim3A_85 : f32 to vector<16xf32>
      %swap3A_87 = arith.index_cast %add3A_51 : i32 to index
      %swap3A_88 = arith.constant 80 : index
      %swap3A_89 = tpu.vector_load %arg8[%swap3A_87, %swap3A_88] {strides = array<i32>} : memref<128x128xf32, #tpu.memory_space<vmem>>, vector<1x16xf32>,
      %swap3A_90 = vector.shape_cast %swap3A_89 : vector<1x16xf32> to vector<16xf32>
      %swap3A_91 = vector.shape_cast %broadcast_in_dim3A_86 : vector<16xf32> to vector<1x16xf32>
      tpu.vector_store %arg8[%swap3A_87, %swap3A_88], %swap3A_91 {strides = array<i32>} : memref<128x128xf32, #tpu.memory_space<vmem>>, vector<1x16xf32>,
      %broadcast_in_dim3A_92 = arith.constant 0.000000e+00 : f32
      %broadcast_in_dim3A_93 = vector.broadcast %broadcast_in_dim3A_92 : f32 to vector<16xf32>
      %swap3A_94 = arith.index_cast %add3A_51 : i32 to index
      %swap3A_95 = arith.constant 96 : index
      %swap3A_96 = tpu.vector_load %arg8[%swap3A_94, %swap3A_95] {strides = array<i32>} : memref<128x128xf32, #tpu.memory_space<vmem>>, vector<1x16xf32>,
      %swap3A_97 = vector.shape_cast %swap3A_96 : vector<1x16xf32> to vector<16xf32>
      %swap3A_98 = vector.shape_cast %broadcast_in_dim3A_93 : vector<16xf32> to vector<1x16xf32>
      tpu.vector_store %arg8[%swap3A_94, %swap3A_95], %swap3A_98 {strides = array<i32>} : memref<128x128xf32, #tpu.memory_space<vmem>>, vector<1x16xf32>,
      %broadcast_in_dim3A_99 = arith.constant 0.000000e+00 : f32
      %broadcast_in_dim3A_100 = vector.broadcast %broadcast_in_dim3A_99 : f32 to vector<16xf32>
      %swap3A_101 = arith.index_cast %add3A_51 : i32 to index
      %swap3A_102 = arith.constant 112 : index
      %swap3A_103 = tpu.vector_load %arg8[%swap3A_101, %swap3A_102] {strides = array<i32>} : memref<128x128xf32, #tpu.memory_space<vmem>>, vector<1x16xf32>,
      %swap3A_104 = vector.shape_cast %swap3A_103 : vector<1x16xf32> to vector<16xf32>
      %swap3A_105 = vector.shape_cast %broadcast_in_dim3A_100 : vector<16xf32> to vector<1x16xf32>
      tpu.vector_store %arg8[%swap3A_101, %swap3A_102], %swap3A_105 {strides = array<i32>} : memref<128x128xf32, #tpu.memory_space<vmem>>, vector<1x16xf32>,
    }
    %scan3A_4 = arith.constant 64 : i32
    %scan3A_5 = arith.constant 0 : i32
    %scan3A_6 = arith.constant 5 : i32
    %scan3A_7 = arith.addi %scan3A_5, %scan3A_6 : i32
    %scan3A_8 = arith.constant 1 : i32
    scf.for %scan3A_47 = %scan3A_5 to %scan3A_7 step %scan3A_8  : i32 {
      %mul3A_48 = arith.constant 1 : i32
      %mul3A_49 = arith.muli %scan3A_47, %mul3A_48 : i32
      %add3A_50 = arith.constant 0 : i32
      %add3A_51 = arith.addi %add3A_50, %mul3A_49 : i32
      %mul3A_52 = arith.constant 320 : i32
      %mul3A_53 = arith.muli %arg1, %mul3A_52 : i32
      %mul3A_54 = arith.constant 64 : i32
      %mul3A_55 = arith.muli %add3A_51, %mul3A_54 : i32
      %add3A_56 = arith.addi %mul3A_53, %mul3A_55 : i32
      "tpu.region"() ({
        %run_scoped3A = tpu.sem_alloc : memref<!tpu.dma_semaphore, #tpu.memory_space<semaphore_mem>>
        %dma_start3A_57 = arith.constant 0 : i32
        %dma_start3A_58 = arith.constant 0 : i32
        %dma_start3A_59 = tpu.memref_slice %arg8[%dma_start3A_57, %dma_start3A_58] : memref<128x128xf32, #tpu.memory_space<vmem>> -> memref<64x128xf32, #tpu.memory_space<vmem>>
        %dma_start3A_60 = arith.constant 0 : i32
        %dma_start3A_61 = tpu.memref_slice %arg10[%add3A_56, %dma_start3A_60] : memref<5120x128xf32, #tpu.memory_space<vmem_shared>> -> memref<64x128xf32, #tpu.memory_space<vmem_shared>>
        %dma_start3A_62 = arith.constant 0 : i32
        %dma_start3A_63 = tpu.memref_slice %arg10[%add3A_56, %dma_start3A_62] : memref<5120x128xf32, #tpu.memory_space<vmem_shared>> -> memref<64x128xf32, #tpu.memory_space<vmem_shared>>
        %dma_start3A_64 = arith.constant 0 : i32
        %dma_start3A_65 = arith.constant 0 : i32
        %dma_start3A_66 = tpu.memref_slice %arg8[%dma_start3A_64, %dma_start3A_65] : memref<128x128xf32, #tpu.memory_space<vmem>> -> memref<64x128xf32, #tpu.memory_space<vmem>>
        tpu.enqueue_dma source(%dma_start3A_66 : memref<64x128xf32, #tpu.memory_space<vmem>>) target(%dma_start3A_63 : memref<64x128xf32, #tpu.memory_space<vmem_shared>>) target_semaphore(%run_scoped3A : memref<!tpu.dma_semaphore, #tpu.memory_space<semaphore_mem>>)
        %dma_wait3A = arith.constant 0 : i32
        %dma_wait3A_67 = arith.constant 0 : i32
        %dma_wait3A_68 = tpu.memref_slice %arg8[%dma_wait3A, %dma_wait3A_67] : memref<128x128xf32, #tpu.memory_space<vmem>> -> memref<64x128xf32, #tpu.memory_space<vmem>>
        %dma_wait3A_69 = arith.constant 0 : i32
        %dma_wait3A_70 = tpu.memref_slice %arg10[%add3A_56, %dma_wait3A_69] : memref<5120x128xf32, #tpu.memory_space<vmem_shared>> -> memref<64x128xf32, #tpu.memory_space<vmem_shared>>
        %dma_wait3A_71 = arith.constant 0 : i32
        %dma_wait3A_72 = tpu.memref_slice %arg10[%add3A_56, %dma_wait3A_71] : memref<5120x128xf32, #tpu.memory_space<vmem_shared>> -> memref<64x128xf32, #tpu.memory_space<vmem_shared>>
        %dma_wait3A_73 = arith.constant 0 : i32
        %dma_wait3A_74 = arith.constant 0 : i32
        %dma_wait3A_75 = tpu.memref_slice %arg8[%dma_wait3A_73, %dma_wait3A_74] : memref<128x128xf32, #tpu.memory_space<vmem>> -> memref<64x128xf32, #tpu.memory_space<vmem>>
        tpu.wait_dma2 semaphore(%run_scoped3A : memref<!tpu.dma_semaphore, #tpu.memory_space<semaphore_mem>>) src(%dma_wait3A_75 : memref<64x128xf32, #tpu.memory_space<vmem>>) dst(%dma_wait3A_72 : memref<64x128xf32, #tpu.memory_space<vmem_shared>>)
        tpu.yield
      }) : () -> ()
    }
    %scan3A_9 = arith.constant 5 : i32
    %barrier3A = arith.constant 0 : index
    tpu.barrier barrier_id(%barrier3A)
    %mul3A_10 = arith.constant 80 : i32
    %mul3A_11 = arith.muli %add3A, %mul3A_10 : i32
    %add3A_12 = arith.constant 0 : i32
    %add3A_13 = arith.addi %mul3A_11, %add3A_12 : i32
    "tpu.region"() ({
      %run_scoped3A = tpu.sem_alloc : memref<!tpu.dma_semaphore, #tpu.memory_space<semaphore_mem>>
      %dma_start3A_47 = arith.constant 0 : i32
      %dma_start3A_48 = tpu.memref_slice %arg3[%add3A_13, %dma_start3A_47] : memref<2560x128xi32, #tpu.memory_space<hbm>> -> memref<40x128xi32, #tpu.memory_space<hbm>>
      %dma_start3A_49 = arith.constant 0 : i32
      %dma_start3A_50 = tpu.memref_slice %arg3[%add3A_13, %dma_start3A_49] : memref<2560x128xi32, #tpu.memory_space<hbm>> -> memref<40x128xi32, #tpu.memory_space<hbm>>
      tpu.enqueue_dma source(%dma_start3A_50 : memref<40x128xi32, #tpu.memory_space<hbm>>) target(%arg6 : memref<40x128xi32, #tpu.memory_space<vmem>>) target_semaphore(%run_scoped3A : memref<!tpu.dma_semaphore, #tpu.memory_space<semaphore_mem>>)
      %dma_wait3A = arith.constant 0 : i32
      %dma_wait3A_51 = tpu.memref_slice %arg3[%add3A_13, %dma_wait3A] : memref<2560x128xi32, #tpu.memory_space<hbm>> -> memref<40x128xi32, #tpu.memory_space<hbm>>
      %dma_wait3A_52 = arith.constant 0 : i32
      %dma_wait3A_53 = tpu.memref_slice %arg3[%add3A_13, %dma_wait3A_52] : memref<2560x128xi32, #tpu.memory_space<hbm>> -> memref<40x128xi32, #tpu.memory_space<hbm>>
      tpu.wait_dma2 semaphore(%run_scoped3A : memref<!tpu.dma_semaphore, #tpu.memory_space<semaphore_mem>>) src(%dma_wait3A_53 : memref<40x128xi32, #tpu.memory_space<hbm>>) dst(%arg6 : memref<40x128xi32, #tpu.memory_space<vmem>>)
      tpu.yield
    }) : () -> ()
    "tpu.region"() ({
      %run_scoped3A = tpu.sem_alloc : memref<!tpu.dma_semaphore, #tpu.memory_space<semaphore_mem>>
      %dma_start3A_47 = arith.constant 0 : i32
      %dma_start3A_48 = tpu.memref_slice %arg4[%add3A_13, %dma_start3A_47] : memref<2560x128xi32, #tpu.memory_space<hbm>> -> memref<40x128xi32, #tpu.memory_space<hbm>>
      %dma_start3A_49 = arith.constant 0 : i32
      %dma_start3A_50 = tpu.memref_slice %arg4[%add3A_13, %dma_start3A_49] : memref<2560x128xi32, #tpu.memory_space<hbm>> -> memref<40x128xi32, #tpu.memory_space<hbm>>
      tpu.enqueue_dma source(%dma_start3A_50 : memref<40x128xi32, #tpu.memory_space<hbm>>) target(%arg7 : memref<40x128xi32, #tpu.memory_space<vmem>>) target_semaphore(%run_scoped3A : memref<!tpu.dma_semaphore, #tpu.memory_space<semaphore_mem>>)
      %dma_wait3A = arith.constant 0 : i32
      %dma_wait3A_51 = tpu.memref_slice %arg4[%add3A_13, %dma_wait3A] : memref<2560x128xi32, #tpu.memory_space<hbm>> -> memref<40x128xi32, #tpu.memory_space<hbm>>
      %dma_wait3A_52 = arith.constant 0 : i32
      %dma_wait3A_53 = tpu.memref_slice %arg4[%add3A_13, %dma_wait3A_52] : memref<2560x128xi32, #tpu.memory_space<hbm>> -> memref<40x128xi32, #tpu.memory_space<hbm>>
      tpu.wait_dma2 semaphore(%run_scoped3A : memref<!tpu.dma_semaphore, #tpu.memory_space<semaphore_mem>>) src(%dma_wait3A_53 : memref<40x128xi32, #tpu.memory_space<hbm>>) dst(%arg7 : memref<40x128xi32, #tpu.memory_space<vmem>>)
      tpu.yield
    }) : () -> ()
    %dma_start3A = arith.constant 0 : i32
    %dma_start3A_14 = arith.constant 0 : i32
    %dma_start3A_15 = tpu.memref_slice %arg6[%dma_start3A, %dma_start3A_14] : memref<40x128xi32, #tpu.memory_space<vmem>> -> memref<1x128xi32, #tpu.memory_space<vmem>>
    %dma_start3A_16 = tpu.memref_squeeze %dma_start3A_15 : memref<1x128xi32, #tpu.memory_space<vmem>> -> memref<128xi32, #tpu.memory_space<vmem>>
    %dma_start3A_17 = arith.constant 0 : i32
    %dma_start3A_18 = arith.constant 0 : i32
    %dma_start3A_19 = tpu.memref_slice %arg2[%dma_start3A_17, %dma_start3A_18] : memref<10240x128xf32, #tpu.memory_space<hbm>> -> memref<10240x128xf32, #tpu.memory_space<hbm>>
    tpu.enqueue_indirect_dma source(%dma_start3A_19 : memref<10240x128xf32, #tpu.memory_space<hbm>>) target(%arg8 : memref<128x128xf32, #tpu.memory_space<vmem>>) offsets(%dma_start3A_16 : memref<128xi32, #tpu.memory_space<vmem>>) semaphore(%arg11 : memref<!tpu.dma_semaphore, #tpu.memory_space<semaphore_mem>>)
    %scan3A_20 = arith.constant 0 : i32
    %scan3A_21 = arith.constant 20 : i32
    %scan3A_22 = arith.addi %scan3A_20, %scan3A_21 : i32
    %scan3A_23 = arith.constant 1 : i32
    scf.for %scan3A_47 = %scan3A_20 to %scan3A_22 step %scan3A_23  : i32 {
      %mul3A_48 = arith.constant 1 : i32
      %mul3A_49 = arith.muli %scan3A_47, %mul3A_48 : i32
      %add3A_50 = arith.constant 0 : i32
      %add3A_51 = arith.addi %add3A_50, %mul3A_49 : i32
      %mul3A_52 = arith.constant 2 : i32
      %mul3A_53 = arith.muli %mul3A_52, %add3A_51 : i32
      %add3A_54 = arith.constant 1 : i32
      %add3A_55 = arith.addi %mul3A_53, %add3A_54 : i32
      %dma_start3A_56 = arith.constant 0 : i32
      %dma_start3A_57 = tpu.memref_slice %arg6[%add3A_55, %dma_start3A_56] : memref<40x128xi32, #tpu.memory_space<vmem>> -> memref<1x128xi32, #tpu.memory_space<vmem>>
      %dma_start3A_58 = tpu.memref_squeeze %dma_start3A_57 : memref<1x128xi32, #tpu.memory_space<vmem>> -> memref<128xi32, #tpu.memory_space<vmem>>
      %dma_start3A_59 = arith.constant 0 : i32
      %dma_start3A_60 = arith.constant 0 : i32
      %dma_start3A_61 = tpu.memref_slice %arg2[%dma_start3A_59, %dma_start3A_60] : memref<10240x128xf32, #tpu.memory_space<hbm>> -> memref<10240x128xf32, #tpu.memory_space<hbm>>
      tpu.enqueue_indirect_dma source(%dma_start3A_61 : memref<10240x128xf32, #tpu.memory_space<hbm>>) target(%arg9 : memref<128x128xf32, #tpu.memory_space<vmem>>) offsets(%dma_start3A_58 : memref<128xi32, #tpu.memory_space<vmem>>) semaphore(%arg12 : memref<!tpu.dma_semaphore, #tpu.memory_space<semaphore_mem>>)
      %dma_wait3A = arith.constant 0 : i32
      %dma_wait3A_62 = tpu.memref_slice %arg6[%mul3A_53, %dma_wait3A] : memref<40x128xi32, #tpu.memory_space<vmem>> -> memref<1x128xi32, #tpu.memory_space<vmem>>
      %dma_wait3A_63 = tpu.memref_squeeze %dma_wait3A_62 : memref<1x128xi32, #tpu.memory_space<vmem>> -> memref<128xi32, #tpu.memory_space<vmem>>
      %dma_wait3A_64 = arith.constant 0 : i32
      %dma_wait3A_65 = arith.constant 0 : i32
      %dma_wait3A_66 = tpu.memref_slice %arg2[%dma_wait3A_64, %dma_wait3A_65] : memref<10240x128xf32, #tpu.memory_space<hbm>> -> memref<10240x128xf32, #tpu.memory_space<hbm>>
      tpu.wait_indirect_dma semaphore(%arg11 : memref<!tpu.dma_semaphore, #tpu.memory_space<semaphore_mem>>) src(%dma_wait3A_66 : memref<10240x128xf32, #tpu.memory_space<hbm>>) dst(%arg8 : memref<128x128xf32, #tpu.memory_space<vmem>>)
      "tpu.region"() ({
        %run_scoped3A = tpu.sem_alloc : memref<!tpu.dma_semaphore, #tpu.memory_space<semaphore_mem>>
        %dma_start3A_79 = arith.constant 0 : i32
        %dma_start3A_80 = tpu.memref_slice %arg7[%mul3A_53, %dma_start3A_79] : memref<40x128xi32, #tpu.memory_space<vmem>> -> memref<1x128xi32, #tpu.memory_space<vmem>>
        %dma_start3A_81 = tpu.memref_squeeze %dma_start3A_80 : memref<1x128xi32, #tpu.memory_space<vmem>> -> memref<128xi32, #tpu.memory_space<vmem>>
        %dma_start3A_82 = arith.constant 0 : i32
        %dma_start3A_83 = arith.constant 0 : i32
        %dma_start3A_84 = tpu.memref_slice %arg10[%dma_start3A_82, %dma_start3A_83] : memref<5120x128xf32, #tpu.memory_space<vmem_shared>> -> memref<5120x128xf32, #tpu.memory_space<vmem_shared>>
        tpu.enqueue_indirect_dma source(%arg8 : memref<128x128xf32, #tpu.memory_space<vmem>>) target(%dma_start3A_84 : memref<5120x128xf32, #tpu.memory_space<vmem_shared>>) offsets(%dma_start3A_81 : memref<128xi32, #tpu.memory_space<vmem>>) semaphore(%run_scoped3A : memref<!tpu.dma_semaphore, #tpu.memory_space<semaphore_mem>>) {add = true}
        %dma_wait3A_85 = arith.constant 0 : i32
        %dma_wait3A_86 = tpu.memref_slice %arg7[%mul3A_53, %dma_wait3A_85] : memref<40x128xi32, #tpu.memory_space<vmem>> -> memref<1x128xi32, #tpu.memory_space<vmem>>
        %dma_wait3A_87 = tpu.memref_squeeze %dma_wait3A_86 : memref<1x128xi32, #tpu.memory_space<vmem>> -> memref<128xi32, #tpu.memory_space<vmem>>
        %dma_wait3A_88 = arith.constant 0 : i32
        %dma_wait3A_89 = arith.constant 0 : i32
        %dma_wait3A_90 = tpu.memref_slice %arg10[%dma_wait3A_88, %dma_wait3A_89] : memref<5120x128xf32, #tpu.memory_space<vmem_shared>> -> memref<5120x128xf32, #tpu.memory_space<vmem_shared>>
        tpu.wait_indirect_dma semaphore(%run_scoped3A : memref<!tpu.dma_semaphore, #tpu.memory_space<semaphore_mem>>) src(%arg8 : memref<128x128xf32, #tpu.memory_space<vmem>>) dst(%dma_wait3A_90 : memref<5120x128xf32, #tpu.memory_space<vmem_shared>>)
        tpu.yield
      }) : () -> ()
      %lt3A = arith.constant 19 : i32
      %lt3A_67 = arith.cmpi slt, %add3A_51, %lt3A : i32
      %convert_element_type3A = arith.extui %lt3A_67 : i1 to i32
      %cond3A = arith.constant 0 : i32
      %cond3A_68 = arith.cmpi ne, %convert_element_type3A, %cond3A : i32
      scf.if %cond3A_68 {
        %add3A_79 = arith.constant 2 : i32
        %add3A_80 = arith.addi %mul3A_53, %add3A_79 : i32
        %dma_start3A_81 = arith.constant 0 : i32
        %dma_start3A_82 = tpu.memref_slice %arg6[%add3A_80, %dma_start3A_81] : memref<40x128xi32, #tpu.memory_space<vmem>> -> memref<1x128xi32, #tpu.memory_space<vmem>>
        %dma_start3A_83 = tpu.memref_squeeze %dma_start3A_82 : memref<1x128xi32, #tpu.memory_space<vmem>> -> memref<128xi32, #tpu.memory_space<vmem>>
        %dma_start3A_84 = arith.constant 0 : i32
        %dma_start3A_85 = arith.constant 0 : i32
        %dma_start3A_86 = tpu.memref_slice %arg2[%dma_start3A_84, %dma_start3A_85] : memref<10240x128xf32, #tpu.memory_space<hbm>> -> memref<10240x128xf32, #tpu.memory_space<hbm>>
        tpu.enqueue_indirect_dma source(%dma_start3A_86 : memref<10240x128xf32, #tpu.memory_space<hbm>>) target(%arg8 : memref<128x128xf32, #tpu.memory_space<vmem>>) offsets(%dma_start3A_83 : memref<128xi32, #tpu.memory_space<vmem>>) semaphore(%arg11 : memref<!tpu.dma_semaphore, #tpu.memory_space<semaphore_mem>>)
      } else {
      }
      %add3A_69 = arith.constant 1 : i32
      %add3A_70 = arith.addi %mul3A_53, %add3A_69 : i32
      %dma_wait3A_71 = arith.constant 0 : i32
      %dma_wait3A_72 = tpu.memref_slice %arg6[%add3A_70, %dma_wait3A_71] : memref<40x128xi32, #tpu.memory_space<vmem>> -> memref<1x128xi32, #tpu.memory_space<vmem>>
      %dma_wait3A_73 = tpu.memref_squeeze %dma_wait3A_72 : memref<1x128xi32, #tpu.memory_space<vmem>> -> memref<128xi32, #tpu.memory_space<vmem>>
      %dma_wait3A_74 = arith.constant 0 : i32
      %dma_wait3A_75 = arith.constant 0 : i32
      %dma_wait3A_76 = tpu.memref_slice %arg2[%dma_wait3A_74, %dma_wait3A_75] : memref<10240x128xf32, #tpu.memory_space<hbm>> -> memref<10240x128xf32, #tpu.memory_space<hbm>>
      tpu.wait_indirect_dma semaphore(%arg12 : memref<!tpu.dma_semaphore, #tpu.memory_space<semaphore_mem>>) src(%dma_wait3A_76 : memref<10240x128xf32, #tpu.memory_space<hbm>>) dst(%arg9 : memref<128x128xf32, #tpu.memory_space<vmem>>)
      %add3A_77 = arith.constant 1 : i32
      %add3A_78 = arith.addi %mul3A_53, %add3A_77 : i32
      "tpu.region"() ({
        %run_scoped3A = tpu.sem_alloc : memref<!tpu.dma_semaphore, #tpu.memory_space<semaphore_mem>>
        %dma_start3A_79 = arith.constant 0 : i32
        %dma_start3A_80 = tpu.memref_slice %arg7[%add3A_78, %dma_start3A_79] : memref<40x128xi32, #tpu.memory_space<vmem>> -> memref<1x128xi32, #tpu.memory_space<vmem>>
        %dma_start3A_81 = tpu.memref_squeeze %dma_start3A_80 : memref<1x128xi32, #tpu.memory_space<vmem>> -> memref<128xi32, #tpu.memory_space<vmem>>
        %dma_start3A_82 = arith.constant 0 : i32
        %dma_start3A_83 = arith.constant 0 : i32
        %dma_start3A_84 = tpu.memref_slice %arg10[%dma_start3A_82, %dma_start3A_83] : memref<5120x128xf32, #tpu.memory_space<vmem_shared>> -> memref<5120x128xf32, #tpu.memory_space<vmem_shared>>
        tpu.enqueue_indirect_dma source(%arg9 : memref<128x128xf32, #tpu.memory_space<vmem>>) target(%dma_start3A_84 : memref<5120x128xf32, #tpu.memory_space<vmem_shared>>) offsets(%dma_start3A_81 : memref<128xi32, #tpu.memory_space<vmem>>) semaphore(%run_scoped3A : memref<!tpu.dma_semaphore, #tpu.memory_space<semaphore_mem>>) {add = true}
        %dma_wait3A_85 = arith.constant 0 : i32
        %dma_wait3A_86 = tpu.memref_slice %arg7[%add3A_78, %dma_wait3A_85] : memref<40x128xi32, #tpu.memory_space<vmem>> -> memref<1x128xi32, #tpu.memory_space<vmem>>
        %dma_wait3A_87 = tpu.memref_squeeze %dma_wait3A_86 : memref<1x128xi32, #tpu.memory_space<vmem>> -> memref<128xi32, #tpu.memory_space<vmem>>
        %dma_wait3A_88 = arith.constant 0 : i32
        %dma_wait3A_89 = arith.constant 0 : i32
        %dma_wait3A_90 = tpu.memref_slice %arg10[%dma_wait3A_88, %dma_wait3A_89] : memref<5120x128xf32, #tpu.memory_space<vmem_shared>> -> memref<5120x128xf32, #tpu.memory_space<vmem_shared>>
        tpu.wait_indirect_dma semaphore(%run_scoped3A : memref<!tpu.dma_semaphore, #tpu.memory_space<semaphore_mem>>) src(%arg9 : memref<128x128xf32, #tpu.memory_space<vmem>>) dst(%dma_wait3A_90 : memref<5120x128xf32, #tpu.memory_space<vmem_shared>>)
        tpu.yield
      }) : () -> ()
    }
    %scan3A_24 = arith.constant 20 : i32
    %mul3A_25 = arith.constant 80 : i32
    %mul3A_26 = arith.muli %add3A, %mul3A_25 : i32
    %add3A_27 = arith.constant 40 : i32
    %add3A_28 = arith.addi %mul3A_26, %add3A_27 : i32
    "tpu.region"() ({
      %run_scoped3A = tpu.sem_alloc : memref<!tpu.dma_semaphore, #tpu.memory_space<semaphore_mem>>
      %dma_start3A_47 = arith.constant 0 : i32
      %dma_start3A_48 = tpu.memref_slice %arg3[%add3A_28, %dma_start3A_47] : memref<2560x128xi32, #tpu.memory_space<hbm>> -> memref<40x128xi32, #tpu.memory_space<hbm>>
      %dma_start3A_49 = arith.constant 0 : i32
      %dma_start3A_50 = tpu.memref_slice %arg3[%add3A_28, %dma_start3A_49] : memref<2560x128xi32, #tpu.memory_space<hbm>> -> memref<40x128xi32, #tpu.memory_space<hbm>>
      tpu.enqueue_dma source(%dma_start3A_50 : memref<40x128xi32, #tpu.memory_space<hbm>>) target(%arg6 : memref<40x128xi32, #tpu.memory_space<vmem>>) target_semaphore(%run_scoped3A : memref<!tpu.dma_semaphore, #tpu.memory_space<semaphore_mem>>)
      %dma_wait3A = arith.constant 0 : i32
      %dma_wait3A_51 = tpu.memref_slice %arg3[%add3A_28, %dma_wait3A] : memref<2560x128xi32, #tpu.memory_space<hbm>> -> memref<40x128xi32, #tpu.memory_space<hbm>>
      %dma_wait3A_52 = arith.constant 0 : i32
      %dma_wait3A_53 = tpu.memref_slice %arg3[%add3A_28, %dma_wait3A_52] : memref<2560x128xi32, #tpu.memory_space<hbm>> -> memref<40x128xi32, #tpu.memory_space<hbm>>
      tpu.wait_dma2 semaphore(%run_scoped3A : memref<!tpu.dma_semaphore, #tpu.memory_space<semaphore_mem>>) src(%dma_wait3A_53 : memref<40x128xi32, #tpu.memory_space<hbm>>) dst(%arg6 : memref<40x128xi32, #tpu.memory_space<vmem>>)
      tpu.yield
    }) : () -> ()
    "tpu.region"() ({
      %run_scoped3A = tpu.sem_alloc : memref<!tpu.dma_semaphore, #tpu.memory_space<semaphore_mem>>
      %dma_start3A_47 = arith.constant 0 : i32
      %dma_start3A_48 = tpu.memref_slice %arg4[%add3A_28, %dma_start3A_47] : memref<2560x128xi32, #tpu.memory_space<hbm>> -> memref<40x128xi32, #tpu.memory_space<hbm>>
      %dma_start3A_49 = arith.constant 0 : i32
      %dma_start3A_50 = tpu.memref_slice %arg4[%add3A_28, %dma_start3A_49] : memref<2560x128xi32, #tpu.memory_space<hbm>> -> memref<40x128xi32, #tpu.memory_space<hbm>>
      tpu.enqueue_dma source(%dma_start3A_50 : memref<40x128xi32, #tpu.memory_space<hbm>>) target(%arg7 : memref<40x128xi32, #tpu.memory_space<vmem>>) target_semaphore(%run_scoped3A : memref<!tpu.dma_semaphore, #tpu.memory_space<semaphore_mem>>)
      %dma_wait3A = arith.constant 0 : i32
      %dma_wait3A_51 = tpu.memref_slice %arg4[%add3A_28, %dma_wait3A] : memref<2560x128xi32, #tpu.memory_space<hbm>> -> memref<40x128xi32, #tpu.memory_space<hbm>>
      %dma_wait3A_52 = arith.constant 0 : i32
      %dma_wait3A_53 = tpu.memref_slice %arg4[%add3A_28, %dma_wait3A_52] : memref<2560x128xi32, #tpu.memory_space<hbm>> -> memref<40x128xi32, #tpu.memory_space<hbm>>
      tpu.wait_dma2 semaphore(%run_scoped3A : memref<!tpu.dma_semaphore, #tpu.memory_space<semaphore_mem>>) src(%dma_wait3A_53 : memref<40x128xi32, #tpu.memory_space<hbm>>) dst(%arg7 : memref<40x128xi32, #tpu.memory_space<vmem>>)
      tpu.yield
    }) : () -> ()
    %dma_start3A_29 = arith.constant 0 : i32
    %dma_start3A_30 = arith.constant 0 : i32
    %dma_start3A_31 = tpu.memref_slice %arg6[%dma_start3A_29, %dma_start3A_30] : memref<40x128xi32, #tpu.memory_space<vmem>> -> memref<1x128xi32, #tpu.memory_space<vmem>>
    %dma_start3A_32 = tpu.memref_squeeze %dma_start3A_31 : memref<1x128xi32, #tpu.memory_space<vmem>> -> memref<128xi32, #tpu.memory_space<vmem>>
    %dma_start3A_33 = arith.constant 0 : i32
    %dma_start3A_34 = arith.constant 0 : i32
    %dma_start3A_35 = tpu.memref_slice %arg2[%dma_start3A_33, %dma_start3A_34] : memref<10240x128xf32, #tpu.memory_space<hbm>> -> memref<10240x128xf32, #tpu.memory_space<hbm>>
    tpu.enqueue_indirect_dma source(%dma_start3A_35 : memref<10240x128xf32, #tpu.memory_space<hbm>>) target(%arg8 : memref<128x128xf32, #tpu.memory_space<vmem>>) offsets(%dma_start3A_32 : memref<128xi32, #tpu.memory_space<vmem>>) semaphore(%arg11 : memref<!tpu.dma_semaphore, #tpu.memory_space<semaphore_mem>>)
    %scan3A_36 = arith.constant 0 : i32
    %scan3A_37 = arith.constant 20 : i32
    %scan3A_38 = arith.addi %scan3A_36, %scan3A_37 : i32
    %scan3A_39 = arith.constant 1 : i32
    scf.for %scan3A_47 = %scan3A_36 to %scan3A_38 step %scan3A_39  : i32 {
      %mul3A_48 = arith.constant 1 : i32
      %mul3A_49 = arith.muli %scan3A_47, %mul3A_48 : i32
      %add3A_50 = arith.constant 0 : i32
      %add3A_51 = arith.addi %add3A_50, %mul3A_49 : i32
      %mul3A_52 = arith.constant 2 : i32
      %mul3A_53 = arith.muli %mul3A_52, %add3A_51 : i32
      %add3A_54 = arith.constant 1 : i32
      %add3A_55 = arith.addi %mul3A_53, %add3A_54 : i32
      %dma_start3A_56 = arith.constant 0 : i32
      %dma_start3A_57 = tpu.memref_slice %arg6[%add3A_55, %dma_start3A_56] : memref<40x128xi32, #tpu.memory_space<vmem>> -> memref<1x128xi32, #tpu.memory_space<vmem>>
      %dma_start3A_58 = tpu.memref_squeeze %dma_start3A_57 : memref<1x128xi32, #tpu.memory_space<vmem>> -> memref<128xi32, #tpu.memory_space<vmem>>
      %dma_start3A_59 = arith.constant 0 : i32
      %dma_start3A_60 = arith.constant 0 : i32
      %dma_start3A_61 = tpu.memref_slice %arg2[%dma_start3A_59, %dma_start3A_60] : memref<10240x128xf32, #tpu.memory_space<hbm>> -> memref<10240x128xf32, #tpu.memory_space<hbm>>
      tpu.enqueue_indirect_dma source(%dma_start3A_61 : memref<10240x128xf32, #tpu.memory_space<hbm>>) target(%arg9 : memref<128x128xf32, #tpu.memory_space<vmem>>) offsets(%dma_start3A_58 : memref<128xi32, #tpu.memory_space<vmem>>) semaphore(%arg12 : memref<!tpu.dma_semaphore, #tpu.memory_space<semaphore_mem>>)
      %dma_wait3A = arith.constant 0 : i32
      %dma_wait3A_62 = tpu.memref_slice %arg6[%mul3A_53, %dma_wait3A] : memref<40x128xi32, #tpu.memory_space<vmem>> -> memref<1x128xi32, #tpu.memory_space<vmem>>
      %dma_wait3A_63 = tpu.memref_squeeze %dma_wait3A_62 : memref<1x128xi32, #tpu.memory_space<vmem>> -> memref<128xi32, #tpu.memory_space<vmem>>
      %dma_wait3A_64 = arith.constant 0 : i32
      %dma_wait3A_65 = arith.constant 0 : i32
      %dma_wait3A_66 = tpu.memref_slice %arg2[%dma_wait3A_64, %dma_wait3A_65] : memref<10240x128xf32, #tpu.memory_space<hbm>> -> memref<10240x128xf32, #tpu.memory_space<hbm>>
      tpu.wait_indirect_dma semaphore(%arg11 : memref<!tpu.dma_semaphore, #tpu.memory_space<semaphore_mem>>) src(%dma_wait3A_66 : memref<10240x128xf32, #tpu.memory_space<hbm>>) dst(%arg8 : memref<128x128xf32, #tpu.memory_space<vmem>>)
      "tpu.region"() ({
        %run_scoped3A = tpu.sem_alloc : memref<!tpu.dma_semaphore, #tpu.memory_space<semaphore_mem>>
        %dma_start3A_79 = arith.constant 0 : i32
        %dma_start3A_80 = tpu.memref_slice %arg7[%mul3A_53, %dma_start3A_79] : memref<40x128xi32, #tpu.memory_space<vmem>> -> memref<1x128xi32, #tpu.memory_space<vmem>>
        %dma_start3A_81 = tpu.memref_squeeze %dma_start3A_80 : memref<1x128xi32, #tpu.memory_space<vmem>> -> memref<128xi32, #tpu.memory_space<vmem>>
        %dma_start3A_82 = arith.constant 0 : i32
        %dma_start3A_83 = arith.constant 0 : i32
        %dma_start3A_84 = tpu.memref_slice %arg10[%dma_start3A_82, %dma_start3A_83] : memref<5120x128xf32, #tpu.memory_space<vmem_shared>> -> memref<5120x128xf32, #tpu.memory_space<vmem_shared>>
        tpu.enqueue_indirect_dma source(%arg8 : memref<128x128xf32, #tpu.memory_space<vmem>>) target(%dma_start3A_84 : memref<5120x128xf32, #tpu.memory_space<vmem_shared>>) offsets(%dma_start3A_81 : memref<128xi32, #tpu.memory_space<vmem>>) semaphore(%run_scoped3A : memref<!tpu.dma_semaphore, #tpu.memory_space<semaphore_mem>>) {add = true}
        %dma_wait3A_85 = arith.constant 0 : i32
        %dma_wait3A_86 = tpu.memref_slice %arg7[%mul3A_53, %dma_wait3A_85] : memref<40x128xi32, #tpu.memory_space<vmem>> -> memref<1x128xi32, #tpu.memory_space<vmem>>
        %dma_wait3A_87 = tpu.memref_squeeze %dma_wait3A_86 : memref<1x128xi32, #tpu.memory_space<vmem>> -> memref<128xi32, #tpu.memory_space<vmem>>
        %dma_wait3A_88 = arith.constant 0 : i32
        %dma_wait3A_89 = arith.constant 0 : i32
        %dma_wait3A_90 = tpu.memref_slice %arg10[%dma_wait3A_88, %dma_wait3A_89] : memref<5120x128xf32, #tpu.memory_space<vmem_shared>> -> memref<5120x128xf32, #tpu.memory_space<vmem_shared>>
        tpu.wait_indirect_dma semaphore(%run_scoped3A : memref<!tpu.dma_semaphore, #tpu.memory_space<semaphore_mem>>) src(%arg8 : memref<128x128xf32, #tpu.memory_space<vmem>>) dst(%dma_wait3A_90 : memref<5120x128xf32, #tpu.memory_space<vmem_shared>>)
        tpu.yield
      }) : () -> ()
      %lt3A = arith.constant 19 : i32
      %lt3A_67 = arith.cmpi slt, %add3A_51, %lt3A : i32
      %convert_element_type3A = arith.extui %lt3A_67 : i1 to i32
      %cond3A = arith.constant 0 : i32
      %cond3A_68 = arith.cmpi ne, %convert_element_type3A, %cond3A : i32
      scf.if %cond3A_68 {
        %add3A_79 = arith.constant 2 : i32
        %add3A_80 = arith.addi %mul3A_53, %add3A_79 : i32
        %dma_start3A_81 = arith.constant 0 : i32
        %dma_start3A_82 = tpu.memref_slice %arg6[%add3A_80, %dma_start3A_81] : memref<40x128xi32, #tpu.memory_space<vmem>> -> memref<1x128xi32, #tpu.memory_space<vmem>>
        %dma_start3A_83 = tpu.memref_squeeze %dma_start3A_82 : memref<1x128xi32, #tpu.memory_space<vmem>> -> memref<128xi32, #tpu.memory_space<vmem>>
        %dma_start3A_84 = arith.constant 0 : i32
        %dma_start3A_85 = arith.constant 0 : i32
        %dma_start3A_86 = tpu.memref_slice %arg2[%dma_start3A_84, %dma_start3A_85] : memref<10240x128xf32, #tpu.memory_space<hbm>> -> memref<10240x128xf32, #tpu.memory_space<hbm>>
        tpu.enqueue_indirect_dma source(%dma_start3A_86 : memref<10240x128xf32, #tpu.memory_space<hbm>>) target(%arg8 : memref<128x128xf32, #tpu.memory_space<vmem>>) offsets(%dma_start3A_83 : memref<128xi32, #tpu.memory_space<vmem>>) semaphore(%arg11 : memref<!tpu.dma_semaphore, #tpu.memory_space<semaphore_mem>>)
      } else {
      }
      %add3A_69 = arith.constant 1 : i32
      %add3A_70 = arith.addi %mul3A_53, %add3A_69 : i32
      %dma_wait3A_71 = arith.constant 0 : i32
      %dma_wait3A_72 = tpu.memref_slice %arg6[%add3A_70, %dma_wait3A_71] : memref<40x128xi32, #tpu.memory_space<vmem>> -> memref<1x128xi32, #tpu.memory_space<vmem>>
      %dma_wait3A_73 = tpu.memref_squeeze %dma_wait3A_72 : memref<1x128xi32, #tpu.memory_space<vmem>> -> memref<128xi32, #tpu.memory_space<vmem>>
      %dma_wait3A_74 = arith.constant 0 : i32
      %dma_wait3A_75 = arith.constant 0 : i32
      %dma_wait3A_76 = tpu.memref_slice %arg2[%dma_wait3A_74, %dma_wait3A_75] : memref<10240x128xf32, #tpu.memory_space<hbm>> -> memref<10240x128xf32, #tpu.memory_space<hbm>>
      tpu.wait_indirect_dma semaphore(%arg12 : memref<!tpu.dma_semaphore, #tpu.memory_space<semaphore_mem>>) src(%dma_wait3A_76 : memref<10240x128xf32, #tpu.memory_space<hbm>>) dst(%arg9 : memref<128x128xf32, #tpu.memory_space<vmem>>)
      %add3A_77 = arith.constant 1 : i32
      %add3A_78 = arith.addi %mul3A_53, %add3A_77 : i32
      "tpu.region"() ({
        %run_scoped3A = tpu.sem_alloc : memref<!tpu.dma_semaphore, #tpu.memory_space<semaphore_mem>>
        %dma_start3A_79 = arith.constant 0 : i32
        %dma_start3A_80 = tpu.memref_slice %arg7[%add3A_78, %dma_start3A_79] : memref<40x128xi32, #tpu.memory_space<vmem>> -> memref<1x128xi32, #tpu.memory_space<vmem>>
        %dma_start3A_81 = tpu.memref_squeeze %dma_start3A_80 : memref<1x128xi32, #tpu.memory_space<vmem>> -> memref<128xi32, #tpu.memory_space<vmem>>
        %dma_start3A_82 = arith.constant 0 : i32
        %dma_start3A_83 = arith.constant 0 : i32
        %dma_start3A_84 = tpu.memref_slice %arg10[%dma_start3A_82, %dma_start3A_83] : memref<5120x128xf32, #tpu.memory_space<vmem_shared>> -> memref<5120x128xf32, #tpu.memory_space<vmem_shared>>
        tpu.enqueue_indirect_dma source(%arg9 : memref<128x128xf32, #tpu.memory_space<vmem>>) target(%dma_start3A_84 : memref<5120x128xf32, #tpu.memory_space<vmem_shared>>) offsets(%dma_start3A_81 : memref<128xi32, #tpu.memory_space<vmem>>) semaphore(%run_scoped3A : memref<!tpu.dma_semaphore, #tpu.memory_space<semaphore_mem>>) {add = true}
        %dma_wait3A_85 = arith.constant 0 : i32
        %dma_wait3A_86 = tpu.memref_slice %arg7[%add3A_78, %dma_wait3A_85] : memref<40x128xi32, #tpu.memory_space<vmem>> -> memref<1x128xi32, #tpu.memory_space<vmem>>
        %dma_wait3A_87 = tpu.memref_squeeze %dma_wait3A_86 : memref<1x128xi32, #tpu.memory_space<vmem>> -> memref<128xi32, #tpu.memory_space<vmem>>
        %dma_wait3A_88 = arith.constant 0 : i32
        %dma_wait3A_89 = arith.constant 0 : i32
        %dma_wait3A_90 = tpu.memref_slice %arg10[%dma_wait3A_88, %dma_wait3A_89] : memref<5120x128xf32, #tpu.memory_space<vmem_shared>> -> memref<5120x128xf32, #tpu.memory_space<vmem_shared>>
        tpu.wait_indirect_dma semaphore(%run_scoped3A : memref<!tpu.dma_semaphore, #tpu.memory_space<semaphore_mem>>) src(%arg9 : memref<128x128xf32, #tpu.memory_space<vmem>>) dst(%dma_wait3A_90 : memref<5120x128xf32, #tpu.memory_space<vmem_shared>>)
        tpu.yield
      }) : () -> ()
    }
    %scan3A_40 = arith.constant 20 : i32
    %barrier3A_41 = arith.constant 0 : index
    tpu.barrier barrier_id(%barrier3A_41)
    %scan3A_42 = arith.constant 0 : i32
    %scan3A_43 = arith.constant 5 : i32
    %scan3A_44 = arith.addi %scan3A_42, %scan3A_43 : i32
    %scan3A_45 = arith.constant 1 : i32
    scf.for %scan3A_47 = %scan3A_42 to %scan3A_44 step %scan3A_45  : i32 {
      %mul3A_48 = arith.constant 1 : i32
      %mul3A_49 = arith.muli %scan3A_47, %mul3A_48 : i32
      %add3A_50 = arith.constant 0 : i32
      %add3A_51 = arith.addi %add3A_50, %mul3A_49 : i32
      %mul3A_52 = arith.constant 320 : i32
      %mul3A_53 = arith.muli %arg1, %mul3A_52 : i32
      %mul3A_54 = arith.constant 64 : i32
      %mul3A_55 = arith.muli %add3A_51, %mul3A_54 : i32
      %add3A_56 = arith.addi %mul3A_53, %mul3A_55 : i32
      "tpu.region"() ({
        %run_scoped3A = tpu.sem_alloc : memref<!tpu.dma_semaphore, #tpu.memory_space<semaphore_mem>>
        %dma_start3A_57 = arith.constant 0 : i32
        %dma_start3A_58 = arith.constant 0 : i32
        %dma_start3A_59 = tpu.memref_slice %arg8[%dma_start3A_57, %dma_start3A_58] : memref<128x128xf32, #tpu.memory_space<vmem>> -> memref<64x128xf32, #tpu.memory_space<vmem>>
        %dma_start3A_60 = arith.constant 0 : i32
        %dma_start3A_61 = tpu.memref_slice %arg10[%add3A_56, %dma_start3A_60] : memref<5120x128xf32, #tpu.memory_space<vmem_shared>> -> memref<64x128xf32, #tpu.memory_space<vmem_shared>>
        %dma_start3A_62 = arith.constant 0 : i32
        %dma_start3A_63 = arith.constant 0 : i32
        %dma_start3A_64 = tpu.memref_slice %arg8[%dma_start3A_62, %dma_start3A_63] : memref<128x128xf32, #tpu.memory_space<vmem>> -> memref<64x128xf32, #tpu.memory_space<vmem>>
        %dma_start3A_65 = arith.constant 0 : i32
        %dma_start3A_66 = tpu.memref_slice %arg10[%add3A_56, %dma_start3A_65] : memref<5120x128xf32, #tpu.memory_space<vmem_shared>> -> memref<64x128xf32, #tpu.memory_space<vmem_shared>>
        tpu.enqueue_dma source(%dma_start3A_66 : memref<64x128xf32, #tpu.memory_space<vmem_shared>>) target(%dma_start3A_64 : memref<64x128xf32, #tpu.memory_space<vmem>>) target_semaphore(%run_scoped3A : memref<!tpu.dma_semaphore, #tpu.memory_space<semaphore_mem>>)
        %dma_wait3A = arith.constant 0 : i32
        %dma_wait3A_67 = arith.constant 0 : i32
        %dma_wait3A_68 = tpu.memref_slice %arg8[%dma_wait3A, %dma_wait3A_67] : memref<128x128xf32, #tpu.memory_space<vmem>> -> memref<64x128xf32, #tpu.memory_space<vmem>>
        %dma_wait3A_69 = arith.constant 0 : i32
        %dma_wait3A_70 = tpu.memref_slice %arg10[%add3A_56, %dma_wait3A_69] : memref<5120x128xf32, #tpu.memory_space<vmem_shared>> -> memref<64x128xf32, #tpu.memory_space<vmem_shared>>
        %dma_wait3A_71 = arith.constant 0 : i32
        %dma_wait3A_72 = arith.constant 0 : i32
        %dma_wait3A_73 = tpu.memref_slice %arg8[%dma_wait3A_71, %dma_wait3A_72] : memref<128x128xf32, #tpu.memory_space<vmem>> -> memref<64x128xf32, #tpu.memory_space<vmem>>
        %dma_wait3A_74 = arith.constant 0 : i32
        %dma_wait3A_75 = tpu.memref_slice %arg10[%add3A_56, %dma_wait3A_74] : memref<5120x128xf32, #tpu.memory_space<vmem_shared>> -> memref<64x128xf32, #tpu.memory_space<vmem_shared>>
        tpu.wait_dma2 semaphore(%run_scoped3A : memref<!tpu.dma_semaphore, #tpu.memory_space<semaphore_mem>>) src(%dma_wait3A_75 : memref<64x128xf32, #tpu.memory_space<vmem_shared>>) dst(%dma_wait3A_73 : memref<64x128xf32, #tpu.memory_space<vmem>>)
        tpu.yield
      }) : () -> ()
      "tpu.region"() ({
        %run_scoped3A = tpu.sem_alloc : memref<!tpu.dma_semaphore, #tpu.memory_space<semaphore_mem>>
        %dma_start3A_57 = arith.constant 0 : i32
        %dma_start3A_58 = arith.constant 0 : i32
        %dma_start3A_59 = tpu.memref_slice %arg8[%dma_start3A_57, %dma_start3A_58] : memref<128x128xf32, #tpu.memory_space<vmem>> -> memref<64x128xf32, #tpu.memory_space<vmem>>
        %dma_start3A_60 = arith.constant 0 : i32
        %dma_start3A_61 = tpu.memref_slice %arg5[%arg0, %add3A_56, %dma_start3A_60] : memref<2x5120x128xf32, #tpu.memory_space<hbm>> -> memref<1x64x128xf32, #tpu.memory_space<hbm>>
        %dma_start3A_62 = tpu.memref_squeeze %dma_start3A_61 : memref<1x64x128xf32, #tpu.memory_space<hbm>> -> memref<64x128xf32, #tpu.memory_space<hbm>>
        %dma_start3A_63 = arith.constant 0 : i32
        %dma_start3A_64 = tpu.memref_slice %arg5[%arg0, %add3A_56, %dma_start3A_63] : memref<2x5120x128xf32, #tpu.memory_space<hbm>> -> memref<1x64x128xf32, #tpu.memory_space<hbm>>
        %dma_start3A_65 = tpu.memref_squeeze %dma_start3A_64 : memref<1x64x128xf32, #tpu.memory_space<hbm>> -> memref<64x128xf32, #tpu.memory_space<hbm>>
        %dma_start3A_66 = arith.constant 0 : i32
        %dma_start3A_67 = arith.constant 0 : i32
        %dma_start3A_68 = tpu.memref_slice %arg8[%dma_start3A_66, %dma_start3A_67] : memref<128x128xf32, #tpu.memory_space<vmem>> -> memref<64x128xf32, #tpu.memory_space<vmem>>
        tpu.enqueue_dma source(%dma_start3A_68 : memref<64x128xf32, #tpu.memory_space<vmem>>) target(%dma_start3A_65 : memref<64x128xf32, #tpu.memory_space<hbm>>) target_semaphore(%run_scoped3A : memref<!tpu.dma_semaphore, #tpu.memory_space<semaphore_mem>>)
        %dma_wait3A = arith.constant 0 : i32
        %dma_wait3A_69 = arith.constant 0 : i32
        %dma_wait3A_70 = tpu.memref_slice %arg8[%dma_wait3A, %dma_wait3A_69] : memref<128x128xf32, #tpu.memory_space<vmem>> -> memref<64x128xf32, #tpu.memory_space<vmem>>
        %dma_wait3A_71 = arith.constant 0 : i32
        %dma_wait3A_72 = tpu.memref_slice %arg5[%arg0, %add3A_56, %dma_wait3A_71] : memref<2x5120x128xf32, #tpu.memory_space<hbm>> -> memref<1x64x128xf32, #tpu.memory_space<hbm>>
        %dma_wait3A_73 = tpu.memref_squeeze %dma_wait3A_72 : memref<1x64x128xf32, #tpu.memory_space<hbm>> -> memref<64x128xf32, #tpu.memory_space<hbm>>
        %dma_wait3A_74 = arith.constant 0 : i32
        %dma_wait3A_75 = tpu.memref_slice %arg5[%arg0, %add3A_56, %dma_wait3A_74] : memref<2x5120x128xf32, #tpu.memory_space<hbm>> -> memref<1x64x128xf32, #tpu.memory_space<hbm>>
        %dma_wait3A_76 = tpu.memref_squeeze %dma_wait3A_75 : memref<1x64x128xf32, #tpu.memory_space<hbm>> -> memref<64x128xf32, #tpu.memory_space<hbm>>
        %dma_wait3A_77 = arith.constant 0 : i32
        %dma_wait3A_78 = arith.constant 0 : i32
        %dma_wait3A_79 = tpu.memref_slice %arg8[%dma_wait3A_77, %dma_wait3A_78] : memref<128x128xf32, #tpu.memory_space<vmem>> -> memref<64x128xf32, #tpu.memory_space<vmem>>
        tpu.wait_dma2 semaphore(%run_scoped3A : memref<!tpu.dma_semaphore, #tpu.memory_space<semaphore_mem>>) src(%dma_wait3A_79 : memref<64x128xf32, #tpu.memory_space<vmem>>) dst(%dma_wait3A_76 : memref<64x128xf32, #tpu.memory_space<hbm>>)
        tpu.yield
      }) : () -> ()
    }
    %scan3A_46 = arith.constant 5 : i32
    return
  }
}

#map = affine_map<(d0, d1) -> (0, 0)>
#map1 = affine_map<(d0, d1) -> (0, 0, 0)>
module attributes {stable_mosaic.version = 14 : i64} {
  func.func @body(%arg0: i32, %arg1: i32, %arg2: memref<5120x128xf32, #tpu.memory_space<hbm>>, %arg3: memref<2560x128xi32, #tpu.memory_space<hbm>>, %arg4: memref<2560x128xi32, #tpu.memory_space<hbm>>, %arg5: memref<2x10240x128xf32, #tpu.memory_space<hbm>>, %arg6: memref<40x128xi32, #tpu.memory_space<vmem>>, %arg7: memref<40x128xi32, #tpu.memory_space<vmem>>, %arg8: memref<128x128xf32, #tpu.memory_space<vmem>>, %arg9: memref<128x128xf32, #tpu.memory_space<vmem>>, %arg10: memref<10240x128xf32, #tpu.memory_space<vmem_shared>>, %arg11: memref<!tpu.dma_semaphore, #tpu.memory_space<semaphore_mem>>, %arg12: memref<!tpu.dma_semaphore, #tpu.memory_space<semaphore_mem>>) attributes {dimension_semantics = [#tpu.dimension_semantics<core_parallel>, #tpu.dimension_semantics<subcore_parallel>], iteration_bounds = array<i64: 2, 16>, scalar_prefetch = 0 : i64, scratch_operands = 7 : i64, tpu.core_type = #tpu.core_type<sc_vector_subcore>, window_params = [{transform_indices = #map}, {transform_indices = #map}, {transform_indices = #map}, {transform_indices = #map1}]} {
    %mul3A = arith.constant 16 : i32
    %mul3A_0 = arith.muli %arg0, %mul3A : i32
    %add3A = arith.addi %mul3A_0, %arg1 : i32
    %scan3A = arith.constant 0 : i32
    %scan3A_1 = arith.constant 64 : i32
    %scan3A_2 = arith.addi %scan3A, %scan3A_1 : i32
    %scan3A_3 = arith.constant 1 : i32
    scf.for %scan3A_47 = %scan3A to %scan3A_2 step %scan3A_3  : i32 {
      %mul3A_48 = arith.constant 1 : i32
      %mul3A_49 = arith.muli %scan3A_47, %mul3A_48 : i32
      %add3A_50 = arith.constant 0 : i32
      %add3A_51 = arith.addi %add3A_50, %mul3A_49 : i32
      %broadcast_in_dim3A = arith.constant 0.000000e+00 : f32
      %broadcast_in_dim3A_52 = vector.broadcast %broadcast_in_dim3A : f32 to vector<16xf32>
      %swap3A = arith.index_cast %add3A_51 : i32 to index
      %swap3A_53 = arith.constant 0 : index
      %swap3A_54 = tpu.vector_load %arg8[%swap3A, %swap3A_53] {strides = array<i32>} : memref<128x128xf32, #tpu.memory_space<vmem>>, vector<1x16xf32>,
      %swap3A_55 = vector.shape_cast %swap3A_54 : vector<1x16xf32> to vector<16xf32>
      %swap3A_56 = vector.shape_cast %broadcast_in_dim3A_52 : vector<16xf32> to vector<1x16xf32>
      tpu.vector_store %arg8[%swap3A, %swap3A_53], %swap3A_56 {strides = array<i32>} : memref<128x128xf32, #tpu.memory_space<vmem>>, vector<1x16xf32>,
      %broadcast_in_dim3A_57 = arith.constant 0.000000e+00 : f32
      %broadcast_in_dim3A_58 = vector.broadcast %broadcast_in_dim3A_57 : f32 to vector<16xf32>
      %swap3A_59 = arith.index_cast %add3A_51 : i32 to index
      %swap3A_60 = arith.constant 16 : index
      %swap3A_61 = tpu.vector_load %arg8[%swap3A_59, %swap3A_60] {strides = array<i32>} : memref<128x128xf32, #tpu.memory_space<vmem>>, vector<1x16xf32>,
      %swap3A_62 = vector.shape_cast %swap3A_61 : vector<1x16xf32> to vector<16xf32>
      %swap3A_63 = vector.shape_cast %broadcast_in_dim3A_58 : vector<16xf32> to vector<1x16xf32>
      tpu.vector_store %arg8[%swap3A_59, %swap3A_60], %swap3A_63 {strides = array<i32>} : memref<128x128xf32, #tpu.memory_space<vmem>>, vector<1x16xf32>,
      %broadcast_in_dim3A_64 = arith.constant 0.000000e+00 : f32
      %broadcast_in_dim3A_65 = vector.broadcast %broadcast_in_dim3A_64 : f32 to vector<16xf32>
      %swap3A_66 = arith.index_cast %add3A_51 : i32 to index
      %swap3A_67 = arith.constant 32 : index
      %swap3A_68 = tpu.vector_load %arg8[%swap3A_66, %swap3A_67] {strides = array<i32>} : memref<128x128xf32, #tpu.memory_space<vmem>>, vector<1x16xf32>,
      %swap3A_69 = vector.shape_cast %swap3A_68 : vector<1x16xf32> to vector<16xf32>
      %swap3A_70 = vector.shape_cast %broadcast_in_dim3A_65 : vector<16xf32> to vector<1x16xf32>
      tpu.vector_store %arg8[%swap3A_66, %swap3A_67], %swap3A_70 {strides = array<i32>} : memref<128x128xf32, #tpu.memory_space<vmem>>, vector<1x16xf32>,
      %broadcast_in_dim3A_71 = arith.constant 0.000000e+00 : f32
      %broadcast_in_dim3A_72 = vector.broadcast %broadcast_in_dim3A_71 : f32 to vector<16xf32>
      %swap3A_73 = arith.index_cast %add3A_51 : i32 to index
      %swap3A_74 = arith.constant 48 : index
      %swap3A_75 = tpu.vector_load %arg8[%swap3A_73, %swap3A_74] {strides = array<i32>} : memref<128x128xf32, #tpu.memory_space<vmem>>, vector<1x16xf32>,
      %swap3A_76 = vector.shape_cast %swap3A_75 : vector<1x16xf32> to vector<16xf32>
      %swap3A_77 = vector.shape_cast %broadcast_in_dim3A_72 : vector<16xf32> to vector<1x16xf32>
      tpu.vector_store %arg8[%swap3A_73, %swap3A_74], %swap3A_77 {strides = array<i32>} : memref<128x128xf32, #tpu.memory_space<vmem>>, vector<1x16xf32>,
      %broadcast_in_dim3A_78 = arith.constant 0.000000e+00 : f32
      %broadcast_in_dim3A_79 = vector.broadcast %broadcast_in_dim3A_78 : f32 to vector<16xf32>
      %swap3A_80 = arith.index_cast %add3A_51 : i32 to index
      %swap3A_81 = arith.constant 64 : index
      %swap3A_82 = tpu.vector_load %arg8[%swap3A_80, %swap3A_81] {strides = array<i32>} : memref<128x128xf32, #tpu.memory_space<vmem>>, vector<1x16xf32>,
      %swap3A_83 = vector.shape_cast %swap3A_82 : vector<1x16xf32> to vector<16xf32>
      %swap3A_84 = vector.shape_cast %broadcast_in_dim3A_79 : vector<16xf32> to vector<1x16xf32>
      tpu.vector_store %arg8[%swap3A_80, %swap3A_81], %swap3A_84 {strides = array<i32>} : memref<128x128xf32, #tpu.memory_space<vmem>>, vector<1x16xf32>,
      %broadcast_in_dim3A_85 = arith.constant 0.000000e+00 : f32
      %broadcast_in_dim3A_86 = vector.broadcast %broadcast_in_dim3A_85 : f32 to vector<16xf32>
      %swap3A_87 = arith.index_cast %add3A_51 : i32 to index
      %swap3A_88 = arith.constant 80 : index
      %swap3A_89 = tpu.vector_load %arg8[%swap3A_87, %swap3A_88] {strides = array<i32>} : memref<128x128xf32, #tpu.memory_space<vmem>>, vector<1x16xf32>,
      %swap3A_90 = vector.shape_cast %swap3A_89 : vector<1x16xf32> to vector<16xf32>
      %swap3A_91 = vector.shape_cast %broadcast_in_dim3A_86 : vector<16xf32> to vector<1x16xf32>
      tpu.vector_store %arg8[%swap3A_87, %swap3A_88], %swap3A_91 {strides = array<i32>} : memref<128x128xf32, #tpu.memory_space<vmem>>, vector<1x16xf32>,
      %broadcast_in_dim3A_92 = arith.constant 0.000000e+00 : f32
      %broadcast_in_dim3A_93 = vector.broadcast %broadcast_in_dim3A_92 : f32 to vector<16xf32>
      %swap3A_94 = arith.index_cast %add3A_51 : i32 to index
      %swap3A_95 = arith.constant 96 : index
      %swap3A_96 = tpu.vector_load %arg8[%swap3A_94, %swap3A_95] {strides = array<i32>} : memref<128x128xf32, #tpu.memory_space<vmem>>, vector<1x16xf32>,
      %swap3A_97 = vector.shape_cast %swap3A_96 : vector<1x16xf32> to vector<16xf32>
      %swap3A_98 = vector.shape_cast %broadcast_in_dim3A_93 : vector<16xf32> to vector<1x16xf32>
      tpu.vector_store %arg8[%swap3A_94, %swap3A_95], %swap3A_98 {strides = array<i32>} : memref<128x128xf32, #tpu.memory_space<vmem>>, vector<1x16xf32>,
      %broadcast_in_dim3A_99 = arith.constant 0.000000e+00 : f32
      %broadcast_in_dim3A_100 = vector.broadcast %broadcast_in_dim3A_99 : f32 to vector<16xf32>
      %swap3A_101 = arith.index_cast %add3A_51 : i32 to index
      %swap3A_102 = arith.constant 112 : index
      %swap3A_103 = tpu.vector_load %arg8[%swap3A_101, %swap3A_102] {strides = array<i32>} : memref<128x128xf32, #tpu.memory_space<vmem>>, vector<1x16xf32>,
      %swap3A_104 = vector.shape_cast %swap3A_103 : vector<1x16xf32> to vector<16xf32>
      %swap3A_105 = vector.shape_cast %broadcast_in_dim3A_100 : vector<16xf32> to vector<1x16xf32>
      tpu.vector_store %arg8[%swap3A_101, %swap3A_102], %swap3A_105 {strides = array<i32>} : memref<128x128xf32, #tpu.memory_space<vmem>>, vector<1x16xf32>,
    }
    %scan3A_4 = arith.constant 64 : i32
    %scan3A_5 = arith.constant 0 : i32
    %scan3A_6 = arith.constant 10 : i32
    %scan3A_7 = arith.addi %scan3A_5, %scan3A_6 : i32
    %scan3A_8 = arith.constant 1 : i32
    scf.for %scan3A_47 = %scan3A_5 to %scan3A_7 step %scan3A_8  : i32 {
      %mul3A_48 = arith.constant 1 : i32
      %mul3A_49 = arith.muli %scan3A_47, %mul3A_48 : i32
      %add3A_50 = arith.constant 0 : i32
      %add3A_51 = arith.addi %add3A_50, %mul3A_49 : i32
      %mul3A_52 = arith.constant 640 : i32
      %mul3A_53 = arith.muli %arg1, %mul3A_52 : i32
      %mul3A_54 = arith.constant 64 : i32
      %mul3A_55 = arith.muli %add3A_51, %mul3A_54 : i32
      %add3A_56 = arith.addi %mul3A_53, %mul3A_55 : i32
      "tpu.region"() ({
        %run_scoped3A = tpu.sem_alloc : memref<!tpu.dma_semaphore, #tpu.memory_space<semaphore_mem>>
        %dma_start3A_57 = arith.constant 0 : i32
        %dma_start3A_58 = arith.constant 0 : i32
        %dma_start3A_59 = tpu.memref_slice %arg8[%dma_start3A_57, %dma_start3A_58] : memref<128x128xf32, #tpu.memory_space<vmem>> -> memref<64x128xf32, #tpu.memory_space<vmem>>
        %dma_start3A_60 = arith.constant 0 : i32
        %dma_start3A_61 = tpu.memref_slice %arg10[%add3A_56, %dma_start3A_60] : memref<10240x128xf32, #tpu.memory_space<vmem_shared>> -> memref<64x128xf32, #tpu.memory_space<vmem_shared>>
        %dma_start3A_62 = arith.constant 0 : i32
        %dma_start3A_63 = tpu.memref_slice %arg10[%add3A_56, %dma_start3A_62] : memref<10240x128xf32, #tpu.memory_space<vmem_shared>> -> memref<64x128xf32, #tpu.memory_space<vmem_shared>>
        %dma_start3A_64 = arith.constant 0 : i32
        %dma_start3A_65 = arith.constant 0 : i32
        %dma_start3A_66 = tpu.memref_slice %arg8[%dma_start3A_64, %dma_start3A_65] : memref<128x128xf32, #tpu.memory_space<vmem>> -> memref<64x128xf32, #tpu.memory_space<vmem>>
        tpu.enqueue_dma source(%dma_start3A_66 : memref<64x128xf32, #tpu.memory_space<vmem>>) target(%dma_start3A_63 : memref<64x128xf32, #tpu.memory_space<vmem_shared>>) target_semaphore(%run_scoped3A : memref<!tpu.dma_semaphore, #tpu.memory_space<semaphore_mem>>)
        %dma_wait3A = arith.constant 0 : i32
        %dma_wait3A_67 = arith.constant 0 : i32
        %dma_wait3A_68 = tpu.memref_slice %arg8[%dma_wait3A, %dma_wait3A_67] : memref<128x128xf32, #tpu.memory_space<vmem>> -> memref<64x128xf32, #tpu.memory_space<vmem>>
        %dma_wait3A_69 = arith.constant 0 : i32
        %dma_wait3A_70 = tpu.memref_slice %arg10[%add3A_56, %dma_wait3A_69] : memref<10240x128xf32, #tpu.memory_space<vmem_shared>> -> memref<64x128xf32, #tpu.memory_space<vmem_shared>>
        %dma_wait3A_71 = arith.constant 0 : i32
        %dma_wait3A_72 = tpu.memref_slice %arg10[%add3A_56, %dma_wait3A_71] : memref<10240x128xf32, #tpu.memory_space<vmem_shared>> -> memref<64x128xf32, #tpu.memory_space<vmem_shared>>
        %dma_wait3A_73 = arith.constant 0 : i32
        %dma_wait3A_74 = arith.constant 0 : i32
        %dma_wait3A_75 = tpu.memref_slice %arg8[%dma_wait3A_73, %dma_wait3A_74] : memref<128x128xf32, #tpu.memory_space<vmem>> -> memref<64x128xf32, #tpu.memory_space<vmem>>
        tpu.wait_dma2 semaphore(%run_scoped3A : memref<!tpu.dma_semaphore, #tpu.memory_space<semaphore_mem>>) src(%dma_wait3A_75 : memref<64x128xf32, #tpu.memory_space<vmem>>) dst(%dma_wait3A_72 : memref<64x128xf32, #tpu.memory_space<vmem_shared>>)
        tpu.yield
      }) : () -> ()
    }
    %scan3A_9 = arith.constant 10 : i32
    %barrier3A = arith.constant 0 : index
    tpu.barrier barrier_id(%barrier3A)
    %mul3A_10 = arith.constant 80 : i32
    %mul3A_11 = arith.muli %add3A, %mul3A_10 : i32
    %add3A_12 = arith.constant 0 : i32
    %add3A_13 = arith.addi %mul3A_11, %add3A_12 : i32
    "tpu.region"() ({
      %run_scoped3A = tpu.sem_alloc : memref<!tpu.dma_semaphore, #tpu.memory_space<semaphore_mem>>
      %dma_start3A_47 = arith.constant 0 : i32
      %dma_start3A_48 = tpu.memref_slice %arg3[%add3A_13, %dma_start3A_47] : memref<2560x128xi32, #tpu.memory_space<hbm>> -> memref<40x128xi32, #tpu.memory_space<hbm>>
      %dma_start3A_49 = arith.constant 0 : i32
      %dma_start3A_50 = tpu.memref_slice %arg3[%add3A_13, %dma_start3A_49] : memref<2560x128xi32, #tpu.memory_space<hbm>> -> memref<40x128xi32, #tpu.memory_space<hbm>>
      tpu.enqueue_dma source(%dma_start3A_50 : memref<40x128xi32, #tpu.memory_space<hbm>>) target(%arg6 : memref<40x128xi32, #tpu.memory_space<vmem>>) target_semaphore(%run_scoped3A : memref<!tpu.dma_semaphore, #tpu.memory_space<semaphore_mem>>)
      %dma_wait3A = arith.constant 0 : i32
      %dma_wait3A_51 = tpu.memref_slice %arg3[%add3A_13, %dma_wait3A] : memref<2560x128xi32, #tpu.memory_space<hbm>> -> memref<40x128xi32, #tpu.memory_space<hbm>>
      %dma_wait3A_52 = arith.constant 0 : i32
      %dma_wait3A_53 = tpu.memref_slice %arg3[%add3A_13, %dma_wait3A_52] : memref<2560x128xi32, #tpu.memory_space<hbm>> -> memref<40x128xi32, #tpu.memory_space<hbm>>
      tpu.wait_dma2 semaphore(%run_scoped3A : memref<!tpu.dma_semaphore, #tpu.memory_space<semaphore_mem>>) src(%dma_wait3A_53 : memref<40x128xi32, #tpu.memory_space<hbm>>) dst(%arg6 : memref<40x128xi32, #tpu.memory_space<vmem>>)
      tpu.yield
    }) : () -> ()
    "tpu.region"() ({
      %run_scoped3A = tpu.sem_alloc : memref<!tpu.dma_semaphore, #tpu.memory_space<semaphore_mem>>
      %dma_start3A_47 = arith.constant 0 : i32
      %dma_start3A_48 = tpu.memref_slice %arg4[%add3A_13, %dma_start3A_47] : memref<2560x128xi32, #tpu.memory_space<hbm>> -> memref<40x128xi32, #tpu.memory_space<hbm>>
      %dma_start3A_49 = arith.constant 0 : i32
      %dma_start3A_50 = tpu.memref_slice %arg4[%add3A_13, %dma_start3A_49] : memref<2560x128xi32, #tpu.memory_space<hbm>> -> memref<40x128xi32, #tpu.memory_space<hbm>>
      tpu.enqueue_dma source(%dma_start3A_50 : memref<40x128xi32, #tpu.memory_space<hbm>>) target(%arg7 : memref<40x128xi32, #tpu.memory_space<vmem>>) target_semaphore(%run_scoped3A : memref<!tpu.dma_semaphore, #tpu.memory_space<semaphore_mem>>)
      %dma_wait3A = arith.constant 0 : i32
      %dma_wait3A_51 = tpu.memref_slice %arg4[%add3A_13, %dma_wait3A] : memref<2560x128xi32, #tpu.memory_space<hbm>> -> memref<40x128xi32, #tpu.memory_space<hbm>>
      %dma_wait3A_52 = arith.constant 0 : i32
      %dma_wait3A_53 = tpu.memref_slice %arg4[%add3A_13, %dma_wait3A_52] : memref<2560x128xi32, #tpu.memory_space<hbm>> -> memref<40x128xi32, #tpu.memory_space<hbm>>
      tpu.wait_dma2 semaphore(%run_scoped3A : memref<!tpu.dma_semaphore, #tpu.memory_space<semaphore_mem>>) src(%dma_wait3A_53 : memref<40x128xi32, #tpu.memory_space<hbm>>) dst(%arg7 : memref<40x128xi32, #tpu.memory_space<vmem>>)
      tpu.yield
    }) : () -> ()
    %dma_start3A = arith.constant 0 : i32
    %dma_start3A_14 = arith.constant 0 : i32
    %dma_start3A_15 = tpu.memref_slice %arg6[%dma_start3A, %dma_start3A_14] : memref<40x128xi32, #tpu.memory_space<vmem>> -> memref<1x128xi32, #tpu.memory_space<vmem>>
    %dma_start3A_16 = tpu.memref_squeeze %dma_start3A_15 : memref<1x128xi32, #tpu.memory_space<vmem>> -> memref<128xi32, #tpu.memory_space<vmem>>
    %dma_start3A_17 = arith.constant 0 : i32
    %dma_start3A_18 = arith.constant 0 : i32
    %dma_start3A_19 = tpu.memref_slice %arg2[%dma_start3A_17, %dma_start3A_18] : memref<5120x128xf32, #tpu.memory_space<hbm>> -> memref<5120x128xf32, #tpu.memory_space<hbm>>
    tpu.enqueue_indirect_dma source(%dma_start3A_19 : memref<5120x128xf32, #tpu.memory_space<hbm>>) target(%arg8 : memref<128x128xf32, #tpu.memory_space<vmem>>) offsets(%dma_start3A_16 : memref<128xi32, #tpu.memory_space<vmem>>) semaphore(%arg11 : memref<!tpu.dma_semaphore, #tpu.memory_space<semaphore_mem>>)
    %scan3A_20 = arith.constant 0 : i32
    %scan3A_21 = arith.constant 20 : i32
    %scan3A_22 = arith.addi %scan3A_20, %scan3A_21 : i32
    %scan3A_23 = arith.constant 1 : i32
    scf.for %scan3A_47 = %scan3A_20 to %scan3A_22 step %scan3A_23  : i32 {
      %mul3A_48 = arith.constant 1 : i32
      %mul3A_49 = arith.muli %scan3A_47, %mul3A_48 : i32
      %add3A_50 = arith.constant 0 : i32
      %add3A_51 = arith.addi %add3A_50, %mul3A_49 : i32
      %mul3A_52 = arith.constant 2 : i32
      %mul3A_53 = arith.muli %mul3A_52, %add3A_51 : i32
      %add3A_54 = arith.constant 1 : i32
      %add3A_55 = arith.addi %mul3A_53, %add3A_54 : i32
      %dma_start3A_56 = arith.constant 0 : i32
      %dma_start3A_57 = tpu.memref_slice %arg6[%add3A_55, %dma_start3A_56] : memref<40x128xi32, #tpu.memory_space<vmem>> -> memref<1x128xi32, #tpu.memory_space<vmem>>
      %dma_start3A_58 = tpu.memref_squeeze %dma_start3A_57 : memref<1x128xi32, #tpu.memory_space<vmem>> -> memref<128xi32, #tpu.memory_space<vmem>>
      %dma_start3A_59 = arith.constant 0 : i32
      %dma_start3A_60 = arith.constant 0 : i32
      %dma_start3A_61 = tpu.memref_slice %arg2[%dma_start3A_59, %dma_start3A_60] : memref<5120x128xf32, #tpu.memory_space<hbm>> -> memref<5120x128xf32, #tpu.memory_space<hbm>>
      tpu.enqueue_indirect_dma source(%dma_start3A_61 : memref<5120x128xf32, #tpu.memory_space<hbm>>) target(%arg9 : memref<128x128xf32, #tpu.memory_space<vmem>>) offsets(%dma_start3A_58 : memref<128xi32, #tpu.memory_space<vmem>>) semaphore(%arg12 : memref<!tpu.dma_semaphore, #tpu.memory_space<semaphore_mem>>)
      %dma_wait3A = arith.constant 0 : i32
      %dma_wait3A_62 = tpu.memref_slice %arg6[%mul3A_53, %dma_wait3A] : memref<40x128xi32, #tpu.memory_space<vmem>> -> memref<1x128xi32, #tpu.memory_space<vmem>>
      %dma_wait3A_63 = tpu.memref_squeeze %dma_wait3A_62 : memref<1x128xi32, #tpu.memory_space<vmem>> -> memref<128xi32, #tpu.memory_space<vmem>>
      %dma_wait3A_64 = arith.constant 0 : i32
      %dma_wait3A_65 = arith.constant 0 : i32
      %dma_wait3A_66 = tpu.memref_slice %arg2[%dma_wait3A_64, %dma_wait3A_65] : memref<5120x128xf32, #tpu.memory_space<hbm>> -> memref<5120x128xf32, #tpu.memory_space<hbm>>
      tpu.wait_indirect_dma semaphore(%arg11 : memref<!tpu.dma_semaphore, #tpu.memory_space<semaphore_mem>>) src(%dma_wait3A_66 : memref<5120x128xf32, #tpu.memory_space<hbm>>) dst(%arg8 : memref<128x128xf32, #tpu.memory_space<vmem>>)
      "tpu.region"() ({
        %run_scoped3A = tpu.sem_alloc : memref<!tpu.dma_semaphore, #tpu.memory_space<semaphore_mem>>
        %dma_start3A_79 = arith.constant 0 : i32
        %dma_start3A_80 = tpu.memref_slice %arg7[%mul3A_53, %dma_start3A_79] : memref<40x128xi32, #tpu.memory_space<vmem>> -> memref<1x128xi32, #tpu.memory_space<vmem>>
        %dma_start3A_81 = tpu.memref_squeeze %dma_start3A_80 : memref<1x128xi32, #tpu.memory_space<vmem>> -> memref<128xi32, #tpu.memory_space<vmem>>
        %dma_start3A_82 = arith.constant 0 : i32
        %dma_start3A_83 = arith.constant 0 : i32
        %dma_start3A_84 = tpu.memref_slice %arg10[%dma_start3A_82, %dma_start3A_83] : memref<10240x128xf32, #tpu.memory_space<vmem_shared>> -> memref<10240x128xf32, #tpu.memory_space<vmem_shared>>
        tpu.enqueue_indirect_dma source(%arg8 : memref<128x128xf32, #tpu.memory_space<vmem>>) target(%dma_start3A_84 : memref<10240x128xf32, #tpu.memory_space<vmem_shared>>) offsets(%dma_start3A_81 : memref<128xi32, #tpu.memory_space<vmem>>) semaphore(%run_scoped3A : memref<!tpu.dma_semaphore, #tpu.memory_space<semaphore_mem>>) {add = true}
        %dma_wait3A_85 = arith.constant 0 : i32
        %dma_wait3A_86 = tpu.memref_slice %arg7[%mul3A_53, %dma_wait3A_85] : memref<40x128xi32, #tpu.memory_space<vmem>> -> memref<1x128xi32, #tpu.memory_space<vmem>>
        %dma_wait3A_87 = tpu.memref_squeeze %dma_wait3A_86 : memref<1x128xi32, #tpu.memory_space<vmem>> -> memref<128xi32, #tpu.memory_space<vmem>>
        %dma_wait3A_88 = arith.constant 0 : i32
        %dma_wait3A_89 = arith.constant 0 : i32
        %dma_wait3A_90 = tpu.memref_slice %arg10[%dma_wait3A_88, %dma_wait3A_89] : memref<10240x128xf32, #tpu.memory_space<vmem_shared>> -> memref<10240x128xf32, #tpu.memory_space<vmem_shared>>
        tpu.wait_indirect_dma semaphore(%run_scoped3A : memref<!tpu.dma_semaphore, #tpu.memory_space<semaphore_mem>>) src(%arg8 : memref<128x128xf32, #tpu.memory_space<vmem>>) dst(%dma_wait3A_90 : memref<10240x128xf32, #tpu.memory_space<vmem_shared>>)
        tpu.yield
      }) : () -> ()
      %lt3A = arith.constant 19 : i32
      %lt3A_67 = arith.cmpi slt, %add3A_51, %lt3A : i32
      %convert_element_type3A = arith.extui %lt3A_67 : i1 to i32
      %cond3A = arith.constant 0 : i32
      %cond3A_68 = arith.cmpi ne, %convert_element_type3A, %cond3A : i32
      scf.if %cond3A_68 {
        %add3A_79 = arith.constant 2 : i32
        %add3A_80 = arith.addi %mul3A_53, %add3A_79 : i32
        %dma_start3A_81 = arith.constant 0 : i32
        %dma_start3A_82 = tpu.memref_slice %arg6[%add3A_80, %dma_start3A_81] : memref<40x128xi32, #tpu.memory_space<vmem>> -> memref<1x128xi32, #tpu.memory_space<vmem>>
        %dma_start3A_83 = tpu.memref_squeeze %dma_start3A_82 : memref<1x128xi32, #tpu.memory_space<vmem>> -> memref<128xi32, #tpu.memory_space<vmem>>
        %dma_start3A_84 = arith.constant 0 : i32
        %dma_start3A_85 = arith.constant 0 : i32
        %dma_start3A_86 = tpu.memref_slice %arg2[%dma_start3A_84, %dma_start3A_85] : memref<5120x128xf32, #tpu.memory_space<hbm>> -> memref<5120x128xf32, #tpu.memory_space<hbm>>
        tpu.enqueue_indirect_dma source(%dma_start3A_86 : memref<5120x128xf32, #tpu.memory_space<hbm>>) target(%arg8 : memref<128x128xf32, #tpu.memory_space<vmem>>) offsets(%dma_start3A_83 : memref<128xi32, #tpu.memory_space<vmem>>) semaphore(%arg11 : memref<!tpu.dma_semaphore, #tpu.memory_space<semaphore_mem>>)
      } else {
      }
      %add3A_69 = arith.constant 1 : i32
      %add3A_70 = arith.addi %mul3A_53, %add3A_69 : i32
      %dma_wait3A_71 = arith.constant 0 : i32
      %dma_wait3A_72 = tpu.memref_slice %arg6[%add3A_70, %dma_wait3A_71] : memref<40x128xi32, #tpu.memory_space<vmem>> -> memref<1x128xi32, #tpu.memory_space<vmem>>
      %dma_wait3A_73 = tpu.memref_squeeze %dma_wait3A_72 : memref<1x128xi32, #tpu.memory_space<vmem>> -> memref<128xi32, #tpu.memory_space<vmem>>
      %dma_wait3A_74 = arith.constant 0 : i32
      %dma_wait3A_75 = arith.constant 0 : i32
      %dma_wait3A_76 = tpu.memref_slice %arg2[%dma_wait3A_74, %dma_wait3A_75] : memref<5120x128xf32, #tpu.memory_space<hbm>> -> memref<5120x128xf32, #tpu.memory_space<hbm>>
      tpu.wait_indirect_dma semaphore(%arg12 : memref<!tpu.dma_semaphore, #tpu.memory_space<semaphore_mem>>) src(%dma_wait3A_76 : memref<5120x128xf32, #tpu.memory_space<hbm>>) dst(%arg9 : memref<128x128xf32, #tpu.memory_space<vmem>>)
      %add3A_77 = arith.constant 1 : i32
      %add3A_78 = arith.addi %mul3A_53, %add3A_77 : i32
      "tpu.region"() ({
        %run_scoped3A = tpu.sem_alloc : memref<!tpu.dma_semaphore, #tpu.memory_space<semaphore_mem>>
        %dma_start3A_79 = arith.constant 0 : i32
        %dma_start3A_80 = tpu.memref_slice %arg7[%add3A_78, %dma_start3A_79] : memref<40x128xi32, #tpu.memory_space<vmem>> -> memref<1x128xi32, #tpu.memory_space<vmem>>
        %dma_start3A_81 = tpu.memref_squeeze %dma_start3A_80 : memref<1x128xi32, #tpu.memory_space<vmem>> -> memref<128xi32, #tpu.memory_space<vmem>>
        %dma_start3A_82 = arith.constant 0 : i32
        %dma_start3A_83 = arith.constant 0 : i32
        %dma_start3A_84 = tpu.memref_slice %arg10[%dma_start3A_82, %dma_start3A_83] : memref<10240x128xf32, #tpu.memory_space<vmem_shared>> -> memref<10240x128xf32, #tpu.memory_space<vmem_shared>>
        tpu.enqueue_indirect_dma source(%arg9 : memref<128x128xf32, #tpu.memory_space<vmem>>) target(%dma_start3A_84 : memref<10240x128xf32, #tpu.memory_space<vmem_shared>>) offsets(%dma_start3A_81 : memref<128xi32, #tpu.memory_space<vmem>>) semaphore(%run_scoped3A : memref<!tpu.dma_semaphore, #tpu.memory_space<semaphore_mem>>) {add = true}
        %dma_wait3A_85 = arith.constant 0 : i32
        %dma_wait3A_86 = tpu.memref_slice %arg7[%add3A_78, %dma_wait3A_85] : memref<40x128xi32, #tpu.memory_space<vmem>> -> memref<1x128xi32, #tpu.memory_space<vmem>>
        %dma_wait3A_87 = tpu.memref_squeeze %dma_wait3A_86 : memref<1x128xi32, #tpu.memory_space<vmem>> -> memref<128xi32, #tpu.memory_space<vmem>>
        %dma_wait3A_88 = arith.constant 0 : i32
        %dma_wait3A_89 = arith.constant 0 : i32
        %dma_wait3A_90 = tpu.memref_slice %arg10[%dma_wait3A_88, %dma_wait3A_89] : memref<10240x128xf32, #tpu.memory_space<vmem_shared>> -> memref<10240x128xf32, #tpu.memory_space<vmem_shared>>
        tpu.wait_indirect_dma semaphore(%run_scoped3A : memref<!tpu.dma_semaphore, #tpu.memory_space<semaphore_mem>>) src(%arg9 : memref<128x128xf32, #tpu.memory_space<vmem>>) dst(%dma_wait3A_90 : memref<10240x128xf32, #tpu.memory_space<vmem_shared>>)
        tpu.yield
      }) : () -> ()
    }
    %scan3A_24 = arith.constant 20 : i32
    %mul3A_25 = arith.constant 80 : i32
    %mul3A_26 = arith.muli %add3A, %mul3A_25 : i32
    %add3A_27 = arith.constant 40 : i32
    %add3A_28 = arith.addi %mul3A_26, %add3A_27 : i32
    "tpu.region"() ({
      %run_scoped3A = tpu.sem_alloc : memref<!tpu.dma_semaphore, #tpu.memory_space<semaphore_mem>>
      %dma_start3A_47 = arith.constant 0 : i32
      %dma_start3A_48 = tpu.memref_slice %arg3[%add3A_28, %dma_start3A_47] : memref<2560x128xi32, #tpu.memory_space<hbm>> -> memref<40x128xi32, #tpu.memory_space<hbm>>
      %dma_start3A_49 = arith.constant 0 : i32
      %dma_start3A_50 = tpu.memref_slice %arg3[%add3A_28, %dma_start3A_49] : memref<2560x128xi32, #tpu.memory_space<hbm>> -> memref<40x128xi32, #tpu.memory_space<hbm>>
      tpu.enqueue_dma source(%dma_start3A_50 : memref<40x128xi32, #tpu.memory_space<hbm>>) target(%arg6 : memref<40x128xi32, #tpu.memory_space<vmem>>) target_semaphore(%run_scoped3A : memref<!tpu.dma_semaphore, #tpu.memory_space<semaphore_mem>>)
      %dma_wait3A = arith.constant 0 : i32
      %dma_wait3A_51 = tpu.memref_slice %arg3[%add3A_28, %dma_wait3A] : memref<2560x128xi32, #tpu.memory_space<hbm>> -> memref<40x128xi32, #tpu.memory_space<hbm>>
      %dma_wait3A_52 = arith.constant 0 : i32
      %dma_wait3A_53 = tpu.memref_slice %arg3[%add3A_28, %dma_wait3A_52] : memref<2560x128xi32, #tpu.memory_space<hbm>> -> memref<40x128xi32, #tpu.memory_space<hbm>>
      tpu.wait_dma2 semaphore(%run_scoped3A : memref<!tpu.dma_semaphore, #tpu.memory_space<semaphore_mem>>) src(%dma_wait3A_53 : memref<40x128xi32, #tpu.memory_space<hbm>>) dst(%arg6 : memref<40x128xi32, #tpu.memory_space<vmem>>)
      tpu.yield
    }) : () -> ()
    "tpu.region"() ({
      %run_scoped3A = tpu.sem_alloc : memref<!tpu.dma_semaphore, #tpu.memory_space<semaphore_mem>>
      %dma_start3A_47 = arith.constant 0 : i32
      %dma_start3A_48 = tpu.memref_slice %arg4[%add3A_28, %dma_start3A_47] : memref<2560x128xi32, #tpu.memory_space<hbm>> -> memref<40x128xi32, #tpu.memory_space<hbm>>
      %dma_start3A_49 = arith.constant 0 : i32
      %dma_start3A_50 = tpu.memref_slice %arg4[%add3A_28, %dma_start3A_49] : memref<2560x128xi32, #tpu.memory_space<hbm>> -> memref<40x128xi32, #tpu.memory_space<hbm>>
      tpu.enqueue_dma source(%dma_start3A_50 : memref<40x128xi32, #tpu.memory_space<hbm>>) target(%arg7 : memref<40x128xi32, #tpu.memory_space<vmem>>) target_semaphore(%run_scoped3A : memref<!tpu.dma_semaphore, #tpu.memory_space<semaphore_mem>>)
      %dma_wait3A = arith.constant 0 : i32
      %dma_wait3A_51 = tpu.memref_slice %arg4[%add3A_28, %dma_wait3A] : memref<2560x128xi32, #tpu.memory_space<hbm>> -> memref<40x128xi32, #tpu.memory_space<hbm>>
      %dma_wait3A_52 = arith.constant 0 : i32
      %dma_wait3A_53 = tpu.memref_slice %arg4[%add3A_28, %dma_wait3A_52] : memref<2560x128xi32, #tpu.memory_space<hbm>> -> memref<40x128xi32, #tpu.memory_space<hbm>>
      tpu.wait_dma2 semaphore(%run_scoped3A : memref<!tpu.dma_semaphore, #tpu.memory_space<semaphore_mem>>) src(%dma_wait3A_53 : memref<40x128xi32, #tpu.memory_space<hbm>>) dst(%arg7 : memref<40x128xi32, #tpu.memory_space<vmem>>)
      tpu.yield
    }) : () -> ()
    %dma_start3A_29 = arith.constant 0 : i32
    %dma_start3A_30 = arith.constant 0 : i32
    %dma_start3A_31 = tpu.memref_slice %arg6[%dma_start3A_29, %dma_start3A_30] : memref<40x128xi32, #tpu.memory_space<vmem>> -> memref<1x128xi32, #tpu.memory_space<vmem>>
    %dma_start3A_32 = tpu.memref_squeeze %dma_start3A_31 : memref<1x128xi32, #tpu.memory_space<vmem>> -> memref<128xi32, #tpu.memory_space<vmem>>
    %dma_start3A_33 = arith.constant 0 : i32
    %dma_start3A_34 = arith.constant 0 : i32
    %dma_start3A_35 = tpu.memref_slice %arg2[%dma_start3A_33, %dma_start3A_34] : memref<5120x128xf32, #tpu.memory_space<hbm>> -> memref<5120x128xf32, #tpu.memory_space<hbm>>
    tpu.enqueue_indirect_dma source(%dma_start3A_35 : memref<5120x128xf32, #tpu.memory_space<hbm>>) target(%arg8 : memref<128x128xf32, #tpu.memory_space<vmem>>) offsets(%dma_start3A_32 : memref<128xi32, #tpu.memory_space<vmem>>) semaphore(%arg11 : memref<!tpu.dma_semaphore, #tpu.memory_space<semaphore_mem>>)
    %scan3A_36 = arith.constant 0 : i32
    %scan3A_37 = arith.constant 20 : i32
    %scan3A_38 = arith.addi %scan3A_36, %scan3A_37 : i32
    %scan3A_39 = arith.constant 1 : i32
    scf.for %scan3A_47 = %scan3A_36 to %scan3A_38 step %scan3A_39  : i32 {
      %mul3A_48 = arith.constant 1 : i32
      %mul3A_49 = arith.muli %scan3A_47, %mul3A_48 : i32
      %add3A_50 = arith.constant 0 : i32
      %add3A_51 = arith.addi %add3A_50, %mul3A_49 : i32
      %mul3A_52 = arith.constant 2 : i32
      %mul3A_53 = arith.muli %mul3A_52, %add3A_51 : i32
      %add3A_54 = arith.constant 1 : i32
      %add3A_55 = arith.addi %mul3A_53, %add3A_54 : i32
      %dma_start3A_56 = arith.constant 0 : i32
      %dma_start3A_57 = tpu.memref_slice %arg6[%add3A_55, %dma_start3A_56] : memref<40x128xi32, #tpu.memory_space<vmem>> -> memref<1x128xi32, #tpu.memory_space<vmem>>
      %dma_start3A_58 = tpu.memref_squeeze %dma_start3A_57 : memref<1x128xi32, #tpu.memory_space<vmem>> -> memref<128xi32, #tpu.memory_space<vmem>>
      %dma_start3A_59 = arith.constant 0 : i32
      %dma_start3A_60 = arith.constant 0 : i32
      %dma_start3A_61 = tpu.memref_slice %arg2[%dma_start3A_59, %dma_start3A_60] : memref<5120x128xf32, #tpu.memory_space<hbm>> -> memref<5120x128xf32, #tpu.memory_space<hbm>>
      tpu.enqueue_indirect_dma source(%dma_start3A_61 : memref<5120x128xf32, #tpu.memory_space<hbm>>) target(%arg9 : memref<128x128xf32, #tpu.memory_space<vmem>>) offsets(%dma_start3A_58 : memref<128xi32, #tpu.memory_space<vmem>>) semaphore(%arg12 : memref<!tpu.dma_semaphore, #tpu.memory_space<semaphore_mem>>)
      %dma_wait3A = arith.constant 0 : i32
      %dma_wait3A_62 = tpu.memref_slice %arg6[%mul3A_53, %dma_wait3A] : memref<40x128xi32, #tpu.memory_space<vmem>> -> memref<1x128xi32, #tpu.memory_space<vmem>>
      %dma_wait3A_63 = tpu.memref_squeeze %dma_wait3A_62 : memref<1x128xi32, #tpu.memory_space<vmem>> -> memref<128xi32, #tpu.memory_space<vmem>>
      %dma_wait3A_64 = arith.constant 0 : i32
      %dma_wait3A_65 = arith.constant 0 : i32
      %dma_wait3A_66 = tpu.memref_slice %arg2[%dma_wait3A_64, %dma_wait3A_65] : memref<5120x128xf32, #tpu.memory_space<hbm>> -> memref<5120x128xf32, #tpu.memory_space<hbm>>
      tpu.wait_indirect_dma semaphore(%arg11 : memref<!tpu.dma_semaphore, #tpu.memory_space<semaphore_mem>>) src(%dma_wait3A_66 : memref<5120x128xf32, #tpu.memory_space<hbm>>) dst(%arg8 : memref<128x128xf32, #tpu.memory_space<vmem>>)
      "tpu.region"() ({
        %run_scoped3A = tpu.sem_alloc : memref<!tpu.dma_semaphore, #tpu.memory_space<semaphore_mem>>
        %dma_start3A_79 = arith.constant 0 : i32
        %dma_start3A_80 = tpu.memref_slice %arg7[%mul3A_53, %dma_start3A_79] : memref<40x128xi32, #tpu.memory_space<vmem>> -> memref<1x128xi32, #tpu.memory_space<vmem>>
        %dma_start3A_81 = tpu.memref_squeeze %dma_start3A_80 : memref<1x128xi32, #tpu.memory_space<vmem>> -> memref<128xi32, #tpu.memory_space<vmem>>
        %dma_start3A_82 = arith.constant 0 : i32
        %dma_start3A_83 = arith.constant 0 : i32
        %dma_start3A_84 = tpu.memref_slice %arg10[%dma_start3A_82, %dma_start3A_83] : memref<10240x128xf32, #tpu.memory_space<vmem_shared>> -> memref<10240x128xf32, #tpu.memory_space<vmem_shared>>
        tpu.enqueue_indirect_dma source(%arg8 : memref<128x128xf32, #tpu.memory_space<vmem>>) target(%dma_start3A_84 : memref<10240x128xf32, #tpu.memory_space<vmem_shared>>) offsets(%dma_start3A_81 : memref<128xi32, #tpu.memory_space<vmem>>) semaphore(%run_scoped3A : memref<!tpu.dma_semaphore, #tpu.memory_space<semaphore_mem>>) {add = true}
        %dma_wait3A_85 = arith.constant 0 : i32
        %dma_wait3A_86 = tpu.memref_slice %arg7[%mul3A_53, %dma_wait3A_85] : memref<40x128xi32, #tpu.memory_space<vmem>> -> memref<1x128xi32, #tpu.memory_space<vmem>>
        %dma_wait3A_87 = tpu.memref_squeeze %dma_wait3A_86 : memref<1x128xi32, #tpu.memory_space<vmem>> -> memref<128xi32, #tpu.memory_space<vmem>>
        %dma_wait3A_88 = arith.constant 0 : i32
        %dma_wait3A_89 = arith.constant 0 : i32
        %dma_wait3A_90 = tpu.memref_slice %arg10[%dma_wait3A_88, %dma_wait3A_89] : memref<10240x128xf32, #tpu.memory_space<vmem_shared>> -> memref<10240x128xf32, #tpu.memory_space<vmem_shared>>
        tpu.wait_indirect_dma semaphore(%run_scoped3A : memref<!tpu.dma_semaphore, #tpu.memory_space<semaphore_mem>>) src(%arg8 : memref<128x128xf32, #tpu.memory_space<vmem>>) dst(%dma_wait3A_90 : memref<10240x128xf32, #tpu.memory_space<vmem_shared>>)
        tpu.yield
      }) : () -> ()
      %lt3A = arith.constant 19 : i32
      %lt3A_67 = arith.cmpi slt, %add3A_51, %lt3A : i32
      %convert_element_type3A = arith.extui %lt3A_67 : i1 to i32
      %cond3A = arith.constant 0 : i32
      %cond3A_68 = arith.cmpi ne, %convert_element_type3A, %cond3A : i32
      scf.if %cond3A_68 {
        %add3A_79 = arith.constant 2 : i32
        %add3A_80 = arith.addi %mul3A_53, %add3A_79 : i32
        %dma_start3A_81 = arith.constant 0 : i32
        %dma_start3A_82 = tpu.memref_slice %arg6[%add3A_80, %dma_start3A_81] : memref<40x128xi32, #tpu.memory_space<vmem>> -> memref<1x128xi32, #tpu.memory_space<vmem>>
        %dma_start3A_83 = tpu.memref_squeeze %dma_start3A_82 : memref<1x128xi32, #tpu.memory_space<vmem>> -> memref<128xi32, #tpu.memory_space<vmem>>
        %dma_start3A_84 = arith.constant 0 : i32
        %dma_start3A_85 = arith.constant 0 : i32
        %dma_start3A_86 = tpu.memref_slice %arg2[%dma_start3A_84, %dma_start3A_85] : memref<5120x128xf32, #tpu.memory_space<hbm>> -> memref<5120x128xf32, #tpu.memory_space<hbm>>
        tpu.enqueue_indirect_dma source(%dma_start3A_86 : memref<5120x128xf32, #tpu.memory_space<hbm>>) target(%arg8 : memref<128x128xf32, #tpu.memory_space<vmem>>) offsets(%dma_start3A_83 : memref<128xi32, #tpu.memory_space<vmem>>) semaphore(%arg11 : memref<!tpu.dma_semaphore, #tpu.memory_space<semaphore_mem>>)
      } else {
      }
      %add3A_69 = arith.constant 1 : i32
      %add3A_70 = arith.addi %mul3A_53, %add3A_69 : i32
      %dma_wait3A_71 = arith.constant 0 : i32
      %dma_wait3A_72 = tpu.memref_slice %arg6[%add3A_70, %dma_wait3A_71] : memref<40x128xi32, #tpu.memory_space<vmem>> -> memref<1x128xi32, #tpu.memory_space<vmem>>
      %dma_wait3A_73 = tpu.memref_squeeze %dma_wait3A_72 : memref<1x128xi32, #tpu.memory_space<vmem>> -> memref<128xi32, #tpu.memory_space<vmem>>
      %dma_wait3A_74 = arith.constant 0 : i32
      %dma_wait3A_75 = arith.constant 0 : i32
      %dma_wait3A_76 = tpu.memref_slice %arg2[%dma_wait3A_74, %dma_wait3A_75] : memref<5120x128xf32, #tpu.memory_space<hbm>> -> memref<5120x128xf32, #tpu.memory_space<hbm>>
      tpu.wait_indirect_dma semaphore(%arg12 : memref<!tpu.dma_semaphore, #tpu.memory_space<semaphore_mem>>) src(%dma_wait3A_76 : memref<5120x128xf32, #tpu.memory_space<hbm>>) dst(%arg9 : memref<128x128xf32, #tpu.memory_space<vmem>>)
      %add3A_77 = arith.constant 1 : i32
      %add3A_78 = arith.addi %mul3A_53, %add3A_77 : i32
      "tpu.region"() ({
        %run_scoped3A = tpu.sem_alloc : memref<!tpu.dma_semaphore, #tpu.memory_space<semaphore_mem>>
        %dma_start3A_79 = arith.constant 0 : i32
        %dma_start3A_80 = tpu.memref_slice %arg7[%add3A_78, %dma_start3A_79] : memref<40x128xi32, #tpu.memory_space<vmem>> -> memref<1x128xi32, #tpu.memory_space<vmem>>
        %dma_start3A_81 = tpu.memref_squeeze %dma_start3A_80 : memref<1x128xi32, #tpu.memory_space<vmem>> -> memref<128xi32, #tpu.memory_space<vmem>>
        %dma_start3A_82 = arith.constant 0 : i32
        %dma_start3A_83 = arith.constant 0 : i32
        %dma_start3A_84 = tpu.memref_slice %arg10[%dma_start3A_82, %dma_start3A_83] : memref<10240x128xf32, #tpu.memory_space<vmem_shared>> -> memref<10240x128xf32, #tpu.memory_space<vmem_shared>>
        tpu.enqueue_indirect_dma source(%arg9 : memref<128x128xf32, #tpu.memory_space<vmem>>) target(%dma_start3A_84 : memref<10240x128xf32, #tpu.memory_space<vmem_shared>>) offsets(%dma_start3A_81 : memref<128xi32, #tpu.memory_space<vmem>>) semaphore(%run_scoped3A : memref<!tpu.dma_semaphore, #tpu.memory_space<semaphore_mem>>) {add = true}
        %dma_wait3A_85 = arith.constant 0 : i32
        %dma_wait3A_86 = tpu.memref_slice %arg7[%add3A_78, %dma_wait3A_85] : memref<40x128xi32, #tpu.memory_space<vmem>> -> memref<1x128xi32, #tpu.memory_space<vmem>>
        %dma_wait3A_87 = tpu.memref_squeeze %dma_wait3A_86 : memref<1x128xi32, #tpu.memory_space<vmem>> -> memref<128xi32, #tpu.memory_space<vmem>>
        %dma_wait3A_88 = arith.constant 0 : i32
        %dma_wait3A_89 = arith.constant 0 : i32
        %dma_wait3A_90 = tpu.memref_slice %arg10[%dma_wait3A_88, %dma_wait3A_89] : memref<10240x128xf32, #tpu.memory_space<vmem_shared>> -> memref<10240x128xf32, #tpu.memory_space<vmem_shared>>
        tpu.wait_indirect_dma semaphore(%run_scoped3A : memref<!tpu.dma_semaphore, #tpu.memory_space<semaphore_mem>>) src(%arg9 : memref<128x128xf32, #tpu.memory_space<vmem>>) dst(%dma_wait3A_90 : memref<10240x128xf32, #tpu.memory_space<vmem_shared>>)
        tpu.yield
      }) : () -> ()
    }
    %scan3A_40 = arith.constant 20 : i32
    %barrier3A_41 = arith.constant 0 : index
    tpu.barrier barrier_id(%barrier3A_41)
    %scan3A_42 = arith.constant 0 : i32
    %scan3A_43 = arith.constant 10 : i32
    %scan3A_44 = arith.addi %scan3A_42, %scan3A_43 : i32
    %scan3A_45 = arith.constant 1 : i32
    scf.for %scan3A_47 = %scan3A_42 to %scan3A_44 step %scan3A_45  : i32 {
      %mul3A_48 = arith.constant 1 : i32
      %mul3A_49 = arith.muli %scan3A_47, %mul3A_48 : i32
      %add3A_50 = arith.constant 0 : i32
      %add3A_51 = arith.addi %add3A_50, %mul3A_49 : i32
      %mul3A_52 = arith.constant 640 : i32
      %mul3A_53 = arith.muli %arg1, %mul3A_52 : i32
      %mul3A_54 = arith.constant 64 : i32
      %mul3A_55 = arith.muli %add3A_51, %mul3A_54 : i32
      %add3A_56 = arith.addi %mul3A_53, %mul3A_55 : i32
      "tpu.region"() ({
        %run_scoped3A = tpu.sem_alloc : memref<!tpu.dma_semaphore, #tpu.memory_space<semaphore_mem>>
        %dma_start3A_57 = arith.constant 0 : i32
        %dma_start3A_58 = arith.constant 0 : i32
        %dma_start3A_59 = tpu.memref_slice %arg8[%dma_start3A_57, %dma_start3A_58] : memref<128x128xf32, #tpu.memory_space<vmem>> -> memref<64x128xf32, #tpu.memory_space<vmem>>
        %dma_start3A_60 = arith.constant 0 : i32
        %dma_start3A_61 = tpu.memref_slice %arg10[%add3A_56, %dma_start3A_60] : memref<10240x128xf32, #tpu.memory_space<vmem_shared>> -> memref<64x128xf32, #tpu.memory_space<vmem_shared>>
        %dma_start3A_62 = arith.constant 0 : i32
        %dma_start3A_63 = arith.constant 0 : i32
        %dma_start3A_64 = tpu.memref_slice %arg8[%dma_start3A_62, %dma_start3A_63] : memref<128x128xf32, #tpu.memory_space<vmem>> -> memref<64x128xf32, #tpu.memory_space<vmem>>
        %dma_start3A_65 = arith.constant 0 : i32
        %dma_start3A_66 = tpu.memref_slice %arg10[%add3A_56, %dma_start3A_65] : memref<10240x128xf32, #tpu.memory_space<vmem_shared>> -> memref<64x128xf32, #tpu.memory_space<vmem_shared>>
        tpu.enqueue_dma source(%dma_start3A_66 : memref<64x128xf32, #tpu.memory_space<vmem_shared>>) target(%dma_start3A_64 : memref<64x128xf32, #tpu.memory_space<vmem>>) target_semaphore(%run_scoped3A : memref<!tpu.dma_semaphore, #tpu.memory_space<semaphore_mem>>)
        %dma_wait3A = arith.constant 0 : i32
        %dma_wait3A_67 = arith.constant 0 : i32
        %dma_wait3A_68 = tpu.memref_slice %arg8[%dma_wait3A, %dma_wait3A_67] : memref<128x128xf32, #tpu.memory_space<vmem>> -> memref<64x128xf32, #tpu.memory_space<vmem>>
        %dma_wait3A_69 = arith.constant 0 : i32
        %dma_wait3A_70 = tpu.memref_slice %arg10[%add3A_56, %dma_wait3A_69] : memref<10240x128xf32, #tpu.memory_space<vmem_shared>> -> memref<64x128xf32, #tpu.memory_space<vmem_shared>>
        %dma_wait3A_71 = arith.constant 0 : i32
        %dma_wait3A_72 = arith.constant 0 : i32
        %dma_wait3A_73 = tpu.memref_slice %arg8[%dma_wait3A_71, %dma_wait3A_72] : memref<128x128xf32, #tpu.memory_space<vmem>> -> memref<64x128xf32, #tpu.memory_space<vmem>>
        %dma_wait3A_74 = arith.constant 0 : i32
        %dma_wait3A_75 = tpu.memref_slice %arg10[%add3A_56, %dma_wait3A_74] : memref<10240x128xf32, #tpu.memory_space<vmem_shared>> -> memref<64x128xf32, #tpu.memory_space<vmem_shared>>
        tpu.wait_dma2 semaphore(%run_scoped3A : memref<!tpu.dma_semaphore, #tpu.memory_space<semaphore_mem>>) src(%dma_wait3A_75 : memref<64x128xf32, #tpu.memory_space<vmem_shared>>) dst(%dma_wait3A_73 : memref<64x128xf32, #tpu.memory_space<vmem>>)
        tpu.yield
      }) : () -> ()
      "tpu.region"() ({
        %run_scoped3A = tpu.sem_alloc : memref<!tpu.dma_semaphore, #tpu.memory_space<semaphore_mem>>
        %dma_start3A_57 = arith.constant 0 : i32
        %dma_start3A_58 = arith.constant 0 : i32
        %dma_start3A_59 = tpu.memref_slice %arg8[%dma_start3A_57, %dma_start3A_58] : memref<128x128xf32, #tpu.memory_space<vmem>> -> memref<64x128xf32, #tpu.memory_space<vmem>>
        %dma_start3A_60 = arith.constant 0 : i32
        %dma_start3A_61 = tpu.memref_slice %arg5[%arg0, %add3A_56, %dma_start3A_60] : memref<2x10240x128xf32, #tpu.memory_space<hbm>> -> memref<1x64x128xf32, #tpu.memory_space<hbm>>
        %dma_start3A_62 = tpu.memref_squeeze %dma_start3A_61 : memref<1x64x128xf32, #tpu.memory_space<hbm>> -> memref<64x128xf32, #tpu.memory_space<hbm>>
        %dma_start3A_63 = arith.constant 0 : i32
        %dma_start3A_64 = tpu.memref_slice %arg5[%arg0, %add3A_56, %dma_start3A_63] : memref<2x10240x128xf32, #tpu.memory_space<hbm>> -> memref<1x64x128xf32, #tpu.memory_space<hbm>>
        %dma_start3A_65 = tpu.memref_squeeze %dma_start3A_64 : memref<1x64x128xf32, #tpu.memory_space<hbm>> -> memref<64x128xf32, #tpu.memory_space<hbm>>
        %dma_start3A_66 = arith.constant 0 : i32
        %dma_start3A_67 = arith.constant 0 : i32
        %dma_start3A_68 = tpu.memref_slice %arg8[%dma_start3A_66, %dma_start3A_67] : memref<128x128xf32, #tpu.memory_space<vmem>> -> memref<64x128xf32, #tpu.memory_space<vmem>>
        tpu.enqueue_dma source(%dma_start3A_68 : memref<64x128xf32, #tpu.memory_space<vmem>>) target(%dma_start3A_65 : memref<64x128xf32, #tpu.memory_space<hbm>>) target_semaphore(%run_scoped3A : memref<!tpu.dma_semaphore, #tpu.memory_space<semaphore_mem>>)
        %dma_wait3A = arith.constant 0 : i32
        %dma_wait3A_69 = arith.constant 0 : i32
        %dma_wait3A_70 = tpu.memref_slice %arg8[%dma_wait3A, %dma_wait3A_69] : memref<128x128xf32, #tpu.memory_space<vmem>> -> memref<64x128xf32, #tpu.memory_space<vmem>>
        %dma_wait3A_71 = arith.constant 0 : i32
        %dma_wait3A_72 = tpu.memref_slice %arg5[%arg0, %add3A_56, %dma_wait3A_71] : memref<2x10240x128xf32, #tpu.memory_space<hbm>> -> memref<1x64x128xf32, #tpu.memory_space<hbm>>
        %dma_wait3A_73 = tpu.memref_squeeze %dma_wait3A_72 : memref<1x64x128xf32, #tpu.memory_space<hbm>> -> memref<64x128xf32, #tpu.memory_space<hbm>>
        %dma_wait3A_74 = arith.constant 0 : i32
        %dma_wait3A_75 = tpu.memref_slice %arg5[%arg0, %add3A_56, %dma_wait3A_74] : memref<2x10240x128xf32, #tpu.memory_space<hbm>> -> memref<1x64x128xf32, #tpu.memory_space<hbm>>
        %dma_wait3A_76 = tpu.memref_squeeze %dma_wait3A_75 : memref<1x64x128xf32, #tpu.memory_space<hbm>> -> memref<64x128xf32, #tpu.memory_space<hbm>>
        %dma_wait3A_77 = arith.constant 0 : i32
        %dma_wait3A_78 = arith.constant 0 : i32
        %dma_wait3A_79 = tpu.memref_slice %arg8[%dma_wait3A_77, %dma_wait3A_78] : memref<128x128xf32, #tpu.memory_space<vmem>> -> memref<64x128xf32, #tpu.memory_space<vmem>>
        tpu.wait_dma2 semaphore(%run_scoped3A : memref<!tpu.dma_semaphore, #tpu.memory_space<semaphore_mem>>) src(%dma_wait3A_79 : memref<64x128xf32, #tpu.memory_space<vmem>>) dst(%dma_wait3A_76 : memref<64x128xf32, #tpu.memory_space<hbm>>)
        tpu.yield
      }) : () -> ()
    }
    %scan3A_46 = arith.constant 10 : i32
    return
  }
}

module attributes {stable_mosaic.version = 14 : i64} {
  func.func @_a_body(%arg0: i32, %arg1: memref<512x5xf32, #tpu.memory_space<vmem>>, %arg2: memref<512x128xf32, #tpu.memory_space<vmem>>, %arg3: memref<5x128xf32, #tpu.memory_space<vmem>>, %arg4: memref<128xf32, #tpu.memory_space<vmem>>, %arg5: memref<128x128xf32, #tpu.memory_space<vmem>>, %arg6: memref<128xf32, #tpu.memory_space<vmem>>, %arg7: memref<128x128xf32, #tpu.memory_space<vmem>>, %arg8: memref<128xf32, #tpu.memory_space<vmem>>, %arg9: memref<512x128xf32, #tpu.memory_space<vmem>>, %arg10: memref<512x128xf32, #tpu.memory_space<vmem>>) attributes {dimension_semantics = [#tpu.dimension_semantics<arbitrary>], iteration_bounds = array<i64: 20>, scalar_prefetch = 0 : i64, scratch_operands = 0 : i64, tpu.core_type = #tpu.core_type<tc>, window_params = [{transform_indices = @transform_0, window_bounds = array<i64: 512, 5>}, {transform_indices = @transform_1, window_bounds = array<i64: 512, 128>}, {pipeline_mode = #tpu.pipeline_mode<synchronous>, transform_indices = @transform_2, window_bounds = array<i64: 5, 128>}, {pipeline_mode = #tpu.pipeline_mode<synchronous>, transform_indices = @transform_3, window_bounds = array<i64: 128>}, {pipeline_mode = #tpu.pipeline_mode<synchronous>, transform_indices = @transform_4, window_bounds = array<i64: 128, 128>}, {pipeline_mode = #tpu.pipeline_mode<synchronous>, transform_indices = @transform_5, window_bounds = array<i64: 128>}, {pipeline_mode = #tpu.pipeline_mode<synchronous>, transform_indices = @transform_6, window_bounds = array<i64: 128, 128>}, {pipeline_mode = #tpu.pipeline_mode<synchronous>, transform_indices = @transform_7, window_bounds = array<i64: 128>}, {transform_indices = @transform_8, window_bounds = array<i64: 512, 128>}, {transform_indices = @transform_9, window_bounds = array<i64: 512, 128>}]} {
    %get3A = arith.constant 0 : index
    %get3A_0 = arith.constant 0 : index
    %get3A_1 = vector.load %arg1[%get3A, %get3A_0] : memref<512x5xf32, #tpu.memory_space<vmem>>, vector<512x5xf32>
    %get3A_2 = arith.constant 0 : index
    %get3A_3 = arith.constant 0 : index
    %get3A_4 = vector.load %arg3[%get3A_2, %get3A_3] : memref<5x128xf32, #tpu.memory_space<vmem>>, vector<5x128xf32>
    %dot_general3A = arith.constant dense<0.000000e+00> : vector<512x128xf32>
    %dot_general3A_5 = tpu.matmul %get3A_1, %get3A_4, %dot_general3A {dimension_numbers = #tpu.dot_dimension_numbers<[1], [0], [0], [1], [0, 0, 1, 1], [], []>, transpose_lhs_hint = false} : vector<512x5xf32>, vector<5x128xf32>, vector<512x128xf32> -> vector<512x128xf32>
    %get3A_6 = arith.constant 0 : index
    %get3A_7 = vector.load %arg4[%get3A_6] : memref<128xf32, #tpu.memory_space<vmem>>, vector<128xf32>
    %broadcast_in_dim3A = vector.shape_cast %get3A_7 : vector<128xf32> to vector<1x128xf32>
    %add3A = vector.broadcast %broadcast_in_dim3A : vector<1x128xf32> to vector<512x128xf32>
    %add3A_8 = arith.addf %dot_general3A_5, %add3A : vector<512x128xf32>
    %max3A = arith.constant 0.000000e+00 : f32
    %max3A_9 = vector.broadcast %max3A : f32 to vector<512x128xf32>
    %max3A_10 = arith.maximumf %add3A_8, %max3A_9 : vector<512x128xf32>
    %get3A_11 = arith.constant 0 : index
    %get3A_12 = arith.constant 0 : index
    %get3A_13 = vector.load %arg5[%get3A_11, %get3A_12] : memref<128x128xf32, #tpu.memory_space<vmem>>, vector<128x128xf32>
    %dot_general3A_14 = arith.constant dense<0.000000e+00> : vector<512x128xf32>
    %dot_general3A_15 = tpu.matmul %max3A_10, %get3A_13, %dot_general3A_14 {dimension_numbers = #tpu.dot_dimension_numbers<[1], [0], [0], [1], [0, 0, 1, 1], [], []>, transpose_lhs_hint = false} : vector<512x128xf32>, vector<128x128xf32>, vector<512x128xf32> -> vector<512x128xf32>
    %get3A_16 = arith.constant 0 : index
    %get3A_17 = vector.load %arg6[%get3A_16] : memref<128xf32, #tpu.memory_space<vmem>>, vector<128xf32>
    %broadcast_in_dim3A_18 = vector.shape_cast %get3A_17 : vector<128xf32> to vector<1x128xf32>
    %add3A_19 = vector.broadcast %broadcast_in_dim3A_18 : vector<1x128xf32> to vector<512x128xf32>
    %add3A_20 = arith.addf %dot_general3A_15, %add3A_19 : vector<512x128xf32>
    %max3A_21 = arith.constant 0.000000e+00 : f32
    %max3A_22 = vector.broadcast %max3A_21 : f32 to vector<512x128xf32>
    %max3A_23 = arith.maximumf %add3A_20, %max3A_22 : vector<512x128xf32>
    %swap3A = arith.constant 0 : index
    %swap3A_24 = arith.constant 0 : index
    %swap3A_25 = vector.load %arg9[%swap3A, %swap3A_24] : memref<512x128xf32, #tpu.memory_space<vmem>>, vector<512x128xf32>
    tpu.vector_store %arg9[%swap3A, %swap3A_24], %max3A_23 {strides = array<i32>} : memref<512x128xf32, #tpu.memory_space<vmem>>, vector<512x128xf32>,
    %get3A_26 = arith.constant 0 : index
    %get3A_27 = arith.constant 0 : index
    %get3A_28 = vector.load %arg2[%get3A_26, %get3A_27] : memref<512x128xf32, #tpu.memory_space<vmem>>, vector<512x128xf32>
    %get3A_29 = arith.constant 0 : index
    %get3A_30 = arith.constant 0 : index
    %get3A_31 = vector.load %arg7[%get3A_29, %get3A_30] : memref<128x128xf32, #tpu.memory_space<vmem>>, vector<128x128xf32>
    %dot_general3A_32 = arith.constant dense<0.000000e+00> : vector<512x128xf32>
    %dot_general3A_33 = tpu.matmul %get3A_28, %get3A_31, %dot_general3A_32 {dimension_numbers = #tpu.dot_dimension_numbers<[1], [0], [0], [1], [0, 0, 1, 1], [], []>, transpose_lhs_hint = false} : vector<512x128xf32>, vector<128x128xf32>, vector<512x128xf32> -> vector<512x128xf32>
    %get3A_34 = arith.constant 0 : index
    %get3A_35 = vector.load %arg8[%get3A_34] : memref<128xf32, #tpu.memory_space<vmem>>, vector<128xf32>
    %broadcast_in_dim3A_36 = vector.shape_cast %get3A_35 : vector<128xf32> to vector<1x128xf32>
    %add3A_37 = vector.broadcast %broadcast_in_dim3A_36 : vector<1x128xf32> to vector<512x128xf32>
    %add3A_38 = arith.addf %dot_general3A_33, %add3A_37 : vector<512x128xf32>
    %max3A_39 = arith.constant 0.000000e+00 : f32
    %max3A_40 = vector.broadcast %max3A_39 : f32 to vector<512x128xf32>
    %max3A_41 = arith.maximumf %add3A_38, %max3A_40 : vector<512x128xf32>
    %swap3A_42 = arith.constant 0 : index
    %swap3A_43 = arith.constant 0 : index
    %swap3A_44 = vector.load %arg10[%swap3A_42, %swap3A_43] : memref<512x128xf32, #tpu.memory_space<vmem>>, vector<512x128xf32>
    tpu.vector_store %arg10[%swap3A_42, %swap3A_43], %max3A_41 {strides = array<i32>} : memref<512x128xf32, #tpu.memory_space<vmem>>, vector<512x128xf32>,
    return
  }
  func.func @transform_0(%arg0: i32) -> (i32, i32) {
    %c0_i32 = arith.constant 0 : i32
    %c0_i32_0 = arith.constant 0 : i32
    return %arg0, %c0_i32 : i32, i32
  }
  func.func @transform_1(%arg0: i32) -> (i32, i32) {
    %c0_i32 = arith.constant 0 : i32
    %c0_i32_0 = arith.constant 0 : i32
    return %arg0, %c0_i32 : i32, i32
  }
  func.func @transform_2(%arg0: i32) -> (i32, i32) {
    %c0_i32 = arith.constant 0 : i32
    %c0_i32_0 = arith.constant 0 : i32
    %c0_i32_1 = arith.constant 0 : i32
    return %c0_i32, %c0_i32_0 : i32, i32
  }
  func.func @transform_3(%arg0: i32) -> i32 {
    %c0_i32 = arith.constant 0 : i32
    %c0_i32_0 = arith.constant 0 : i32
    return %c0_i32 : i32
  }
  func.func @transform_4(%arg0: i32) -> (i32, i32) {
    %c0_i32 = arith.constant 0 : i32
    %c0_i32_0 = arith.constant 0 : i32
    %c0_i32_1 = arith.constant 0 : i32
    return %c0_i32, %c0_i32_0 : i32, i32
  }
  func.func @transform_5(%arg0: i32) -> i32 {
    %c0_i32 = arith.constant 0 : i32
    %c0_i32_0 = arith.constant 0 : i32
    return %c0_i32 : i32
  }
  func.func @transform_6(%arg0: i32) -> (i32, i32) {
    %c0_i32 = arith.constant 0 : i32
    %c0_i32_0 = arith.constant 0 : i32
    %c0_i32_1 = arith.constant 0 : i32
    return %c0_i32, %c0_i32_0 : i32, i32
  }
  func.func @transform_7(%arg0: i32) -> i32 {
    %c0_i32 = arith.constant 0 : i32
    %c0_i32_0 = arith.constant 0 : i32
    return %c0_i32 : i32
  }
  func.func @transform_8(%arg0: i32) -> (i32, i32) {
    %c0_i32 = arith.constant 0 : i32
    %c0_i32_0 = arith.constant 0 : i32
    return %arg0, %c0_i32 : i32, i32
  }
  func.func @transform_9(%arg0: i32) -> (i32, i32) {
    %c0_i32 = arith.constant 0 : i32
    %c0_i32_0 = arith.constant 0 : i32
    return %arg0, %c0_i32 : i32, i32
  }
}

module attributes {stable_mosaic.version = 14 : i64} {
  func.func @_e_body(%arg0: i32, %arg1: memref<2x512x128xf32, #tpu.memory_space<vmem>>, %arg2: memref<512x128xf32, #tpu.memory_space<vmem>>, %arg3: memref<512x128xf32, #tpu.memory_space<vmem>>) attributes {dimension_semantics = [#tpu.dimension_semantics<arbitrary>], iteration_bounds = array<i64: 10>, scalar_prefetch = 0 : i64, scratch_operands = 0 : i64, tpu.core_type = #tpu.core_type<tc>, window_params = [{transform_indices = @transform_0, window_bounds = array<i64: 2, 512, 128>}, {transform_indices = @transform_1, window_bounds = array<i64: 512, 128>}, {transform_indices = @transform_2, window_bounds = array<i64: 512, 128>}]} {
    %get3A = arith.constant 0 : index
    %get3A_0 = arith.constant 0 : index
    %get3A_1 = arith.constant 0 : index
    %get3A_2 = vector.load %arg1[%get3A, %get3A_0, %get3A_1] : memref<2x512x128xf32, #tpu.memory_space<vmem>>, vector<1x512x128xf32>
    %get3A_3 = vector.shape_cast %get3A_2 : vector<1x512x128xf32> to vector<512x128xf32>
    %get3A_4 = arith.constant 1 : index
    %get3A_5 = arith.constant 0 : index
    %get3A_6 = arith.constant 0 : index
    %get3A_7 = vector.load %arg1[%get3A_4, %get3A_5, %get3A_6] : memref<2x512x128xf32, #tpu.memory_space<vmem>>, vector<1x512x128xf32>
    %get3A_8 = vector.shape_cast %get3A_7 : vector<1x512x128xf32> to vector<512x128xf32>
    %add3A = arith.addf %get3A_3, %get3A_8 : vector<512x128xf32>
    %get3A_9 = arith.constant 0 : index
    %get3A_10 = arith.constant 0 : index
    %get3A_11 = vector.load %arg2[%get3A_9, %get3A_10] : memref<512x128xf32, #tpu.memory_space<vmem>>, vector<512x128xf32>
    %slice3A = vector.extract_strided_slice %get3A_11 {offsets = [0, 0], sizes = [512, 1], strides = [1, 1]} : vector<512x128xf32> to vector<512x1xf32>
    %squeeze3A = vector.shape_cast %slice3A : vector<512x1xf32> to vector<512xf32>
    %max3A = arith.constant 1.000000e+00 : f32
    %max3A_12 = vector.broadcast %max3A : f32 to vector<512xf32>
    %max3A_13 = arith.maximumf %squeeze3A, %max3A_12 : vector<512xf32>
    %div3A = arith.constant 1.000000e+00 : f32
    %div3A_14 = vector.broadcast %div3A : f32 to vector<512xf32>
    %div3A_15 = arith.divf %div3A_14, %max3A_13 : vector<512xf32>
    %broadcast_in_dim3A = vector.shape_cast %div3A_15 : vector<512xf32> to vector<512x1xf32>
    %mul3A = vector.broadcast %broadcast_in_dim3A : vector<512x1xf32> to vector<512x128xf32>
    %mul3A_16 = arith.mulf %add3A, %mul3A : vector<512x128xf32>
    %swap3A = arith.constant 0 : index
    %swap3A_17 = arith.constant 0 : index
    %swap3A_18 = vector.load %arg3[%swap3A, %swap3A_17] : memref<512x128xf32, #tpu.memory_space<vmem>>, vector<512x128xf32>
    tpu.vector_store %arg3[%swap3A, %swap3A_17], %mul3A_16 {strides = array<i32>} : memref<512x128xf32, #tpu.memory_space<vmem>>, vector<512x128xf32>,
    return
  }
  func.func @transform_0(%arg0: i32) -> (i32, i32, i32) {
    %c0_i32 = arith.constant 0 : i32
    %c0_i32_0 = arith.constant 0 : i32
    %c0_i32_1 = arith.constant 0 : i32
    return %c0_i32, %arg0, %c0_i32_0 : i32, i32, i32
  }
  func.func @transform_1(%arg0: i32) -> (i32, i32) {
    %c0_i32 = arith.constant 0 : i32
    %c0_i32_0 = arith.constant 0 : i32
    return %arg0, %c0_i32 : i32, i32
  }
  func.func @transform_2(%arg0: i32) -> (i32, i32) {
    %c0_i32 = arith.constant 0 : i32
    %c0_i32_0 = arith.constant 0 : i32
    return %arg0, %c0_i32 : i32, i32
  }
}

module attributes {stable_mosaic.version = 14 : i64} {
  func.func @_b_body(%arg0: i32, %arg1: memref<2x512x128xf32, #tpu.memory_space<vmem>>, %arg2: memref<512x128xf32, #tpu.memory_space<vmem>>, %arg3: memref<512x128xf32, #tpu.memory_space<vmem>>, %arg4: memref<128x128xf32, #tpu.memory_space<vmem>>, %arg5: memref<128xf32, #tpu.memory_space<vmem>>, %arg6: memref<128x128xf32, #tpu.memory_space<vmem>>, %arg7: memref<128xf32, #tpu.memory_space<vmem>>, %arg8: memref<128x128xf32, #tpu.memory_space<vmem>>, %arg9: memref<128xf32, #tpu.memory_space<vmem>>, %arg10: memref<512x128xf32, #tpu.memory_space<vmem>>, %arg11: memref<512x128xf32, #tpu.memory_space<vmem>>) attributes {dimension_semantics = [#tpu.dimension_semantics<arbitrary>], iteration_bounds = array<i64: 20>, scalar_prefetch = 0 : i64, scratch_operands = 0 : i64, tpu.core_type = #tpu.core_type<tc>, window_params = [{transform_indices = @transform_0, window_bounds = array<i64: 2, 512, 128>}, {transform_indices = @transform_1, window_bounds = array<i64: 512, 128>}, {transform_indices = @transform_2, window_bounds = array<i64: 512, 128>}, {pipeline_mode = #tpu.pipeline_mode<synchronous>, transform_indices = @transform_3, window_bounds = array<i64: 128, 128>}, {pipeline_mode = #tpu.pipeline_mode<synchronous>, transform_indices = @transform_4, window_bounds = array<i64: 128>}, {pipeline_mode = #tpu.pipeline_mode<synchronous>, transform_indices = @transform_5, window_bounds = array<i64: 128, 128>}, {pipeline_mode = #tpu.pipeline_mode<synchronous>, transform_indices = @transform_6, window_bounds = array<i64: 128>}, {pipeline_mode = #tpu.pipeline_mode<synchronous>, transform_indices = @transform_7, window_bounds = array<i64: 128, 128>}, {pipeline_mode = #tpu.pipeline_mode<synchronous>, transform_indices = @transform_8, window_bounds = array<i64: 128>}, {transform_indices = @transform_9, window_bounds = array<i64: 512, 128>}, {transform_indices = @transform_10, window_bounds = array<i64: 512, 128>}]} {
    %get3A = arith.constant 0 : index
    %get3A_0 = arith.constant 0 : index
    %get3A_1 = arith.constant 0 : index
    %get3A_2 = vector.load %arg1[%get3A, %get3A_0, %get3A_1] : memref<2x512x128xf32, #tpu.memory_space<vmem>>, vector<1x512x128xf32>
    %get3A_3 = vector.shape_cast %get3A_2 : vector<1x512x128xf32> to vector<512x128xf32>
    %get3A_4 = arith.constant 1 : index
    %get3A_5 = arith.constant 0 : index
    %get3A_6 = arith.constant 0 : index
    %get3A_7 = vector.load %arg1[%get3A_4, %get3A_5, %get3A_6] : memref<2x512x128xf32, #tpu.memory_space<vmem>>, vector<1x512x128xf32>
    %get3A_8 = vector.shape_cast %get3A_7 : vector<1x512x128xf32> to vector<512x128xf32>
    %add3A = arith.addf %get3A_3, %get3A_8 : vector<512x128xf32>
    %get3A_9 = arith.constant 0 : index
    %get3A_10 = arith.constant 0 : index
    %get3A_11 = vector.load %arg2[%get3A_9, %get3A_10] : memref<512x128xf32, #tpu.memory_space<vmem>>, vector<512x128xf32>
    %slice3A = vector.extract_strided_slice %get3A_11 {offsets = [0, 0], sizes = [512, 1], strides = [1, 1]} : vector<512x128xf32> to vector<512x1xf32>
    %squeeze3A = vector.shape_cast %slice3A : vector<512x1xf32> to vector<512xf32>
    %max3A = arith.constant 1.000000e+00 : f32
    %max3A_12 = vector.broadcast %max3A : f32 to vector<512xf32>
    %max3A_13 = arith.maximumf %squeeze3A, %max3A_12 : vector<512xf32>
    %div3A = arith.constant 1.000000e+00 : f32
    %div3A_14 = vector.broadcast %div3A : f32 to vector<512xf32>
    %div3A_15 = arith.divf %div3A_14, %max3A_13 : vector<512xf32>
    %broadcast_in_dim3A = vector.shape_cast %div3A_15 : vector<512xf32> to vector<512x1xf32>
    %mul3A = vector.broadcast %broadcast_in_dim3A : vector<512x1xf32> to vector<512x128xf32>
    %mul3A_16 = arith.mulf %add3A, %mul3A : vector<512x128xf32>
    %get3A_17 = arith.constant 0 : index
    %get3A_18 = arith.constant 0 : index
    %get3A_19 = vector.load %arg4[%get3A_17, %get3A_18] : memref<128x128xf32, #tpu.memory_space<vmem>>, vector<128x128xf32>
    %dot_general3A = arith.constant dense<0.000000e+00> : vector<512x128xf32>
    %dot_general3A_20 = tpu.matmul %mul3A_16, %get3A_19, %dot_general3A {dimension_numbers = #tpu.dot_dimension_numbers<[1], [0], [0], [1], [0, 0, 1, 1], [], []>, transpose_lhs_hint = false} : vector<512x128xf32>, vector<128x128xf32>, vector<512x128xf32> -> vector<512x128xf32>
    %get3A_21 = arith.constant 0 : index
    %get3A_22 = vector.load %arg5[%get3A_21] : memref<128xf32, #tpu.memory_space<vmem>>, vector<128xf32>
    %broadcast_in_dim3A_23 = vector.shape_cast %get3A_22 : vector<128xf32> to vector<1x128xf32>
    %add3A_24 = vector.broadcast %broadcast_in_dim3A_23 : vector<1x128xf32> to vector<512x128xf32>
    %add3A_25 = arith.addf %dot_general3A_20, %add3A_24 : vector<512x128xf32>
    %max3A_26 = arith.constant 0.000000e+00 : f32
    %max3A_27 = vector.broadcast %max3A_26 : f32 to vector<512x128xf32>
    %max3A_28 = arith.maximumf %add3A_25, %max3A_27 : vector<512x128xf32>
    %get3A_29 = arith.constant 0 : index
    %get3A_30 = arith.constant 0 : index
    %get3A_31 = vector.load %arg3[%get3A_29, %get3A_30] : memref<512x128xf32, #tpu.memory_space<vmem>>, vector<512x128xf32>
    %get3A_32 = arith.constant 0 : index
    %get3A_33 = arith.constant 0 : index
    %get3A_34 = vector.load %arg6[%get3A_32, %get3A_33] : memref<128x128xf32, #tpu.memory_space<vmem>>, vector<128x128xf32>
    %dot_general3A_35 = arith.constant dense<0.000000e+00> : vector<512x128xf32>
    %dot_general3A_36 = tpu.matmul %get3A_31, %get3A_34, %dot_general3A_35 {dimension_numbers = #tpu.dot_dimension_numbers<[1], [0], [0], [1], [0, 0, 1, 1], [], []>, transpose_lhs_hint = false} : vector<512x128xf32>, vector<128x128xf32>, vector<512x128xf32> -> vector<512x128xf32>
    %get3A_37 = arith.constant 0 : index
    %get3A_38 = vector.load %arg7[%get3A_37] : memref<128xf32, #tpu.memory_space<vmem>>, vector<128xf32>
    %broadcast_in_dim3A_39 = vector.shape_cast %get3A_38 : vector<128xf32> to vector<1x128xf32>
    %add3A_40 = vector.broadcast %broadcast_in_dim3A_39 : vector<1x128xf32> to vector<512x128xf32>
    %add3A_41 = arith.addf %dot_general3A_36, %add3A_40 : vector<512x128xf32>
    %swap3A = arith.constant 0 : index
    %swap3A_42 = arith.constant 0 : index
    %swap3A_43 = vector.load %arg10[%swap3A, %swap3A_42] : memref<512x128xf32, #tpu.memory_space<vmem>>, vector<512x128xf32>
    tpu.vector_store %arg10[%swap3A, %swap3A_42], %add3A_41 {strides = array<i32>} : memref<512x128xf32, #tpu.memory_space<vmem>>, vector<512x128xf32>,
    %mul3A_44 = arith.mulf %max3A_28, %add3A_41 : vector<512x128xf32>
    %add3A_45 = arith.addf %max3A_28, %mul3A_44 : vector<512x128xf32>
    %max3A_46 = arith.constant 0.000000e+00 : f32
    %max3A_47 = vector.broadcast %max3A_46 : f32 to vector<512x128xf32>
    %max3A_48 = arith.maximumf %add3A_45, %max3A_47 : vector<512x128xf32>
    %get3A_49 = arith.constant 0 : index
    %get3A_50 = arith.constant 0 : index
    %get3A_51 = vector.load %arg8[%get3A_49, %get3A_50] : memref<128x128xf32, #tpu.memory_space<vmem>>, vector<128x128xf32>
    %dot_general3A_52 = arith.constant dense<0.000000e+00> : vector<512x128xf32>
    %dot_general3A_53 = tpu.matmul %max3A_48, %get3A_51, %dot_general3A_52 {dimension_numbers = #tpu.dot_dimension_numbers<[1], [0], [0], [1], [0, 0, 1, 1], [], []>, transpose_lhs_hint = false} : vector<512x128xf32>, vector<128x128xf32>, vector<512x128xf32> -> vector<512x128xf32>
    %get3A_54 = arith.constant 0 : index
    %get3A_55 = vector.load %arg9[%get3A_54] : memref<128xf32, #tpu.memory_space<vmem>>, vector<128xf32>
    %broadcast_in_dim3A_56 = vector.shape_cast %get3A_55 : vector<128xf32> to vector<1x128xf32>
    %add3A_57 = vector.broadcast %broadcast_in_dim3A_56 : vector<1x128xf32> to vector<512x128xf32>
    %add3A_58 = arith.addf %dot_general3A_53, %add3A_57 : vector<512x128xf32>
    %max3A_59 = arith.constant 0.000000e+00 : f32
    %max3A_60 = vector.broadcast %max3A_59 : f32 to vector<512x128xf32>
    %max3A_61 = arith.maximumf %add3A_58, %max3A_60 : vector<512x128xf32>
    %swap3A_62 = arith.constant 0 : index
    %swap3A_63 = arith.constant 0 : index
    %swap3A_64 = vector.load %arg11[%swap3A_62, %swap3A_63] : memref<512x128xf32, #tpu.memory_space<vmem>>, vector<512x128xf32>
    tpu.vector_store %arg11[%swap3A_62, %swap3A_63], %max3A_61 {strides = array<i32>} : memref<512x128xf32, #tpu.memory_space<vmem>>, vector<512x128xf32>,
    return
  }
  func.func @transform_0(%arg0: i32) -> (i32, i32, i32) {
    %c0_i32 = arith.constant 0 : i32
    %c0_i32_0 = arith.constant 0 : i32
    %c0_i32_1 = arith.constant 0 : i32
    return %c0_i32, %arg0, %c0_i32_0 : i32, i32, i32
  }
  func.func @transform_1(%arg0: i32) -> (i32, i32) {
    %c0_i32 = arith.constant 0 : i32
    %c0_i32_0 = arith.constant 0 : i32
    return %arg0, %c0_i32 : i32, i32
  }
  func.func @transform_2(%arg0: i32) -> (i32, i32) {
    %c0_i32 = arith.constant 0 : i32
    %c0_i32_0 = arith.constant 0 : i32
    return %arg0, %c0_i32 : i32, i32
  }
  func.func @transform_3(%arg0: i32) -> (i32, i32) {
    %c0_i32 = arith.constant 0 : i32
    %c0_i32_0 = arith.constant 0 : i32
    %c0_i32_1 = arith.constant 0 : i32
    return %c0_i32, %c0_i32_0 : i32, i32
  }
  func.func @transform_4(%arg0: i32) -> i32 {
    %c0_i32 = arith.constant 0 : i32
    %c0_i32_0 = arith.constant 0 : i32
    return %c0_i32 : i32
  }
  func.func @transform_5(%arg0: i32) -> (i32, i32) {
    %c0_i32 = arith.constant 0 : i32
    %c0_i32_0 = arith.constant 0 : i32
    %c0_i32_1 = arith.constant 0 : i32
    return %c0_i32, %c0_i32_0 : i32, i32
  }
  func.func @transform_6(%arg0: i32) -> i32 {
    %c0_i32 = arith.constant 0 : i32
    %c0_i32_0 = arith.constant 0 : i32
    return %c0_i32 : i32
  }
  func.func @transform_7(%arg0: i32) -> (i32, i32) {
    %c0_i32 = arith.constant 0 : i32
    %c0_i32_0 = arith.constant 0 : i32
    %c0_i32_1 = arith.constant 0 : i32
    return %c0_i32, %c0_i32_0 : i32, i32
  }
  func.func @transform_8(%arg0: i32) -> i32 {
    %c0_i32 = arith.constant 0 : i32
    %c0_i32_0 = arith.constant 0 : i32
    return %c0_i32 : i32
  }
  func.func @transform_9(%arg0: i32) -> (i32, i32) {
    %c0_i32 = arith.constant 0 : i32
    %c0_i32_0 = arith.constant 0 : i32
    return %arg0, %c0_i32 : i32, i32
  }
  func.func @transform_10(%arg0: i32) -> (i32, i32) {
    %c0_i32 = arith.constant 0 : i32
    %c0_i32_0 = arith.constant 0 : i32
    return %arg0, %c0_i32 : i32, i32
  }
}

module attributes {stable_mosaic.version = 14 : i64} {
  func.func @_c_body(%arg0: i32, %arg1: memref<2x512x128xf32, #tpu.memory_space<vmem>>, %arg2: memref<512x128xf32, #tpu.memory_space<vmem>>, %arg3: memref<512x128xf32, #tpu.memory_space<vmem>>, %arg4: memref<128x128xf32, #tpu.memory_space<vmem>>, %arg5: memref<128xf32, #tpu.memory_space<vmem>>, %arg6: memref<128x128xf32, #tpu.memory_space<vmem>>, %arg7: memref<128xf32, #tpu.memory_space<vmem>>, %arg8: memref<512x128xf32, #tpu.memory_space<vmem>>, %arg9: memref<512x128xf32, #tpu.memory_space<vmem>>) attributes {dimension_semantics = [#tpu.dimension_semantics<arbitrary>], iteration_bounds = array<i64: 20>, scalar_prefetch = 0 : i64, scratch_operands = 0 : i64, tpu.core_type = #tpu.core_type<tc>, window_params = [{transform_indices = @transform_0, window_bounds = array<i64: 2, 512, 128>}, {transform_indices = @transform_1, window_bounds = array<i64: 512, 128>}, {transform_indices = @transform_2, window_bounds = array<i64: 512, 128>}, {pipeline_mode = #tpu.pipeline_mode<synchronous>, transform_indices = @transform_3, window_bounds = array<i64: 128, 128>}, {pipeline_mode = #tpu.pipeline_mode<synchronous>, transform_indices = @transform_4, window_bounds = array<i64: 128>}, {pipeline_mode = #tpu.pipeline_mode<synchronous>, transform_indices = @transform_5, window_bounds = array<i64: 128, 128>}, {pipeline_mode = #tpu.pipeline_mode<synchronous>, transform_indices = @transform_6, window_bounds = array<i64: 128>}, {transform_indices = @transform_7, window_bounds = array<i64: 512, 128>}, {transform_indices = @transform_8, window_bounds = array<i64: 512, 128>}]} {
    %get3A = arith.constant 0 : index
    %get3A_0 = arith.constant 0 : index
    %get3A_1 = arith.constant 0 : index
    %get3A_2 = vector.load %arg1[%get3A, %get3A_0, %get3A_1] : memref<2x512x128xf32, #tpu.memory_space<vmem>>, vector<1x512x128xf32>
    %get3A_3 = vector.shape_cast %get3A_2 : vector<1x512x128xf32> to vector<512x128xf32>
    %get3A_4 = arith.constant 1 : index
    %get3A_5 = arith.constant 0 : index
    %get3A_6 = arith.constant 0 : index
    %get3A_7 = vector.load %arg1[%get3A_4, %get3A_5, %get3A_6] : memref<2x512x128xf32, #tpu.memory_space<vmem>>, vector<1x512x128xf32>
    %get3A_8 = vector.shape_cast %get3A_7 : vector<1x512x128xf32> to vector<512x128xf32>
    %add3A = arith.addf %get3A_3, %get3A_8 : vector<512x128xf32>
    %get3A_9 = arith.constant 0 : index
    %get3A_10 = arith.constant 0 : index
    %get3A_11 = vector.load %arg2[%get3A_9, %get3A_10] : memref<512x128xf32, #tpu.memory_space<vmem>>, vector<512x128xf32>
    %slice3A = vector.extract_strided_slice %get3A_11 {offsets = [0, 0], sizes = [512, 1], strides = [1, 1]} : vector<512x128xf32> to vector<512x1xf32>
    %squeeze3A = vector.shape_cast %slice3A : vector<512x1xf32> to vector<512xf32>
    %max3A = arith.constant 1.000000e+00 : f32
    %max3A_12 = vector.broadcast %max3A : f32 to vector<512xf32>
    %max3A_13 = arith.maximumf %squeeze3A, %max3A_12 : vector<512xf32>
    %div3A = arith.constant 1.000000e+00 : f32
    %div3A_14 = vector.broadcast %div3A : f32 to vector<512xf32>
    %div3A_15 = arith.divf %div3A_14, %max3A_13 : vector<512xf32>
    %broadcast_in_dim3A = vector.shape_cast %div3A_15 : vector<512xf32> to vector<512x1xf32>
    %mul3A = vector.broadcast %broadcast_in_dim3A : vector<512x1xf32> to vector<512x128xf32>
    %mul3A_16 = arith.mulf %add3A, %mul3A : vector<512x128xf32>
    %get3A_17 = arith.constant 0 : index
    %get3A_18 = arith.constant 0 : index
    %get3A_19 = vector.load %arg4[%get3A_17, %get3A_18] : memref<128x128xf32, #tpu.memory_space<vmem>>, vector<128x128xf32>
    %dot_general3A = arith.constant dense<0.000000e+00> : vector<512x128xf32>
    %dot_general3A_20 = tpu.matmul %mul3A_16, %get3A_19, %dot_general3A {dimension_numbers = #tpu.dot_dimension_numbers<[1], [0], [0], [1], [0, 0, 1, 1], [], []>, transpose_lhs_hint = false} : vector<512x128xf32>, vector<128x128xf32>, vector<512x128xf32> -> vector<512x128xf32>
    %get3A_21 = arith.constant 0 : index
    %get3A_22 = vector.load %arg5[%get3A_21] : memref<128xf32, #tpu.memory_space<vmem>>, vector<128xf32>
    %broadcast_in_dim3A_23 = vector.shape_cast %get3A_22 : vector<128xf32> to vector<1x128xf32>
    %add3A_24 = vector.broadcast %broadcast_in_dim3A_23 : vector<1x128xf32> to vector<512x128xf32>
    %add3A_25 = arith.addf %dot_general3A_20, %add3A_24 : vector<512x128xf32>
    %max3A_26 = arith.constant 0.000000e+00 : f32
    %max3A_27 = vector.broadcast %max3A_26 : f32 to vector<512x128xf32>
    %max3A_28 = arith.maximumf %add3A_25, %max3A_27 : vector<512x128xf32>
    %get3A_29 = arith.constant 0 : index
    %get3A_30 = arith.constant 0 : index
    %get3A_31 = vector.load %arg3[%get3A_29, %get3A_30] : memref<512x128xf32, #tpu.memory_space<vmem>>, vector<512x128xf32>
    %get3A_32 = arith.constant 0 : index
    %get3A_33 = arith.constant 0 : index
    %get3A_34 = vector.load %arg6[%get3A_32, %get3A_33] : memref<128x128xf32, #tpu.memory_space<vmem>>, vector<128x128xf32>
    %dot_general3A_35 = arith.constant dense<0.000000e+00> : vector<512x128xf32>
    %dot_general3A_36 = tpu.matmul %get3A_31, %get3A_34, %dot_general3A_35 {dimension_numbers = #tpu.dot_dimension_numbers<[1], [0], [0], [1], [0, 0, 1, 1], [], []>, transpose_lhs_hint = false} : vector<512x128xf32>, vector<128x128xf32>, vector<512x128xf32> -> vector<512x128xf32>
    %get3A_37 = arith.constant 0 : index
    %get3A_38 = vector.load %arg7[%get3A_37] : memref<128xf32, #tpu.memory_space<vmem>>, vector<128xf32>
    %broadcast_in_dim3A_39 = vector.shape_cast %get3A_38 : vector<128xf32> to vector<1x128xf32>
    %add3A_40 = vector.broadcast %broadcast_in_dim3A_39 : vector<1x128xf32> to vector<512x128xf32>
    %add3A_41 = arith.addf %dot_general3A_36, %add3A_40 : vector<512x128xf32>
    %swap3A = arith.constant 0 : index
    %swap3A_42 = arith.constant 0 : index
    %swap3A_43 = vector.load %arg9[%swap3A, %swap3A_42] : memref<512x128xf32, #tpu.memory_space<vmem>>, vector<512x128xf32>
    tpu.vector_store %arg9[%swap3A, %swap3A_42], %add3A_41 {strides = array<i32>} : memref<512x128xf32, #tpu.memory_space<vmem>>, vector<512x128xf32>,
    %mul3A_44 = arith.mulf %max3A_28, %add3A_41 : vector<512x128xf32>
    %add3A_45 = arith.addf %max3A_28, %mul3A_44 : vector<512x128xf32>
    %max3A_46 = arith.constant 0.000000e+00 : f32
    %max3A_47 = vector.broadcast %max3A_46 : f32 to vector<512x128xf32>
    %max3A_48 = arith.maximumf %add3A_45, %max3A_47 : vector<512x128xf32>
    %swap3A_49 = arith.constant 0 : index
    %swap3A_50 = arith.constant 0 : index
    %swap3A_51 = vector.load %arg8[%swap3A_49, %swap3A_50] : memref<512x128xf32, #tpu.memory_space<vmem>>, vector<512x128xf32>
    tpu.vector_store %arg8[%swap3A_49, %swap3A_50], %max3A_48 {strides = array<i32>} : memref<512x128xf32, #tpu.memory_space<vmem>>, vector<512x128xf32>,
    return
  }
  func.func @transform_0(%arg0: i32) -> (i32, i32, i32) {
    %c0_i32 = arith.constant 0 : i32
    %c0_i32_0 = arith.constant 0 : i32
    %c0_i32_1 = arith.constant 0 : i32
    return %c0_i32, %arg0, %c0_i32_0 : i32, i32, i32
  }
  func.func @transform_1(%arg0: i32) -> (i32, i32) {
    %c0_i32 = arith.constant 0 : i32
    %c0_i32_0 = arith.constant 0 : i32
    return %arg0, %c0_i32 : i32, i32
  }
  func.func @transform_2(%arg0: i32) -> (i32, i32) {
    %c0_i32 = arith.constant 0 : i32
    %c0_i32_0 = arith.constant 0 : i32
    return %arg0, %c0_i32 : i32, i32
  }
  func.func @transform_3(%arg0: i32) -> (i32, i32) {
    %c0_i32 = arith.constant 0 : i32
    %c0_i32_0 = arith.constant 0 : i32
    %c0_i32_1 = arith.constant 0 : i32
    return %c0_i32, %c0_i32_0 : i32, i32
  }
  func.func @transform_4(%arg0: i32) -> i32 {
    %c0_i32 = arith.constant 0 : i32
    %c0_i32_0 = arith.constant 0 : i32
    return %c0_i32 : i32
  }
  func.func @transform_5(%arg0: i32) -> (i32, i32) {
    %c0_i32 = arith.constant 0 : i32
    %c0_i32_0 = arith.constant 0 : i32
    %c0_i32_1 = arith.constant 0 : i32
    return %c0_i32, %c0_i32_0 : i32, i32
  }
  func.func @transform_6(%arg0: i32) -> i32 {
    %c0_i32 = arith.constant 0 : i32
    %c0_i32_0 = arith.constant 0 : i32
    return %c0_i32 : i32
  }
  func.func @transform_7(%arg0: i32) -> (i32, i32) {
    %c0_i32 = arith.constant 0 : i32
    %c0_i32_0 = arith.constant 0 : i32
    return %arg0, %c0_i32 : i32, i32
  }
  func.func @transform_8(%arg0: i32) -> (i32, i32) {
    %c0_i32 = arith.constant 0 : i32
    %c0_i32_0 = arith.constant 0 : i32
    return %arg0, %c0_i32 : i32, i32
  }
}

</mosaic_0001>

<sc_bundles>
// kernel: kernel.12.cloned.1.call-start
scs
__scs_entry_jumppad:
0x0: {  	(pc) =	sbr.rel $0x88, $3  }
0x1: {  	(tag) =	ssettag $0x0;
	lr =	simm.s32 $0x1  }
0x2: {  	[smem:$0x3F8E] =	sst lr;
	_ =	strace $0xD0000000  }
0x3: {  	_ = 	snop  }
0x4: {  	_ = 	snop  }
0x5: {  	_ = 	snop  }
0x6: {  	_ = 	snop  }
0x7: {  	_ = 	snop  }
__scs_overlays_trampoline_lowered:
0x8: {  	[smem:$0x3F9D] =	sst s0  }
0x9: {  	[smem:$0x3F9E] =	sst s1  }
0xa: {  	[smem:$0x3F9F] =	sst s2  }
0xb: {  	[smem:$0x3FA0] =	sst s3  }
0xc: {  	[smem:$0x3FA1] =	sst s4  }
0xd: {  	[smem:$0x3FA2] =	sst s5  }
0xe: {  	[smem:$0x3FA3] =	sst s6  }
0xf: {  	[smem:$0x3FA4] =	sst s7  }
0x10: {  	[smem:$0x3FA5] =	sst s8  }
0x11: {  	[smem:$0x3FA6] =	sst s9;
	s0 =	simm.s32 @!p0 $0x0  }
0x12: {  	s1 =	sld [smem:$0x3F8C];
	s0 =	simm.s32 @p0 $0x1  }
0x13: {  	[smem:$0x3FA7] =	sst s0;
	s0 =	simm.s32 @!p1 $0x0  }
0x14: {  	s2 =	sld [smem:$0x3F8B];
	s0 =	simm.s32 @p1 $0x1  }
0x15: {  	[smem:$0x3FA8] =	sst s0;
	s0 =	simm.s32 @!p2 $0x0  }
0x16: {  	s3 =	sld [smem:$0x3FDB];
	s0 =	simm.s32 @p2 $0x1  }
0x17: {  	s4 =	simm.s32 $0x1BF5;
	[smem:$0x3FAA] =	sst s0  }
0x18: {  	s0 =	sld [smem:$0x3F8D];
	_ =	swait.ge [sflag:s4], $0x0  }
0x19: {  	s7 =	sld [smem:$0x3F8E]  }
0x1a: {  	s8 =	sadd.s32 $0xFFFFE003, lr  }
0x1b: {  	s9 =	sadd.s32 $0xFFFFFEF7, lr;
	s5 =	simm.s32 $0xFFFFFFFF;
	p2 =	slt.u32 s8, $0xFFFFF086  }
0x1c: {  	p1 =	slt.u32 s9, $0xF7A;
	s5 =	simm.s32 @!p2 $0x0  }
0x1d: {  	s5 =	simm.s32 @p1 $0x1;
	p0 =	seq.s32 s7, s2  }
0x1e: {  	s7 =	smul.u32 @!p0 $0xF7A, s2;
	p2 =	seq.s32 @!p0 s5, $0x0  }
0x1f: {  	s9 =	smul.u32 $0xF7A, s1;
	s8 =	simm.s32 @!p0 $0x1BF5;
	p2 =	por !p2, p0  }
0x20: {  	[sflag:s8] =	ssyncset.s32 @!p0 $0xFFFFF086;
	s6 =	sadd.s32 @!p0 s3, s7;
	s7 =	simm.s32 @!p0 $0x108  }
0x21: {  	s3 =	sadd.s32 s3, s9;
	s6 =	sadd.s32 @!p0 $0x88, s6;
	s7 =	simm.s32 @p2 $0x1082  }
0x22: {  	[simem:s7], [sflag:s8] =	dma.local @!p0 [hbm:s6], $0xF7A  }
0x23: {  	s9 =	sor.u32 $0xD0000000, s2;
	s6 =	simm.s32 $0x108;
	_ =	swait.ge @!p0 [sflag:s8], $0x0  }
0x24: {  	s3 =	sadd.s32 $0x88, s3;
	s6 =	simm.s32 @!p1 $0x1082;
	[sflag:s4] =	ssyncset.s32 $0xFFFFF086  }
0x25: {  	[simem:s6], [sflag:s4] =	dma.local [hbm:s3], $0xF7A  }
0x26: {  	[smem:$0x3F8E] =	sst s1;
	(tag) =	ssettag s2;
	_ =	strace s9  }
0x27: {  	s1 =	sld [smem:$0x3F9E]  }
0x28: {  	s2 =	sld [smem:$0x3F9F]  }
0x29: {  	s4 =	sld [smem:$0x3FA1]  }
0x2a: {  	p0 =	seq.s32 s5, $0x0;
	s5 =	sld [smem:$0x3FA2]  }
0x2b: {  	s6 =	sld [smem:$0x3FA3]  }
0x2c: {  	s7 =	sld [smem:$0x3FA4]  }
0x2d: {  	s3 =	simm.s32 $0x108;
	s8 =	sld [smem:$0x3FA5]  }
0x2e: {  	s3 =	simm.s32 @!p0 $0x1082;
	s9 =	sld [smem:$0x3FA6]  }
0x2f: {  	lr =	sadd.s32 s0, s3;
	s0 =	sld [smem:$0x3F9D]  }
0x30: {  	s3 =	sld [smem:$0x3FA0]  }
0x31: {  	[smem:$0x3FA9] =	sst s10  }
0x32: {  	s10 =	sld [smem:$0x3FA7];
	_ =	sdelay $0x3  }
0x33: {  	p0 =	seq.s32 s10, $0x1;
	s10 =	sld [smem:$0x3FA9];
	_ =	sdelay $0x3  }
0x34: {  	[smem:$0x3FA9] =	sst s10  }
0x35: {  	s10 =	sld [smem:$0x3FA8];
	_ =	sdelay $0x3  }
0x36: {  	p1 =	seq.s32 s10, $0x1;
	s10 =	sld [smem:$0x3FA9];
	_ =	sdelay $0x3  }
0x37: {  	[smem:$0x3FA9] =	sst s10  }
0x38: {  	s10 =	sld [smem:$0x3FAA]  }
0x39: {  	_ = 	snop;
	(pc) =	sbr.ind lr, $3  }
0x3a: {  	_ = 	snop  }
0x3b: {  	_ = 	snop  }
0x3c: {  	p2 =	seq.s32 s10, $0x1;
	s10 =	sld [smem:$0x3FA9]  }
0x3d: {  	_ =	shalt  }
0x3e: {  	_ =	shalt  }
0x3f: {  	_ =	shalt  }
0x40: {  	_ =	shalt  }
0x41: {  	_ =	shalt  }
0x42: {  	_ =	shalt  }
0x43: {  	_ =	shalt  }
0x44: {  	_ =	shalt  }
0x45: {  	_ =	shalt  }
0x46: {  	_ =	shalt  }
0x47: {  	_ =	shalt  }
0x48: {  	_ =	shalt  }
0x49: {  	_ =	shalt  }
0x4a: {  	_ =	shalt  }
0x4b: {  	_ =	shalt  }
0x4c: {  	_ =	shalt  }
0x4d: {  	_ =	shalt  }
0x4e: {  	_ =	shalt  }
0x4f: {  	_ =	shalt  }
0x50: {  	_ =	shalt  }
0x51: {  	_ =	shalt  }
0x52: {  	_ =	shalt  }
0x53: {  	_ =	shalt  }
0x54: {  	_ =	shalt  }
0x55: {  	_ =	shalt  }
0x56: {  	_ =	shalt  }
0x57: {  	_ =	shalt  }
0x58: {  	_ =	shalt  }
0x59: {  	_ =	shalt  }
0x5a: {  	_ =	shalt  }
0x5b: {  	_ =	shalt  }
0x5c: {  	_ =	shalt  }
0x5d: {  	_ =	shalt  }
0x5e: {  	_ =	shalt  }
0x5f: {  	_ =	shalt  }
0x60: {  	_ =	shalt  }
0x61: {  	_ =	shalt  }
0x62: {  	_ =	shalt  }
0x63: {  	_ =	shalt  }
0x64: {  	_ =	shalt  }
0x65: {  	_ =	shalt  }
0x66: {  	_ =	shalt  }
0x67: {  	_ =	shalt  }
0x68: {  	_ =	shalt  }
0x69: {  	_ =	shalt  }
0x6a: {  	_ =	shalt  }
0x6b: {  	_ =	shalt  }
0x6c: {  	_ =	shalt  }
0x6d: {  	_ =	shalt  }
0x6e: {  	_ =	shalt  }
0x6f: {  	_ =	shalt  }
0x70: {  	_ =	shalt  }
0x71: {  	_ =	shalt  }
0x72: {  	_ =	shalt  }
0x73: {  	_ =	shalt  }
0x74: {  	_ =	shalt  }
0x75: {  	_ =	shalt  }
0x76: {  	_ =	shalt  }
0x77: {  	_ =	shalt  }
0x78: {  	_ =	shalt  }
0x79: {  	_ =	shalt  }
0x7a: {  	_ =	shalt  }
0x7b: {  	_ =	shalt  }
0x7c: {  	_ =	shalt  }
0x7d: {  	_ =	shalt  }
0x7e: {  	_ =	shalt  }
0x7f: {  	_ =	shalt  }
0x80: {  	_ =	shalt  }
0x81: {  	_ =	shalt  }
0x82: {  	_ =	shalt  }
0x83: {  	_ =	shalt  }
0x84: {  	_ =	shalt  }
0x85: {  	_ =	shalt  }
0x86: {  	_ =	shalt  }
0x87: {  	_ =	shalt  }
.Lfunc_end0:
.L_simem_size_0:
called_computation_lowered:
.L_overlay_start_0:
0x88: {  	s2 =	sld [smem:$0x3FD9]  }
0x89: {  	s3 =	sld [smem:$0x3FFE];
	_ =	sdelay $0x1  }
0x8a: {  	s1 =	srdreg.scid  }
0x8b: {  	s0 =	sand.u32 $0x1, s1  }
0x8c: {  	s14 =	sshll.u32 s0, $0xA;
	s2 =	sadd.s32 s3, s2  }
0x8d: {  	s2 =	sadd.s32 s2, s14  }
0x8e: {  	[smem:$0x3FB5] =	sst s2  }
0x8f: {  	_ = 	snop  }
0x90: {  	s2 =	sld [smem:$0x3FD0];
	_ =	sdelay $0x2  }
0x91: {  	s15 =	simm.s32 $0xB;
	s4 =	simm.s32 $0x10  }
0x92: {  	[smem:s4], [sflag:s15] =	dma.local [hbm:s2], $0x1  }
0x93: {  	_ =	swait.eq [sflag:s15], $0x1  }
0x94: {  	[sflag:s15] =	ssyncset.done $0x0  }
0x95: {  	[sflag:s15] =	ssyncadd.s32 $0xFFFFFFFF  }
0x96: {  	s16 =	sld [smem:$0x11];
	(tm) =	ssettm $0x1  }
0x97: {  	s17 =	sld [smem:$0x3FFB];
	_ =	sdelay $0x3  }
0x98: {  	_ =	strace s17  }
0x99: {  	s3 =	sld [smem:$0x3FFC];
	_ =	sdelay $0x3  }
0x9a: {  	_ =	strace s3  }
0x9b: {  	s3 =	sld [smem:$0x3FFD];
	_ =	sdelay $0x3  }
0x9c: {  	_ =	strace s3  }
0x9d: {  	_ =	strace $0x8FFFFFFF  }
0x9e: {  	s18 =	sld [smem:$0x3FDB];
	_ =	sdelay $0x1  }
0x9f: {  	s19 =	simm.s32 $_scs_section_size  }
0xa0: {  	s5 =	simm.s32 $_size__tile_overlayer_lowered;
	s6 =	simm.s32 $_tile_overlayer_lowered  }
0xa1: {  	s22 =	simm.s32 $0x1BFF;
	s21 =	sshll.u32 s6, $0x1;
	s3 =	sadd.s32 s19, s18  }
0xa2: {  	s7 =	simm.s32 $0x0;
	s20 =	sshll.u32 s5, $0x1;
	s5 =	sadd.s32 s21, s3  }
0xa3: {  	[timem:s7], [sflag:s22] =	dma.local [hbm:s5], s20  }
0xa4: {  	_ =	swait.ge [sflag:s22], s20  }
0xa5: {  	s4 =	ssub.s32 $0x0, s20;
	[sflag:s22] =	ssyncset.done $0x0  }
0xa6: {  	[sflag:s22] =	ssyncadd.s32 s4;
	_ =	sdelay $0x1  }
0xa7: {  	s23 =	simm.s32 $0x1B8B  }
0xa8: {  	_ =	swait.ge [sflag:s23], $0x1  }
0xa9: {  	[sflag:s23] =	ssyncset.done $0x0  }
0xaa: {  	s25 =	simm.s32 $0x1B8E;
	s24 =	sld [smem:$0x3FFE];
	[sflag:s23] =	ssyncadd.s32 $0xFFFFFFFF  }
0xab: {  	s26 =	simm.s32 $execute0_lowered;
	[smem:$0x3FD2] =	sst s25  }
0xac: {  	s5 =	sshll.u32 s26, $0x1;
	_ =	strace $0x80000046;
	[dreg:$0x1] =	wrdreg $0xFFFFFFFF  }
0xad: {  	s28 =	simm.s32 $_size_execute0_lowered;
	s3 =	sadd.s32 s3, s5;
	[dreg:$0x0] =	wrdreg $0x0  }
0xae: {  	s5 =	sshll.u32 s28, $0x1;
	[dreg:$0x2] =	wrdreg s3  }
0xaf: {  	[dreg:$0x3] =	wrdreg s5  }
0xb0: {  	[dreg:$0x4] =	wrdreg $0xC0  }
0xb1: {  	_ =	task [dreg:s7], $0x5FFFF  }
0xb2: {  	[dreg:$0x1] =	wrdreg $0xFFFFFFFF  }
0xb3: {  	[dreg:$0x0] =	wrdreg $0x60  }
0xb4: {  	[dreg:$0x2] =	wrdreg s16  }
0xb5: {  	[dreg:$0x3] =	wrdreg s24  }
0xb6: {  	[dreg:$0x4] =	wrdreg $0x94000  }
0xb7: {  	[dreg:$0x5] =	wrdreg $0x9  }
0xb8: {  	_ =	task.clear_ibuf [dreg:s7], $0x6FFFF;
	_ =	strace $0x90000046  }
0xb9: {  	s29 =	simm.s32 $0x9;
	_ =	strace $0x80000048  }
0xba: {  	_ =	swait.ge [sflag:s29], $0x1  }
0xbb: {  	[sflag:s29] =	ssyncadd.s32 $0xFFFFFFFF  }
0xbc: {  	_ =	strace $0x90000048  }
0xbd: {  	_ =	sfence  }
0xbe: {  	s30 =	sld [smem:$0x0];
	_ =	sdelay $0x2  }
0xbf: {  	s31 =	sshll.u32 s1, $0xD;
	s1 =	sshrl.u32 s1, $0x2  }
0xc0: {  	s3 =	sand.u32 $0x4000, s31;
	s1 =	sadd.s32 s1, s30  }
0xc1: {  	s0 =	sor.u32 s3, s0;
	s1 =	sshll.u32 s1, $0x11  }
0xc2: {  	s0 =	sor.u32 s1, s0  }
0xc3: {  	s0 =	sadd.s32 $0x8F2B, s0  }
0xc4: {  	[sflag:s0] =	ssyncadd.remote.s32 $0x1  }
0xc5: {  	_ =	sfence.sel $0xFFFF  }
0xc6: {  	[dreg:$0x0] =	wrdreg $0xFFFFFFFF;
	(pc) =	sbr.abs _section_cstart, $3  }
0xc7: {  	[dreg:$0x1] =	wrdreg $0xFFFFFFFF  }
0xc8: {  	_ =	task.clear_ibuf [dreg:s7], $0x2FFFF;
	_ =	strace $0x9FFFFFFF  }
0xc9: {  	(tm) =	ssettm $0x7FFFFFFF  }
tec
execute0_lowered:
.L_overlay_start_1:
0x0: {  	(tag) =	ssettag $0x1  }
0x1: {  	s4 =	rddreg [dreg:$0x0]  }
0x2: {  	s5 =	rddreg [dreg:$0x1];
	s2 =	srdreg.scid  }
0x3: {  	s1 =	rddreg [dreg:$0x2];
	s7 =	sand.u32 $0x1, s2  }
0x4: {  	s2 =	stileid.u32;
	s6 =	smul.u32 $0x50000, s7  }
0x5: {  	s0 =	rddreg [dreg:$0x3];
	s8 =	smul.u32 $0x5000, s2  }
0x6: {  	s3 =	simm.s32 $0x0;
	s25 =	simm.s32 $0x80;
	s10 =	smul.u32 $0x50000, s2  }
0x7: {  	s28 =	simm.s32 $0x0;
	[smem:$0x7FF] =	sst s3;
	s20 =	smul.u32 $0x140000, s7  }
0x8: {  	s22 =	sadd.s32 $0x10000, s5;
	s9 =	ssub.s32 $0x2, s7;
	s19 =	smul.u32 $0x14000, s2  }
0x9: {  	_ =	strace $0x80000047;
	s26 =	sshrl.u32 s9, $0x1;
	s6 =	sadd.s32 s8, s6  }
0xa: {  	s9 =	ssub.s32 s9, s26;
	s29 =	sshrl.u32 s10, $0x2;
	s14 =	sadd.s32 s20, s19  }
0xb: {  	s15 =	sadd.s32 $0x4000, s19;
	s17 =	sadd.s32 $0x8000, s19;
	s21 =	sadd.s32 $0xC000, s19  }
0xc: {  	s24 =	sadd.s32 $0x10000, s19;
	s26 =	simm.s32 $0x5400;
	s6 =	sshrl.u32 s6, $0x3  }
0xd: {  	s5 =	sadd.s32 s29, s1;
	s9 =	smax.u32 s9, $0x1;
	s14 =	sshrl.u32 s14, $0x3  }
0xe: {  	s16 =	sadd.s32 s20, s15;
	s15 =	sadd.s32 s15, s1;
	s18 =	sadd.s32 s20, s17  }
0xf: {  	s17 =	sadd.s32 s17, s1;
	s23 =	sadd.s32 s20, s21;
	s19 =	sadd.s32 s21, s1  }
0x10: {  	s31 =	sadd.s32 s20, s24;
	s21 =	sadd.s32 s24, s1;
	s24 =	simm.s32 $0x1  }
0x11: {  	s4 =	sadd.s32 s4, s6;
	s10 =	sadd.s32 $0x4000, s5;
	s11 =	sadd.s32 $0x8000, s5  }
0x12: {  	s12 =	sadd.s32 $0xC000, s5;
	s13 =	sadd.s32 $0x10000, s5;
	s14 =	sadd.s32 s22, s14  }
0x13: {  	s16 =	sshrl.u32 s16, $0x3;
	s18 =	sshrl.u32 s18, $0x3;
	s30 =	sshrl.u32 s23, $0x3  }
0x14: {  	s23 =	sshrl.u32 s31, $0x3;
	s6 =	sadd.s32 $0x280, s4;
	s7 =	sadd.s32 $0x500, s4  }
0x15: {  	s8 =	sadd.s32 $0x780, s4;
	s16 =	sadd.s32 s22, s16;
	s18 =	sadd.s32 s22, s18  }
0x16: {  	v0 =	vimm.f32 $0.0e+00;
	v1 =	vimm.f32 $1.000000000e+00;
	s20 =	sadd.s32 s22, s30;
	s22 =	sadd.s32 s22, s23;
	s23 =	simm.s32 $0x1400  }
.LBB2_1:
0x17: {  	s29 =	simm.s32 $0x0;
	s30 =	simm.s32 $0x200  }
.LBB2_2:
0x18: {  	p0 =	sne.s32 s30, $0xFE00;
	[tilespmem:s29+$0x5470] =	vst v1  }
0x19: {  	[tilespmem:s29+$0x1400] =	vst v0  }
0x1a: {  	[tilespmem:s29+$0x5400] =	vst v1  }
0x1b: {  	[tilespmem:s29+$0x1410] =	vst v0  }
0x1c: {  	[tilespmem:s29+$0x5410] =	vst v1  }
0x1d: {  	[tilespmem:s29+$0x1420] =	vst v0  }
0x1e: {  	[tilespmem:s29+$0x5420] =	vst v1  }
0x1f: {  	[tilespmem:s29+$0x1430] =	vst v0  }
0x20: {  	[tilespmem:s29+$0x5430] =	vst v1  }
0x21: {  	[tilespmem:s29+$0x1440] =	vst v0  }
0x22: {  	[tilespmem:s29+$0x5440] =	vst v1  }
.Ltmp0:
0x23: {  	[tilespmem:s29+$0x1450] =	vst v0;
	(pc) =	sbr.rel @p0 .LBB2_2-.Ltmp0, $4  }
0x24: {  	[tilespmem:s29+$0x5450] =	vst v1  }
0x25: {  	[tilespmem:s29+$0x1460] =	vst v0  }
0x26: {  	[tilespmem:s29+$0x5460] =	vst v1  }
0x27: {  	[tilespmem:s29+$0x1470] =	vst v0;
	s29 =	sshra.s32 s30, $0x2;
	s30 =	sadd.s32 $0x200, s30  }
0x28: {  	[tilespmem:s29+$0x5470] =	vst v1  }
0x29: {  	[tilespmem:s29+$0x1400] =	vst v0  }
0x2a: {  	[tilespmem:s29+$0x5400] =	vst v1  }
0x2b: {  	[tilespmem:s29+$0x1410] =	vst v0  }
0x2c: {  	[tilespmem:s29+$0x5410] =	vst v1  }
0x2d: {  	[tilespmem:s29+$0x1420] =	vst v0  }
0x2e: {  	[tilespmem:s29+$0x5420] =	vst v1  }
0x2f: {  	[tilespmem:s29+$0x1430] =	vst v0  }
0x30: {  	[tilespmem:s29+$0x5430] =	vst v1  }
0x31: {  	[tilespmem:s29+$0x1440] =	vst v0  }
0x32: {  	[tilespmem:s29+$0x5440] =	vst v1  }
0x33: {  	[tilespmem:s29+$0x1450] =	vst v0  }
0x34: {  	[tilespmem:s29+$0x5450] =	vst v1  }
0x35: {  	[tilespmem:s29+$0x1460] =	vst v0  }
0x36: {  	[tilespmem:s29+$0x5460] =	vst v1  }
0x37: {  	[tilespmem:s29+$0x1470] =	vst v0  }
0x38: {  	[spmem:s5] =	stream.linear.scatter [tilespmem:s23], [sflag:$0x1], $0x4000, $0x38;
	[tilespmem:$0x1D400] =	vst v63  }
0x39: {  	_ =	swait.ge [sflag:s24], $0x4000  }
0x3a: {  	[sflag:s24] =	ssyncset.done $0x0  }
0x3b: {  	[sflag:s24] =	ssyncadd.s32 $0xFFFFC000  }
0x3c: {  	[spmem:s10] =	stream.linear.scatter [tilespmem:s23], [sflag:$0x1], $0x4000, $0x38;
	[tilespmem:$0x1D400] =	vst v63  }
0x3d: {  	_ =	swait.ge [sflag:s24], $0x4000  }
0x3e: {  	[sflag:s24] =	ssyncset.done $0x0  }
0x3f: {  	[sflag:s24] =	ssyncadd.s32 $0xFFFFC000  }
0x40: {  	[spmem:s11] =	stream.linear.scatter [tilespmem:s23], [sflag:$0x1], $0x4000, $0x38;
	[tilespmem:$0x1D400] =	vst v63  }
0x41: {  	_ =	swait.ge [sflag:s24], $0x4000  }
0x42: {  	[sflag:s24] =	ssyncset.done $0x0  }
0x43: {  	[sflag:s24] =	ssyncadd.s32 $0xFFFFC000  }
0x44: {  	[spmem:s12] =	stream.linear.scatter [tilespmem:s23], [sflag:$0x1], $0x4000, $0x38;
	[tilespmem:$0x1D400] =	vst v63  }
0x45: {  	_ =	swait.ge [sflag:s24], $0x4000  }
0x46: {  	[sflag:s24] =	ssyncset.done $0x0  }
0x47: {  	[sflag:s24] =	ssyncadd.s32 $0xFFFFC000  }
0x48: {  	[spmem:s13] =	stream.linear.scatter [tilespmem:s23], [sflag:$0x1], $0x4000, $0x38;
	[tilespmem:$0x1D400] =	vst v63  }
0x49: {  	_ =	swait.ge [sflag:s24], $0x4000  }
0x4a: {  	[sflag:s24] =	ssyncset.done $0x0  }
0x4b: {  	[sflag:s24] =	ssyncadd.s32 $0xFFFFC000  }
0x4c: {  	s29 =	simm.s32 $0x0;
	[bflag:$0x0] =	sbarrier.arrive $0xFFFF  }
0x4d: {  	[tilespmem:s29], [sflag:$0x1] =	stream.linear.gather [hbm4b:s4+s29], $0x1400, $0x38;
	[tilespmem:$0x1D400] =	vst v63  }
0x4e: {  	_ =	swait.ge [sflag:s24], $0x1400  }
0x4f: {  	[sflag:s24] =	ssyncset.done $0x0  }
0x50: {  	s29 =	simm.s32 $0x0;
	[sflag:s24] =	ssyncadd.s32 $0xFFFFEC00  }
0x51: {  	[spmem:s1] =	stream.indirect.scatter.add.f32 [tilespmem:s26], [sflag:$0x1], $0x80, s29, s25, $0xb8;
	[tilespmem:$0x1D400] =	vst v63  }
0x52: {  	_ =	swait.ge [sflag:s24], $0x4000  }
0x53: {  	s29 =	simm.s32 $0x200;
	[sflag:s24] =	ssyncset.done $0x0  }
.LBB2_4:
0x54: {  	s30 =	sshra.s32 s29, $0x2;
	[sflag:s24] =	ssyncadd.s32 $0xFFFFC000;
	p0 =	sne.s32 s29, $0x4E00  }
0x55: {  	[spmem:s1] =	stream.indirect.scatter.add.f32 [tilespmem:s26], [sflag:$0x1], $0x80, s30, s25, $0xb8;
	[tilespmem:$0x1D400] =	vst v63  }
.Ltmp1:
0x56: {  	_ = 	snop;
	(pc) =	sbr.rel @p0 .LBB2_4-.Ltmp1, $4  }
0x57: {  	_ = 	snop  }
0x58: {  	s29 =	sadd.s32 $0x200, s29  }
0x59: {  	_ =	swait.ge [sflag:s24], $0x4000  }
0x5a: {  	[sflag:s24] =	ssyncset.done $0x0  }
0x5b: {  	[sflag:s24] =	ssyncadd.s32 $0xFFFFC000;
	s29 =	simm.s32 $0x0  }
0x5c: {  	[tilespmem:s29], [sflag:$0x1] =	stream.linear.gather [hbm4b:s6+s29], $0x1400, $0x38;
	[tilespmem:$0x1D400] =	vst v63  }
0x5d: {  	_ =	swait.ge [sflag:s24], $0x1400  }
0x5e: {  	[sflag:s24] =	ssyncset.done $0x0  }
0x5f: {  	s29 =	simm.s32 $0x0;
	[sflag:s24] =	ssyncadd.s32 $0xFFFFEC00  }
0x60: {  	[spmem:s1] =	stream.indirect.scatter.add.f32 [tilespmem:s26], [sflag:$0x1], $0x80, s29, s25, $0xb8;
	[tilespmem:$0x1D400] =	vst v63  }
0x61: {  	_ =	swait.ge [sflag:s24], $0x4000  }
0x62: {  	s29 =	simm.s32 $0x200;
	[sflag:s24] =	ssyncset.done $0x0  }
.LBB2_6:
0x63: {  	s30 =	sshra.s32 s29, $0x2;
	[sflag:s24] =	ssyncadd.s32 $0xFFFFC000;
	p0 =	sne.s32 s29, $0x4E00  }
0x64: {  	[spmem:s1] =	stream.indirect.scatter.add.f32 [tilespmem:s26], [sflag:$0x1], $0x80, s30, s25, $0xb8;
	[tilespmem:$0x1D400] =	vst v63  }
.Ltmp2:
0x65: {  	_ = 	snop;
	(pc) =	sbr.rel @p0 .LBB2_6-.Ltmp2, $4  }
0x66: {  	_ = 	snop  }
0x67: {  	s29 =	sadd.s32 $0x200, s29  }
0x68: {  	_ =	swait.ge [sflag:s24], $0x4000  }
0x69: {  	[sflag:s24] =	ssyncset.done $0x0  }
0x6a: {  	[sflag:s24] =	ssyncadd.s32 $0xFFFFC000;
	s29 =	simm.s32 $0x0  }
0x6b: {  	[tilespmem:s29], [sflag:$0x1] =	stream.linear.gather [hbm4b:s7+s29], $0x1400, $0x38;
	[tilespmem:$0x1D400] =	vst v63  }
0x6c: {  	_ =	swait.ge [sflag:s24], $0x1400  }
0x6d: {  	[sflag:s24] =	ssyncset.done $0x0  }
0x6e: {  	s29 =	simm.s32 $0x0;
	[sflag:s24] =	ssyncadd.s32 $0xFFFFEC00  }
0x6f: {  	[spmem:s1] =	stream.indirect.scatter.add.f32 [tilespmem:s26], [sflag:$0x1], $0x80, s29, s25, $0xb8;
	[tilespmem:$0x1D400] =	vst v63  }
0x70: {  	_ =	swait.ge [sflag:s24], $0x4000  }
0x71: {  	s29 =	simm.s32 $0x200;
	[sflag:s24] =	ssyncset.done $0x0  }
.LBB2_8:
0x72: {  	s30 =	sshra.s32 s29, $0x2;
	[sflag:s24] =	ssyncadd.s32 $0xFFFFC000;
	p0 =	sne.s32 s29, $0x4E00  }
0x73: {  	[spmem:s1] =	stream.indirect.scatter.add.f32 [tilespmem:s26], [sflag:$0x1], $0x80, s30, s25, $0xb8;
	[tilespmem:$0x1D400] =	vst v63  }
.Ltmp3:
0x74: {  	_ = 	snop;
	(pc) =	sbr.rel @p0 .LBB2_8-.Ltmp3, $4  }
0x75: {  	_ = 	snop  }
0x76: {  	s29 =	sadd.s32 $0x200, s29  }
0x77: {  	_ =	swait.ge [sflag:s24], $0x4000  }
0x78: {  	[sflag:s24] =	ssyncset.done $0x0  }
0x79: {  	[sflag:s24] =	ssyncadd.s32 $0xFFFFC000;
	s29 =	simm.s32 $0x0  }
0x7a: {  	[tilespmem:s29], [sflag:$0x1] =	stream.linear.gather [hbm4b:s8+s29], $0x1400, $0x38;
	[tilespmem:$0x1D400] =	vst v63  }
0x7b: {  	_ =	swait.ge [sflag:s24], $0x1400  }
0x7c: {  	[sflag:s24] =	ssyncset.done $0x0  }
0x7d: {  	s29 =	simm.s32 $0x0;
	[sflag:s24] =	ssyncadd.s32 $0xFFFFEC00  }
0x7e: {  	[spmem:s1] =	stream.indirect.scatter.add.f32 [tilespmem:s26], [sflag:$0x1], $0x80, s29, s25, $0xb8;
	[tilespmem:$0x1D400] =	vst v63  }
0x7f: {  	_ =	swait.ge [sflag:s24], $0x4000  }
0x80: {  	s29 =	simm.s32 $0x200;
	[sflag:s24] =	ssyncset.done $0x0  }
.LBB2_10:
0x81: {  	s30 =	sshra.s32 s29, $0x2;
	[sflag:s24] =	ssyncadd.s32 $0xFFFFC000;
	p0 =	sne.s32 s29, $0x4E00  }
0x82: {  	[spmem:s1] =	stream.indirect.scatter.add.f32 [tilespmem:s26], [sflag:$0x1], $0x80, s30, s25, $0xb8;
	[tilespmem:$0x1D400] =	vst v63  }
.Ltmp4:
0x83: {  	_ = 	snop;
	(pc) =	sbr.rel @p0 .LBB2_10-.Ltmp4, $4  }
0x84: {  	_ = 	snop  }
0x85: {  	s29 =	sadd.s32 $0x200, s29  }
0x86: {  	_ =	swait.ge [sflag:s24], $0x4000  }
0x87: {  	[sflag:s24] =	ssyncset.done $0x0  }
0x88: {  	[sflag:s24] =	ssyncadd.s32 $0xFFFFC000  }
0x89: {  	[bflag:$0x0] =	sbarrier.arrive $0xFFFF  }
0x8a: {  	[tilespmem:s23], [sflag:$0x1] =	stream.linear.gather [spmem:s5], $0x4000, $0x38;
	[tilespmem:$0x1D400] =	vst v63  }
0x8b: {  	_ =	swait.ge [sflag:s24], $0x4000  }
0x8c: {  	[sflag:s24] =	ssyncset.done $0x0  }
0x8d: {  	[sflag:s24] =	ssyncadd.s32 $0xFFFFC000  }
0x8e: {  	[hbm4b:s14+s3] =	stream.linear.scatter [tilespmem:s23], [sflag:$0x1], $0x4000, $0x38;
	[tilespmem:$0x1D400] =	vst v63  }
0x8f: {  	_ =	swait.ge [sflag:s24], $0x4000  }
0x90: {  	[sflag:s24] =	ssyncset.done $0x0  }
0x91: {  	[sflag:s24] =	ssyncadd.s32 $0xFFFFC000  }
0x92: {  	[tilespmem:s23], [sflag:$0x1] =	stream.linear.gather [spmem:s15], $0x4000, $0x38;
	[tilespmem:$0x1D400] =	vst v63  }
0x93: {  	_ =	swait.ge [sflag:s24], $0x4000  }
0x94: {  	[sflag:s24] =	ssyncset.done $0x0  }
0x95: {  	[sflag:s24] =	ssyncadd.s32 $0xFFFFC000  }
0x96: {  	[hbm4b:s16+s3] =	stream.linear.scatter [tilespmem:s23], [sflag:$0x1], $0x4000, $0x38;
	[tilespmem:$0x1D400] =	vst v63  }
0x97: {  	_ =	swait.ge [sflag:s24], $0x4000  }
0x98: {  	[sflag:s24] =	ssyncset.done $0x0  }
0x99: {  	[sflag:s24] =	ssyncadd.s32 $0xFFFFC000  }
0x9a: {  	[tilespmem:s23], [sflag:$0x1] =	stream.linear.gather [spmem:s17], $0x4000, $0x38;
	[tilespmem:$0x1D400] =	vst v63  }
0x9b: {  	_ =	swait.ge [sflag:s24], $0x4000  }
0x9c: {  	[sflag:s24] =	ssyncset.done $0x0  }
0x9d: {  	[sflag:s24] =	ssyncadd.s32 $0xFFFFC000  }
0x9e: {  	[hbm4b:s18+s3] =	stream.linear.scatter [tilespmem:s23], [sflag:$0x1], $0x4000, $0x38;
	[tilespmem:$0x1D400] =	vst v63  }
0x9f: {  	_ =	swait.ge [sflag:s24], $0x4000  }
0xa0: {  	[sflag:s24] =	ssyncset.done $0x0  }
0xa1: {  	[sflag:s24] =	ssyncadd.s32 $0xFFFFC000  }
0xa2: {  	[tilespmem:s23], [sflag:$0x1] =	stream.linear.gather [spmem:s19], $0x4000, $0x38;
	[tilespmem:$0x1D400] =	vst v63  }
0xa3: {  	_ =	swait.ge [sflag:s24], $0x4000  }
0xa4: {  	[sflag:s24] =	ssyncset.done $0x0  }
0xa5: {  	[sflag:s24] =	ssyncadd.s32 $0xFFFFC000  }
0xa6: {  	[hbm4b:s20+s3] =	stream.linear.scatter [tilespmem:s23], [sflag:$0x1], $0x4000, $0x38;
	[tilespmem:$0x1D400] =	vst v63  }
0xa7: {  	_ =	swait.ge [sflag:s24], $0x4000  }
0xa8: {  	[sflag:s24] =	ssyncset.done $0x0  }
0xa9: {  	[sflag:s24] =	ssyncadd.s32 $0xFFFFC000  }
0xaa: {  	[tilespmem:s23], [sflag:$0x1] =	stream.linear.gather [spmem:s21], $0x4000, $0x38;
	[tilespmem:$0x1D400] =	vst v63  }
0xab: {  	s28 =	sadd.s32 $0x1, s28;
	_ =	swait.ge [sflag:s24], $0x4000  }
0xac: {  	p0 =	sne.s32 s28, s9;
	[sflag:s24] =	ssyncset.done $0x0  }
.Ltmp5:
0xad: {  	[sflag:s24] =	ssyncadd.s32 $0xFFFFC000;
	(pc) =	sbr.rel @p0 .LBB2_1-.Ltmp5, $4  }
0xae: {  	[hbm4b:s22+s3] =	stream.linear.scatter [tilespmem:s23], [sflag:$0x1], $0x4000, $0x38;
	[tilespmem:$0x1D400] =	vst v63  }
0xaf: {  	_ =	swait.ge [sflag:s24], $0x4000  }
0xb0: {  	[sflag:s24] =	ssyncset.done $0x0  }
0xb1: {  	[sflag:s24] =	ssyncadd.s32 $0xFFFFC000  }
0xb2: {  	_ =	sfence.sel $0x180000  }
0xb3: {  	[bflag:$0x0] =	sbarrier.arrive $0xFFFF  }
0xb4: {  	p0 =	sne.s32 s2, $0x0;
	_ =	strace $0x90000047  }
0xb5: {  	s0 =	sadd.s32 @!p0 $0x100000, s0;
	[bflag:$0x2] =	sbarrier.arrive $0xFFFF  }
0xb6: {  	[sflag:s0] =	ssyncadd.tile.s32 @!p0 $0x1;
	_ =	shalt  }
.Lfunc_end2:
_tile_overlayer_lowered:
.L_overlay_start_2:
0xb7: {  	(tag) =	ssettag $0x2  }
0xb8: {  	s0 =	rddreg [dreg:$0x0];
	s2 =	stileid.u32  }
0xb9: {  	s1 =	rddreg [dreg:$0x1];
	p0 =	sne.s32 s2, $0x0  }
0xba: {  	s3 =	rddreg [dreg:$0x2];
	[bflag:$0x3] =	sbarrier.arrive $0xFFFF;
	s2 =	simm.s32 @!p0 $0x1C01  }
0xbb: {  	[timem:s3], [sflag:s2] =	dma.local @!p0 [hbm:s0], s1  }
0xbc: {  	s0 =	simm.s32 @!p0 $0x1  }
0xbd: {  	_ =	swait.ge @!p0 [sflag:s0], s1  }
0xbe: {  	s1 =	ssub.s32 @!p0 $0x0, s1;
	[sflag:s0] =	ssyncset.done @!p0 $0x0  }
0xbf: {  	[sflag:s0] =	ssyncadd.s32 @!p0 s1  }
0xc0: {  	[bflag:$0x3] =	sbarrier.arrive $0xFFFF  }
0xc1: {  	_ =	shalt  }

// kernel: kernel.15.cloned.1.call-start
scs
__scs_entry_jumppad:
0x0: {  	(pc) =	sbr.rel $0x88, $3  }
0x1: {  	(tag) =	ssettag $0x0;
	lr =	simm.s32 $0x1  }
0x2: {  	[smem:$0x3F8E] =	sst lr;
	_ =	strace $0xD0000000  }
0x3: {  	_ = 	snop  }
0x4: {  	_ = 	snop  }
0x5: {  	_ = 	snop  }
0x6: {  	_ = 	snop  }
0x7: {  	_ = 	snop  }
__scs_overlays_trampoline_lowered:
0x8: {  	[smem:$0x3F9D] =	sst s0  }
0x9: {  	[smem:$0x3F9E] =	sst s1  }
0xa: {  	[smem:$0x3F9F] =	sst s2  }
0xb: {  	[smem:$0x3FA0] =	sst s3  }
0xc: {  	[smem:$0x3FA1] =	sst s4  }
0xd: {  	[smem:$0x3FA2] =	sst s5  }
0xe: {  	[smem:$0x3FA3] =	sst s6  }
0xf: {  	[smem:$0x3FA4] =	sst s7  }
0x10: {  	[smem:$0x3FA5] =	sst s8  }
0x11: {  	[smem:$0x3FA6] =	sst s9;
	s0 =	simm.s32 @!p0 $0x0  }
0x12: {  	s1 =	sld [smem:$0x3F8C];
	s0 =	simm.s32 @p0 $0x1  }
0x13: {  	[smem:$0x3FA7] =	sst s0;
	s0 =	simm.s32 @!p1 $0x0  }
0x14: {  	s2 =	sld [smem:$0x3F8B];
	s0 =	simm.s32 @p1 $0x1  }
0x15: {  	[smem:$0x3FA8] =	sst s0;
	s0 =	simm.s32 @!p2 $0x0  }
0x16: {  	s3 =	sld [smem:$0x3FDB];
	s0 =	simm.s32 @p2 $0x1  }
0x17: {  	s4 =	simm.s32 $0x1BF5;
	[smem:$0x3FAA] =	sst s0  }
0x18: {  	s0 =	sld [smem:$0x3F8D];
	_ =	swait.ge [sflag:s4], $0x0  }
0x19: {  	s7 =	sld [smem:$0x3F8E]  }
0x1a: {  	s8 =	sadd.s32 $0xFFFFE003, lr  }
0x1b: {  	s9 =	sadd.s32 $0xFFFFFEF7, lr;
	s5 =	simm.s32 $0xFFFFFFFF;
	p2 =	slt.u32 s8, $0xFFFFF086  }
0x1c: {  	p1 =	slt.u32 s9, $0xF7A;
	s5 =	simm.s32 @!p2 $0x0  }
0x1d: {  	s5 =	simm.s32 @p1 $0x1;
	p0 =	seq.s32 s7, s2  }
0x1e: {  	s7 =	smul.u32 @!p0 $0xF7A, s2;
	p2 =	seq.s32 @!p0 s5, $0x0  }
0x1f: {  	s9 =	smul.u32 $0xF7A, s1;
	s8 =	simm.s32 @!p0 $0x1BF5;
	p2 =	por !p2, p0  }
0x20: {  	[sflag:s8] =	ssyncset.s32 @!p0 $0xFFFFF086;
	s6 =	sadd.s32 @!p0 s3, s7;
	s7 =	simm.s32 @!p0 $0x108  }
0x21: {  	s3 =	sadd.s32 s3, s9;
	s6 =	sadd.s32 @!p0 $0x88, s6;
	s7 =	simm.s32 @p2 $0x1082  }
0x22: {  	[simem:s7], [sflag:s8] =	dma.local @!p0 [hbm:s6], $0xF7A  }
0x23: {  	s9 =	sor.u32 $0xD0000000, s2;
	s6 =	simm.s32 $0x108;
	_ =	swait.ge @!p0 [sflag:s8], $0x0  }
0x24: {  	s3 =	sadd.s32 $0x88, s3;
	s6 =	simm.s32 @!p1 $0x1082;
	[sflag:s4] =	ssyncset.s32 $0xFFFFF086  }
0x25: {  	[simem:s6], [sflag:s4] =	dma.local [hbm:s3], $0xF7A  }
0x26: {  	[smem:$0x3F8E] =	sst s1;
	(tag) =	ssettag s2;
	_ =	strace s9  }
0x27: {  	s1 =	sld [smem:$0x3F9E]  }
0x28: {  	s2 =	sld [smem:$0x3F9F]  }
0x29: {  	s4 =	sld [smem:$0x3FA1]  }
0x2a: {  	p0 =	seq.s32 s5, $0x0;
	s5 =	sld [smem:$0x3FA2]  }
0x2b: {  	s6 =	sld [smem:$0x3FA3]  }
0x2c: {  	s7 =	sld [smem:$0x3FA4]  }
0x2d: {  	s3 =	simm.s32 $0x108;
	s8 =	sld [smem:$0x3FA5]  }
0x2e: {  	s3 =	simm.s32 @!p0 $0x1082;
	s9 =	sld [smem:$0x3FA6]  }
0x2f: {  	lr =	sadd.s32 s0, s3;
	s0 =	sld [smem:$0x3F9D]  }
0x30: {  	s3 =	sld [smem:$0x3FA0]  }
0x31: {  	[smem:$0x3FA9] =	sst s10  }
0x32: {  	s10 =	sld [smem:$0x3FA7];
	_ =	sdelay $0x3  }
0x33: {  	p0 =	seq.s32 s10, $0x1;
	s10 =	sld [smem:$0x3FA9];
	_ =	sdelay $0x3  }
0x34: {  	[smem:$0x3FA9] =	sst s10  }
0x35: {  	s10 =	sld [smem:$0x3FA8];
	_ =	sdelay $0x3  }
0x36: {  	p1 =	seq.s32 s10, $0x1;
	s10 =	sld [smem:$0x3FA9];
	_ =	sdelay $0x3  }
0x37: {  	[smem:$0x3FA9] =	sst s10  }
0x38: {  	s10 =	sld [smem:$0x3FAA]  }
0x39: {  	_ = 	snop;
	(pc) =	sbr.ind lr, $3  }
0x3a: {  	_ = 	snop  }
0x3b: {  	_ = 	snop  }
0x3c: {  	p2 =	seq.s32 s10, $0x1;
	s10 =	sld [smem:$0x3FA9]  }
0x3d: {  	_ =	shalt  }
0x3e: {  	_ =	shalt  }
0x3f: {  	_ =	shalt  }
0x40: {  	_ =	shalt  }
0x41: {  	_ =	shalt  }
0x42: {  	_ =	shalt  }
0x43: {  	_ =	shalt  }
0x44: {  	_ =	shalt  }
0x45: {  	_ =	shalt  }
0x46: {  	_ =	shalt  }
0x47: {  	_ =	shalt  }
0x48: {  	_ =	shalt  }
0x49: {  	_ =	shalt  }
0x4a: {  	_ =	shalt  }
0x4b: {  	_ =	shalt  }
0x4c: {  	_ =	shalt  }
0x4d: {  	_ =	shalt  }
0x4e: {  	_ =	shalt  }
0x4f: {  	_ =	shalt  }
0x50: {  	_ =	shalt  }
0x51: {  	_ =	shalt  }
0x52: {  	_ =	shalt  }
0x53: {  	_ =	shalt  }
0x54: {  	_ =	shalt  }
0x55: {  	_ =	shalt  }
0x56: {  	_ =	shalt  }
0x57: {  	_ =	shalt  }
0x58: {  	_ =	shalt  }
0x59: {  	_ =	shalt  }
0x5a: {  	_ =	shalt  }
0x5b: {  	_ =	shalt  }
0x5c: {  	_ =	shalt  }
0x5d: {  	_ =	shalt  }
0x5e: {  	_ =	shalt  }
0x5f: {  	_ =	shalt  }
0x60: {  	_ =	shalt  }
0x61: {  	_ =	shalt  }
0x62: {  	_ =	shalt  }
0x63: {  	_ =	shalt  }
0x64: {  	_ =	shalt  }
0x65: {  	_ =	shalt  }
0x66: {  	_ =	shalt  }
0x67: {  	_ =	shalt  }
0x68: {  	_ =	shalt  }
0x69: {  	_ =	shalt  }
0x6a: {  	_ =	shalt  }
0x6b: {  	_ =	shalt  }
0x6c: {  	_ =	shalt  }
0x6d: {  	_ =	shalt  }
0x6e: {  	_ =	shalt  }
0x6f: {  	_ =	shalt  }
0x70: {  	_ =	shalt  }
0x71: {  	_ =	shalt  }
0x72: {  	_ =	shalt  }
0x73: {  	_ =	shalt  }
0x74: {  	_ =	shalt  }
0x75: {  	_ =	shalt  }
0x76: {  	_ =	shalt  }
0x77: {  	_ =	shalt  }
0x78: {  	_ =	shalt  }
0x79: {  	_ =	shalt  }
0x7a: {  	_ =	shalt  }
0x7b: {  	_ =	shalt  }
0x7c: {  	_ =	shalt  }
0x7d: {  	_ =	shalt  }
0x7e: {  	_ =	shalt  }
0x7f: {  	_ =	shalt  }
0x80: {  	_ =	shalt  }
0x81: {  	_ =	shalt  }
0x82: {  	_ =	shalt  }
0x83: {  	_ =	shalt  }
0x84: {  	_ =	shalt  }
0x85: {  	_ =	shalt  }
0x86: {  	_ =	shalt  }
0x87: {  	_ =	shalt  }
.Lfunc_end0:
.L_simem_size_0:
called_computation.1_lowered:
.L_overlay_start_0:
0x88: {  	s2 =	sld [smem:$0x3FD9]  }
0x89: {  	s3 =	sld [smem:$0x3FFE];
	_ =	sdelay $0x1  }
0x8a: {  	s1 =	srdreg.scid  }
0x8b: {  	s0 =	sand.u32 $0x1, s1  }
0x8c: {  	s15 =	sshll.u32 s0, $0xA;
	s2 =	sadd.s32 s3, s2  }
0x8d: {  	s2 =	sadd.s32 s2, s15  }
0x8e: {  	[smem:$0x3FB5] =	sst s2  }
0x8f: {  	_ = 	snop  }
0x90: {  	s2 =	sld [smem:$0x3FD0];
	_ =	sdelay $0x2  }
0x91: {  	s16 =	simm.s32 $0xB;
	s4 =	simm.s32 $0x10  }
0x92: {  	[smem:s4], [sflag:s16] =	dma.local [hbm:s2], $0x1  }
0x93: {  	_ =	swait.eq [sflag:s16], $0x1  }
0x94: {  	[sflag:s16] =	ssyncset.done $0x0  }
0x95: {  	[sflag:s16] =	ssyncadd.s32 $0xFFFFFFFF  }
0x96: {  	s17 =	sld [smem:$0x10];
	(tm) =	ssettm $0x1  }
0x97: {  	s18 =	sld [smem:$0x3FFB];
	_ =	sdelay $0x3  }
0x98: {  	_ =	strace s18  }
0x99: {  	s2 =	sld [smem:$0x3FFC];
	_ =	sdelay $0x3  }
0x9a: {  	_ =	strace s2  }
0x9b: {  	s2 =	sld [smem:$0x3FFD];
	_ =	sdelay $0x3  }
0x9c: {  	_ =	strace s2  }
0x9d: {  	_ =	strace $0x8FFFFFFF  }
0x9e: {  	s19 =	sld [smem:$0x3FDB];
	_ =	sdelay $0x1  }
0x9f: {  	s20 =	simm.s32 $_scs_section_size  }
0xa0: {  	s5 =	simm.s32 $_size__tile_overlayer_lowered;
	s6 =	simm.s32 $_tile_overlayer_lowered  }
0xa1: {  	s7 =	simm.s32 $0x1BFF;
	s21 =	sshll.u32 s6, $0x1;
	s4 =	sadd.s32 s20, s19  }
0xa2: {  	s22 =	simm.s32 $0x0;
	s5 =	sshll.u32 s5, $0x1;
	s6 =	sadd.s32 s21, s4  }
0xa3: {  	[timem:s22], [sflag:s7] =	dma.local [hbm:s6], s5  }
0xa4: {  	_ =	swait.ge [sflag:s7], s5  }
0xa5: {  	s5 =	ssub.s32 $0x0, s5;
	[sflag:s7] =	ssyncset.done $0x0  }
0xa6: {  	[sflag:s7] =	ssyncadd.s32 s5;
	_ =	sdelay $0x1  }
0xa7: {  	s23 =	simm.s32 $0x1B8B  }
0xa8: {  	_ =	swait.ge [sflag:s23], $0x1  }
0xa9: {  	[sflag:s23] =	ssyncset.done $0x0  }
0xaa: {  	[sflag:s23] =	ssyncadd.s32 $0xFFFFFFFF  }
0xab: {  	s5 =	sld [smem:$0x0]  }
0xac: {  	s6 =	sand.u32 $0xFFFFFFFE, s1  }
0xad: {  	p0 =	sne.s32 s1, s6  }
0xae: {  	s6 =	sshll.u32 @p0 s6, $0xE  }
0xaf: {  	s6 =	sadd.s32 @p0 $0x11B8D, s6;
	s7 =	sshll.u32 @p0 s5, $0x11  }
0xb0: {  	s6 =	sor.u32 @p0 s7, s6  }
0xb1: {  	[sflag:s6] =	ssyncadd.remote.s32 @p0 $0x1;
	_ =	sdelay $0x1  }
0xb2: {  	s6 =	simm.s32 @p0 $0x1B8D  }
0xb3: {  	_ =	swait.eq @p0 [sflag:s6], $0x1  }
0xb4: {  	[sflag:s6] =	ssyncadd.s32 @p0 $0xFFFFFFFF  }
0xb5: {  	s7 =	sshll.u32 @!p0 s1, $0xE  }
0xb6: {  	s7 =	sor.u32 @!p0 $0x4000, s7;
	s6 =	simm.s32 @!p0 $0x1B8D  }
0xb7: {  	s5 =	sshll.u32 @!p0 s5, $0x11;
	s7 =	sadd.s32 @!p0 $0x11B8D, s7;
	_ =	swait.eq @!p0 [sflag:s6], $0x1  }
0xb8: {  	s5 =	sor.u32 @!p0 s5, s7;
	[sflag:s6] =	ssyncadd.s32 @!p0 $0xFFFFFFFF  }
0xb9: {  	s25 =	simm.s32 $0x1B8E;
	s24 =	sld [smem:$0x3FFE];
	[sflag:s5] =	ssyncadd.remote.s32 @!p0 $0x1  }
0xba: {  	s26 =	simm.s32 $execute0_lowered;
	[smem:$0x3FD2] =	sst s25  }
0xbb: {  	s6 =	sshll.u32 s26, $0x1;
	_ =	strace $0x80000049;
	[dreg:$0x1] =	wrdreg $0xFFFFFFFF  }
0xbc: {  	s28 =	simm.s32 $_size_execute0_lowered;
	s4 =	sadd.s32 s4, s6;
	[dreg:$0x0] =	wrdreg $0x0  }
0xbd: {  	s6 =	sshll.u32 s28, $0x1;
	[dreg:$0x2] =	wrdreg s4  }
0xbe: {  	[dreg:$0x3] =	wrdreg s6  }
0xbf: {  	[dreg:$0x4] =	wrdreg $0xC0  }
0xc0: {  	_ =	task [dreg:s22], $0x5FFFF  }
0xc1: {  	[dreg:$0x1] =	wrdreg $0xFFFFFFFF  }
0xc2: {  	[dreg:$0x0] =	wrdreg $0x60  }
0xc3: {  	[dreg:$0x2] =	wrdreg s24  }
0xc4: {  	[dreg:$0x3] =	wrdreg s17  }
0xc5: {  	[dreg:$0x4] =	wrdreg $0xA8000  }
0xc6: {  	[dreg:$0x5] =	wrdreg $0xA  }
0xc7: {  	_ =	task.clear_ibuf [dreg:s22], $0x6FFFF;
	_ =	strace $0x90000049  }
0xc8: {  	s29 =	simm.s32 $0xA;
	_ =	strace $0x8000004B  }
0xc9: {  	_ =	swait.ge [sflag:s29], $0x1  }
0xca: {  	[sflag:s29] =	ssyncadd.s32 $0xFFFFFFFF  }
0xcb: {  	_ =	strace $0x9000004B  }
0xcc: {  	_ =	sfence  }
0xcd: {  	s30 =	sld [smem:$0x0];
	_ =	sdelay $0x2  }
0xce: {  	s31 =	sshll.u32 s1, $0xD;
	s1 =	sshrl.u32 s1, $0x2  }
0xcf: {  	s4 =	sand.u32 $0x4000, s31;
	s1 =	sadd.s32 s1, s30  }
0xd0: {  	s0 =	sor.u32 s4, s0;
	s1 =	sshll.u32 s1, $0x11  }
0xd1: {  	s0 =	sor.u32 s1, s0  }
0xd2: {  	s0 =	sadd.s32 $0x8F2B, s0  }
0xd3: {  	[sflag:s0] =	ssyncadd.remote.s32 $0x1  }
0xd4: {  	_ =	sfence.sel $0xFFFF  }
0xd5: {  	[dreg:$0x0] =	wrdreg $0xFFFFFFFF;
	(pc) =	sbr.abs _section_cstart, $3  }
0xd6: {  	[dreg:$0x1] =	wrdreg $0xFFFFFFFF  }
0xd7: {  	_ =	task.clear_ibuf [dreg:s22], $0x2FFFF;
	_ =	strace $0x9FFFFFFF  }
0xd8: {  	(tm) =	ssettm $0x7FFFFFFF  }
0xd9: {  	_ =	shalt  }
tec
execute0_lowered:
.L_overlay_start_1:
0x0: {  	(tag) =	ssettag $0x1  }
0x1: {  	s0 =	rddreg [dreg:$0x0]  }
0x2: {  	s2 =	rddreg [dreg:$0x1]  }
0x3: {  	s1 =	rddreg [dreg:$0x2];
	s4 =	srdreg.scid  }
0x4: {  	s3 =	simm.s32 $0x0;
	s13 =	stileid.u32;
	s28 =	simm.s32 $0x80  }
0x5: {  	s29 =	simm.s32 $0x6800;
	s30 =	simm.s32 $0x1;
	s31 =	simm.s32 $0x2  }
0x6: {  	s6 =	sand.u32 $0x1, s4;
	[smem:$0x7FF] =	sst s3;
	s7 =	smul.u32 $0x28000, s13  }
0x7: {  	s10 =	sadd.s32 $0x6000, s0;
	s4 =	sshll.u32 s6, $0x4;
	_ =	strace $0x8000004A  }
0x8: {  	s8 =	ssub.s32 $0x2, s6;
	s6 =	smul.u32 $0xA0000, s6;
	s5 =	sor.u32 s13, s4  }
0x9: {  	s4 =	sadd.s32 $0x60000, s0;
	s11 =	sshrl.u32 s8, $0x1;
	s0 =	sadd.s32 $0x88000, s0  }
0xa: {  	s24 =	sshrl.u32 s7, $0x2;
	s9 =	smul.u32 $0x500, s5;
	s8 =	ssub.s32 s8, s11  }
0xb: {  	s12 =	smul.u32 $0x2800, s5;
	s5 =	sadd.s32 s24, s1;
	s15 =	smax.u32 s8, $0x1  }
0xc: {  	s16 =	sadd.s32 $0x2000, s5;
	s17 =	sadd.s32 $0x4000, s5;
	[dreg:$0x8] =	wrdreg s15  }
0xd: {  	s14 =	sadd.s32 $0x8000, s5;
	s25 =	sadd.s32 s10, s9;
	[dreg:$0x9] =	wrdreg s16  }
0xe: {  	s26 =	sshrl.u32 s12, $0x3;
	s9 =	sadd.s32 s2, s9;
	[dreg:$0xa] =	wrdreg s17  }
0xf: {  	s12 =	smul.u32 $0xA000, s13;
	[dreg:$0x4] =	wrdreg s25;
	s7 =	sadd.s32 $0x280, s26  }
0x10: {  	s13 =	sadd.s32 $0x6000, s5;
	[dreg:$0x5] =	wrdreg s9;
	s11 =	sadd.s32 s10, s7  }
0x11: {  	s2 =	sadd.s32 s2, s7;
	s18 =	sadd.s32 s6, s12;
	s19 =	sadd.s32 $0x2000, s12  }
0x12: {  	s22 =	sadd.s32 $0x4000, s12;
	s24 =	sadd.s32 $0x6000, s12;
	[dreg:$0x6] =	wrdreg s11  }
0x13: {  	[dreg:$0x7] =	wrdreg s2;
	s7 =	sshrl.u32 s18, $0x3;
	s20 =	sadd.s32 s6, s19  }
0x14: {  	s16 =	sadd.s32 s19, s1;
	s23 =	sadd.s32 s6, s22;
	s18 =	sadd.s32 s22, s1  }
0x15: {  	s25 =	sadd.s32 s6, s24;
	s2 =	sadd.s32 $0x8000, s12;
	s15 =	sadd.s32 s0, s7  }
0x16: {  	s21 =	sshrl.u32 s20, $0x3;
	s7 =	sshrl.u32 s23, $0x3;
	s20 =	sadd.s32 s24, s1  }
0x17: {  	s6 =	sadd.s32 s6, s2;
	s22 =	sadd.s32 s2, s1;
	s24 =	simm.s32 $0x2800  }
0x18: {  	s2 =	simm.s32 $0x2700;
	s17 =	sadd.s32 s0, s21;
	s19 =	sadd.s32 s0, s7  }
0x19: {  	s7 =	sshrl.u32 s25, $0x3;
	s26 =	sshrl.u32 s6, $0x3;
	s25 =	simm.s32 $0x3  }
0x1a: {  	s6 =	simm.s32 $0x2780;
	s21 =	sadd.s32 s0, s7;
	s23 =	sadd.s32 s0, s26  }
0x1b: {  	v0 =	vimm.f32 $0.0e+00;
	s26 =	simm.s32 $0x1400;
	s0 =	simm.s32 $0x1380;
	s7 =	simm.s32 $0x0  }
.LBB2_1:
0x1c: {  	s8 =	simm.s32 $0x0;
	s9 =	simm.s32 $0x200  }
.LBB2_2:
0x1d: {  	p0 =	sne.s32 s9, $0x7E00;
	[tilespmem:s8+$0x2870] =	vst v0  }
0x1e: {  	[tilespmem:s8+$0x2800] =	vst v0  }
0x1f: {  	[tilespmem:s8+$0x2810] =	vst v0  }
.Ltmp0:
0x20: {  	[tilespmem:s8+$0x2820] =	vst v0;
	(pc) =	sbr.rel @p0 .LBB2_2-.Ltmp0, $4  }
0x21: {  	[tilespmem:s8+$0x2830] =	vst v0  }
0x22: {  	[tilespmem:s8+$0x2840] =	vst v0  }
0x23: {  	[tilespmem:s8+$0x2850] =	vst v0  }
0x24: {  	[tilespmem:s8+$0x2860] =	vst v0;
	s8 =	sshra.s32 s9, $0x2;
	s9 =	sadd.s32 $0x200, s9  }
0x25: {  	[tilespmem:s8+$0x2870] =	vst v0  }
0x26: {  	[tilespmem:s8+$0x2800] =	vst v0  }
0x27: {  	[tilespmem:s8+$0x2810] =	vst v0  }
0x28: {  	[tilespmem:s8+$0x2820] =	vst v0  }
0x29: {  	[tilespmem:s8+$0x2830] =	vst v0  }
0x2a: {  	[tilespmem:s8+$0x2840] =	vst v0  }
0x2b: {  	[tilespmem:s8+$0x2850] =	vst v0  }
0x2c: {  	[tilespmem:s8+$0x2860] =	vst v0  }
0x2d: {  	[spmem:s5] =	stream.linear.scatter [tilespmem:s24], [sflag:$0x3], $0x2000, $0x38;
	[tilespmem:$0x14800] =	vst v63  }
0x2e: {  	_ =	swait.ge [sflag:s25], $0x2000  }
0x2f: {  	[sflag:s25] =	ssyncset.done $0x0  }
0x30: {  	s9 =	rddreg [dreg:$0x9];
	[sflag:s25] =	ssyncadd.s32 $0xFFFFE000  }
0x31: {  	[spmem:s9] =	stream.linear.scatter [tilespmem:s24], [sflag:$0x3], $0x2000, $0x38;
	[tilespmem:$0x14800] =	vst v63  }
0x32: {  	_ =	swait.ge [sflag:s25], $0x2000  }
0x33: {  	[sflag:s25] =	ssyncset.done $0x0  }
0x34: {  	s10 =	rddreg [dreg:$0xa];
	[sflag:s25] =	ssyncadd.s32 $0xFFFFE000  }
0x35: {  	[spmem:s10] =	stream.linear.scatter [tilespmem:s24], [sflag:$0x3], $0x2000, $0x38;
	[tilespmem:$0x14800] =	vst v63  }
0x36: {  	_ =	swait.ge [sflag:s25], $0x2000  }
0x37: {  	[sflag:s25] =	ssyncset.done $0x0  }
0x38: {  	[sflag:s25] =	ssyncadd.s32 $0xFFFFE000  }
0x39: {  	[spmem:s13] =	stream.linear.scatter [tilespmem:s24], [sflag:$0x3], $0x2000, $0x38;
	[tilespmem:$0x14800] =	vst v63  }
0x3a: {  	_ =	swait.ge [sflag:s25], $0x2000  }
0x3b: {  	[sflag:s25] =	ssyncset.done $0x0  }
0x3c: {  	[sflag:s25] =	ssyncadd.s32 $0xFFFFE000  }
0x3d: {  	[spmem:s14] =	stream.linear.scatter [tilespmem:s24], [sflag:$0x3], $0x2000, $0x38;
	[tilespmem:$0x14800] =	vst v63  }
0x3e: {  	_ =	swait.ge [sflag:s25], $0x2000  }
0x3f: {  	[sflag:s25] =	ssyncset.done $0x0  }
0x40: {  	[sflag:s25] =	ssyncadd.s32 $0xFFFFE000  }
0x41: {  	[bflag:$0x0] =	sbarrier.arrive $0xFFFF  }
0x42: {  	s11 =	simm.s32 $0x0;
	s9 =	rddreg [dreg:$0x4]  }
0x43: {  	[tilespmem:s11], [sflag:$0x3] =	stream.linear.gather [hbm4b:s9+s11], $0x1400, $0x38;
	[tilespmem:$0x14800] =	vst v63  }
0x44: {  	_ =	swait.ge [sflag:s25], $0x1400  }
0x45: {  	[sflag:s25] =	ssyncset.done $0x0  }
0x46: {  	s12 =	rddreg [dreg:$0x5];
	[sflag:s25] =	ssyncadd.s32 $0xFFFFEC00  }
0x47: {  	[tilespmem:s26], [sflag:$0x3] =	stream.linear.gather [hbm4b:s12+s11], $0x1400, $0x38;
	[tilespmem:$0x14800] =	vst v63  }
0x48: {  	_ =	swait.ge [sflag:s25], $0x1400  }
0x49: {  	[sflag:s25] =	ssyncset.done $0x0  }
0x4a: {  	[sflag:s25] =	ssyncadd.s32 $0xFFFFEC00  }
0x4b: {  	[tilespmem:s24], [sflag:$0x1] =	stream.indirect.gather [hbm4b:s4+s28], $0x80, s11, s28, $0xb8;
	[tilespmem:$0x14800] =	vst v63  }
0x4c: {  	s9 =	simm.s32 $0x80  }
0x4d: {  	[tilespmem:s29], [sflag:$0x2] =	stream.indirect.gather [hbm4b:s4+s28], $0x80, s9, s28, $0xb8;
	[tilespmem:$0x14800] =	vst v63  }
0x4e: {  	_ =	swait.ge [sflag:s30], $0x4000  }
0x4f: {  	[sflag:s30] =	ssyncset.done $0x0  }
0x50: {  	s10 =	simm.s32 $0x1400;
	[sflag:s30] =	ssyncadd.s32 $0xFFFFC000  }
0x51: {  	[spmem:s1] =	stream.indirect.scatter.add.f32 [tilespmem:s24], [sflag:$0x3], $0x80, s10, s28, $0xb8;
	[tilespmem:$0x14800] =	vst v63  }
0x52: {  	_ =	swait.ge [sflag:s25], $0x4000  }
0x53: {  	[sflag:s25] =	ssyncset.done $0x0  }
0x54: {  	s11 =	simm.s32 $0x100;
	[sflag:s25] =	ssyncadd.s32 $0xFFFFC000  }
0x55: {  	[tilespmem:s24], [sflag:$0x1] =	stream.indirect.gather [hbm4b:s4+s28], $0x80, s11, s28, $0xb8;
	[tilespmem:$0x14800] =	vst v63  }
0x56: {  	_ =	swait.ge [sflag:s31], $0x4000  }
0x57: {  	[sflag:s31] =	ssyncset.done $0x0  }
0x58: {  	s12 =	simm.s32 $0x1480;
	[sflag:s31] =	ssyncadd.s32 $0xFFFFC000  }
0x59: {  	[spmem:s1] =	stream.indirect.scatter.add.f32 [tilespmem:s29], [sflag:$0x3], $0x80, s12, s28, $0xb8;
	[tilespmem:$0x14800] =	vst v63  }
0x5a: {  	_ =	swait.ge [sflag:s25], $0x4000  }
0x5b: {  	s8 =	simm.s32 $0x100;
	s9 =	simm.s32 $0x800;
	[sflag:s25] =	ssyncset.done $0x0  }
.LBB2_4:
0x5c: {  	s10 =	sadd.s32 $0x80, s8  }
0x5d: {  	[sflag:s25] =	ssyncadd.s32 $0xFFFFC000;
	s11 =	smov.u32 s9;
	s12 =	sadd.s32 $0x400, s9  }
0x5e: {  	[tilespmem:s29], [sflag:$0x2] =	stream.indirect.gather [hbm4b:s4+s28], $0x80, s10, s28, $0xb8;
	[tilespmem:$0x14800] =	vst v63  }
0x5f: {  	p0 =	sne.s32 s9, $0x4800;
	_ =	swait.ge [sflag:s30], $0x4000  }
0x60: {  	[sflag:s30] =	ssyncset.done $0x0  }
0x61: {  	s9 =	sadd.s32 $0x1400, s8;
	[sflag:s30] =	ssyncadd.s32 $0xFFFFC000  }
0x62: {  	[spmem:s1] =	stream.indirect.scatter.add.f32 [tilespmem:s24], [sflag:$0x3], $0x80, s9, s28, $0xb8;
	[tilespmem:$0x14800] =	vst v63  }
0x63: {  	_ =	swait.ge [sflag:s25], $0x4000  }
0x64: {  	[sflag:s25] =	ssyncset.done $0x0  }
0x65: {  	s9 =	sadd.s32 $0x100, s8;
	[sflag:s25] =	ssyncadd.s32 $0xFFFFC000  }
0x66: {  	[tilespmem:s24], [sflag:$0x1] =	stream.indirect.gather [hbm4b:s4+s28], $0x80, s9, s28, $0xb8;
	[tilespmem:$0x14800] =	vst v63  }
0x67: {  	_ =	swait.ge [sflag:s31], $0x4000  }
.Ltmp1:
0x68: {  	[sflag:s31] =	ssyncset.done $0x0;
	(pc) =	sbr.rel @p0 .LBB2_4-.Ltmp1, $4  }
0x69: {  	s8 =	sadd.s32 $0x1480, s8;
	[sflag:s31] =	ssyncadd.s32 $0xFFFFC000  }
0x6a: {  	[spmem:s1] =	stream.indirect.scatter.add.f32 [tilespmem:s29], [sflag:$0x3], $0x80, s8, s28, $0xb8;
	[tilespmem:$0x14800] =	vst v63  }
0x6b: {  	_ =	swait.ge [sflag:s25], $0x4000  }
0x6c: {  	s9 =	smov.u32 s12;
	s8 =	sshra.s32 s11, $0x2;
	[sflag:s25] =	ssyncset.done $0x0  }
0x6d: {  	s9 =	sadd.s32 $0x80, s8;
	[sflag:s25] =	ssyncadd.s32 $0xFFFFC000  }
0x6e: {  	[tilespmem:s29], [sflag:$0x2] =	stream.indirect.gather [hbm4b:s4+s28], $0x80, s9, s28, $0xb8;
	[tilespmem:$0x14800] =	vst v63  }
0x6f: {  	_ =	swait.ge [sflag:s30], $0x4000  }
0x70: {  	[sflag:s30] =	ssyncset.done $0x0  }
0x71: {  	s11 =	sadd.s32 $0x1400, s8;
	[sflag:s30] =	ssyncadd.s32 $0xFFFFC000  }
0x72: {  	[spmem:s1] =	stream.indirect.scatter.add.f32 [tilespmem:s24], [sflag:$0x3], $0x80, s11, s28, $0xb8;
	[tilespmem:$0x14800] =	vst v63  }
0x73: {  	_ =	swait.ge [sflag:s25], $0x4000  }
0x74: {  	[sflag:s25] =	ssyncset.done $0x0  }
0x75: {  	s12 =	sadd.s32 $0x100, s8;
	[sflag:s25] =	ssyncadd.s32 $0xFFFFC000  }
0x76: {  	[tilespmem:s24], [sflag:$0x1] =	stream.indirect.gather [hbm4b:s4+s28], $0x80, s12, s28, $0xb8;
	[tilespmem:$0x14800] =	vst v63  }
0x77: {  	_ =	swait.ge [sflag:s31], $0x4000  }
0x78: {  	[sflag:s31] =	ssyncset.done $0x0  }
0x79: {  	s9 =	sadd.s32 $0x1480, s8;
	[sflag:s31] =	ssyncadd.s32 $0xFFFFC000  }
0x7a: {  	[spmem:s1] =	stream.indirect.scatter.add.f32 [tilespmem:s29], [sflag:$0x3], $0x80, s9, s28, $0xb8;
	[tilespmem:$0x14800] =	vst v63  }
0x7b: {  	_ =	swait.ge [sflag:s25], $0x4000  }
0x7c: {  	[sflag:s25] =	ssyncset.done $0x0  }
0x7d: {  	[sflag:s25] =	ssyncadd.s32 $0xFFFFC000  }
0x7e: {  	[tilespmem:s29], [sflag:$0x2] =	stream.indirect.gather [hbm4b:s4+s28], $0x80, s0, s28, $0xb8;
	[tilespmem:$0x14800] =	vst v63  }
0x7f: {  	_ =	swait.ge [sflag:s30], $0x4000  }
0x80: {  	[sflag:s30] =	ssyncset.done $0x0  }
0x81: {  	[sflag:s30] =	ssyncadd.s32 $0xFFFFC000  }
0x82: {  	[spmem:s1] =	stream.indirect.scatter.add.f32 [tilespmem:s24], [sflag:$0x3], $0x80, s2, s28, $0xb8;
	[tilespmem:$0x14800] =	vst v63  }
0x83: {  	_ =	swait.ge [sflag:s25], $0x4000  }
0x84: {  	[sflag:s25] =	ssyncset.done $0x0  }
0x85: {  	[sflag:s25] =	ssyncadd.s32 $0xFFFFC000  }
0x86: {  	_ =	swait.ge [sflag:s31], $0x4000  }
0x87: {  	[sflag:s31] =	ssyncset.done $0x0  }
0x88: {  	[sflag:s31] =	ssyncadd.s32 $0xFFFFC000  }
0x89: {  	[spmem:s1] =	stream.indirect.scatter.add.f32 [tilespmem:s29], [sflag:$0x3], $0x80, s6, s28, $0xb8;
	[tilespmem:$0x14800] =	vst v63  }
0x8a: {  	_ =	swait.ge [sflag:s25], $0x4000  }
0x8b: {  	[sflag:s25] =	ssyncset.done $0x0  }
0x8c: {  	s10 =	simm.s32 $0x0;
	s11 =	rddreg [dreg:$0x6];
	[sflag:s25] =	ssyncadd.s32 $0xFFFFC000  }
0x8d: {  	[tilespmem:s10], [sflag:$0x3] =	stream.linear.gather [hbm4b:s11+s10], $0x1400, $0x38;
	[tilespmem:$0x14800] =	vst v63  }
0x8e: {  	_ =	swait.ge [sflag:s25], $0x1400  }
0x8f: {  	[sflag:s25] =	ssyncset.done $0x0  }
0x90: {  	s12 =	rddreg [dreg:$0x7];
	[sflag:s25] =	ssyncadd.s32 $0xFFFFEC00  }
0x91: {  	[tilespmem:s26], [sflag:$0x3] =	stream.linear.gather [hbm4b:s12+s10], $0x1400, $0x38;
	[tilespmem:$0x14800] =	vst v63  }
0x92: {  	_ =	swait.ge [sflag:s25], $0x1400  }
0x93: {  	[sflag:s25] =	ssyncset.done $0x0  }
0x94: {  	[sflag:s25] =	ssyncadd.s32 $0xFFFFEC00  }
0x95: {  	[tilespmem:s24], [sflag:$0x1] =	stream.indirect.gather [hbm4b:s4+s28], $0x80, s10, s28, $0xb8;
	[tilespmem:$0x14800] =	vst v63  }
0x96: {  	s9 =	simm.s32 $0x80  }
0x97: {  	[tilespmem:s29], [sflag:$0x2] =	stream.indirect.gather [hbm4b:s4+s28], $0x80, s9, s28, $0xb8;
	[tilespmem:$0x14800] =	vst v63  }
0x98: {  	_ =	swait.ge [sflag:s30], $0x4000  }
0x99: {  	[sflag:s30] =	ssyncset.done $0x0  }
0x9a: {  	s10 =	simm.s32 $0x1400;
	[sflag:s30] =	ssyncadd.s32 $0xFFFFC000  }
0x9b: {  	[spmem:s1] =	stream.indirect.scatter.add.f32 [tilespmem:s24], [sflag:$0x3], $0x80, s10, s28, $0xb8;
	[tilespmem:$0x14800] =	vst v63  }
0x9c: {  	_ =	swait.ge [sflag:s25], $0x4000  }
0x9d: {  	[sflag:s25] =	ssyncset.done $0x0  }
0x9e: {  	s11 =	simm.s32 $0x100;
	[sflag:s25] =	ssyncadd.s32 $0xFFFFC000  }
0x9f: {  	[tilespmem:s24], [sflag:$0x1] =	stream.indirect.gather [hbm4b:s4+s28], $0x80, s11, s28, $0xb8;
	[tilespmem:$0x14800] =	vst v63  }
0xa0: {  	_ =	swait.ge [sflag:s31], $0x4000  }
0xa1: {  	[sflag:s31] =	ssyncset.done $0x0  }
0xa2: {  	s12 =	simm.s32 $0x1480;
	[sflag:s31] =	ssyncadd.s32 $0xFFFFC000  }
0xa3: {  	[spmem:s1] =	stream.indirect.scatter.add.f32 [tilespmem:s29], [sflag:$0x3], $0x80, s12, s28, $0xb8;
	[tilespmem:$0x14800] =	vst v63  }
0xa4: {  	_ =	swait.ge [sflag:s25], $0x4000  }
0xa5: {  	s8 =	simm.s32 $0x100;
	s9 =	simm.s32 $0x800;
	[sflag:s25] =	ssyncset.done $0x0  }
.LBB2_6:
0xa6: {  	s10 =	sadd.s32 $0x80, s8  }
0xa7: {  	[sflag:s25] =	ssyncadd.s32 $0xFFFFC000;
	s11 =	smov.u32 s9;
	s12 =	sadd.s32 $0x400, s9  }
0xa8: {  	[tilespmem:s29], [sflag:$0x2] =	stream.indirect.gather [hbm4b:s4+s28], $0x80, s10, s28, $0xb8;
	[tilespmem:$0x14800] =	vst v63  }
0xa9: {  	p0 =	sne.s32 s9, $0x4800;
	_ =	swait.ge [sflag:s30], $0x4000  }
0xaa: {  	[sflag:s30] =	ssyncset.done $0x0  }
0xab: {  	s9 =	sadd.s32 $0x1400, s8;
	[sflag:s30] =	ssyncadd.s32 $0xFFFFC000  }
0xac: {  	[spmem:s1] =	stream.indirect.scatter.add.f32 [tilespmem:s24], [sflag:$0x3], $0x80, s9, s28, $0xb8;
	[tilespmem:$0x14800] =	vst v63  }
0xad: {  	_ =	swait.ge [sflag:s25], $0x4000  }
0xae: {  	[sflag:s25] =	ssyncset.done $0x0  }
0xaf: {  	s9 =	sadd.s32 $0x100, s8;
	[sflag:s25] =	ssyncadd.s32 $0xFFFFC000  }
0xb0: {  	[tilespmem:s24], [sflag:$0x1] =	stream.indirect.gather [hbm4b:s4+s28], $0x80, s9, s28, $0xb8;
	[tilespmem:$0x14800] =	vst v63  }
0xb1: {  	_ =	swait.ge [sflag:s31], $0x4000  }
.Ltmp2:
0xb2: {  	[sflag:s31] =	ssyncset.done $0x0;
	(pc) =	sbr.rel @p0 .LBB2_6-.Ltmp2, $4  }
0xb3: {  	s8 =	sadd.s32 $0x1480, s8;
	[sflag:s31] =	ssyncadd.s32 $0xFFFFC000  }
0xb4: {  	[spmem:s1] =	stream.indirect.scatter.add.f32 [tilespmem:s29], [sflag:$0x3], $0x80, s8, s28, $0xb8;
	[tilespmem:$0x14800] =	vst v63  }
0xb5: {  	_ =	swait.ge [sflag:s25], $0x4000  }
0xb6: {  	s9 =	smov.u32 s12;
	s8 =	sshra.s32 s11, $0x2;
	[sflag:s25] =	ssyncset.done $0x0  }
0xb7: {  	s9 =	sadd.s32 $0x80, s8;
	[sflag:s25] =	ssyncadd.s32 $0xFFFFC000  }
0xb8: {  	[tilespmem:s29], [sflag:$0x2] =	stream.indirect.gather [hbm4b:s4+s28], $0x80, s9, s28, $0xb8;
	[tilespmem:$0x14800] =	vst v63  }
0xb9: {  	_ =	swait.ge [sflag:s30], $0x4000  }
0xba: {  	[sflag:s30] =	ssyncset.done $0x0  }
0xbb: {  	s12 =	sadd.s32 $0x1400, s8;
	[sflag:s30] =	ssyncadd.s32 $0xFFFFC000  }
0xbc: {  	[spmem:s1] =	stream.indirect.scatter.add.f32 [tilespmem:s24], [sflag:$0x3], $0x80, s12, s28, $0xb8;
	[tilespmem:$0x14800] =	vst v63  }
0xbd: {  	_ =	swait.ge [sflag:s25], $0x4000  }
0xbe: {  	[sflag:s25] =	ssyncset.done $0x0  }
0xbf: {  	s10 =	sadd.s32 $0x100, s8;
	[sflag:s25] =	ssyncadd.s32 $0xFFFFC000  }
0xc0: {  	[tilespmem:s24], [sflag:$0x1] =	stream.indirect.gather [hbm4b:s4+s28], $0x80, s10, s28, $0xb8;
	[tilespmem:$0x14800] =	vst v63  }
0xc1: {  	_ =	swait.ge [sflag:s31], $0x4000  }
0xc2: {  	[sflag:s31] =	ssyncset.done $0x0  }
0xc3: {  	s11 =	sadd.s32 $0x1480, s8;
	[sflag:s31] =	ssyncadd.s32 $0xFFFFC000  }
0xc4: {  	[spmem:s1] =	stream.indirect.scatter.add.f32 [tilespmem:s29], [sflag:$0x3], $0x80, s11, s28, $0xb8;
	[tilespmem:$0x14800] =	vst v63  }
0xc5: {  	_ =	swait.ge [sflag:s25], $0x4000  }
0xc6: {  	[sflag:s25] =	ssyncset.done $0x0  }
0xc7: {  	[sflag:s25] =	ssyncadd.s32 $0xFFFFC000  }
0xc8: {  	[tilespmem:s29], [sflag:$0x2] =	stream.indirect.gather [hbm4b:s4+s28], $0x80, s0, s28, $0xb8;
	[tilespmem:$0x14800] =	vst v63  }
0xc9: {  	_ =	swait.ge [sflag:s30], $0x4000  }
0xca: {  	[sflag:s30] =	ssyncset.done $0x0  }
0xcb: {  	[sflag:s30] =	ssyncadd.s32 $0xFFFFC000  }
0xcc: {  	[spmem:s1] =	stream.indirect.scatter.add.f32 [tilespmem:s24], [sflag:$0x3], $0x80, s2, s28, $0xb8;
	[tilespmem:$0x14800] =	vst v63  }
0xcd: {  	_ =	swait.ge [sflag:s25], $0x4000  }
0xce: {  	[sflag:s25] =	ssyncset.done $0x0  }
0xcf: {  	[sflag:s25] =	ssyncadd.s32 $0xFFFFC000  }
0xd0: {  	_ =	swait.ge [sflag:s31], $0x4000  }
0xd1: {  	[sflag:s31] =	ssyncset.done $0x0  }
0xd2: {  	[sflag:s31] =	ssyncadd.s32 $0xFFFFC000  }
0xd3: {  	[spmem:s1] =	stream.indirect.scatter.add.f32 [tilespmem:s29], [sflag:$0x3], $0x80, s6, s28, $0xb8;
	[tilespmem:$0x14800] =	vst v63  }
0xd4: {  	_ =	swait.ge [sflag:s25], $0x4000  }
0xd5: {  	[sflag:s25] =	ssyncset.done $0x0  }
0xd6: {  	[sflag:s25] =	ssyncadd.s32 $0xFFFFC000  }
0xd7: {  	[bflag:$0x0] =	sbarrier.arrive $0xFFFF  }
0xd8: {  	[tilespmem:s24], [sflag:$0x3] =	stream.linear.gather [spmem:s5], $0x2000, $0x38;
	[tilespmem:$0x14800] =	vst v63  }
0xd9: {  	_ =	swait.ge [sflag:s25], $0x2000  }
0xda: {  	[sflag:s25] =	ssyncset.done $0x0  }
0xdb: {  	[sflag:s25] =	ssyncadd.s32 $0xFFFFE000  }
0xdc: {  	[hbm4b:s15+s3] =	stream.linear.scatter [tilespmem:s24], [sflag:$0x3], $0x2000, $0x38;
	[tilespmem:$0x14800] =	vst v63  }
0xdd: {  	_ =	swait.ge [sflag:s25], $0x2000  }
0xde: {  	[sflag:s25] =	ssyncset.done $0x0  }
0xdf: {  	[sflag:s25] =	ssyncadd.s32 $0xFFFFE000  }
0xe0: {  	[tilespmem:s24], [sflag:$0x3] =	stream.linear.gather [spmem:s16], $0x2000, $0x38;
	[tilespmem:$0x14800] =	vst v63  }
0xe1: {  	_ =	swait.ge [sflag:s25], $0x2000  }
0xe2: {  	[sflag:s25] =	ssyncset.done $0x0  }
0xe3: {  	[sflag:s25] =	ssyncadd.s32 $0xFFFFE000  }
0xe4: {  	[hbm4b:s17+s3] =	stream.linear.scatter [tilespmem:s24], [sflag:$0x3], $0x2000, $0x38;
	[tilespmem:$0x14800] =	vst v63  }
0xe5: {  	_ =	swait.ge [sflag:s25], $0x2000  }
0xe6: {  	[sflag:s25] =	ssyncset.done $0x0  }
0xe7: {  	[sflag:s25] =	ssyncadd.s32 $0xFFFFE000  }
0xe8: {  	[tilespmem:s24], [sflag:$0x3] =	stream.linear.gather [spmem:s18], $0x2000, $0x38;
	[tilespmem:$0x14800] =	vst v63  }
0xe9: {  	_ =	swait.ge [sflag:s25], $0x2000  }
0xea: {  	[sflag:s25] =	ssyncset.done $0x0  }
0xeb: {  	[sflag:s25] =	ssyncadd.s32 $0xFFFFE000  }
0xec: {  	[hbm4b:s19+s3] =	stream.linear.scatter [tilespmem:s24], [sflag:$0x3], $0x2000, $0x38;
	[tilespmem:$0x14800] =	vst v63  }
0xed: {  	_ =	swait.ge [sflag:s25], $0x2000  }
0xee: {  	[sflag:s25] =	ssyncset.done $0x0  }
0xef: {  	[sflag:s25] =	ssyncadd.s32 $0xFFFFE000  }
0xf0: {  	[tilespmem:s24], [sflag:$0x3] =	stream.linear.gather [spmem:s20], $0x2000, $0x38;
	[tilespmem:$0x14800] =	vst v63  }
0xf1: {  	_ =	swait.ge [sflag:s25], $0x2000  }
0xf2: {  	[sflag:s25] =	ssyncset.done $0x0  }
0xf3: {  	[sflag:s25] =	ssyncadd.s32 $0xFFFFE000  }
0xf4: {  	[hbm4b:s21+s3] =	stream.linear.scatter [tilespmem:s24], [sflag:$0x3], $0x2000, $0x38;
	[tilespmem:$0x14800] =	vst v63  }
0xf5: {  	_ =	swait.ge [sflag:s25], $0x2000  }
0xf6: {  	[sflag:s25] =	ssyncset.done $0x0  }
0xf7: {  	[sflag:s25] =	ssyncadd.s32 $0xFFFFE000  }
0xf8: {  	[tilespmem:s24], [sflag:$0x3] =	stream.linear.gather [spmem:s22], $0x2000, $0x38;
	[tilespmem:$0x14800] =	vst v63  }
0xf9: {  	_ =	swait.ge [sflag:s25], $0x2000  }
0xfa: {  	[sflag:s25] =	ssyncset.done $0x0  }
0xfb: {  	[sflag:s25] =	ssyncadd.s32 $0xFFFFE000  }
0xfc: {  	[hbm4b:s23+s3] =	stream.linear.scatter [tilespmem:s24], [sflag:$0x3], $0x2000, $0x38;
	[tilespmem:$0x14800] =	vst v63  }
0xfd: {  	_ =	swait.ge [sflag:s25], $0x2000  }
0xfe: {  	s7 =	sadd.s32 $0x1, s7;
	s12 =	rddreg [dreg:$0x8]  }
0xff: {  	p0 =	sne.s32 s7, s12  }
.Ltmp3:
0x100: {  	_ = 	snop;
	(pc) =	sbr.rel @p0 .LBB2_1-.Ltmp3, $3  }
0x101: {  	_ =	sdelay $0x1  }
0x102: {  	[sflag:s25] =	ssyncset.done $0x0  }
0x103: {  	[sflag:s25] =	ssyncadd.s32 $0xFFFFE000  }
0x104: {  	_ =	sfence.sel $0x180000  }
0x105: {  	[bflag:$0x0] =	sbarrier.arrive $0xFFFF  }
0x106: {  	_ =	strace $0x9000004A  }
0x107: {  	s0 =	stileid.u32;
	[bflag:$0x2] =	sbarrier.arrive $0xFFFF  }
0x108: {  	p0 =	sne.s32 s0, $0x0;
	s0 =	rddreg [dreg:$0x3]  }
0x109: {  	s0 =	sadd.s32 @!p0 $0x100000, s0  }
0x10a: {  	[sflag:s0] =	ssyncadd.tile.s32 @!p0 $0x1;
	_ =	shalt  }
.Lfunc_end2:
_tile_overlayer_lowered:
.L_overlay_start_2:
0x10b: {  	(tag) =	ssettag $0x2  }
0x10c: {  	s0 =	rddreg [dreg:$0x0];
	s2 =	stileid.u32  }
0x10d: {  	s1 =	rddreg [dreg:$0x1];
	p0 =	sne.s32 s2, $0x0  }
0x10e: {  	s3 =	rddreg [dreg:$0x2];
	[bflag:$0x3] =	sbarrier.arrive $0xFFFF;
	s2 =	simm.s32 @!p0 $0x1C03  }
0x10f: {  	[timem:s3], [sflag:s2] =	dma.local @!p0 [hbm:s0], s1  }
0x110: {  	s0 =	simm.s32 @!p0 $0x3  }
0x111: {  	_ =	swait.ge @!p0 [sflag:s0], s1  }
0x112: {  	s1 =	ssub.s32 @!p0 $0x0, s1;
	[sflag:s0] =	ssyncset.done @!p0 $0x0  }
0x113: {  	[sflag:s0] =	ssyncadd.s32 @!p0 s1  }
0x114: {  	[bflag:$0x3] =	sbarrier.arrive $0xFFFF  }
0x115: {  	_ =	shalt  }

// kernel: kernel.18.cloned.1.call-start
scs
__scs_entry_jumppad:
0x0: {  	(pc) =	sbr.rel $0x88, $3  }
0x1: {  	(tag) =	ssettag $0x0;
	lr =	simm.s32 $0x1  }
0x2: {  	[smem:$0x3F8E] =	sst lr;
	_ =	strace $0xD0000000  }
0x3: {  	_ = 	snop  }
0x4: {  	_ = 	snop  }
0x5: {  	_ = 	snop  }
0x6: {  	_ = 	snop  }
0x7: {  	_ = 	snop  }
__scs_overlays_trampoline_lowered:
0x8: {  	[smem:$0x3F9D] =	sst s0  }
0x9: {  	[smem:$0x3F9E] =	sst s1  }
0xa: {  	[smem:$0x3F9F] =	sst s2  }
0xb: {  	[smem:$0x3FA0] =	sst s3  }
0xc: {  	[smem:$0x3FA1] =	sst s4  }
0xd: {  	[smem:$0x3FA2] =	sst s5  }
0xe: {  	[smem:$0x3FA3] =	sst s6  }
0xf: {  	[smem:$0x3FA4] =	sst s7  }
0x10: {  	[smem:$0x3FA5] =	sst s8  }
0x11: {  	[smem:$0x3FA6] =	sst s9;
	s0 =	simm.s32 @!p0 $0x0  }
0x12: {  	s1 =	sld [smem:$0x3F8C];
	s0 =	simm.s32 @p0 $0x1  }
0x13: {  	[smem:$0x3FA7] =	sst s0;
	s0 =	simm.s32 @!p1 $0x0  }
0x14: {  	s2 =	sld [smem:$0x3F8B];
	s0 =	simm.s32 @p1 $0x1  }
0x15: {  	[smem:$0x3FA8] =	sst s0;
	s0 =	simm.s32 @!p2 $0x0  }
0x16: {  	s3 =	sld [smem:$0x3FDB];
	s0 =	simm.s32 @p2 $0x1  }
0x17: {  	s4 =	simm.s32 $0x1BF5;
	[smem:$0x3FAA] =	sst s0  }
0x18: {  	s0 =	sld [smem:$0x3F8D];
	_ =	swait.ge [sflag:s4], $0x0  }
0x19: {  	s7 =	sld [smem:$0x3F8E]  }
0x1a: {  	s8 =	sadd.s32 $0xFFFFE003, lr  }
0x1b: {  	s9 =	sadd.s32 $0xFFFFFEF7, lr;
	s5 =	simm.s32 $0xFFFFFFFF;
	p2 =	slt.u32 s8, $0xFFFFF086  }
0x1c: {  	p1 =	slt.u32 s9, $0xF7A;
	s5 =	simm.s32 @!p2 $0x0  }
0x1d: {  	s5 =	simm.s32 @p1 $0x1;
	p0 =	seq.s32 s7, s2  }
0x1e: {  	s7 =	smul.u32 @!p0 $0xF7A, s2;
	p2 =	seq.s32 @!p0 s5, $0x0  }
0x1f: {  	s9 =	smul.u32 $0xF7A, s1;
	s8 =	simm.s32 @!p0 $0x1BF5;
	p2 =	por !p2, p0  }
0x20: {  	[sflag:s8] =	ssyncset.s32 @!p0 $0xFFFFF086;
	s6 =	sadd.s32 @!p0 s3, s7;
	s7 =	simm.s32 @!p0 $0x108  }
0x21: {  	s3 =	sadd.s32 s3, s9;
	s6 =	sadd.s32 @!p0 $0x88, s6;
	s7 =	simm.s32 @p2 $0x1082  }
0x22: {  	[simem:s7], [sflag:s8] =	dma.local @!p0 [hbm:s6], $0xF7A  }
0x23: {  	s9 =	sor.u32 $0xD0000000, s2;
	s6 =	simm.s32 $0x108;
	_ =	swait.ge @!p0 [sflag:s8], $0x0  }
0x24: {  	s3 =	sadd.s32 $0x88, s3;
	s6 =	simm.s32 @!p1 $0x1082;
	[sflag:s4] =	ssyncset.s32 $0xFFFFF086  }
0x25: {  	[simem:s6], [sflag:s4] =	dma.local [hbm:s3], $0xF7A  }
0x26: {  	[smem:$0x3F8E] =	sst s1;
	(tag) =	ssettag s2;
	_ =	strace s9  }
0x27: {  	s1 =	sld [smem:$0x3F9E]  }
0x28: {  	s2 =	sld [smem:$0x3F9F]  }
0x29: {  	s4 =	sld [smem:$0x3FA1]  }
0x2a: {  	p0 =	seq.s32 s5, $0x0;
	s5 =	sld [smem:$0x3FA2]  }
0x2b: {  	s6 =	sld [smem:$0x3FA3]  }
0x2c: {  	s7 =	sld [smem:$0x3FA4]  }
0x2d: {  	s3 =	simm.s32 $0x108;
	s8 =	sld [smem:$0x3FA5]  }
0x2e: {  	s3 =	simm.s32 @!p0 $0x1082;
	s9 =	sld [smem:$0x3FA6]  }
0x2f: {  	lr =	sadd.s32 s0, s3;
	s0 =	sld [smem:$0x3F9D]  }
0x30: {  	s3 =	sld [smem:$0x3FA0]  }
0x31: {  	[smem:$0x3FA9] =	sst s10  }
0x32: {  	s10 =	sld [smem:$0x3FA7];
	_ =	sdelay $0x3  }
0x33: {  	p0 =	seq.s32 s10, $0x1;
	s10 =	sld [smem:$0x3FA9];
	_ =	sdelay $0x3  }
0x34: {  	[smem:$0x3FA9] =	sst s10  }
0x35: {  	s10 =	sld [smem:$0x3FA8];
	_ =	sdelay $0x3  }
0x36: {  	p1 =	seq.s32 s10, $0x1;
	s10 =	sld [smem:$0x3FA9];
	_ =	sdelay $0x3  }
0x37: {  	[smem:$0x3FA9] =	sst s10  }
0x38: {  	s10 =	sld [smem:$0x3FAA]  }
0x39: {  	_ = 	snop;
	(pc) =	sbr.ind lr, $3  }
0x3a: {  	_ = 	snop  }
0x3b: {  	_ = 	snop  }
0x3c: {  	p2 =	seq.s32 s10, $0x1;
	s10 =	sld [smem:$0x3FA9]  }
0x3d: {  	_ =	shalt  }
0x3e: {  	_ =	shalt  }
0x3f: {  	_ =	shalt  }
0x40: {  	_ =	shalt  }
0x41: {  	_ =	shalt  }
0x42: {  	_ =	shalt  }
0x43: {  	_ =	shalt  }
0x44: {  	_ =	shalt  }
0x45: {  	_ =	shalt  }
0x46: {  	_ =	shalt  }
0x47: {  	_ =	shalt  }
0x48: {  	_ =	shalt  }
0x49: {  	_ =	shalt  }
0x4a: {  	_ =	shalt  }
0x4b: {  	_ =	shalt  }
0x4c: {  	_ =	shalt  }
0x4d: {  	_ =	shalt  }
0x4e: {  	_ =	shalt  }
0x4f: {  	_ =	shalt  }
0x50: {  	_ =	shalt  }
0x51: {  	_ =	shalt  }
0x52: {  	_ =	shalt  }
0x53: {  	_ =	shalt  }
0x54: {  	_ =	shalt  }
0x55: {  	_ =	shalt  }
0x56: {  	_ =	shalt  }
0x57: {  	_ =	shalt  }
0x58: {  	_ =	shalt  }
0x59: {  	_ =	shalt  }
0x5a: {  	_ =	shalt  }
0x5b: {  	_ =	shalt  }
0x5c: {  	_ =	shalt  }
0x5d: {  	_ =	shalt  }
0x5e: {  	_ =	shalt  }
0x5f: {  	_ =	shalt  }
0x60: {  	_ =	shalt  }
0x61: {  	_ =	shalt  }
0x62: {  	_ =	shalt  }
0x63: {  	_ =	shalt  }
0x64: {  	_ =	shalt  }
0x65: {  	_ =	shalt  }
0x66: {  	_ =	shalt  }
0x67: {  	_ =	shalt  }
0x68: {  	_ =	shalt  }
0x69: {  	_ =	shalt  }
0x6a: {  	_ =	shalt  }
0x6b: {  	_ =	shalt  }
0x6c: {  	_ =	shalt  }
0x6d: {  	_ =	shalt  }
0x6e: {  	_ =	shalt  }
0x6f: {  	_ =	shalt  }
0x70: {  	_ =	shalt  }
0x71: {  	_ =	shalt  }
0x72: {  	_ =	shalt  }
0x73: {  	_ =	shalt  }
0x74: {  	_ =	shalt  }
0x75: {  	_ =	shalt  }
0x76: {  	_ =	shalt  }
0x77: {  	_ =	shalt  }
0x78: {  	_ =	shalt  }
0x79: {  	_ =	shalt  }
0x7a: {  	_ =	shalt  }
0x7b: {  	_ =	shalt  }
0x7c: {  	_ =	shalt  }
0x7d: {  	_ =	shalt  }
0x7e: {  	_ =	shalt  }
0x7f: {  	_ =	shalt  }
0x80: {  	_ =	shalt  }
0x81: {  	_ =	shalt  }
0x82: {  	_ =	shalt  }
0x83: {  	_ =	shalt  }
0x84: {  	_ =	shalt  }
0x85: {  	_ =	shalt  }
0x86: {  	_ =	shalt  }
0x87: {  	_ =	shalt  }
.Lfunc_end0:
.L_simem_size_0:
called_computation.2_lowered:
.L_overlay_start_0:
0x88: {  	s2 =	sld [smem:$0x3FD9]  }
0x89: {  	s3 =	sld [smem:$0x3FFE];
	_ =	sdelay $0x1  }
0x8a: {  	s1 =	srdreg.scid  }
0x8b: {  	s0 =	sand.u32 $0x1, s1  }
0x8c: {  	s14 =	sshll.u32 s0, $0xA;
	s2 =	sadd.s32 s3, s2  }
0x8d: {  	s2 =	sadd.s32 s2, s14  }
0x8e: {  	[smem:$0x3FB5] =	sst s2  }
0x8f: {  	_ = 	snop  }
0x90: {  	s2 =	sld [smem:$0x3FD0];
	_ =	sdelay $0x2  }
0x91: {  	s15 =	simm.s32 $0xB;
	s4 =	simm.s32 $0x10  }
0x92: {  	[smem:s4], [sflag:s15] =	dma.local [hbm:s2], $0x1  }
0x93: {  	_ =	swait.eq [sflag:s15], $0x1  }
0x94: {  	[sflag:s15] =	ssyncset.done $0x0  }
0x95: {  	s16 =	sld [smem:$0x10];
	[sflag:s15] =	ssyncadd.s32 $0xFFFFFFFF  }
0x96: {  	s17 =	sld [smem:$0x11];
	(tm) =	ssettm $0x1  }
0x97: {  	s18 =	sld [smem:$0x3FFB];
	_ =	sdelay $0x3  }
0x98: {  	_ =	strace s18  }
0x99: {  	s4 =	sld [smem:$0x3FFC];
	_ =	sdelay $0x3  }
0x9a: {  	_ =	strace s4  }
0x9b: {  	s4 =	sld [smem:$0x3FFD];
	_ =	sdelay $0x3  }
0x9c: {  	_ =	strace s4  }
0x9d: {  	_ =	strace $0x8FFFFFFF  }
0x9e: {  	s19 =	sld [smem:$0x3FDB];
	_ =	sdelay $0x1  }
0x9f: {  	s5 =	simm.s32 $_scs_section_size  }
0xa0: {  	s6 =	simm.s32 $_size__tile_overlayer_lowered;
	s7 =	simm.s32 $_tile_overlayer_lowered  }
0xa1: {  	s22 =	simm.s32 $0x1BFF;
	s21 =	sshll.u32 s7, $0x1;
	s4 =	sadd.s32 s5, s19  }
0xa2: {  	s8 =	simm.s32 $0x0;
	s20 =	sshll.u32 s6, $0x1;
	s6 =	sadd.s32 s21, s4  }
0xa3: {  	[timem:s8], [sflag:s22] =	dma.local [hbm:s6], s20  }
0xa4: {  	_ =	swait.ge [sflag:s22], s20  }
0xa5: {  	s5 =	ssub.s32 $0x0, s20;
	[sflag:s22] =	ssyncset.done $0x0  }
0xa6: {  	[sflag:s22] =	ssyncadd.s32 s5;
	_ =	sdelay $0x1  }
0xa7: {  	s23 =	simm.s32 $0x1B8B  }
0xa8: {  	_ =	swait.ge [sflag:s23], $0x1  }
0xa9: {  	[sflag:s23] =	ssyncset.done $0x0  }
0xaa: {  	s25 =	simm.s32 $0x1B8E;
	s24 =	sld [smem:$0x3FFE];
	[sflag:s23] =	ssyncadd.s32 $0xFFFFFFFF  }
0xab: {  	s26 =	simm.s32 $execute0_lowered;
	[smem:$0x3FD2] =	sst s25  }
0xac: {  	s6 =	sshll.u32 s26, $0x1;
	_ =	strace $0x8000004C;
	[dreg:$0x1] =	wrdreg $0xFFFFFFFF  }
0xad: {  	s28 =	simm.s32 $_size_execute0_lowered;
	s4 =	sadd.s32 s4, s6;
	[dreg:$0x0] =	wrdreg $0x0  }
0xae: {  	s6 =	sshll.u32 s28, $0x1;
	[dreg:$0x2] =	wrdreg s4  }
0xaf: {  	[dreg:$0x3] =	wrdreg s6  }
0xb0: {  	[dreg:$0x4] =	wrdreg $0xC0  }
0xb1: {  	_ =	task [dreg:s8], $0x5FFFF  }
0xb2: {  	[dreg:$0x1] =	wrdreg $0xFFFFFFFF  }
0xb3: {  	[dreg:$0x0] =	wrdreg $0x60  }
0xb4: {  	[dreg:$0x2] =	wrdreg s17  }
0xb5: {  	[dreg:$0x3] =	wrdreg s16  }
0xb6: {  	[dreg:$0x4] =	wrdreg s24  }
0xb7: {  	[dreg:$0x5] =	wrdreg $0xA8000  }
0xb8: {  	[dreg:$0x6] =	wrdreg $0x9  }
0xb9: {  	_ =	task.clear_ibuf [dreg:s8], $0x7FFFF;
	_ =	strace $0x9000004C  }
0xba: {  	s29 =	simm.s32 $0x9;
	_ =	strace $0x8000004E  }
0xbb: {  	_ =	swait.ge [sflag:s29], $0x1  }
0xbc: {  	[sflag:s29] =	ssyncadd.s32 $0xFFFFFFFF  }
0xbd: {  	_ =	strace $0x9000004E  }
0xbe: {  	_ =	sfence  }
0xbf: {  	s30 =	sld [smem:$0x0];
	_ =	sdelay $0x2  }
0xc0: {  	s31 =	sshll.u32 s1, $0xD;
	s1 =	sshrl.u32 s1, $0x2  }
0xc1: {  	s3 =	sand.u32 $0x4000, s31;
	s1 =	sadd.s32 s1, s30  }
0xc2: {  	s0 =	sor.u32 s3, s0;
	s1 =	sshll.u32 s1, $0x11  }
0xc3: {  	s0 =	sor.u32 s1, s0  }
0xc4: {  	s0 =	sadd.s32 $0x8F2B, s0  }
0xc5: {  	[sflag:s0] =	ssyncadd.remote.s32 $0x1  }
0xc6: {  	_ =	sfence.sel $0xFFFF  }
0xc7: {  	[dreg:$0x0] =	wrdreg $0xFFFFFFFF;
	(pc) =	sbr.abs _section_cstart, $3  }
0xc8: {  	[dreg:$0x1] =	wrdreg $0xFFFFFFFF  }
0xc9: {  	_ =	task.clear_ibuf [dreg:s8], $0x2FFFF;
	_ =	strace $0x9FFFFFFF  }
0xca: {  	(tm) =	ssettm $0x7FFFFFFF  }
0xcb: {  	_ =	shalt  }
tec
execute0_lowered:
.L_overlay_start_1:
0x0: {  	(tag) =	ssettag $0x1  }
0x1: {  	s1 =	srdreg.scid  }
0x2: {  	s0 =	rddreg [dreg:$0x1];
	s10 =	stileid.u32;
	s3 =	sand.u32 $0x1, s1  }
0x3: {  	s2 =	rddreg [dreg:$0x2];
	s5 =	smul.u32 $0x50000, s10;
	s4 =	sshll.u32 s3, $0x4  }
0x4: {  	s7 =	ssub.s32 $0x2, s3;
	s3 =	smul.u32 $0x140000, s3;
	s4 =	sor.u32 s10, s4  }
0x5: {  	s1 =	simm.s32 $0x0;
	s6 =	sadd.s32 $0x6000, s2;
	s8 =	smul.u32 $0x500, s4  }
0x6: {  	s2 =	sadd.s32 $0x60000, s2;
	s9 =	sshrl.u32 s7, $0x1;
	s4 =	smul.u32 $0x2800, s4  }
0x7: {  	[smem:$0x7FF] =	sst s1;
	s7 =	ssub.s32 s7, s9;
	s9 =	smul.u32 $0x14000, s10  }
0x8: {  	s5 =	sshrl.u32 s5, $0x2;
	s16 =	sadd.s32 s0, s8;
	s4 =	sshrl.u32 s4, $0x3  }
0x9: {  	s8 =	sadd.s32 s6, s8;
	s17 =	sadd.s32 s3, s9;
	s10 =	sadd.s32 $0x8000, s9  }
0xa: {  	s25 =	sadd.s32 $0xA000, s9;
	s28 =	sadd.s32 $0xC000, s9;
	[dreg:$0x5] =	wrdreg s16  }
0xb: {  	s13 =	sadd.s32 $0xE000, s9;
	[dreg:$0x6] =	wrdreg s8;
	s4 =	sadd.s32 $0x280, s4  }
0xc: {  	s8 =	sor.u32 $0x2000, s9;
	s12 =	sadd.s32 s3, s10;
	s26 =	sadd.s32 s3, s25  }
0xd: {  	s14 =	sadd.s32 s3, s28;
	s15 =	sadd.s32 s3, s13;
	s0 =	sadd.s32 s0, s4  }
0xe: {  	s18 =	sadd.s32 s3, s8;
	s4 =	sadd.s32 s6, s4;
	s6 =	sadd.s32 $0x6000, s9  }
0xf: {  	s23 =	sshrl.u32 s12, $0x3;
	s14 =	sshrl.u32 s14, $0x3;
	[dreg:$0x7] =	wrdreg s0  }
0x10: {  	s16 =	sshrl.u32 s15, $0x3;
	s12 =	simm.s32 $0x6800;
	[dreg:$0x8] =	wrdreg s4  }
0x11: {  	s0 =	sshrl.u32 s17, $0x3;
	s19 =	sshrl.u32 s18, $0x3;
	s11 =	sadd.s32 s3, s6  }
0x12: {  	s24 =	sadd.s32 s2, s23;
	s17 =	sadd.s32 s2, s16;
	s18 =	sadd.s32 $0x10000, s9  }
0x13: {  	s16 =	rddreg [dreg:$0x3];
	s0 =	sadd.s32 s2, s0;
	s20 =	sadd.s32 s2, s19  }
0x14: {  	s22 =	sshrl.u32 s11, $0x3;
	[dreg:$0xd] =	wrdreg s24;
	s11 =	sshrl.u32 s26, $0x3  }
0x15: {  	[dreg:$0x10] =	wrdreg s17;
	s19 =	sadd.s32 s5, s16;
	s23 =	sadd.s32 s6, s16  }
0x16: {  	s24 =	sadd.s32 s10, s16;
	s25 =	sadd.s32 s25, s16;
	s26 =	sadd.s32 s28, s16  }
0x17: {  	s28 =	sadd.s32 s13, s16;
	s29 =	sadd.s32 s18, s16;
	[dreg:$0x9] =	wrdreg s0  }
0x18: {  	s10 =	simm.s32 $0x1400;
	s13 =	simm.s32 $0x1;
	[dreg:$0xa] =	wrdreg s20  }
0x19: {  	s0 =	sadd.s32 $0x4000, s9;
	s11 =	sadd.s32 s2, s11;
	s9 =	sadd.s32 $0x12000, s9  }
0x1a: {  	s20 =	sadd.s32 s3, s18;
	s21 =	sadd.s32 s3, s0;
	[dreg:$0xe] =	wrdreg s11  }
0x1b: {  	s11 =	sadd.s32 s2, s14;
	s14 =	rddreg [dreg:$0x0];
	s15 =	sshrl.u32 s20, $0x3  }
0x1c: {  	s4 =	sshrl.u32 s21, $0x3;
	[dreg:$0xf] =	wrdreg s11;
	s15 =	sadd.s32 s2, s15  }
0x1d: {  	s3 =	sadd.s32 s3, s9;
	s4 =	sadd.s32 s2, s4;
	[dreg:$0x11] =	wrdreg s15  }
0x1e: {  	s3 =	sshrl.u32 s3, $0x3;
	[dreg:$0xb] =	wrdreg s4;
	s4 =	sadd.s32 s2, s22  }
0x1f: {  	s17 =	simm.s32 $0x2;
	s2 =	sadd.s32 s2, s3;
	[dreg:$0xc] =	wrdreg s4  }
0x20: {  	s31 =	sadd.s32 $0x2000, s19;
	s21 =	smax.u32 s7, $0x1;
	[dreg:$0x12] =	wrdreg s2  }
0x21: {  	s22 =	sadd.s32 s8, s16;
	_ =	strace $0x8000004D;
	[dreg:$0x13] =	wrdreg s21  }
0x22: {  	s5 =	sadd.s32 $0xE000, s19;
	s0 =	sadd.s32 s0, s16;
	[dreg:$0x14] =	wrdreg s22  }
0x23: {  	s6 =	sadd.s32 $0x10000, s19;
	s18 =	simm.s32 $0x1380;
	[dreg:$0x15] =	wrdreg s0  }
0x24: {  	s30 =	sadd.s32 s9, s16;
	s9 =	simm.s32 $0x3;
	[dreg:$0x16] =	wrdreg s23  }
0x25: {  	s20 =	simm.s32 $0x2700;
	s7 =	sadd.s32 $0x12000, s19;
	[dreg:$0x17] =	wrdreg s24  }
0x26: {  	s11 =	simm.s32 $0x80;
	s15 =	sadd.s32 $0x4000, s19;
	[dreg:$0x18] =	wrdreg s25  }
0x27: {  	s3 =	sadd.s32 $0xA000, s19;
	s8 =	simm.s32 $0x2800;
	[dreg:$0x19] =	wrdreg s26  }
0x28: {  	s2 =	sadd.s32 $0x8000, s19;
	s4 =	sadd.s32 $0xC000, s19;
	[dreg:$0x1a] =	wrdreg s28  }
0x29: {  	v0 =	vimm.f32 $0.0e+00;
	s0 =	sadd.s32 $0x6000, s19;
	s21 =	simm.s32 $0x2780;
	s22 =	simm.s32 $0x0  }
.LBB2_1:
0x2a: {  	s23 =	simm.s32 $0x0;
	s24 =	simm.s32 $0x200  }
.LBB2_2:
0x2b: {  	p0 =	sne.s32 s24, $0x7E00;
	[tilespmem:s23+$0x2870] =	vst v0  }
0x2c: {  	[tilespmem:s23+$0x2800] =	vst v0  }
0x2d: {  	[tilespmem:s23+$0x2810] =	vst v0  }
.Ltmp0:
0x2e: {  	[tilespmem:s23+$0x2820] =	vst v0;
	(pc) =	sbr.rel @p0 .LBB2_2-.Ltmp0, $4  }
0x2f: {  	[tilespmem:s23+$0x2830] =	vst v0  }
0x30: {  	[tilespmem:s23+$0x2840] =	vst v0  }
0x31: {  	[tilespmem:s23+$0x2850] =	vst v0  }
0x32: {  	[tilespmem:s23+$0x2860] =	vst v0;
	s23 =	sshra.s32 s24, $0x2;
	s24 =	sadd.s32 $0x200, s24  }
0x33: {  	[tilespmem:s23+$0x2870] =	vst v0  }
0x34: {  	[tilespmem:s23+$0x2800] =	vst v0  }
0x35: {  	[tilespmem:s23+$0x2810] =	vst v0  }
0x36: {  	[tilespmem:s23+$0x2820] =	vst v0  }
0x37: {  	[tilespmem:s23+$0x2830] =	vst v0  }
0x38: {  	[tilespmem:s23+$0x2840] =	vst v0  }
0x39: {  	[tilespmem:s23+$0x2850] =	vst v0  }
0x3a: {  	[tilespmem:s23+$0x2860] =	vst v0  }
0x3b: {  	[spmem:s19] =	stream.linear.scatter [tilespmem:s8], [sflag:$0x3], $0x2000, $0x38;
	[tilespmem:$0x1E800] =	vst v63  }
0x3c: {  	_ =	swait.ge [sflag:s9], $0x2000  }
0x3d: {  	[sflag:s9] =	ssyncset.done $0x0  }
0x3e: {  	[sflag:s9] =	ssyncadd.s32 $0xFFFFE000  }
0x3f: {  	[spmem:s31] =	stream.linear.scatter [tilespmem:s8], [sflag:$0x3], $0x2000, $0x38;
	[tilespmem:$0x1E800] =	vst v63  }
0x40: {  	_ =	swait.ge [sflag:s9], $0x2000  }
0x41: {  	[sflag:s9] =	ssyncset.done $0x0  }
0x42: {  	[sflag:s9] =	ssyncadd.s32 $0xFFFFE000  }
0x43: {  	[spmem:s15] =	stream.linear.scatter [tilespmem:s8], [sflag:$0x3], $0x2000, $0x38;
	[tilespmem:$0x1E800] =	vst v63  }
0x44: {  	_ =	swait.ge [sflag:s9], $0x2000  }
0x45: {  	[sflag:s9] =	ssyncset.done $0x0  }
0x46: {  	[sflag:s9] =	ssyncadd.s32 $0xFFFFE000  }
0x47: {  	[spmem:s0] =	stream.linear.scatter [tilespmem:s8], [sflag:$0x3], $0x2000, $0x38;
	[tilespmem:$0x1E800] =	vst v63  }
0x48: {  	_ =	swait.ge [sflag:s9], $0x2000  }
0x49: {  	[sflag:s9] =	ssyncset.done $0x0  }
0x4a: {  	[sflag:s9] =	ssyncadd.s32 $0xFFFFE000  }
0x4b: {  	[spmem:s2] =	stream.linear.scatter [tilespmem:s8], [sflag:$0x3], $0x2000, $0x38;
	[tilespmem:$0x1E800] =	vst v63  }
0x4c: {  	_ =	swait.ge [sflag:s9], $0x2000  }
0x4d: {  	[sflag:s9] =	ssyncset.done $0x0  }
0x4e: {  	[sflag:s9] =	ssyncadd.s32 $0xFFFFE000  }
0x4f: {  	[spmem:s3] =	stream.linear.scatter [tilespmem:s8], [sflag:$0x3], $0x2000, $0x38;
	[tilespmem:$0x1E800] =	vst v63  }
0x50: {  	_ =	swait.ge [sflag:s9], $0x2000  }
0x51: {  	[sflag:s9] =	ssyncset.done $0x0  }
0x52: {  	[sflag:s9] =	ssyncadd.s32 $0xFFFFE000  }
0x53: {  	[spmem:s4] =	stream.linear.scatter [tilespmem:s8], [sflag:$0x3], $0x2000, $0x38;
	[tilespmem:$0x1E800] =	vst v63  }
0x54: {  	_ =	swait.ge [sflag:s9], $0x2000  }
0x55: {  	[sflag:s9] =	ssyncset.done $0x0  }
0x56: {  	[sflag:s9] =	ssyncadd.s32 $0xFFFFE000  }
0x57: {  	[spmem:s5] =	stream.linear.scatter [tilespmem:s8], [sflag:$0x3], $0x2000, $0x38;
	[tilespmem:$0x1E800] =	vst v63  }
0x58: {  	_ =	swait.ge [sflag:s9], $0x2000  }
0x59: {  	[sflag:s9] =	ssyncset.done $0x0  }
0x5a: {  	[sflag:s9] =	ssyncadd.s32 $0xFFFFE000  }
0x5b: {  	[spmem:s6] =	stream.linear.scatter [tilespmem:s8], [sflag:$0x3], $0x2000, $0x38;
	[tilespmem:$0x1E800] =	vst v63  }
0x5c: {  	_ =	swait.ge [sflag:s9], $0x2000  }
0x5d: {  	[sflag:s9] =	ssyncset.done $0x0  }
0x5e: {  	[sflag:s9] =	ssyncadd.s32 $0xFFFFE000  }
0x5f: {  	[spmem:s7] =	stream.linear.scatter [tilespmem:s8], [sflag:$0x3], $0x2000, $0x38;
	[tilespmem:$0x1E800] =	vst v63  }
0x60: {  	_ =	swait.ge [sflag:s9], $0x2000  }
0x61: {  	[sflag:s9] =	ssyncset.done $0x0  }
0x62: {  	[sflag:s9] =	ssyncadd.s32 $0xFFFFE000  }
0x63: {  	[bflag:$0x0] =	sbarrier.arrive $0xFFFF  }
0x64: {  	s26 =	simm.s32 $0x0;
	s24 =	rddreg [dreg:$0x5]  }
0x65: {  	[tilespmem:s26], [sflag:$0x3] =	stream.linear.gather [hbm4b:s24+s26], $0x1400, $0x38;
	[tilespmem:$0x1E800] =	vst v63  }
0x66: {  	_ =	swait.ge [sflag:s9], $0x1400  }
0x67: {  	[sflag:s9] =	ssyncset.done $0x0  }
0x68: {  	s28 =	rddreg [dreg:$0x6];
	[sflag:s9] =	ssyncadd.s32 $0xFFFFEC00  }
0x69: {  	[tilespmem:s10], [sflag:$0x3] =	stream.linear.gather [hbm4b:s28+s26], $0x1400, $0x38;
	[tilespmem:$0x1E800] =	vst v63  }
0x6a: {  	_ =	swait.ge [sflag:s9], $0x1400  }
0x6b: {  	[sflag:s9] =	ssyncset.done $0x0  }
0x6c: {  	[sflag:s9] =	ssyncadd.s32 $0xFFFFEC00  }
0x6d: {  	[tilespmem:s8], [sflag:$0x1] =	stream.indirect.gather [hbm4b:s14+s11], $0x80, s26, s11, $0xb8;
	[tilespmem:$0x1E800] =	vst v63  }
0x6e: {  	s24 =	simm.s32 $0x80  }
0x6f: {  	[tilespmem:s12], [sflag:$0x2] =	stream.indirect.gather [hbm4b:s14+s11], $0x80, s24, s11, $0xb8;
	[tilespmem:$0x1E800] =	vst v63  }
0x70: {  	_ =	swait.ge [sflag:s13], $0x4000  }
0x71: {  	[sflag:s13] =	ssyncset.done $0x0  }
0x72: {  	s25 =	simm.s32 $0x1400;
	[sflag:s13] =	ssyncadd.s32 $0xFFFFC000  }
0x73: {  	[spmem:s16] =	stream.indirect.scatter.add.f32 [tilespmem:s8], [sflag:$0x3], $0x80, s25, s11, $0xb8;
	[tilespmem:$0x1E800] =	vst v63  }
0x74: {  	_ =	swait.ge [sflag:s9], $0x4000  }
0x75: {  	[sflag:s9] =	ssyncset.done $0x0  }
0x76: {  	s26 =	simm.s32 $0x100;
	[sflag:s9] =	ssyncadd.s32 $0xFFFFC000  }
0x77: {  	[tilespmem:s8], [sflag:$0x1] =	stream.indirect.gather [hbm4b:s14+s11], $0x80, s26, s11, $0xb8;
	[tilespmem:$0x1E800] =	vst v63  }
0x78: {  	_ =	swait.ge [sflag:s17], $0x4000  }
0x79: {  	[sflag:s17] =	ssyncset.done $0x0  }
0x7a: {  	s28 =	simm.s32 $0x1480;
	[sflag:s17] =	ssyncadd.s32 $0xFFFFC000  }
0x7b: {  	[spmem:s16] =	stream.indirect.scatter.add.f32 [tilespmem:s12], [sflag:$0x3], $0x80, s28, s11, $0xb8;
	[tilespmem:$0x1E800] =	vst v63  }
0x7c: {  	_ =	swait.ge [sflag:s9], $0x4000  }
0x7d: {  	s23 =	simm.s32 $0x100;
	s24 =	simm.s32 $0x800;
	[sflag:s9] =	ssyncset.done $0x0  }
.LBB2_4:
0x7e: {  	s25 =	sadd.s32 $0x80, s23  }
0x7f: {  	[sflag:s9] =	ssyncadd.s32 $0xFFFFC000;
	s26 =	smov.u32 s24;
	s28 =	sadd.s32 $0x400, s24  }
0x80: {  	[tilespmem:s12], [sflag:$0x2] =	stream.indirect.gather [hbm4b:s14+s11], $0x80, s25, s11, $0xb8;
	[tilespmem:$0x1E800] =	vst v63  }
0x81: {  	p0 =	sne.s32 s24, $0x4800;
	_ =	swait.ge [sflag:s13], $0x4000  }
0x82: {  	[sflag:s13] =	ssyncset.done $0x0  }
0x83: {  	s24 =	sadd.s32 $0x1400, s23;
	[sflag:s13] =	ssyncadd.s32 $0xFFFFC000  }
0x84: {  	[spmem:s16] =	stream.indirect.scatter.add.f32 [tilespmem:s8], [sflag:$0x3], $0x80, s24, s11, $0xb8;
	[tilespmem:$0x1E800] =	vst v63  }
0x85: {  	_ =	swait.ge [sflag:s9], $0x4000  }
0x86: {  	[sflag:s9] =	ssyncset.done $0x0  }
0x87: {  	s24 =	sadd.s32 $0x100, s23;
	[sflag:s9] =	ssyncadd.s32 $0xFFFFC000  }
0x88: {  	[tilespmem:s8], [sflag:$0x1] =	stream.indirect.gather [hbm4b:s14+s11], $0x80, s24, s11, $0xb8;
	[tilespmem:$0x1E800] =	vst v63  }
0x89: {  	_ =	swait.ge [sflag:s17], $0x4000  }
.Ltmp1:
0x8a: {  	[sflag:s17] =	ssyncset.done $0x0;
	(pc) =	sbr.rel @p0 .LBB2_4-.Ltmp1, $4  }
0x8b: {  	s23 =	sadd.s32 $0x1480, s23;
	[sflag:s17] =	ssyncadd.s32 $0xFFFFC000  }
0x8c: {  	[spmem:s16] =	stream.indirect.scatter.add.f32 [tilespmem:s12], [sflag:$0x3], $0x80, s23, s11, $0xb8;
	[tilespmem:$0x1E800] =	vst v63  }
0x8d: {  	_ =	swait.ge [sflag:s9], $0x4000  }
0x8e: {  	s24 =	smov.u32 s28;
	s23 =	sshra.s32 s26, $0x2;
	[sflag:s9] =	ssyncset.done $0x0  }
0x8f: {  	s24 =	sadd.s32 $0x80, s23;
	[sflag:s9] =	ssyncadd.s32 $0xFFFFC000  }
0x90: {  	[tilespmem:s12], [sflag:$0x2] =	stream.indirect.gather [hbm4b:s14+s11], $0x80, s24, s11, $0xb8;
	[tilespmem:$0x1E800] =	vst v63  }
0x91: {  	_ =	swait.ge [sflag:s13], $0x4000  }
0x92: {  	[sflag:s13] =	ssyncset.done $0x0  }
0x93: {  	s26 =	sadd.s32 $0x1400, s23;
	[sflag:s13] =	ssyncadd.s32 $0xFFFFC000  }
0x94: {  	[spmem:s16] =	stream.indirect.scatter.add.f32 [tilespmem:s8], [sflag:$0x3], $0x80, s26, s11, $0xb8;
	[tilespmem:$0x1E800] =	vst v63  }
0x95: {  	_ =	swait.ge [sflag:s9], $0x4000  }
0x96: {  	[sflag:s9] =	ssyncset.done $0x0  }
0x97: {  	s28 =	sadd.s32 $0x100, s23;
	[sflag:s9] =	ssyncadd.s32 $0xFFFFC000  }
0x98: {  	[tilespmem:s8], [sflag:$0x1] =	stream.indirect.gather [hbm4b:s14+s11], $0x80, s28, s11, $0xb8;
	[tilespmem:$0x1E800] =	vst v63  }
0x99: {  	_ =	swait.ge [sflag:s17], $0x4000  }
0x9a: {  	[sflag:s17] =	ssyncset.done $0x0  }
0x9b: {  	s24 =	sadd.s32 $0x1480, s23;
	[sflag:s17] =	ssyncadd.s32 $0xFFFFC000  }
0x9c: {  	[spmem:s16] =	stream.indirect.scatter.add.f32 [tilespmem:s12], [sflag:$0x3], $0x80, s24, s11, $0xb8;
	[tilespmem:$0x1E800] =	vst v63  }
0x9d: {  	_ =	swait.ge [sflag:s9], $0x4000  }
0x9e: {  	[sflag:s9] =	ssyncset.done $0x0  }
0x9f: {  	[sflag:s9] =	ssyncadd.s32 $0xFFFFC000  }
0xa0: {  	[tilespmem:s12], [sflag:$0x2] =	stream.indirect.gather [hbm4b:s14+s11], $0x80, s18, s11, $0xb8;
	[tilespmem:$0x1E800] =	vst v63  }
0xa1: {  	_ =	swait.ge [sflag:s13], $0x4000  }
0xa2: {  	[sflag:s13] =	ssyncset.done $0x0  }
0xa3: {  	[sflag:s13] =	ssyncadd.s32 $0xFFFFC000  }
0xa4: {  	[spmem:s16] =	stream.indirect.scatter.add.f32 [tilespmem:s8], [sflag:$0x3], $0x80, s20, s11, $0xb8;
	[tilespmem:$0x1E800] =	vst v63  }
0xa5: {  	_ =	swait.ge [sflag:s9], $0x4000  }
0xa6: {  	[sflag:s9] =	ssyncset.done $0x0  }
0xa7: {  	[sflag:s9] =	ssyncadd.s32 $0xFFFFC000  }
0xa8: {  	_ =	swait.ge [sflag:s17], $0x4000  }
0xa9: {  	[sflag:s17] =	ssyncset.done $0x0  }
0xaa: {  	[sflag:s17] =	ssyncadd.s32 $0xFFFFC000  }
0xab: {  	[spmem:s16] =	stream.indirect.scatter.add.f32 [tilespmem:s12], [sflag:$0x3], $0x80, s21, s11, $0xb8;
	[tilespmem:$0x1E800] =	vst v63  }
0xac: {  	_ =	swait.ge [sflag:s9], $0x4000  }
0xad: {  	[sflag:s9] =	ssyncset.done $0x0  }
0xae: {  	s25 =	simm.s32 $0x0;
	s26 =	rddreg [dreg:$0x7];
	[sflag:s9] =	ssyncadd.s32 $0xFFFFC000  }
0xaf: {  	[tilespmem:s25], [sflag:$0x3] =	stream.linear.gather [hbm4b:s26+s25], $0x1400, $0x38;
	[tilespmem:$0x1E800] =	vst v63  }
0xb0: {  	_ =	swait.ge [sflag:s9], $0x1400  }
0xb1: {  	[sflag:s9] =	ssyncset.done $0x0  }
0xb2: {  	s28 =	rddreg [dreg:$0x8];
	[sflag:s9] =	ssyncadd.s32 $0xFFFFEC00  }
0xb3: {  	[tilespmem:s10], [sflag:$0x3] =	stream.linear.gather [hbm4b:s28+s25], $0x1400, $0x38;
	[tilespmem:$0x1E800] =	vst v63  }
0xb4: {  	_ =	swait.ge [sflag:s9], $0x1400  }
0xb5: {  	[sflag:s9] =	ssyncset.done $0x0  }
0xb6: {  	[sflag:s9] =	ssyncadd.s32 $0xFFFFEC00  }
0xb7: {  	[tilespmem:s8], [sflag:$0x1] =	stream.indirect.gather [hbm4b:s14+s11], $0x80, s25, s11, $0xb8;
	[tilespmem:$0x1E800] =	vst v63  }
0xb8: {  	s24 =	simm.s32 $0x80  }
0xb9: {  	[tilespmem:s12], [sflag:$0x2] =	stream.indirect.gather [hbm4b:s14+s11], $0x80, s24, s11, $0xb8;
	[tilespmem:$0x1E800] =	vst v63  }
0xba: {  	_ =	swait.ge [sflag:s13], $0x4000  }
0xbb: {  	[sflag:s13] =	ssyncset.done $0x0  }
0xbc: {  	s25 =	simm.s32 $0x1400;
	[sflag:s13] =	ssyncadd.s32 $0xFFFFC000  }
0xbd: {  	[spmem:s16] =	stream.indirect.scatter.add.f32 [tilespmem:s8], [sflag:$0x3], $0x80, s25, s11, $0xb8;
	[tilespmem:$0x1E800] =	vst v63  }
0xbe: {  	_ =	swait.ge [sflag:s9], $0x4000  }
0xbf: {  	[sflag:s9] =	ssyncset.done $0x0  }
0xc0: {  	s26 =	simm.s32 $0x100;
	[sflag:s9] =	ssyncadd.s32 $0xFFFFC000  }
0xc1: {  	[tilespmem:s8], [sflag:$0x1] =	stream.indirect.gather [hbm4b:s14+s11], $0x80, s26, s11, $0xb8;
	[tilespmem:$0x1E800] =	vst v63  }
0xc2: {  	_ =	swait.ge [sflag:s17], $0x4000  }
0xc3: {  	[sflag:s17] =	ssyncset.done $0x0  }
0xc4: {  	s28 =	simm.s32 $0x1480;
	[sflag:s17] =	ssyncadd.s32 $0xFFFFC000  }
0xc5: {  	[spmem:s16] =	stream.indirect.scatter.add.f32 [tilespmem:s12], [sflag:$0x3], $0x80, s28, s11, $0xb8;
	[tilespmem:$0x1E800] =	vst v63  }
0xc6: {  	_ =	swait.ge [sflag:s9], $0x4000  }
0xc7: {  	s23 =	simm.s32 $0x100;
	s24 =	simm.s32 $0x800;
	[sflag:s9] =	ssyncset.done $0x0  }
.LBB2_6:
0xc8: {  	s25 =	sadd.s32 $0x80, s23  }
0xc9: {  	[sflag:s9] =	ssyncadd.s32 $0xFFFFC000;
	s26 =	smov.u32 s24;
	s28 =	sadd.s32 $0x400, s24  }
0xca: {  	[tilespmem:s12], [sflag:$0x2] =	stream.indirect.gather [hbm4b:s14+s11], $0x80, s25, s11, $0xb8;
	[tilespmem:$0x1E800] =	vst v63  }
0xcb: {  	p0 =	sne.s32 s24, $0x4800;
	_ =	swait.ge [sflag:s13], $0x4000  }
0xcc: {  	[sflag:s13] =	ssyncset.done $0x0  }
0xcd: {  	s24 =	sadd.s32 $0x1400, s23;
	[sflag:s13] =	ssyncadd.s32 $0xFFFFC000  }
0xce: {  	[spmem:s16] =	stream.indirect.scatter.add.f32 [tilespmem:s8], [sflag:$0x3], $0x80, s24, s11, $0xb8;
	[tilespmem:$0x1E800] =	vst v63  }
0xcf: {  	_ =	swait.ge [sflag:s9], $0x4000  }
0xd0: {  	[sflag:s9] =	ssyncset.done $0x0  }
0xd1: {  	s24 =	sadd.s32 $0x100, s23;
	[sflag:s9] =	ssyncadd.s32 $0xFFFFC000  }
0xd2: {  	[tilespmem:s8], [sflag:$0x1] =	stream.indirect.gather [hbm4b:s14+s11], $0x80, s24, s11, $0xb8;
	[tilespmem:$0x1E800] =	vst v63  }
0xd3: {  	_ =	swait.ge [sflag:s17], $0x4000  }
.Ltmp2:
0xd4: {  	[sflag:s17] =	ssyncset.done $0x0;
	(pc) =	sbr.rel @p0 .LBB2_6-.Ltmp2, $4  }
0xd5: {  	s23 =	sadd.s32 $0x1480, s23;
	[sflag:s17] =	ssyncadd.s32 $0xFFFFC000  }
0xd6: {  	[spmem:s16] =	stream.indirect.scatter.add.f32 [tilespmem:s12], [sflag:$0x3], $0x80, s23, s11, $0xb8;
	[tilespmem:$0x1E800] =	vst v63  }
0xd7: {  	_ =	swait.ge [sflag:s9], $0x4000  }
0xd8: {  	s24 =	smov.u32 s28;
	s23 =	sshra.s32 s26, $0x2;
	[sflag:s9] =	ssyncset.done $0x0  }
0xd9: {  	s24 =	sadd.s32 $0x80, s23;
	[sflag:s9] =	ssyncadd.s32 $0xFFFFC000  }
0xda: {  	[tilespmem:s12], [sflag:$0x2] =	stream.indirect.gather [hbm4b:s14+s11], $0x80, s24, s11, $0xb8;
	[tilespmem:$0x1E800] =	vst v63  }
0xdb: {  	_ =	swait.ge [sflag:s13], $0x4000  }
0xdc: {  	[sflag:s13] =	ssyncset.done $0x0  }
0xdd: {  	s26 =	sadd.s32 $0x1400, s23;
	[sflag:s13] =	ssyncadd.s32 $0xFFFFC000  }
0xde: {  	[spmem:s16] =	stream.indirect.scatter.add.f32 [tilespmem:s8], [sflag:$0x3], $0x80, s26, s11, $0xb8;
	[tilespmem:$0x1E800] =	vst v63  }
0xdf: {  	_ =	swait.ge [sflag:s9], $0x4000  }
0xe0: {  	[sflag:s9] =	ssyncset.done $0x0  }
0xe1: {  	s28 =	sadd.s32 $0x100, s23;
	[sflag:s9] =	ssyncadd.s32 $0xFFFFC000  }
0xe2: {  	[tilespmem:s8], [sflag:$0x1] =	stream.indirect.gather [hbm4b:s14+s11], $0x80, s28, s11, $0xb8;
	[tilespmem:$0x1E800] =	vst v63  }
0xe3: {  	_ =	swait.ge [sflag:s17], $0x4000  }
0xe4: {  	[sflag:s17] =	ssyncset.done $0x0  }
0xe5: {  	s25 =	sadd.s32 $0x1480, s23;
	[sflag:s17] =	ssyncadd.s32 $0xFFFFC000  }
0xe6: {  	[spmem:s16] =	stream.indirect.scatter.add.f32 [tilespmem:s12], [sflag:$0x3], $0x80, s25, s11, $0xb8;
	[tilespmem:$0x1E800] =	vst v63  }
0xe7: {  	_ =	swait.ge [sflag:s9], $0x4000  }
0xe8: {  	[sflag:s9] =	ssyncset.done $0x0  }
0xe9: {  	[sflag:s9] =	ssyncadd.s32 $0xFFFFC000  }
0xea: {  	[tilespmem:s12], [sflag:$0x2] =	stream.indirect.gather [hbm4b:s14+s11], $0x80, s18, s11, $0xb8;
	[tilespmem:$0x1E800] =	vst v63  }
0xeb: {  	_ =	swait.ge [sflag:s13], $0x4000  }
0xec: {  	[sflag:s13] =	ssyncset.done $0x0  }
0xed: {  	[sflag:s13] =	ssyncadd.s32 $0xFFFFC000  }
0xee: {  	[spmem:s16] =	stream.indirect.scatter.add.f32 [tilespmem:s8], [sflag:$0x3], $0x80, s20, s11, $0xb8;
	[tilespmem:$0x1E800] =	vst v63  }
0xef: {  	_ =	swait.ge [sflag:s9], $0x4000  }
0xf0: {  	[sflag:s9] =	ssyncset.done $0x0  }
0xf1: {  	[sflag:s9] =	ssyncadd.s32 $0xFFFFC000  }
0xf2: {  	_ =	swait.ge [sflag:s17], $0x4000  }
0xf3: {  	[sflag:s17] =	ssyncset.done $0x0  }
0xf4: {  	[sflag:s17] =	ssyncadd.s32 $0xFFFFC000  }
0xf5: {  	[spmem:s16] =	stream.indirect.scatter.add.f32 [tilespmem:s12], [sflag:$0x3], $0x80, s21, s11, $0xb8;
	[tilespmem:$0x1E800] =	vst v63  }
0xf6: {  	_ =	swait.ge [sflag:s9], $0x4000  }
0xf7: {  	[sflag:s9] =	ssyncset.done $0x0  }
0xf8: {  	[sflag:s9] =	ssyncadd.s32 $0xFFFFC000  }
0xf9: {  	[bflag:$0x0] =	sbarrier.arrive $0xFFFF  }
0xfa: {  	[tilespmem:s8], [sflag:$0x3] =	stream.linear.gather [spmem:s19], $0x2000, $0x38;
	[tilespmem:$0x1E800] =	vst v63  }
0xfb: {  	_ =	swait.ge [sflag:s9], $0x2000  }
0xfc: {  	[sflag:s9] =	ssyncset.done $0x0  }
0xfd: {  	s26 =	rddreg [dreg:$0x9];
	[sflag:s9] =	ssyncadd.s32 $0xFFFFE000  }
0xfe: {  	[hbm4b:s26+s1] =	stream.linear.scatter [tilespmem:s8], [sflag:$0x3], $0x2000, $0x38;
	[tilespmem:$0x1E800] =	vst v63  }
0xff: {  	_ =	swait.ge [sflag:s9], $0x2000  }
0x100: {  	[sflag:s9] =	ssyncset.done $0x0  }
0x101: {  	s28 =	rddreg [dreg:$0x14];
	[sflag:s9] =	ssyncadd.s32 $0xFFFFE000  }
0x102: {  	[tilespmem:s8], [sflag:$0x3] =	stream.linear.gather [spmem:s28], $0x2000, $0x38;
	[tilespmem:$0x1E800] =	vst v63  }
0x103: {  	_ =	swait.ge [sflag:s9], $0x2000  }
0x104: {  	[sflag:s9] =	ssyncset.done $0x0  }
0x105: {  	s24 =	rddreg [dreg:$0xa];
	[sflag:s9] =	ssyncadd.s32 $0xFFFFE000  }
0x106: {  	[hbm4b:s24+s1] =	stream.linear.scatter [tilespmem:s8], [sflag:$0x3], $0x2000, $0x38;
	[tilespmem:$0x1E800] =	vst v63  }
0x107: {  	_ =	swait.ge [sflag:s9], $0x2000  }
0x108: {  	[sflag:s9] =	ssyncset.done $0x0  }
0x109: {  	s25 =	rddreg [dreg:$0x15];
	[sflag:s9] =	ssyncadd.s32 $0xFFFFE000  }
0x10a: {  	[tilespmem:s8], [sflag:$0x3] =	stream.linear.gather [spmem:s25], $0x2000, $0x38;
	[tilespmem:$0x1E800] =	vst v63  }
0x10b: {  	_ =	swait.ge [sflag:s9], $0x2000  }
0x10c: {  	[sflag:s9] =	ssyncset.done $0x0  }
0x10d: {  	s26 =	rddreg [dreg:$0xb];
	[sflag:s9] =	ssyncadd.s32 $0xFFFFE000  }
0x10e: {  	[hbm4b:s26+s1] =	stream.linear.scatter [tilespmem:s8], [sflag:$0x3], $0x2000, $0x38;
	[tilespmem:$0x1E800] =	vst v63  }
0x10f: {  	_ =	swait.ge [sflag:s9], $0x2000  }
0x110: {  	[sflag:s9] =	ssyncset.done $0x0  }
0x111: {  	s28 =	rddreg [dreg:$0x16];
	[sflag:s9] =	ssyncadd.s32 $0xFFFFE000  }
0x112: {  	[tilespmem:s8], [sflag:$0x3] =	stream.linear.gather [spmem:s28], $0x2000, $0x38;
	[tilespmem:$0x1E800] =	vst v63  }
0x113: {  	_ =	swait.ge [sflag:s9], $0x2000  }
0x114: {  	[sflag:s9] =	ssyncset.done $0x0  }
0x115: {  	s24 =	rddreg [dreg:$0xc];
	[sflag:s9] =	ssyncadd.s32 $0xFFFFE000  }
0x116: {  	[hbm4b:s24+s1] =	stream.linear.scatter [tilespmem:s8], [sflag:$0x3], $0x2000, $0x38;
	[tilespmem:$0x1E800] =	vst v63  }
0x117: {  	_ =	swait.ge [sflag:s9], $0x2000  }
0x118: {  	[sflag:s9] =	ssyncset.done $0x0  }
0x119: {  	s25 =	rddreg [dreg:$0x17];
	[sflag:s9] =	ssyncadd.s32 $0xFFFFE000  }
0x11a: {  	[tilespmem:s8], [sflag:$0x3] =	stream.linear.gather [spmem:s25], $0x2000, $0x38;
	[tilespmem:$0x1E800] =	vst v63  }
0x11b: {  	_ =	swait.ge [sflag:s9], $0x2000  }
0x11c: {  	[sflag:s9] =	ssyncset.done $0x0  }
0x11d: {  	s26 =	rddreg [dreg:$0xd];
	[sflag:s9] =	ssyncadd.s32 $0xFFFFE000  }
0x11e: {  	[hbm4b:s26+s1] =	stream.linear.scatter [tilespmem:s8], [sflag:$0x3], $0x2000, $0x38;
	[tilespmem:$0x1E800] =	vst v63  }
0x11f: {  	_ =	swait.ge [sflag:s9], $0x2000  }
0x120: {  	[sflag:s9] =	ssyncset.done $0x0  }
0x121: {  	s28 =	rddreg [dreg:$0x18];
	[sflag:s9] =	ssyncadd.s32 $0xFFFFE000  }
0x122: {  	[tilespmem:s8], [sflag:$0x3] =	stream.linear.gather [spmem:s28], $0x2000, $0x38;
	[tilespmem:$0x1E800] =	vst v63  }
0x123: {  	_ =	swait.ge [sflag:s9], $0x2000  }
0x124: {  	[sflag:s9] =	ssyncset.done $0x0  }
0x125: {  	s24 =	rddreg [dreg:$0xe];
	[sflag:s9] =	ssyncadd.s32 $0xFFFFE000  }
0x126: {  	[hbm4b:s24+s1] =	stream.linear.scatter [tilespmem:s8], [sflag:$0x3], $0x2000, $0x38;
	[tilespmem:$0x1E800] =	vst v63  }
0x127: {  	_ =	swait.ge [sflag:s9], $0x2000  }
0x128: {  	[sflag:s9] =	ssyncset.done $0x0  }
0x129: {  	s25 =	rddreg [dreg:$0x19];
	[sflag:s9] =	ssyncadd.s32 $0xFFFFE000  }
0x12a: {  	[tilespmem:s8], [sflag:$0x3] =	stream.linear.gather [spmem:s25], $0x2000, $0x38;
	[tilespmem:$0x1E800] =	vst v63  }
0x12b: {  	_ =	swait.ge [sflag:s9], $0x2000  }
0x12c: {  	[sflag:s9] =	ssyncset.done $0x0  }
0x12d: {  	s26 =	rddreg [dreg:$0xf];
	[sflag:s9] =	ssyncadd.s32 $0xFFFFE000  }
0x12e: {  	[hbm4b:s26+s1] =	stream.linear.scatter [tilespmem:s8], [sflag:$0x3], $0x2000, $0x38;
	[tilespmem:$0x1E800] =	vst v63  }
0x12f: {  	_ =	swait.ge [sflag:s9], $0x2000  }
0x130: {  	[sflag:s9] =	ssyncset.done $0x0  }
0x131: {  	s28 =	rddreg [dreg:$0x1a];
	[sflag:s9] =	ssyncadd.s32 $0xFFFFE000  }
0x132: {  	[tilespmem:s8], [sflag:$0x3] =	stream.linear.gather [spmem:s28], $0x2000, $0x38;
	[tilespmem:$0x1E800] =	vst v63  }
0x133: {  	_ =	swait.ge [sflag:s9], $0x2000  }
0x134: {  	[sflag:s9] =	ssyncset.done $0x0  }
0x135: {  	s24 =	rddreg [dreg:$0x10];
	[sflag:s9] =	ssyncadd.s32 $0xFFFFE000  }
0x136: {  	[hbm4b:s24+s1] =	stream.linear.scatter [tilespmem:s8], [sflag:$0x3], $0x2000, $0x38;
	[tilespmem:$0x1E800] =	vst v63  }
0x137: {  	_ =	swait.ge [sflag:s9], $0x2000  }
0x138: {  	[sflag:s9] =	ssyncset.done $0x0  }
0x139: {  	[sflag:s9] =	ssyncadd.s32 $0xFFFFE000  }
0x13a: {  	[tilespmem:s8], [sflag:$0x3] =	stream.linear.gather [spmem:s29], $0x2000, $0x38;
	[tilespmem:$0x1E800] =	vst v63  }
0x13b: {  	_ =	swait.ge [sflag:s9], $0x2000  }
0x13c: {  	[sflag:s9] =	ssyncset.done $0x0  }
0x13d: {  	s25 =	rddreg [dreg:$0x11];
	[sflag:s9] =	ssyncadd.s32 $0xFFFFE000  }
0x13e: {  	[hbm4b:s25+s1] =	stream.linear.scatter [tilespmem:s8], [sflag:$0x3], $0x2000, $0x38;
	[tilespmem:$0x1E800] =	vst v63  }
0x13f: {  	_ =	swait.ge [sflag:s9], $0x2000  }
0x140: {  	[sflag:s9] =	ssyncset.done $0x0  }
0x141: {  	[sflag:s9] =	ssyncadd.s32 $0xFFFFE000  }
0x142: {  	[tilespmem:s8], [sflag:$0x3] =	stream.linear.gather [spmem:s30], $0x2000, $0x38;
	[tilespmem:$0x1E800] =	vst v63  }
0x143: {  	_ =	swait.ge [sflag:s9], $0x2000  }
0x144: {  	[sflag:s9] =	ssyncset.done $0x0  }
0x145: {  	s26 =	rddreg [dreg:$0x12];
	[sflag:s9] =	ssyncadd.s32 $0xFFFFE000  }
0x146: {  	[hbm4b:s26+s1] =	stream.linear.scatter [tilespmem:s8], [sflag:$0x3], $0x2000, $0x38;
	[tilespmem:$0x1E800] =	vst v63  }
0x147: {  	_ =	swait.ge [sflag:s9], $0x2000  }
0x148: {  	s22 =	sadd.s32 $0x1, s22;
	s28 =	rddreg [dreg:$0x13]  }
0x149: {  	p0 =	sne.s32 s22, s28  }
.Ltmp3:
0x14a: {  	_ = 	snop;
	(pc) =	sbr.rel @p0 .LBB2_1-.Ltmp3, $3  }
0x14b: {  	_ =	sdelay $0x1  }
0x14c: {  	[sflag:s9] =	ssyncset.done $0x0  }
0x14d: {  	[sflag:s9] =	ssyncadd.s32 $0xFFFFE000  }
0x14e: {  	_ =	sfence.sel $0x180000  }
0x14f: {  	[bflag:$0x0] =	sbarrier.arrive $0xFFFF  }
0x150: {  	_ =	strace $0x9000004D  }
0x151: {  	s0 =	stileid.u32;
	[bflag:$0x2] =	sbarrier.arrive $0xFFFF  }
0x152: {  	p0 =	sne.s32 s0, $0x0;
	s0 =	rddreg [dreg:$0x4]  }
0x153: {  	s0 =	sadd.s32 @!p0 $0x100000, s0  }
0x154: {  	[sflag:s0] =	ssyncadd.tile.s32 @!p0 $0x1;
	_ =	shalt  }
.Lfunc_end2:
_tile_overlayer_lowered:
.L_overlay_start_2:
0x155: {  	(tag) =	ssettag $0x2  }
0x156: {  	s0 =	rddreg [dreg:$0x0];
	s2 =	stileid.u32  }
0x157: {  	s1 =	rddreg [dreg:$0x1];
	p0 =	sne.s32 s2, $0x0  }
0x158: {  	s3 =	rddreg [dreg:$0x2];
	[bflag:$0x3] =	sbarrier.arrive $0xFFFF;
	s2 =	simm.s32 @!p0 $0x1C03  }
0x159: {  	[timem:s3], [sflag:s2] =	dma.local @!p0 [hbm:s0], s1  }
0x15a: {  	s0 =	simm.s32 @!p0 $0x3  }
0x15b: {  	_ =	swait.ge @!p0 [sflag:s0], s1  }
0x15c: {  	s1 =	ssub.s32 @!p0 $0x0, s1;
	[sflag:s0] =	ssyncset.done @!p0 $0x0  }
0x15d: {  	[sflag:s0] =	ssyncadd.s32 @!p0 s1  }
0x15e: {  	[bflag:$0x3] =	sbarrier.arrive $0xFFFF  }
0x15f: {  	_ =	shalt  }

// kernel: kernel.21.cloned.1.call-start
scs
__scs_entry_jumppad:
0x0: {  	(pc) =	sbr.rel $0x88, $3  }
0x1: {  	(tag) =	ssettag $0x0;
	lr =	simm.s32 $0x1  }
0x2: {  	[smem:$0x3F8E] =	sst lr;
	_ =	strace $0xD0000000  }
0x3: {  	_ = 	snop  }
0x4: {  	_ = 	snop  }
0x5: {  	_ = 	snop  }
0x6: {  	_ = 	snop  }
0x7: {  	_ = 	snop  }
__scs_overlays_trampoline_lowered:
0x8: {  	[smem:$0x3F9D] =	sst s0  }
0x9: {  	[smem:$0x3F9E] =	sst s1  }
0xa: {  	[smem:$0x3F9F] =	sst s2  }
0xb: {  	[smem:$0x3FA0] =	sst s3  }
0xc: {  	[smem:$0x3FA1] =	sst s4  }
0xd: {  	[smem:$0x3FA2] =	sst s5  }
0xe: {  	[smem:$0x3FA3] =	sst s6  }
0xf: {  	[smem:$0x3FA4] =	sst s7  }
0x10: {  	[smem:$0x3FA5] =	sst s8  }
0x11: {  	[smem:$0x3FA6] =	sst s9;
	s0 =	simm.s32 @!p0 $0x0  }
0x12: {  	s1 =	sld [smem:$0x3F8C];
	s0 =	simm.s32 @p0 $0x1  }
0x13: {  	[smem:$0x3FA7] =	sst s0;
	s0 =	simm.s32 @!p1 $0x0  }
0x14: {  	s2 =	sld [smem:$0x3F8B];
	s0 =	simm.s32 @p1 $0x1  }
0x15: {  	[smem:$0x3FA8] =	sst s0;
	s0 =	simm.s32 @!p2 $0x0  }
0x16: {  	s3 =	sld [smem:$0x3FDB];
	s0 =	simm.s32 @p2 $0x1  }
0x17: {  	s4 =	simm.s32 $0x1BF5;
	[smem:$0x3FAA] =	sst s0  }
0x18: {  	s0 =	sld [smem:$0x3F8D];
	_ =	swait.ge [sflag:s4], $0x0  }
0x19: {  	s7 =	sld [smem:$0x3F8E]  }
0x1a: {  	s8 =	sadd.s32 $0xFFFFE003, lr  }
0x1b: {  	s9 =	sadd.s32 $0xFFFFFEF7, lr;
	s5 =	simm.s32 $0xFFFFFFFF;
	p2 =	slt.u32 s8, $0xFFFFF086  }
0x1c: {  	p1 =	slt.u32 s9, $0xF7A;
	s5 =	simm.s32 @!p2 $0x0  }
0x1d: {  	s5 =	simm.s32 @p1 $0x1;
	p0 =	seq.s32 s7, s2  }
0x1e: {  	s7 =	smul.u32 @!p0 $0xF7A, s2;
	p2 =	seq.s32 @!p0 s5, $0x0  }
0x1f: {  	s9 =	smul.u32 $0xF7A, s1;
	s8 =	simm.s32 @!p0 $0x1BF5;
	p2 =	por !p2, p0  }
0x20: {  	[sflag:s8] =	ssyncset.s32 @!p0 $0xFFFFF086;
	s6 =	sadd.s32 @!p0 s3, s7;
	s7 =	simm.s32 @!p0 $0x108  }
0x21: {  	s3 =	sadd.s32 s3, s9;
	s6 =	sadd.s32 @!p0 $0x88, s6;
	s7 =	simm.s32 @p2 $0x1082  }
0x22: {  	[simem:s7], [sflag:s8] =	dma.local @!p0 [hbm:s6], $0xF7A  }
0x23: {  	s9 =	sor.u32 $0xD0000000, s2;
	s6 =	simm.s32 $0x108;
	_ =	swait.ge @!p0 [sflag:s8], $0x0  }
0x24: {  	s3 =	sadd.s32 $0x88, s3;
	s6 =	simm.s32 @!p1 $0x1082;
	[sflag:s4] =	ssyncset.s32 $0xFFFFF086  }
0x25: {  	[simem:s6], [sflag:s4] =	dma.local [hbm:s3], $0xF7A  }
0x26: {  	[smem:$0x3F8E] =	sst s1;
	(tag) =	ssettag s2;
	_ =	strace s9  }
0x27: {  	s1 =	sld [smem:$0x3F9E]  }
0x28: {  	s2 =	sld [smem:$0x3F9F]  }
0x29: {  	s4 =	sld [smem:$0x3FA1]  }
0x2a: {  	p0 =	seq.s32 s5, $0x0;
	s5 =	sld [smem:$0x3FA2]  }
0x2b: {  	s6 =	sld [smem:$0x3FA3]  }
0x2c: {  	s7 =	sld [smem:$0x3FA4]  }
0x2d: {  	s3 =	simm.s32 $0x108;
	s8 =	sld [smem:$0x3FA5]  }
0x2e: {  	s3 =	simm.s32 @!p0 $0x1082;
	s9 =	sld [smem:$0x3FA6]  }
0x2f: {  	lr =	sadd.s32 s0, s3;
	s0 =	sld [smem:$0x3F9D]  }
0x30: {  	s3 =	sld [smem:$0x3FA0]  }
0x31: {  	[smem:$0x3FA9] =	sst s10  }
0x32: {  	s10 =	sld [smem:$0x3FA7];
	_ =	sdelay $0x3  }
0x33: {  	p0 =	seq.s32 s10, $0x1;
	s10 =	sld [smem:$0x3FA9];
	_ =	sdelay $0x3  }
0x34: {  	[smem:$0x3FA9] =	sst s10  }
0x35: {  	s10 =	sld [smem:$0x3FA8];
	_ =	sdelay $0x3  }
0x36: {  	p1 =	seq.s32 s10, $0x1;
	s10 =	sld [smem:$0x3FA9];
	_ =	sdelay $0x3  }
0x37: {  	[smem:$0x3FA9] =	sst s10  }
0x38: {  	s10 =	sld [smem:$0x3FAA]  }
0x39: {  	_ = 	snop;
	(pc) =	sbr.ind lr, $3  }
0x3a: {  	_ = 	snop  }
0x3b: {  	_ = 	snop  }
0x3c: {  	p2 =	seq.s32 s10, $0x1;
	s10 =	sld [smem:$0x3FA9]  }
0x3d: {  	_ =	shalt  }
0x3e: {  	_ =	shalt  }
0x3f: {  	_ =	shalt  }
0x40: {  	_ =	shalt  }
0x41: {  	_ =	shalt  }
0x42: {  	_ =	shalt  }
0x43: {  	_ =	shalt  }
0x44: {  	_ =	shalt  }
0x45: {  	_ =	shalt  }
0x46: {  	_ =	shalt  }
0x47: {  	_ =	shalt  }
0x48: {  	_ =	shalt  }
0x49: {  	_ =	shalt  }
0x4a: {  	_ =	shalt  }
0x4b: {  	_ =	shalt  }
0x4c: {  	_ =	shalt  }
0x4d: {  	_ =	shalt  }
0x4e: {  	_ =	shalt  }
0x4f: {  	_ =	shalt  }
0x50: {  	_ =	shalt  }
0x51: {  	_ =	shalt  }
0x52: {  	_ =	shalt  }
0x53: {  	_ =	shalt  }
0x54: {  	_ =	shalt  }
0x55: {  	_ =	shalt  }
0x56: {  	_ =	shalt  }
0x57: {  	_ =	shalt  }
0x58: {  	_ =	shalt  }
0x59: {  	_ =	shalt  }
0x5a: {  	_ =	shalt  }
0x5b: {  	_ =	shalt  }
0x5c: {  	_ =	shalt  }
0x5d: {  	_ =	shalt  }
0x5e: {  	_ =	shalt  }
0x5f: {  	_ =	shalt  }
0x60: {  	_ =	shalt  }
0x61: {  	_ =	shalt  }
0x62: {  	_ =	shalt  }
0x63: {  	_ =	shalt  }
0x64: {  	_ =	shalt  }
0x65: {  	_ =	shalt  }
0x66: {  	_ =	shalt  }
0x67: {  	_ =	shalt  }
0x68: {  	_ =	shalt  }
0x69: {  	_ =	shalt  }
0x6a: {  	_ =	shalt  }
0x6b: {  	_ =	shalt  }
0x6c: {  	_ =	shalt  }
0x6d: {  	_ =	shalt  }
0x6e: {  	_ =	shalt  }
0x6f: {  	_ =	shalt  }
0x70: {  	_ =	shalt  }
0x71: {  	_ =	shalt  }
0x72: {  	_ =	shalt  }
0x73: {  	_ =	shalt  }
0x74: {  	_ =	shalt  }
0x75: {  	_ =	shalt  }
0x76: {  	_ =	shalt  }
0x77: {  	_ =	shalt  }
0x78: {  	_ =	shalt  }
0x79: {  	_ =	shalt  }
0x7a: {  	_ =	shalt  }
0x7b: {  	_ =	shalt  }
0x7c: {  	_ =	shalt  }
0x7d: {  	_ =	shalt  }
0x7e: {  	_ =	shalt  }
0x7f: {  	_ =	shalt  }
0x80: {  	_ =	shalt  }
0x81: {  	_ =	shalt  }
0x82: {  	_ =	shalt  }
0x83: {  	_ =	shalt  }
0x84: {  	_ =	shalt  }
0x85: {  	_ =	shalt  }
0x86: {  	_ =	shalt  }
0x87: {  	_ =	shalt  }
.Lfunc_end0:
.L_simem_size_0:
called_computation.3_lowered:
.L_overlay_start_0:
0x88: {  	s2 =	sld [smem:$0x3FD9]  }
0x89: {  	s3 =	sld [smem:$0x3FFE];
	_ =	sdelay $0x1  }
0x8a: {  	s1 =	srdreg.scid  }
0x8b: {  	s0 =	sand.u32 $0x1, s1  }
0x8c: {  	s14 =	sshll.u32 s0, $0xA;
	s2 =	sadd.s32 s3, s2  }
0x8d: {  	s2 =	sadd.s32 s2, s14  }
0x8e: {  	[smem:$0x3FB5] =	sst s2  }
0x8f: {  	_ = 	snop  }
0x90: {  	s2 =	sld [smem:$0x3FD0];
	_ =	sdelay $0x2  }
0x91: {  	s15 =	simm.s32 $0xB;
	s4 =	simm.s32 $0x10  }
0x92: {  	[smem:s4], [sflag:s15] =	dma.local [hbm:s2], $0x1  }
0x93: {  	_ =	swait.eq [sflag:s15], $0x1  }
0x94: {  	[sflag:s15] =	ssyncset.done $0x0  }
0x95: {  	[sflag:s15] =	ssyncadd.s32 $0xFFFFFFFF  }
0x96: {  	s16 =	sld [smem:$0x10];
	(tm) =	ssettm $0x1  }
0x97: {  	s17 =	sld [smem:$0x3FFB];
	_ =	sdelay $0x3  }
0x98: {  	_ =	strace s17  }
0x99: {  	s3 =	sld [smem:$0x3FFC];
	_ =	sdelay $0x3  }
0x9a: {  	_ =	strace s3  }
0x9b: {  	s3 =	sld [smem:$0x3FFD];
	_ =	sdelay $0x3  }
0x9c: {  	_ =	strace s3  }
0x9d: {  	_ =	strace $0x8FFFFFFF  }
0x9e: {  	s18 =	sld [smem:$0x3FDB];
	_ =	sdelay $0x1  }
0x9f: {  	s19 =	simm.s32 $_scs_section_size  }
0xa0: {  	s5 =	simm.s32 $_size__tile_overlayer_lowered;
	s6 =	simm.s32 $_tile_overlayer_lowered  }
0xa1: {  	s22 =	simm.s32 $0x1BFF;
	s21 =	sshll.u32 s6, $0x1;
	s3 =	sadd.s32 s19, s18  }
0xa2: {  	s7 =	simm.s32 $0x0;
	s20 =	sshll.u32 s5, $0x1;
	s5 =	sadd.s32 s21, s3  }
0xa3: {  	[timem:s7], [sflag:s22] =	dma.local [hbm:s5], s20  }
0xa4: {  	_ =	swait.ge [sflag:s22], s20  }
0xa5: {  	s4 =	ssub.s32 $0x0, s20;
	[sflag:s22] =	ssyncset.done $0x0  }
0xa6: {  	[sflag:s22] =	ssyncadd.s32 s4;
	_ =	sdelay $0x1  }
0xa7: {  	s23 =	simm.s32 $0x1B8B  }
0xa8: {  	_ =	swait.ge [sflag:s23], $0x1  }
0xa9: {  	[sflag:s23] =	ssyncset.done $0x0  }
0xaa: {  	s25 =	simm.s32 $0x1B8E;
	s24 =	sld [smem:$0x3FFE];
	[sflag:s23] =	ssyncadd.s32 $0xFFFFFFFF  }
0xab: {  	s26 =	simm.s32 $execute0_lowered;
	[smem:$0x3FD2] =	sst s25  }
0xac: {  	s5 =	sshll.u32 s26, $0x1;
	_ =	strace $0x8000004F;
	[dreg:$0x1] =	wrdreg $0xFFFFFFFF  }
0xad: {  	s28 =	simm.s32 $_size_execute0_lowered;
	s3 =	sadd.s32 s3, s5;
	[dreg:$0x0] =	wrdreg $0x0  }
0xae: {  	s5 =	sshll.u32 s28, $0x1;
	[dreg:$0x2] =	wrdreg s3  }
0xaf: {  	[dreg:$0x3] =	wrdreg s5  }
0xb0: {  	[dreg:$0x4] =	wrdreg $0xC0  }
0xb1: {  	_ =	task [dreg:s7], $0x5FFFF  }
0xb2: {  	[dreg:$0x1] =	wrdreg $0xFFFFFFFF  }
0xb3: {  	[dreg:$0x0] =	wrdreg $0x60  }
0xb4: {  	[dreg:$0x2] =	wrdreg s24  }
0xb5: {  	[dreg:$0x3] =	wrdreg s16  }
0xb6: {  	[dreg:$0x4] =	wrdreg $0xA8000  }
0xb7: {  	[dreg:$0x5] =	wrdreg $0x9  }
0xb8: {  	_ =	task.clear_ibuf [dreg:s7], $0x6FFFF;
	_ =	strace $0x9000004F  }
0xb9: {  	s29 =	simm.s32 $0x9;
	_ =	strace $0x80000051  }
0xba: {  	_ =	swait.ge [sflag:s29], $0x1  }
0xbb: {  	[sflag:s29] =	ssyncadd.s32 $0xFFFFFFFF  }
0xbc: {  	_ =	strace $0x90000051  }
0xbd: {  	_ =	sfence  }
0xbe: {  	s30 =	sld [smem:$0x0];
	_ =	sdelay $0x2  }
0xbf: {  	s31 =	sshll.u32 s1, $0xD;
	s1 =	sshrl.u32 s1, $0x2  }
0xc0: {  	s3 =	sand.u32 $0x4000, s31;
	s1 =	sadd.s32 s1, s30  }
0xc1: {  	s0 =	sor.u32 s3, s0;
	s1 =	sshll.u32 s1, $0x11  }
0xc2: {  	s0 =	sor.u32 s1, s0  }
0xc3: {  	s0 =	sadd.s32 $0x8F2B, s0  }
0xc4: {  	[sflag:s0] =	ssyncadd.remote.s32 $0x1  }
0xc5: {  	_ =	sfence.sel $0xFFFF  }
0xc6: {  	[dreg:$0x0] =	wrdreg $0xFFFFFFFF;
	(pc) =	sbr.abs _section_cstart, $3  }
0xc7: {  	[dreg:$0x1] =	wrdreg $0xFFFFFFFF  }
0xc8: {  	_ =	task.clear_ibuf [dreg:s7], $0x2FFFF;
	_ =	strace $0x9FFFFFFF  }
0xc9: {  	(tm) =	ssettm $0x7FFFFFFF  }
tec
execute0_lowered:
.L_overlay_start_1:
0x0: {  	(tag) =	ssettag $0x1  }
0x1: {  	s0 =	rddreg [dreg:$0x0]  }
0x2: {  	s2 =	rddreg [dreg:$0x1]  }
0x3: {  	s1 =	rddreg [dreg:$0x2];
	s4 =	srdreg.scid  }
0x4: {  	s3 =	simm.s32 $0x0;
	s13 =	stileid.u32;
	s28 =	simm.s32 $0x80  }
0x5: {  	s29 =	simm.s32 $0x6800;
	s30 =	simm.s32 $0x1;
	s31 =	simm.s32 $0x2  }
0x6: {  	s6 =	sand.u32 $0x1, s4;
	[smem:$0x7FF] =	sst s3;
	s7 =	smul.u32 $0x28000, s13  }
0x7: {  	s10 =	sadd.s32 $0x6000, s0;
	s4 =	sshll.u32 s6, $0x4;
	_ =	strace $0x80000050  }
0x8: {  	s8 =	ssub.s32 $0x2, s6;
	s6 =	smul.u32 $0xA0000, s6;
	s5 =	sor.u32 s13, s4  }
0x9: {  	s4 =	sadd.s32 $0x10000, s0;
	s11 =	sshrl.u32 s8, $0x1;
	s0 =	sadd.s32 $0x60000, s0  }
0xa: {  	s24 =	sshrl.u32 s7, $0x2;
	s9 =	smul.u32 $0x500, s5;
	s8 =	ssub.s32 s8, s11  }
0xb: {  	s12 =	smul.u32 $0x2800, s5;
	s5 =	sadd.s32 s24, s1;
	s15 =	smax.u32 s8, $0x1  }
0xc: {  	s16 =	sadd.s32 $0x2000, s5;
	s17 =	sadd.s32 $0x4000, s5;
	[dreg:$0x8] =	wrdreg s15  }
0xd: {  	s14 =	sadd.s32 $0x8000, s5;
	s25 =	sadd.s32 s10, s9;
	[dreg:$0x9] =	wrdreg s16  }
0xe: {  	s26 =	sshrl.u32 s12, $0x3;
	s9 =	sadd.s32 s2, s9;
	[dreg:$0xa] =	wrdreg s17  }
0xf: {  	s12 =	smul.u32 $0xA000, s13;
	[dreg:$0x4] =	wrdreg s25;
	s7 =	sadd.s32 $0x280, s26  }
0x10: {  	s13 =	sadd.s32 $0x6000, s5;
	[dreg:$0x5] =	wrdreg s9;
	s11 =	sadd.s32 s10, s7  }
0x11: {  	s2 =	sadd.s32 s2, s7;
	s18 =	sadd.s32 s6, s12;
	s19 =	sadd.s32 $0x2000, s12  }
0x12: {  	s22 =	sadd.s32 $0x4000, s12;
	s24 =	sadd.s32 $0x6000, s12;
	[dreg:$0x6] =	wrdreg s11  }
0x13: {  	[dreg:$0x7] =	wrdreg s2;
	s7 =	sshrl.u32 s18, $0x3;
	s20 =	sadd.s32 s6, s19  }
0x14: {  	s16 =	sadd.s32 s19, s1;
	s23 =	sadd.s32 s6, s22;
	s18 =	sadd.s32 s22, s1  }
0x15: {  	s25 =	sadd.s32 s6, s24;
	s2 =	sadd.s32 $0x8000, s12;
	s15 =	sadd.s32 s0, s7  }
0x16: {  	s21 =	sshrl.u32 s20, $0x3;
	s7 =	sshrl.u32 s23, $0x3;
	s20 =	sadd.s32 s24, s1  }
0x17: {  	s6 =	sadd.s32 s6, s2;
	s22 =	sadd.s32 s2, s1;
	s24 =	simm.s32 $0x2800  }
0x18: {  	s2 =	simm.s32 $0x2700;
	s17 =	sadd.s32 s0, s21;
	s19 =	sadd.s32 s0, s7  }
0x19: {  	s7 =	sshrl.u32 s25, $0x3;
	s26 =	sshrl.u32 s6, $0x3;
	s25 =	simm.s32 $0x3  }
0x1a: {  	s6 =	simm.s32 $0x2780;
	s21 =	sadd.s32 s0, s7;
	s23 =	sadd.s32 s0, s26  }
0x1b: {  	v0 =	vimm.f32 $0.0e+00;
	s26 =	simm.s32 $0x1400;
	s0 =	simm.s32 $0x1380;
	s7 =	simm.s32 $0x0  }
.LBB2_1:
0x1c: {  	s8 =	simm.s32 $0x0;
	s9 =	simm.s32 $0x200  }
.LBB2_2:
0x1d: {  	p0 =	sne.s32 s9, $0x7E00;
	[tilespmem:s8+$0x2870] =	vst v0  }
0x1e: {  	[tilespmem:s8+$0x2800] =	vst v0  }
0x1f: {  	[tilespmem:s8+$0x2810] =	vst v0  }
.Ltmp0:
0x20: {  	[tilespmem:s8+$0x2820] =	vst v0;
	(pc) =	sbr.rel @p0 .LBB2_2-.Ltmp0, $4  }
0x21: {  	[tilespmem:s8+$0x2830] =	vst v0  }
0x22: {  	[tilespmem:s8+$0x2840] =	vst v0  }
0x23: {  	[tilespmem:s8+$0x2850] =	vst v0  }
0x24: {  	[tilespmem:s8+$0x2860] =	vst v0;
	s8 =	sshra.s32 s9, $0x2;
	s9 =	sadd.s32 $0x200, s9  }
0x25: {  	[tilespmem:s8+$0x2870] =	vst v0  }
0x26: {  	[tilespmem:s8+$0x2800] =	vst v0  }
0x27: {  	[tilespmem:s8+$0x2810] =	vst v0  }
0x28: {  	[tilespmem:s8+$0x2820] =	vst v0  }
0x29: {  	[tilespmem:s8+$0x2830] =	vst v0  }
0x2a: {  	[tilespmem:s8+$0x2840] =	vst v0  }
0x2b: {  	[tilespmem:s8+$0x2850] =	vst v0  }
0x2c: {  	[tilespmem:s8+$0x2860] =	vst v0  }
0x2d: {  	[spmem:s5] =	stream.linear.scatter [tilespmem:s24], [sflag:$0x3], $0x2000, $0x38;
	[tilespmem:$0x14800] =	vst v63  }
0x2e: {  	_ =	swait.ge [sflag:s25], $0x2000  }
0x2f: {  	[sflag:s25] =	ssyncset.done $0x0  }
0x30: {  	s9 =	rddreg [dreg:$0x9];
	[sflag:s25] =	ssyncadd.s32 $0xFFFFE000  }
0x31: {  	[spmem:s9] =	stream.linear.scatter [tilespmem:s24], [sflag:$0x3], $0x2000, $0x38;
	[tilespmem:$0x14800] =	vst v63  }
0x32: {  	_ =	swait.ge [sflag:s25], $0x2000  }
0x33: {  	[sflag:s25] =	ssyncset.done $0x0  }
0x34: {  	s10 =	rddreg [dreg:$0xa];
	[sflag:s25] =	ssyncadd.s32 $0xFFFFE000  }
0x35: {  	[spmem:s10] =	stream.linear.scatter [tilespmem:s24], [sflag:$0x3], $0x2000, $0x38;
	[tilespmem:$0x14800] =	vst v63  }
0x36: {  	_ =	swait.ge [sflag:s25], $0x2000  }
0x37: {  	[sflag:s25] =	ssyncset.done $0x0  }
0x38: {  	[sflag:s25] =	ssyncadd.s32 $0xFFFFE000  }
0x39: {  	[spmem:s13] =	stream.linear.scatter [tilespmem:s24], [sflag:$0x3], $0x2000, $0x38;
	[tilespmem:$0x14800] =	vst v63  }
0x3a: {  	_ =	swait.ge [sflag:s25], $0x2000  }
0x3b: {  	[sflag:s25] =	ssyncset.done $0x0  }
0x3c: {  	[sflag:s25] =	ssyncadd.s32 $0xFFFFE000  }
0x3d: {  	[spmem:s14] =	stream.linear.scatter [tilespmem:s24], [sflag:$0x3], $0x2000, $0x38;
	[tilespmem:$0x14800] =	vst v63  }
0x3e: {  	_ =	swait.ge [sflag:s25], $0x2000  }
0x3f: {  	[sflag:s25] =	ssyncset.done $0x0  }
0x40: {  	[sflag:s25] =	ssyncadd.s32 $0xFFFFE000  }
0x41: {  	[bflag:$0x0] =	sbarrier.arrive $0xFFFF  }
0x42: {  	s11 =	simm.s32 $0x0;
	s9 =	rddreg [dreg:$0x4]  }
0x43: {  	[tilespmem:s11], [sflag:$0x3] =	stream.linear.gather [hbm4b:s9+s11], $0x1400, $0x38;
	[tilespmem:$0x14800] =	vst v63  }
0x44: {  	_ =	swait.ge [sflag:s25], $0x1400  }
0x45: {  	[sflag:s25] =	ssyncset.done $0x0  }
0x46: {  	s12 =	rddreg [dreg:$0x5];
	[sflag:s25] =	ssyncadd.s32 $0xFFFFEC00  }
0x47: {  	[tilespmem:s26], [sflag:$0x3] =	stream.linear.gather [hbm4b:s12+s11], $0x1400, $0x38;
	[tilespmem:$0x14800] =	vst v63  }
0x48: {  	_ =	swait.ge [sflag:s25], $0x1400  }
0x49: {  	[sflag:s25] =	ssyncset.done $0x0  }
0x4a: {  	[sflag:s25] =	ssyncadd.s32 $0xFFFFEC00  }
0x4b: {  	[tilespmem:s24], [sflag:$0x1] =	stream.indirect.gather [hbm4b:s4+s28], $0x80, s11, s28, $0xb8;
	[tilespmem:$0x14800] =	vst v63  }
0x4c: {  	s9 =	simm.s32 $0x80  }
0x4d: {  	[tilespmem:s29], [sflag:$0x2] =	stream.indirect.gather [hbm4b:s4+s28], $0x80, s9, s28, $0xb8;
	[tilespmem:$0x14800] =	vst v63  }
0x4e: {  	_ =	swait.ge [sflag:s30], $0x4000  }
0x4f: {  	[sflag:s30] =	ssyncset.done $0x0  }
0x50: {  	s10 =	simm.s32 $0x1400;
	[sflag:s30] =	ssyncadd.s32 $0xFFFFC000  }
0x51: {  	[spmem:s1] =	stream.indirect.scatter.add.f32 [tilespmem:s24], [sflag:$0x3], $0x80, s10, s28, $0xb8;
	[tilespmem:$0x14800] =	vst v63  }
0x52: {  	_ =	swait.ge [sflag:s25], $0x4000  }
0x53: {  	[sflag:s25] =	ssyncset.done $0x0  }
0x54: {  	s11 =	simm.s32 $0x100;
	[sflag:s25] =	ssyncadd.s32 $0xFFFFC000  }
0x55: {  	[tilespmem:s24], [sflag:$0x1] =	stream.indirect.gather [hbm4b:s4+s28], $0x80, s11, s28, $0xb8;
	[tilespmem:$0x14800] =	vst v63  }
0x56: {  	_ =	swait.ge [sflag:s31], $0x4000  }
0x57: {  	[sflag:s31] =	ssyncset.done $0x0  }
0x58: {  	s12 =	simm.s32 $0x1480;
	[sflag:s31] =	ssyncadd.s32 $0xFFFFC000  }
0x59: {  	[spmem:s1] =	stream.indirect.scatter.add.f32 [tilespmem:s29], [sflag:$0x3], $0x80, s12, s28, $0xb8;
	[tilespmem:$0x14800] =	vst v63  }
0x5a: {  	_ =	swait.ge [sflag:s25], $0x4000  }
0x5b: {  	s8 =	simm.s32 $0x100;
	s9 =	simm.s32 $0x800;
	[sflag:s25] =	ssyncset.done $0x0  }
.LBB2_4:
0x5c: {  	s10 =	sadd.s32 $0x80, s8  }
0x5d: {  	[sflag:s25] =	ssyncadd.s32 $0xFFFFC000;
	s11 =	smov.u32 s9;
	s12 =	sadd.s32 $0x400, s9  }
0x5e: {  	[tilespmem:s29], [sflag:$0x2] =	stream.indirect.gather [hbm4b:s4+s28], $0x80, s10, s28, $0xb8;
	[tilespmem:$0x14800] =	vst v63  }
0x5f: {  	p0 =	sne.s32 s9, $0x4800;
	_ =	swait.ge [sflag:s30], $0x4000  }
0x60: {  	[sflag:s30] =	ssyncset.done $0x0  }
0x61: {  	s9 =	sadd.s32 $0x1400, s8;
	[sflag:s30] =	ssyncadd.s32 $0xFFFFC000  }
0x62: {  	[spmem:s1] =	stream.indirect.scatter.add.f32 [tilespmem:s24], [sflag:$0x3], $0x80, s9, s28, $0xb8;
	[tilespmem:$0x14800] =	vst v63  }
0x63: {  	_ =	swait.ge [sflag:s25], $0x4000  }
0x64: {  	[sflag:s25] =	ssyncset.done $0x0  }
0x65: {  	s9 =	sadd.s32 $0x100, s8;
	[sflag:s25] =	ssyncadd.s32 $0xFFFFC000  }
0x66: {  	[tilespmem:s24], [sflag:$0x1] =	stream.indirect.gather [hbm4b:s4+s28], $0x80, s9, s28, $0xb8;
	[tilespmem:$0x14800] =	vst v63  }
0x67: {  	_ =	swait.ge [sflag:s31], $0x4000  }
.Ltmp1:
0x68: {  	[sflag:s31] =	ssyncset.done $0x0;
	(pc) =	sbr.rel @p0 .LBB2_4-.Ltmp1, $4  }
0x69: {  	s8 =	sadd.s32 $0x1480, s8;
	[sflag:s31] =	ssyncadd.s32 $0xFFFFC000  }
0x6a: {  	[spmem:s1] =	stream.indirect.scatter.add.f32 [tilespmem:s29], [sflag:$0x3], $0x80, s8, s28, $0xb8;
	[tilespmem:$0x14800] =	vst v63  }
0x6b: {  	_ =	swait.ge [sflag:s25], $0x4000  }
0x6c: {  	s9 =	smov.u32 s12;
	s8 =	sshra.s32 s11, $0x2;
	[sflag:s25] =	ssyncset.done $0x0  }
0x6d: {  	s9 =	sadd.s32 $0x80, s8;
	[sflag:s25] =	ssyncadd.s32 $0xFFFFC000  }
0x6e: {  	[tilespmem:s29], [sflag:$0x2] =	stream.indirect.gather [hbm4b:s4+s28], $0x80, s9, s28, $0xb8;
	[tilespmem:$0x14800] =	vst v63  }
0x6f: {  	_ =	swait.ge [sflag:s30], $0x4000  }
0x70: {  	[sflag:s30] =	ssyncset.done $0x0  }
0x71: {  	s11 =	sadd.s32 $0x1400, s8;
	[sflag:s30] =	ssyncadd.s32 $0xFFFFC000  }
0x72: {  	[spmem:s1] =	stream.indirect.scatter.add.f32 [tilespmem:s24], [sflag:$0x3], $0x80, s11, s28, $0xb8;
	[tilespmem:$0x14800] =	vst v63  }
0x73: {  	_ =	swait.ge [sflag:s25], $0x4000  }
0x74: {  	[sflag:s25] =	ssyncset.done $0x0  }
0x75: {  	s12 =	sadd.s32 $0x100, s8;
	[sflag:s25] =	ssyncadd.s32 $0xFFFFC000  }
0x76: {  	[tilespmem:s24], [sflag:$0x1] =	stream.indirect.gather [hbm4b:s4+s28], $0x80, s12, s28, $0xb8;
	[tilespmem:$0x14800] =	vst v63  }
0x77: {  	_ =	swait.ge [sflag:s31], $0x4000  }
0x78: {  	[sflag:s31] =	ssyncset.done $0x0  }
0x79: {  	s9 =	sadd.s32 $0x1480, s8;
	[sflag:s31] =	ssyncadd.s32 $0xFFFFC000  }
0x7a: {  	[spmem:s1] =	stream.indirect.scatter.add.f32 [tilespmem:s29], [sflag:$0x3], $0x80, s9, s28, $0xb8;
	[tilespmem:$0x14800] =	vst v63  }
0x7b: {  	_ =	swait.ge [sflag:s25], $0x4000  }
0x7c: {  	[sflag:s25] =	ssyncset.done $0x0  }
0x7d: {  	[sflag:s25] =	ssyncadd.s32 $0xFFFFC000  }
0x7e: {  	[tilespmem:s29], [sflag:$0x2] =	stream.indirect.gather [hbm4b:s4+s28], $0x80, s0, s28, $0xb8;
	[tilespmem:$0x14800] =	vst v63  }
0x7f: {  	_ =	swait.ge [sflag:s30], $0x4000  }
0x80: {  	[sflag:s30] =	ssyncset.done $0x0  }
0x81: {  	[sflag:s30] =	ssyncadd.s32 $0xFFFFC000  }
0x82: {  	[spmem:s1] =	stream.indirect.scatter.add.f32 [tilespmem:s24], [sflag:$0x3], $0x80, s2, s28, $0xb8;
	[tilespmem:$0x14800] =	vst v63  }
0x83: {  	_ =	swait.ge [sflag:s25], $0x4000  }
0x84: {  	[sflag:s25] =	ssyncset.done $0x0  }
0x85: {  	[sflag:s25] =	ssyncadd.s32 $0xFFFFC000  }
0x86: {  	_ =	swait.ge [sflag:s31], $0x4000  }
0x87: {  	[sflag:s31] =	ssyncset.done $0x0  }
0x88: {  	[sflag:s31] =	ssyncadd.s32 $0xFFFFC000  }
0x89: {  	[spmem:s1] =	stream.indirect.scatter.add.f32 [tilespmem:s29], [sflag:$0x3], $0x80, s6, s28, $0xb8;
	[tilespmem:$0x14800] =	vst v63  }
0x8a: {  	_ =	swait.ge [sflag:s25], $0x4000  }
0x8b: {  	[sflag:s25] =	ssyncset.done $0x0  }
0x8c: {  	s10 =	simm.s32 $0x0;
	s11 =	rddreg [dreg:$0x6];
	[sflag:s25] =	ssyncadd.s32 $0xFFFFC000  }
0x8d: {  	[tilespmem:s10], [sflag:$0x3] =	stream.linear.gather [hbm4b:s11+s10], $0x1400, $0x38;
	[tilespmem:$0x14800] =	vst v63  }
0x8e: {  	_ =	swait.ge [sflag:s25], $0x1400  }
0x8f: {  	[sflag:s25] =	ssyncset.done $0x0  }
0x90: {  	s12 =	rddreg [dreg:$0x7];
	[sflag:s25] =	ssyncadd.s32 $0xFFFFEC00  }
0x91: {  	[tilespmem:s26], [sflag:$0x3] =	stream.linear.gather [hbm4b:s12+s10], $0x1400, $0x38;
	[tilespmem:$0x14800] =	vst v63  }
0x92: {  	_ =	swait.ge [sflag:s25], $0x1400  }
0x93: {  	[sflag:s25] =	ssyncset.done $0x0  }
0x94: {  	[sflag:s25] =	ssyncadd.s32 $0xFFFFEC00  }
0x95: {  	[tilespmem:s24], [sflag:$0x1] =	stream.indirect.gather [hbm4b:s4+s28], $0x80, s10, s28, $0xb8;
	[tilespmem:$0x14800] =	vst v63  }
0x96: {  	s9 =	simm.s32 $0x80  }
0x97: {  	[tilespmem:s29], [sflag:$0x2] =	stream.indirect.gather [hbm4b:s4+s28], $0x80, s9, s28, $0xb8;
	[tilespmem:$0x14800] =	vst v63  }
0x98: {  	_ =	swait.ge [sflag:s30], $0x4000  }
0x99: {  	[sflag:s30] =	ssyncset.done $0x0  }
0x9a: {  	s10 =	simm.s32 $0x1400;
	[sflag:s30] =	ssyncadd.s32 $0xFFFFC000  }
0x9b: {  	[spmem:s1] =	stream.indirect.scatter.add.f32 [tilespmem:s24], [sflag:$0x3], $0x80, s10, s28, $0xb8;
	[tilespmem:$0x14800] =	vst v63  }
0x9c: {  	_ =	swait.ge [sflag:s25], $0x4000  }
0x9d: {  	[sflag:s25] =	ssyncset.done $0x0  }
0x9e: {  	s11 =	simm.s32 $0x100;
	[sflag:s25] =	ssyncadd.s32 $0xFFFFC000  }
0x9f: {  	[tilespmem:s24], [sflag:$0x1] =	stream.indirect.gather [hbm4b:s4+s28], $0x80, s11, s28, $0xb8;
	[tilespmem:$0x14800] =	vst v63  }
0xa0: {  	_ =	swait.ge [sflag:s31], $0x4000  }
0xa1: {  	[sflag:s31] =	ssyncset.done $0x0  }
0xa2: {  	s12 =	simm.s32 $0x1480;
	[sflag:s31] =	ssyncadd.s32 $0xFFFFC000  }
0xa3: {  	[spmem:s1] =	stream.indirect.scatter.add.f32 [tilespmem:s29], [sflag:$0x3], $0x80, s12, s28, $0xb8;
	[tilespmem:$0x14800] =	vst v63  }
0xa4: {  	_ =	swait.ge [sflag:s25], $0x4000  }
0xa5: {  	s8 =	simm.s32 $0x100;
	s9 =	simm.s32 $0x800;
	[sflag:s25] =	ssyncset.done $0x0  }
.LBB2_6:
0xa6: {  	s10 =	sadd.s32 $0x80, s8  }
0xa7: {  	[sflag:s25] =	ssyncadd.s32 $0xFFFFC000;
	s11 =	smov.u32 s9;
	s12 =	sadd.s32 $0x400, s9  }
0xa8: {  	[tilespmem:s29], [sflag:$0x2] =	stream.indirect.gather [hbm4b:s4+s28], $0x80, s10, s28, $0xb8;
	[tilespmem:$0x14800] =	vst v63  }
0xa9: {  	p0 =	sne.s32 s9, $0x4800;
	_ =	swait.ge [sflag:s30], $0x4000  }
0xaa: {  	[sflag:s30] =	ssyncset.done $0x0  }
0xab: {  	s9 =	sadd.s32 $0x1400, s8;
	[sflag:s30] =	ssyncadd.s32 $0xFFFFC000  }
0xac: {  	[spmem:s1] =	stream.indirect.scatter.add.f32 [tilespmem:s24], [sflag:$0x3], $0x80, s9, s28, $0xb8;
	[tilespmem:$0x14800] =	vst v63  }
0xad: {  	_ =	swait.ge [sflag:s25], $0x4000  }
0xae: {  	[sflag:s25] =	ssyncset.done $0x0  }
0xaf: {  	s9 =	sadd.s32 $0x100, s8;
	[sflag:s25] =	ssyncadd.s32 $0xFFFFC000  }
0xb0: {  	[tilespmem:s24], [sflag:$0x1] =	stream.indirect.gather [hbm4b:s4+s28], $0x80, s9, s28, $0xb8;
	[tilespmem:$0x14800] =	vst v63  }
0xb1: {  	_ =	swait.ge [sflag:s31], $0x4000  }
.Ltmp2:
0xb2: {  	[sflag:s31] =	ssyncset.done $0x0;
	(pc) =	sbr.rel @p0 .LBB2_6-.Ltmp2, $4  }
0xb3: {  	s8 =	sadd.s32 $0x1480, s8;
	[sflag:s31] =	ssyncadd.s32 $0xFFFFC000  }
0xb4: {  	[spmem:s1] =	stream.indirect.scatter.add.f32 [tilespmem:s29], [sflag:$0x3], $0x80, s8, s28, $0xb8;
	[tilespmem:$0x14800] =	vst v63  }
0xb5: {  	_ =	swait.ge [sflag:s25], $0x4000  }
0xb6: {  	s9 =	smov.u32 s12;
	s8 =	sshra.s32 s11, $0x2;
	[sflag:s25] =	ssyncset.done $0x0  }
0xb7: {  	s9 =	sadd.s32 $0x80, s8;
	[sflag:s25] =	ssyncadd.s32 $0xFFFFC000  }
0xb8: {  	[tilespmem:s29], [sflag:$0x2] =	stream.indirect.gather [hbm4b:s4+s28], $0x80, s9, s28, $0xb8;
	[tilespmem:$0x14800] =	vst v63  }
0xb9: {  	_ =	swait.ge [sflag:s30], $0x4000  }
0xba: {  	[sflag:s30] =	ssyncset.done $0x0  }
0xbb: {  	s12 =	sadd.s32 $0x1400, s8;
	[sflag:s30] =	ssyncadd.s32 $0xFFFFC000  }
0xbc: {  	[spmem:s1] =	stream.indirect.scatter.add.f32 [tilespmem:s24], [sflag:$0x3], $0x80, s12, s28, $0xb8;
	[tilespmem:$0x14800] =	vst v63  }
0xbd: {  	_ =	swait.ge [sflag:s25], $0x4000  }
0xbe: {  	[sflag:s25] =	ssyncset.done $0x0  }
0xbf: {  	s10 =	sadd.s32 $0x100, s8;
	[sflag:s25] =	ssyncadd.s32 $0xFFFFC000  }
0xc0: {  	[tilespmem:s24], [sflag:$0x1] =	stream.indirect.gather [hbm4b:s4+s28], $0x80, s10, s28, $0xb8;
	[tilespmem:$0x14800] =	vst v63  }
0xc1: {  	_ =	swait.ge [sflag:s31], $0x4000  }
0xc2: {  	[sflag:s31] =	ssyncset.done $0x0  }
0xc3: {  	s11 =	sadd.s32 $0x1480, s8;
	[sflag:s31] =	ssyncadd.s32 $0xFFFFC000  }
0xc4: {  	[spmem:s1] =	stream.indirect.scatter.add.f32 [tilespmem:s29], [sflag:$0x3], $0x80, s11, s28, $0xb8;
	[tilespmem:$0x14800] =	vst v63  }
0xc5: {  	_ =	swait.ge [sflag:s25], $0x4000  }
0xc6: {  	[sflag:s25] =	ssyncset.done $0x0  }
0xc7: {  	[sflag:s25] =	ssyncadd.s32 $0xFFFFC000  }
0xc8: {  	[tilespmem:s29], [sflag:$0x2] =	stream.indirect.gather [hbm4b:s4+s28], $0x80, s0, s28, $0xb8;
	[tilespmem:$0x14800] =	vst v63  }
0xc9: {  	_ =	swait.ge [sflag:s30], $0x4000  }
0xca: {  	[sflag:s30] =	ssyncset.done $0x0  }
0xcb: {  	[sflag:s30] =	ssyncadd.s32 $0xFFFFC000  }
0xcc: {  	[spmem:s1] =	stream.indirect.scatter.add.f32 [tilespmem:s24], [sflag:$0x3], $0x80, s2, s28, $0xb8;
	[tilespmem:$0x14800] =	vst v63  }
0xcd: {  	_ =	swait.ge [sflag:s25], $0x4000  }
0xce: {  	[sflag:s25] =	ssyncset.done $0x0  }
0xcf: {  	[sflag:s25] =	ssyncadd.s32 $0xFFFFC000  }
0xd0: {  	_ =	swait.ge [sflag:s31], $0x4000  }
0xd1: {  	[sflag:s31] =	ssyncset.done $0x0  }
0xd2: {  	[sflag:s31] =	ssyncadd.s32 $0xFFFFC000  }
0xd3: {  	[spmem:s1] =	stream.indirect.scatter.add.f32 [tilespmem:s29], [sflag:$0x3], $0x80, s6, s28, $0xb8;
	[tilespmem:$0x14800] =	vst v63  }
0xd4: {  	_ =	swait.ge [sflag:s25], $0x4000  }
0xd5: {  	[sflag:s25] =	ssyncset.done $0x0  }
0xd6: {  	[sflag:s25] =	ssyncadd.s32 $0xFFFFC000  }
0xd7: {  	[bflag:$0x0] =	sbarrier.arrive $0xFFFF  }
0xd8: {  	[tilespmem:s24], [sflag:$0x3] =	stream.linear.gather [spmem:s5], $0x2000, $0x38;
	[tilespmem:$0x14800] =	vst v63  }
0xd9: {  	_ =	swait.ge [sflag:s25], $0x2000  }
0xda: {  	[sflag:s25] =	ssyncset.done $0x0  }
0xdb: {  	[sflag:s25] =	ssyncadd.s32 $0xFFFFE000  }
0xdc: {  	[hbm4b:s15+s3] =	stream.linear.scatter [tilespmem:s24], [sflag:$0x3], $0x2000, $0x38;
	[tilespmem:$0x14800] =	vst v63  }
0xdd: {  	_ =	swait.ge [sflag:s25], $0x2000  }
0xde: {  	[sflag:s25] =	ssyncset.done $0x0  }
0xdf: {  	[sflag:s25] =	ssyncadd.s32 $0xFFFFE000  }
0xe0: {  	[tilespmem:s24], [sflag:$0x3] =	stream.linear.gather [spmem:s16], $0x2000, $0x38;
	[tilespmem:$0x14800] =	vst v63  }
0xe1: {  	_ =	swait.ge [sflag:s25], $0x2000  }
0xe2: {  	[sflag:s25] =	ssyncset.done $0x0  }
0xe3: {  	[sflag:s25] =	ssyncadd.s32 $0xFFFFE000  }
0xe4: {  	[hbm4b:s17+s3] =	stream.linear.scatter [tilespmem:s24], [sflag:$0x3], $0x2000, $0x38;
	[tilespmem:$0x14800] =	vst v63  }
0xe5: {  	_ =	swait.ge [sflag:s25], $0x2000  }
0xe6: {  	[sflag:s25] =	ssyncset.done $0x0  }
0xe7: {  	[sflag:s25] =	ssyncadd.s32 $0xFFFFE000  }
0xe8: {  	[tilespmem:s24], [sflag:$0x3] =	stream.linear.gather [spmem:s18], $0x2000, $0x38;
	[tilespmem:$0x14800] =	vst v63  }
0xe9: {  	_ =	swait.ge [sflag:s25], $0x2000  }
0xea: {  	[sflag:s25] =	ssyncset.done $0x0  }
0xeb: {  	[sflag:s25] =	ssyncadd.s32 $0xFFFFE000  }
0xec: {  	[hbm4b:s19+s3] =	stream.linear.scatter [tilespmem:s24], [sflag:$0x3], $0x2000, $0x38;
	[tilespmem:$0x14800] =	vst v63  }
0xed: {  	_ =	swait.ge [sflag:s25], $0x2000  }
0xee: {  	[sflag:s25] =	ssyncset.done $0x0  }
0xef: {  	[sflag:s25] =	ssyncadd.s32 $0xFFFFE000  }
0xf0: {  	[tilespmem:s24], [sflag:$0x3] =	stream.linear.gather [spmem:s20], $0x2000, $0x38;
	[tilespmem:$0x14800] =	vst v63  }
0xf1: {  	_ =	swait.ge [sflag:s25], $0x2000  }
0xf2: {  	[sflag:s25] =	ssyncset.done $0x0  }
0xf3: {  	[sflag:s25] =	ssyncadd.s32 $0xFFFFE000  }
0xf4: {  	[hbm4b:s21+s3] =	stream.linear.scatter [tilespmem:s24], [sflag:$0x3], $0x2000, $0x38;
	[tilespmem:$0x14800] =	vst v63  }
0xf5: {  	_ =	swait.ge [sflag:s25], $0x2000  }
0xf6: {  	[sflag:s25] =	ssyncset.done $0x0  }
0xf7: {  	[sflag:s25] =	ssyncadd.s32 $0xFFFFE000  }
0xf8: {  	[tilespmem:s24], [sflag:$0x3] =	stream.linear.gather [spmem:s22], $0x2000, $0x38;
	[tilespmem:$0x14800] =	vst v63  }
0xf9: {  	_ =	swait.ge [sflag:s25], $0x2000  }
0xfa: {  	[sflag:s25] =	ssyncset.done $0x0  }
0xfb: {  	[sflag:s25] =	ssyncadd.s32 $0xFFFFE000  }
0xfc: {  	[hbm4b:s23+s3] =	stream.linear.scatter [tilespmem:s24], [sflag:$0x3], $0x2000, $0x38;
	[tilespmem:$0x14800] =	vst v63  }
0xfd: {  	_ =	swait.ge [sflag:s25], $0x2000  }
0xfe: {  	s7 =	sadd.s32 $0x1, s7;
	s12 =	rddreg [dreg:$0x8]  }
0xff: {  	p0 =	sne.s32 s7, s12  }
.Ltmp3:
0x100: {  	_ = 	snop;
	(pc) =	sbr.rel @p0 .LBB2_1-.Ltmp3, $3  }
0x101: {  	_ =	sdelay $0x1  }
0x102: {  	[sflag:s25] =	ssyncset.done $0x0  }
0x103: {  	[sflag:s25] =	ssyncadd.s32 $0xFFFFE000  }
0x104: {  	_ =	sfence.sel $0x180000  }
0x105: {  	[bflag:$0x0] =	sbarrier.arrive $0xFFFF  }
0x106: {  	_ =	strace $0x90000050  }
0x107: {  	s0 =	stileid.u32;
	[bflag:$0x2] =	sbarrier.arrive $0xFFFF  }
0x108: {  	p0 =	sne.s32 s0, $0x0;
	s0 =	rddreg [dreg:$0x3]  }
0x109: {  	s0 =	sadd.s32 @!p0 $0x100000, s0  }
0x10a: {  	[sflag:s0] =	ssyncadd.tile.s32 @!p0 $0x1;
	_ =	shalt  }
.Lfunc_end2:
_tile_overlayer_lowered:
.L_overlay_start_2:
0x10b: {  	(tag) =	ssettag $0x2  }
0x10c: {  	s0 =	rddreg [dreg:$0x0];
	s2 =	stileid.u32  }
0x10d: {  	s1 =	rddreg [dreg:$0x1];
	p0 =	sne.s32 s2, $0x0  }
0x10e: {  	s3 =	rddreg [dreg:$0x2];
	[bflag:$0x3] =	sbarrier.arrive $0xFFFF;
	s2 =	simm.s32 @!p0 $0x1C03  }
0x10f: {  	[timem:s3], [sflag:s2] =	dma.local @!p0 [hbm:s0], s1  }
0x110: {  	s0 =	simm.s32 @!p0 $0x3  }
0x111: {  	_ =	swait.ge @!p0 [sflag:s0], s1  }
0x112: {  	s1 =	ssub.s32 @!p0 $0x0, s1;
	[sflag:s0] =	ssyncset.done @!p0 $0x0  }
0x113: {  	[sflag:s0] =	ssyncadd.s32 @!p0 s1  }
0x114: {  	[bflag:$0x3] =	sbarrier.arrive $0xFFFF  }
0x115: {  	_ =	shalt  }

// kernel: kernel.24.cloned.1.call-start
scs
__scs_entry_jumppad:
0x0: {  	(pc) =	sbr.rel $0x88, $3  }
0x1: {  	(tag) =	ssettag $0x0;
	lr =	simm.s32 $0x1  }
0x2: {  	[smem:$0x3F8E] =	sst lr;
	_ =	strace $0xD0000000  }
0x3: {  	_ = 	snop  }
0x4: {  	_ = 	snop  }
0x5: {  	_ = 	snop  }
0x6: {  	_ = 	snop  }
0x7: {  	_ = 	snop  }
__scs_overlays_trampoline_lowered:
0x8: {  	[smem:$0x3F9D] =	sst s0  }
0x9: {  	[smem:$0x3F9E] =	sst s1  }
0xa: {  	[smem:$0x3F9F] =	sst s2  }
0xb: {  	[smem:$0x3FA0] =	sst s3  }
0xc: {  	[smem:$0x3FA1] =	sst s4  }
0xd: {  	[smem:$0x3FA2] =	sst s5  }
0xe: {  	[smem:$0x3FA3] =	sst s6  }
0xf: {  	[smem:$0x3FA4] =	sst s7  }
0x10: {  	[smem:$0x3FA5] =	sst s8  }
0x11: {  	[smem:$0x3FA6] =	sst s9;
	s0 =	simm.s32 @!p0 $0x0  }
0x12: {  	s1 =	sld [smem:$0x3F8C];
	s0 =	simm.s32 @p0 $0x1  }
0x13: {  	[smem:$0x3FA7] =	sst s0;
	s0 =	simm.s32 @!p1 $0x0  }
0x14: {  	s2 =	sld [smem:$0x3F8B];
	s0 =	simm.s32 @p1 $0x1  }
0x15: {  	[smem:$0x3FA8] =	sst s0;
	s0 =	simm.s32 @!p2 $0x0  }
0x16: {  	s3 =	sld [smem:$0x3FDB];
	s0 =	simm.s32 @p2 $0x1  }
0x17: {  	s4 =	simm.s32 $0x1BF5;
	[smem:$0x3FAA] =	sst s0  }
0x18: {  	s0 =	sld [smem:$0x3F8D];
	_ =	swait.ge [sflag:s4], $0x0  }
0x19: {  	s7 =	sld [smem:$0x3F8E]  }
0x1a: {  	s8 =	sadd.s32 $0xFFFFE003, lr  }
0x1b: {  	s9 =	sadd.s32 $0xFFFFFEF7, lr;
	s5 =	simm.s32 $0xFFFFFFFF;
	p2 =	slt.u32 s8, $0xFFFFF086  }
0x1c: {  	p1 =	slt.u32 s9, $0xF7A;
	s5 =	simm.s32 @!p2 $0x0  }
0x1d: {  	s5 =	simm.s32 @p1 $0x1;
	p0 =	seq.s32 s7, s2  }
0x1e: {  	s7 =	smul.u32 @!p0 $0xF7A, s2;
	p2 =	seq.s32 @!p0 s5, $0x0  }
0x1f: {  	s9 =	smul.u32 $0xF7A, s1;
	s8 =	simm.s32 @!p0 $0x1BF5;
	p2 =	por !p2, p0  }
0x20: {  	[sflag:s8] =	ssyncset.s32 @!p0 $0xFFFFF086;
	s6 =	sadd.s32 @!p0 s3, s7;
	s7 =	simm.s32 @!p0 $0x108  }
0x21: {  	s3 =	sadd.s32 s3, s9;
	s6 =	sadd.s32 @!p0 $0x88, s6;
	s7 =	simm.s32 @p2 $0x1082  }
0x22: {  	[simem:s7], [sflag:s8] =	dma.local @!p0 [hbm:s6], $0xF7A  }
0x23: {  	s9 =	sor.u32 $0xD0000000, s2;
	s6 =	simm.s32 $0x108;
	_ =	swait.ge @!p0 [sflag:s8], $0x0  }
0x24: {  	s3 =	sadd.s32 $0x88, s3;
	s6 =	simm.s32 @!p1 $0x1082;
	[sflag:s4] =	ssyncset.s32 $0xFFFFF086  }
0x25: {  	[simem:s6], [sflag:s4] =	dma.local [hbm:s3], $0xF7A  }
0x26: {  	[smem:$0x3F8E] =	sst s1;
	(tag) =	ssettag s2;
	_ =	strace s9  }
0x27: {  	s1 =	sld [smem:$0x3F9E]  }
0x28: {  	s2 =	sld [smem:$0x3F9F]  }
0x29: {  	s4 =	sld [smem:$0x3FA1]  }
0x2a: {  	p0 =	seq.s32 s5, $0x0;
	s5 =	sld [smem:$0x3FA2]  }
0x2b: {  	s6 =	sld [smem:$0x3FA3]  }
0x2c: {  	s7 =	sld [smem:$0x3FA4]  }
0x2d: {  	s3 =	simm.s32 $0x108;
	s8 =	sld [smem:$0x3FA5]  }
0x2e: {  	s3 =	simm.s32 @!p0 $0x1082;
	s9 =	sld [smem:$0x3FA6]  }
0x2f: {  	lr =	sadd.s32 s0, s3;
	s0 =	sld [smem:$0x3F9D]  }
0x30: {  	s3 =	sld [smem:$0x3FA0]  }
0x31: {  	[smem:$0x3FA9] =	sst s10  }
0x32: {  	s10 =	sld [smem:$0x3FA7];
	_ =	sdelay $0x3  }
0x33: {  	p0 =	seq.s32 s10, $0x1;
	s10 =	sld [smem:$0x3FA9];
	_ =	sdelay $0x3  }
0x34: {  	[smem:$0x3FA9] =	sst s10  }
0x35: {  	s10 =	sld [smem:$0x3FA8];
	_ =	sdelay $0x3  }
0x36: {  	p1 =	seq.s32 s10, $0x1;
	s10 =	sld [smem:$0x3FA9];
	_ =	sdelay $0x3  }
0x37: {  	[smem:$0x3FA9] =	sst s10  }
0x38: {  	s10 =	sld [smem:$0x3FAA]  }
0x39: {  	_ = 	snop;
	(pc) =	sbr.ind lr, $3  }
0x3a: {  	_ = 	snop  }
0x3b: {  	_ = 	snop  }
0x3c: {  	p2 =	seq.s32 s10, $0x1;
	s10 =	sld [smem:$0x3FA9]  }
0x3d: {  	_ =	shalt  }
0x3e: {  	_ =	shalt  }
0x3f: {  	_ =	shalt  }
0x40: {  	_ =	shalt  }
0x41: {  	_ =	shalt  }
0x42: {  	_ =	shalt  }
0x43: {  	_ =	shalt  }
0x44: {  	_ =	shalt  }
0x45: {  	_ =	shalt  }
0x46: {  	_ =	shalt  }
0x47: {  	_ =	shalt  }
0x48: {  	_ =	shalt  }
0x49: {  	_ =	shalt  }
0x4a: {  	_ =	shalt  }
0x4b: {  	_ =	shalt  }
0x4c: {  	_ =	shalt  }
0x4d: {  	_ =	shalt  }
0x4e: {  	_ =	shalt  }
0x4f: {  	_ =	shalt  }
0x50: {  	_ =	shalt  }
0x51: {  	_ =	shalt  }
0x52: {  	_ =	shalt  }
0x53: {  	_ =	shalt  }
0x54: {  	_ =	shalt  }
0x55: {  	_ =	shalt  }
0x56: {  	_ =	shalt  }
0x57: {  	_ =	shalt  }
0x58: {  	_ =	shalt  }
0x59: {  	_ =	shalt  }
0x5a: {  	_ =	shalt  }
0x5b: {  	_ =	shalt  }
0x5c: {  	_ =	shalt  }
0x5d: {  	_ =	shalt  }
0x5e: {  	_ =	shalt  }
0x5f: {  	_ =	shalt  }
0x60: {  	_ =	shalt  }
0x61: {  	_ =	shalt  }
0x62: {  	_ =	shalt  }
0x63: {  	_ =	shalt  }
0x64: {  	_ =	shalt  }
0x65: {  	_ =	shalt  }
0x66: {  	_ =	shalt  }
0x67: {  	_ =	shalt  }
0x68: {  	_ =	shalt  }
0x69: {  	_ =	shalt  }
0x6a: {  	_ =	shalt  }
0x6b: {  	_ =	shalt  }
0x6c: {  	_ =	shalt  }
0x6d: {  	_ =	shalt  }
0x6e: {  	_ =	shalt  }
0x6f: {  	_ =	shalt  }
0x70: {  	_ =	shalt  }
0x71: {  	_ =	shalt  }
0x72: {  	_ =	shalt  }
0x73: {  	_ =	shalt  }
0x74: {  	_ =	shalt  }
0x75: {  	_ =	shalt  }
0x76: {  	_ =	shalt  }
0x77: {  	_ =	shalt  }
0x78: {  	_ =	shalt  }
0x79: {  	_ =	shalt  }
0x7a: {  	_ =	shalt  }
0x7b: {  	_ =	shalt  }
0x7c: {  	_ =	shalt  }
0x7d: {  	_ =	shalt  }
0x7e: {  	_ =	shalt  }
0x7f: {  	_ =	shalt  }
0x80: {  	_ =	shalt  }
0x81: {  	_ =	shalt  }
0x82: {  	_ =	shalt  }
0x83: {  	_ =	shalt  }
0x84: {  	_ =	shalt  }
0x85: {  	_ =	shalt  }
0x86: {  	_ =	shalt  }
0x87: {  	_ =	shalt  }
.Lfunc_end0:
.L_simem_size_0:
called_computation.4_lowered:
.L_overlay_start_0:
0x88: {  	s2 =	sld [smem:$0x3FD9]  }
0x89: {  	s3 =	sld [smem:$0x3FFE];
	_ =	sdelay $0x1  }
0x8a: {  	s1 =	srdreg.scid  }
0x8b: {  	s0 =	sand.u32 $0x1, s1  }
0x8c: {  	s14 =	sshll.u32 s0, $0xA;
	s2 =	sadd.s32 s3, s2  }
0x8d: {  	s2 =	sadd.s32 s2, s14  }
0x8e: {  	[smem:$0x3FB5] =	sst s2  }
0x8f: {  	_ = 	snop  }
0x90: {  	s2 =	sld [smem:$0x3FD0];
	_ =	sdelay $0x2  }
0x91: {  	s15 =	simm.s32 $0xB;
	s4 =	simm.s32 $0x10  }
0x92: {  	[smem:s4], [sflag:s15] =	dma.local [hbm:s2], $0x1  }
0x93: {  	_ =	swait.eq [sflag:s15], $0x1  }
0x94: {  	[sflag:s15] =	ssyncset.done $0x0  }
0x95: {  	s16 =	sld [smem:$0x10];
	[sflag:s15] =	ssyncadd.s32 $0xFFFFFFFF  }
0x96: {  	s17 =	sld [smem:$0x11];
	(tm) =	ssettm $0x1  }
0x97: {  	s18 =	sld [smem:$0x3FFB];
	_ =	sdelay $0x3  }
0x98: {  	_ =	strace s18  }
0x99: {  	s4 =	sld [smem:$0x3FFC];
	_ =	sdelay $0x3  }
0x9a: {  	_ =	strace s4  }
0x9b: {  	s4 =	sld [smem:$0x3FFD];
	_ =	sdelay $0x3  }
0x9c: {  	_ =	strace s4  }
0x9d: {  	_ =	strace $0x8FFFFFFF  }
0x9e: {  	s19 =	sld [smem:$0x3FDB];
	_ =	sdelay $0x1  }
0x9f: {  	s5 =	simm.s32 $_scs_section_size  }
0xa0: {  	s6 =	simm.s32 $_size__tile_overlayer_lowered;
	s7 =	simm.s32 $_tile_overlayer_lowered  }
0xa1: {  	s22 =	simm.s32 $0x1BFF;
	s21 =	sshll.u32 s7, $0x1;
	s4 =	sadd.s32 s5, s19  }
0xa2: {  	s8 =	simm.s32 $0x0;
	s20 =	sshll.u32 s6, $0x1;
	s6 =	sadd.s32 s21, s4  }
0xa3: {  	[timem:s8], [sflag:s22] =	dma.local [hbm:s6], s20  }
0xa4: {  	_ =	swait.ge [sflag:s22], s20  }
0xa5: {  	s5 =	ssub.s32 $0x0, s20;
	[sflag:s22] =	ssyncset.done $0x0  }
0xa6: {  	[sflag:s22] =	ssyncadd.s32 s5;
	_ =	sdelay $0x1  }
0xa7: {  	s23 =	simm.s32 $0x1B8B  }
0xa8: {  	_ =	swait.ge [sflag:s23], $0x1  }
0xa9: {  	[sflag:s23] =	ssyncset.done $0x0  }
0xaa: {  	s25 =	simm.s32 $0x1B8E;
	s24 =	sld [smem:$0x3FFE];
	[sflag:s23] =	ssyncadd.s32 $0xFFFFFFFF  }
0xab: {  	s26 =	simm.s32 $execute0_lowered;
	[smem:$0x3FD2] =	sst s25  }
0xac: {  	s6 =	sshll.u32 s26, $0x1;
	_ =	strace $0x80000052;
	[dreg:$0x1] =	wrdreg $0xFFFFFFFF  }
0xad: {  	s28 =	simm.s32 $_size_execute0_lowered;
	s4 =	sadd.s32 s4, s6;
	[dreg:$0x0] =	wrdreg $0x0  }
0xae: {  	s6 =	sshll.u32 s28, $0x1;
	[dreg:$0x2] =	wrdreg s4  }
0xaf: {  	[dreg:$0x3] =	wrdreg s6  }
0xb0: {  	[dreg:$0x4] =	wrdreg $0xC0  }
0xb1: {  	_ =	task [dreg:s8], $0x5FFFF  }
0xb2: {  	[dreg:$0x1] =	wrdreg $0xFFFFFFFF  }
0xb3: {  	[dreg:$0x0] =	wrdreg $0x60  }
0xb4: {  	[dreg:$0x2] =	wrdreg s17  }
0xb5: {  	[dreg:$0x3] =	wrdreg s16  }
0xb6: {  	[dreg:$0x4] =	wrdreg s24  }
0xb7: {  	[dreg:$0x5] =	wrdreg $0xA8000  }
0xb8: {  	[dreg:$0x6] =	wrdreg $0x9  }
0xb9: {  	_ =	task.clear_ibuf [dreg:s8], $0x7FFFF;
	_ =	strace $0x90000052  }
0xba: {  	s29 =	simm.s32 $0x9;
	_ =	strace $0x80000054  }
0xbb: {  	_ =	swait.ge [sflag:s29], $0x1  }
0xbc: {  	[sflag:s29] =	ssyncadd.s32 $0xFFFFFFFF  }
0xbd: {  	_ =	strace $0x90000054  }
0xbe: {  	_ =	sfence  }
0xbf: {  	s30 =	sld [smem:$0x0];
	_ =	sdelay $0x2  }
0xc0: {  	s31 =	sshll.u32 s1, $0xD;
	s1 =	sshrl.u32 s1, $0x2  }
0xc1: {  	s3 =	sand.u32 $0x4000, s31;
	s1 =	sadd.s32 s1, s30  }
0xc2: {  	s0 =	sor.u32 s3, s0;
	s1 =	sshll.u32 s1, $0x11  }
0xc3: {  	s0 =	sor.u32 s1, s0  }
0xc4: {  	s0 =	sadd.s32 $0x8F2B, s0  }
0xc5: {  	[sflag:s0] =	ssyncadd.remote.s32 $0x1  }
0xc6: {  	_ =	sfence.sel $0xFFFF  }
0xc7: {  	[dreg:$0x0] =	wrdreg $0xFFFFFFFF;
	(pc) =	sbr.abs _section_cstart, $3  }
0xc8: {  	[dreg:$0x1] =	wrdreg $0xFFFFFFFF  }
0xc9: {  	_ =	task.clear_ibuf [dreg:s8], $0x2FFFF;
	_ =	strace $0x9FFFFFFF  }
0xca: {  	(tm) =	ssettm $0x7FFFFFFF  }
0xcb: {  	_ =	shalt  }
tec
execute0_lowered:
.L_overlay_start_1:
0x0: {  	(tag) =	ssettag $0x1  }
0x1: {  	s1 =	srdreg.scid  }
0x2: {  	s0 =	rddreg [dreg:$0x1];
	s10 =	stileid.u32;
	s3 =	sand.u32 $0x1, s1  }
0x3: {  	s2 =	rddreg [dreg:$0x2];
	s5 =	smul.u32 $0x50000, s10;
	s4 =	sshll.u32 s3, $0x4  }
0x4: {  	s7 =	ssub.s32 $0x2, s3;
	s3 =	smul.u32 $0x140000, s3;
	s4 =	sor.u32 s10, s4  }
0x5: {  	s1 =	simm.s32 $0x0;
	s6 =	sadd.s32 $0x6000, s2;
	s8 =	smul.u32 $0x500, s4  }
0x6: {  	s2 =	sadd.s32 $0x60000, s2;
	s9 =	sshrl.u32 s7, $0x1;
	s4 =	smul.u32 $0x2800, s4  }
0x7: {  	[smem:$0x7FF] =	sst s1;
	s7 =	ssub.s32 s7, s9;
	s9 =	smul.u32 $0x14000, s10  }
0x8: {  	s5 =	sshrl.u32 s5, $0x2;
	s16 =	sadd.s32 s0, s8;
	s4 =	sshrl.u32 s4, $0x3  }
0x9: {  	s8 =	sadd.s32 s6, s8;
	s17 =	sadd.s32 s3, s9;
	s10 =	sadd.s32 $0x8000, s9  }
0xa: {  	s25 =	sadd.s32 $0xA000, s9;
	s28 =	sadd.s32 $0xC000, s9;
	[dreg:$0x5] =	wrdreg s16  }
0xb: {  	s13 =	sadd.s32 $0xE000, s9;
	[dreg:$0x6] =	wrdreg s8;
	s4 =	sadd.s32 $0x280, s4  }
0xc: {  	s8 =	sor.u32 $0x2000, s9;
	s12 =	sadd.s32 s3, s10;
	s26 =	sadd.s32 s3, s25  }
0xd: {  	s14 =	sadd.s32 s3, s28;
	s15 =	sadd.s32 s3, s13;
	s0 =	sadd.s32 s0, s4  }
0xe: {  	s18 =	sadd.s32 s3, s8;
	s4 =	sadd.s32 s6, s4;
	s6 =	sadd.s32 $0x6000, s9  }
0xf: {  	s23 =	sshrl.u32 s12, $0x3;
	s14 =	sshrl.u32 s14, $0x3;
	[dreg:$0x7] =	wrdreg s0  }
0x10: {  	s16 =	sshrl.u32 s15, $0x3;
	s12 =	simm.s32 $0x6800;
	[dreg:$0x8] =	wrdreg s4  }
0x11: {  	s0 =	sshrl.u32 s17, $0x3;
	s19 =	sshrl.u32 s18, $0x3;
	s11 =	sadd.s32 s3, s6  }
0x12: {  	s24 =	sadd.s32 s2, s23;
	s17 =	sadd.s32 s2, s16;
	s18 =	sadd.s32 $0x10000, s9  }
0x13: {  	s16 =	rddreg [dreg:$0x3];
	s0 =	sadd.s32 s2, s0;
	s20 =	sadd.s32 s2, s19  }
0x14: {  	s22 =	sshrl.u32 s11, $0x3;
	[dreg:$0xd] =	wrdreg s24;
	s11 =	sshrl.u32 s26, $0x3  }
0x15: {  	[dreg:$0x10] =	wrdreg s17;
	s19 =	sadd.s32 s5, s16;
	s23 =	sadd.s32 s6, s16  }
0x16: {  	s24 =	sadd.s32 s10, s16;
	s25 =	sadd.s32 s25, s16;
	s26 =	sadd.s32 s28, s16  }
0x17: {  	s28 =	sadd.s32 s13, s16;
	s29 =	sadd.s32 s18, s16;
	[dreg:$0x9] =	wrdreg s0  }
0x18: {  	s10 =	simm.s32 $0x1400;
	s13 =	simm.s32 $0x1;
	[dreg:$0xa] =	wrdreg s20  }
0x19: {  	s0 =	sadd.s32 $0x4000, s9;
	s11 =	sadd.s32 s2, s11;
	s9 =	sadd.s32 $0x12000, s9  }
0x1a: {  	s20 =	sadd.s32 s3, s18;
	s21 =	sadd.s32 s3, s0;
	[dreg:$0xe] =	wrdreg s11  }
0x1b: {  	s11 =	sadd.s32 s2, s14;
	s14 =	rddreg [dreg:$0x0];
	s15 =	sshrl.u32 s20, $0x3  }
0x1c: {  	s4 =	sshrl.u32 s21, $0x3;
	[dreg:$0xf] =	wrdreg s11;
	s15 =	sadd.s32 s2, s15  }
0x1d: {  	s3 =	sadd.s32 s3, s9;
	s4 =	sadd.s32 s2, s4;
	[dreg:$0x11] =	wrdreg s15  }
0x1e: {  	s3 =	sshrl.u32 s3, $0x3;
	[dreg:$0xb] =	wrdreg s4;
	s4 =	sadd.s32 s2, s22  }
0x1f: {  	s17 =	simm.s32 $0x2;
	s2 =	sadd.s32 s2, s3;
	[dreg:$0xc] =	wrdreg s4  }
0x20: {  	s31 =	sadd.s32 $0x2000, s19;
	s21 =	smax.u32 s7, $0x1;
	[dreg:$0x12] =	wrdreg s2  }
0x21: {  	s22 =	sadd.s32 s8, s16;
	_ =	strace $0x80000053;
	[dreg:$0x13] =	wrdreg s21  }
0x22: {  	s5 =	sadd.s32 $0xE000, s19;
	s0 =	sadd.s32 s0, s16;
	[dreg:$0x14] =	wrdreg s22  }
0x23: {  	s6 =	sadd.s32 $0x10000, s19;
	s18 =	simm.s32 $0x1380;
	[dreg:$0x15] =	wrdreg s0  }
0x24: {  	s30 =	sadd.s32 s9, s16;
	s9 =	simm.s32 $0x3;
	[dreg:$0x16] =	wrdreg s23  }
0x25: {  	s20 =	simm.s32 $0x2700;
	s7 =	sadd.s32 $0x12000, s19;
	[dreg:$0x17] =	wrdreg s24  }
0x26: {  	s11 =	simm.s32 $0x80;
	s15 =	sadd.s32 $0x4000, s19;
	[dreg:$0x18] =	wrdreg s25  }
0x27: {  	s3 =	sadd.s32 $0xA000, s19;
	s8 =	simm.s32 $0x2800;
	[dreg:$0x19] =	wrdreg s26  }
0x28: {  	s2 =	sadd.s32 $0x8000, s19;
	s4 =	sadd.s32 $0xC000, s19;
	[dreg:$0x1a] =	wrdreg s28  }
0x29: {  	v0 =	vimm.f32 $0.0e+00;
	s0 =	sadd.s32 $0x6000, s19;
	s21 =	simm.s32 $0x2780;
	s22 =	simm.s32 $0x0  }
.LBB2_1:
0x2a: {  	s23 =	simm.s32 $0x0;
	s24 =	simm.s32 $0x200  }
.LBB2_2:
0x2b: {  	p0 =	sne.s32 s24, $0x7E00;
	[tilespmem:s23+$0x2870] =	vst v0  }
0x2c: {  	[tilespmem:s23+$0x2800] =	vst v0  }
0x2d: {  	[tilespmem:s23+$0x2810] =	vst v0  }
.Ltmp0:
0x2e: {  	[tilespmem:s23+$0x2820] =	vst v0;
	(pc) =	sbr.rel @p0 .LBB2_2-.Ltmp0, $4  }
0x2f: {  	[tilespmem:s23+$0x2830] =	vst v0  }
0x30: {  	[tilespmem:s23+$0x2840] =	vst v0  }
0x31: {  	[tilespmem:s23+$0x2850] =	vst v0  }
0x32: {  	[tilespmem:s23+$0x2860] =	vst v0;
	s23 =	sshra.s32 s24, $0x2;
	s24 =	sadd.s32 $0x200, s24  }
0x33: {  	[tilespmem:s23+$0x2870] =	vst v0  }
0x34: {  	[tilespmem:s23+$0x2800] =	vst v0  }
0x35: {  	[tilespmem:s23+$0x2810] =	vst v0  }
0x36: {  	[tilespmem:s23+$0x2820] =	vst v0  }
0x37: {  	[tilespmem:s23+$0x2830] =	vst v0  }
0x38: {  	[tilespmem:s23+$0x2840] =	vst v0  }
0x39: {  	[tilespmem:s23+$0x2850] =	vst v0  }
0x3a: {  	[tilespmem:s23+$0x2860] =	vst v0  }
0x3b: {  	[spmem:s19] =	stream.linear.scatter [tilespmem:s8], [sflag:$0x3], $0x2000, $0x38;
	[tilespmem:$0x1E800] =	vst v63  }
0x3c: {  	_ =	swait.ge [sflag:s9], $0x2000  }
0x3d: {  	[sflag:s9] =	ssyncset.done $0x0  }
0x3e: {  	[sflag:s9] =	ssyncadd.s32 $0xFFFFE000  }
0x3f: {  	[spmem:s31] =	stream.linear.scatter [tilespmem:s8], [sflag:$0x3], $0x2000, $0x38;
	[tilespmem:$0x1E800] =	vst v63  }
0x40: {  	_ =	swait.ge [sflag:s9], $0x2000  }
0x41: {  	[sflag:s9] =	ssyncset.done $0x0  }
0x42: {  	[sflag:s9] =	ssyncadd.s32 $0xFFFFE000  }
0x43: {  	[spmem:s15] =	stream.linear.scatter [tilespmem:s8], [sflag:$0x3], $0x2000, $0x38;
	[tilespmem:$0x1E800] =	vst v63  }
0x44: {  	_ =	swait.ge [sflag:s9], $0x2000  }
0x45: {  	[sflag:s9] =	ssyncset.done $0x0  }
0x46: {  	[sflag:s9] =	ssyncadd.s32 $0xFFFFE000  }
0x47: {  	[spmem:s0] =	stream.linear.scatter [tilespmem:s8], [sflag:$0x3], $0x2000, $0x38;
	[tilespmem:$0x1E800] =	vst v63  }
0x48: {  	_ =	swait.ge [sflag:s9], $0x2000  }
0x49: {  	[sflag:s9] =	ssyncset.done $0x0  }
0x4a: {  	[sflag:s9] =	ssyncadd.s32 $0xFFFFE000  }
0x4b: {  	[spmem:s2] =	stream.linear.scatter [tilespmem:s8], [sflag:$0x3], $0x2000, $0x38;
	[tilespmem:$0x1E800] =	vst v63  }
0x4c: {  	_ =	swait.ge [sflag:s9], $0x2000  }
0x4d: {  	[sflag:s9] =	ssyncset.done $0x0  }
0x4e: {  	[sflag:s9] =	ssyncadd.s32 $0xFFFFE000  }
0x4f: {  	[spmem:s3] =	stream.linear.scatter [tilespmem:s8], [sflag:$0x3], $0x2000, $0x38;
	[tilespmem:$0x1E800] =	vst v63  }
0x50: {  	_ =	swait.ge [sflag:s9], $0x2000  }
0x51: {  	[sflag:s9] =	ssyncset.done $0x0  }
0x52: {  	[sflag:s9] =	ssyncadd.s32 $0xFFFFE000  }
0x53: {  	[spmem:s4] =	stream.linear.scatter [tilespmem:s8], [sflag:$0x3], $0x2000, $0x38;
	[tilespmem:$0x1E800] =	vst v63  }
0x54: {  	_ =	swait.ge [sflag:s9], $0x2000  }
0x55: {  	[sflag:s9] =	ssyncset.done $0x0  }
0x56: {  	[sflag:s9] =	ssyncadd.s32 $0xFFFFE000  }
0x57: {  	[spmem:s5] =	stream.linear.scatter [tilespmem:s8], [sflag:$0x3], $0x2000, $0x38;
	[tilespmem:$0x1E800] =	vst v63  }
0x58: {  	_ =	swait.ge [sflag:s9], $0x2000  }
0x59: {  	[sflag:s9] =	ssyncset.done $0x0  }
0x5a: {  	[sflag:s9] =	ssyncadd.s32 $0xFFFFE000  }
0x5b: {  	[spmem:s6] =	stream.linear.scatter [tilespmem:s8], [sflag:$0x3], $0x2000, $0x38;
	[tilespmem:$0x1E800] =	vst v63  }
0x5c: {  	_ =	swait.ge [sflag:s9], $0x2000  }
0x5d: {  	[sflag:s9] =	ssyncset.done $0x0  }
0x5e: {  	[sflag:s9] =	ssyncadd.s32 $0xFFFFE000  }
0x5f: {  	[spmem:s7] =	stream.linear.scatter [tilespmem:s8], [sflag:$0x3], $0x2000, $0x38;
	[tilespmem:$0x1E800] =	vst v63  }
0x60: {  	_ =	swait.ge [sflag:s9], $0x2000  }
0x61: {  	[sflag:s9] =	ssyncset.done $0x0  }
0x62: {  	[sflag:s9] =	ssyncadd.s32 $0xFFFFE000  }
0x63: {  	[bflag:$0x0] =	sbarrier.arrive $0xFFFF  }
0x64: {  	s26 =	simm.s32 $0x0;
	s24 =	rddreg [dreg:$0x5]  }
0x65: {  	[tilespmem:s26], [sflag:$0x3] =	stream.linear.gather [hbm4b:s24+s26], $0x1400, $0x38;
	[tilespmem:$0x1E800] =	vst v63  }
0x66: {  	_ =	swait.ge [sflag:s9], $0x1400  }
0x67: {  	[sflag:s9] =	ssyncset.done $0x0  }
0x68: {  	s28 =	rddreg [dreg:$0x6];
	[sflag:s9] =	ssyncadd.s32 $0xFFFFEC00  }
0x69: {  	[tilespmem:s10], [sflag:$0x3] =	stream.linear.gather [hbm4b:s28+s26], $0x1400, $0x38;
	[tilespmem:$0x1E800] =	vst v63  }
0x6a: {  	_ =	swait.ge [sflag:s9], $0x1400  }
0x6b: {  	[sflag:s9] =	ssyncset.done $0x0  }
0x6c: {  	[sflag:s9] =	ssyncadd.s32 $0xFFFFEC00  }
0x6d: {  	[tilespmem:s8], [sflag:$0x1] =	stream.indirect.gather [hbm4b:s14+s11], $0x80, s26, s11, $0xb8;
	[tilespmem:$0x1E800] =	vst v63  }
0x6e: {  	s24 =	simm.s32 $0x80  }
0x6f: {  	[tilespmem:s12], [sflag:$0x2] =	stream.indirect.gather [hbm4b:s14+s11], $0x80, s24, s11, $0xb8;
	[tilespmem:$0x1E800] =	vst v63  }
0x70: {  	_ =	swait.ge [sflag:s13], $0x4000  }
0x71: {  	[sflag:s13] =	ssyncset.done $0x0  }
0x72: {  	s25 =	simm.s32 $0x1400;
	[sflag:s13] =	ssyncadd.s32 $0xFFFFC000  }
0x73: {  	[spmem:s16] =	stream.indirect.scatter.add.f32 [tilespmem:s8], [sflag:$0x3], $0x80, s25, s11, $0xb8;
	[tilespmem:$0x1E800] =	vst v63  }
0x74: {  	_ =	swait.ge [sflag:s9], $0x4000  }
0x75: {  	[sflag:s9] =	ssyncset.done $0x0  }
0x76: {  	s26 =	simm.s32 $0x100;
	[sflag:s9] =	ssyncadd.s32 $0xFFFFC000  }
0x77: {  	[tilespmem:s8], [sflag:$0x1] =	stream.indirect.gather [hbm4b:s14+s11], $0x80, s26, s11, $0xb8;
	[tilespmem:$0x1E800] =	vst v63  }
0x78: {  	_ =	swait.ge [sflag:s17], $0x4000  }
0x79: {  	[sflag:s17] =	ssyncset.done $0x0  }
0x7a: {  	s28 =	simm.s32 $0x1480;
	[sflag:s17] =	ssyncadd.s32 $0xFFFFC000  }
0x7b: {  	[spmem:s16] =	stream.indirect.scatter.add.f32 [tilespmem:s12], [sflag:$0x3], $0x80, s28, s11, $0xb8;
	[tilespmem:$0x1E800] =	vst v63  }
0x7c: {  	_ =	swait.ge [sflag:s9], $0x4000  }
0x7d: {  	s23 =	simm.s32 $0x100;
	s24 =	simm.s32 $0x800;
	[sflag:s9] =	ssyncset.done $0x0  }
.LBB2_4:
0x7e: {  	s25 =	sadd.s32 $0x80, s23  }
0x7f: {  	[sflag:s9] =	ssyncadd.s32 $0xFFFFC000;
	s26 =	smov.u32 s24;
	s28 =	sadd.s32 $0x400, s24  }
0x80: {  	[tilespmem:s12], [sflag:$0x2] =	stream.indirect.gather [hbm4b:s14+s11], $0x80, s25, s11, $0xb8;
	[tilespmem:$0x1E800] =	vst v63  }
0x81: {  	p0 =	sne.s32 s24, $0x4800;
	_ =	swait.ge [sflag:s13], $0x4000  }
0x82: {  	[sflag:s13] =	ssyncset.done $0x0  }
0x83: {  	s24 =	sadd.s32 $0x1400, s23;
	[sflag:s13] =	ssyncadd.s32 $0xFFFFC000  }
0x84: {  	[spmem:s16] =	stream.indirect.scatter.add.f32 [tilespmem:s8], [sflag:$0x3], $0x80, s24, s11, $0xb8;
	[tilespmem:$0x1E800] =	vst v63  }
0x85: {  	_ =	swait.ge [sflag:s9], $0x4000  }
0x86: {  	[sflag:s9] =	ssyncset.done $0x0  }
0x87: {  	s24 =	sadd.s32 $0x100, s23;
	[sflag:s9] =	ssyncadd.s32 $0xFFFFC000  }
0x88: {  	[tilespmem:s8], [sflag:$0x1] =	stream.indirect.gather [hbm4b:s14+s11], $0x80, s24, s11, $0xb8;
	[tilespmem:$0x1E800] =	vst v63  }
0x89: {  	_ =	swait.ge [sflag:s17], $0x4000  }
.Ltmp1:
0x8a: {  	[sflag:s17] =	ssyncset.done $0x0;
	(pc) =	sbr.rel @p0 .LBB2_4-.Ltmp1, $4  }
0x8b: {  	s23 =	sadd.s32 $0x1480, s23;
	[sflag:s17] =	ssyncadd.s32 $0xFFFFC000  }
0x8c: {  	[spmem:s16] =	stream.indirect.scatter.add.f32 [tilespmem:s12], [sflag:$0x3], $0x80, s23, s11, $0xb8;
	[tilespmem:$0x1E800] =	vst v63  }
0x8d: {  	_ =	swait.ge [sflag:s9], $0x4000  }
0x8e: {  	s24 =	smov.u32 s28;
	s23 =	sshra.s32 s26, $0x2;
	[sflag:s9] =	ssyncset.done $0x0  }
0x8f: {  	s24 =	sadd.s32 $0x80, s23;
	[sflag:s9] =	ssyncadd.s32 $0xFFFFC000  }
0x90: {  	[tilespmem:s12], [sflag:$0x2] =	stream.indirect.gather [hbm4b:s14+s11], $0x80, s24, s11, $0xb8;
	[tilespmem:$0x1E800] =	vst v63  }
0x91: {  	_ =	swait.ge [sflag:s13], $0x4000  }
0x92: {  	[sflag:s13] =	ssyncset.done $0x0  }
0x93: {  	s26 =	sadd.s32 $0x1400, s23;
	[sflag:s13] =	ssyncadd.s32 $0xFFFFC000  }
0x94: {  	[spmem:s16] =	stream.indirect.scatter.add.f32 [tilespmem:s8], [sflag:$0x3], $0x80, s26, s11, $0xb8;
	[tilespmem:$0x1E800] =	vst v63  }
0x95: {  	_ =	swait.ge [sflag:s9], $0x4000  }
0x96: {  	[sflag:s9] =	ssyncset.done $0x0  }
0x97: {  	s28 =	sadd.s32 $0x100, s23;
	[sflag:s9] =	ssyncadd.s32 $0xFFFFC000  }
0x98: {  	[tilespmem:s8], [sflag:$0x1] =	stream.indirect.gather [hbm4b:s14+s11], $0x80, s28, s11, $0xb8;
	[tilespmem:$0x1E800] =	vst v63  }
0x99: {  	_ =	swait.ge [sflag:s17], $0x4000  }
0x9a: {  	[sflag:s17] =	ssyncset.done $0x0  }
0x9b: {  	s24 =	sadd.s32 $0x1480, s23;
	[sflag:s17] =	ssyncadd.s32 $0xFFFFC000  }
0x9c: {  	[spmem:s16] =	stream.indirect.scatter.add.f32 [tilespmem:s12], [sflag:$0x3], $0x80, s24, s11, $0xb8;
	[tilespmem:$0x1E800] =	vst v63  }
0x9d: {  	_ =	swait.ge [sflag:s9], $0x4000  }
0x9e: {  	[sflag:s9] =	ssyncset.done $0x0  }
0x9f: {  	[sflag:s9] =	ssyncadd.s32 $0xFFFFC000  }
0xa0: {  	[tilespmem:s12], [sflag:$0x2] =	stream.indirect.gather [hbm4b:s14+s11], $0x80, s18, s11, $0xb8;
	[tilespmem:$0x1E800] =	vst v63  }
0xa1: {  	_ =	swait.ge [sflag:s13], $0x4000  }
0xa2: {  	[sflag:s13] =	ssyncset.done $0x0  }
0xa3: {  	[sflag:s13] =	ssyncadd.s32 $0xFFFFC000  }
0xa4: {  	[spmem:s16] =	stream.indirect.scatter.add.f32 [tilespmem:s8], [sflag:$0x3], $0x80, s20, s11, $0xb8;
	[tilespmem:$0x1E800] =	vst v63  }
0xa5: {  	_ =	swait.ge [sflag:s9], $0x4000  }
0xa6: {  	[sflag:s9] =	ssyncset.done $0x0  }
0xa7: {  	[sflag:s9] =	ssyncadd.s32 $0xFFFFC000  }
0xa8: {  	_ =	swait.ge [sflag:s17], $0x4000  }
0xa9: {  	[sflag:s17] =	ssyncset.done $0x0  }
0xaa: {  	[sflag:s17] =	ssyncadd.s32 $0xFFFFC000  }
0xab: {  	[spmem:s16] =	stream.indirect.scatter.add.f32 [tilespmem:s12], [sflag:$0x3], $0x80, s21, s11, $0xb8;
	[tilespmem:$0x1E800] =	vst v63  }
0xac: {  	_ =	swait.ge [sflag:s9], $0x4000  }
0xad: {  	[sflag:s9] =	ssyncset.done $0x0  }
0xae: {  	s25 =	simm.s32 $0x0;
	s26 =	rddreg [dreg:$0x7];
	[sflag:s9] =	ssyncadd.s32 $0xFFFFC000  }
0xaf: {  	[tilespmem:s25], [sflag:$0x3] =	stream.linear.gather [hbm4b:s26+s25], $0x1400, $0x38;
	[tilespmem:$0x1E800] =	vst v63  }
0xb0: {  	_ =	swait.ge [sflag:s9], $0x1400  }
0xb1: {  	[sflag:s9] =	ssyncset.done $0x0  }
0xb2: {  	s28 =	rddreg [dreg:$0x8];
	[sflag:s9] =	ssyncadd.s32 $0xFFFFEC00  }
0xb3: {  	[tilespmem:s10], [sflag:$0x3] =	stream.linear.gather [hbm4b:s28+s25], $0x1400, $0x38;
	[tilespmem:$0x1E800] =	vst v63  }
0xb4: {  	_ =	swait.ge [sflag:s9], $0x1400  }
0xb5: {  	[sflag:s9] =	ssyncset.done $0x0  }
0xb6: {  	[sflag:s9] =	ssyncadd.s32 $0xFFFFEC00  }
0xb7: {  	[tilespmem:s8], [sflag:$0x1] =	stream.indirect.gather [hbm4b:s14+s11], $0x80, s25, s11, $0xb8;
	[tilespmem:$0x1E800] =	vst v63  }
0xb8: {  	s24 =	simm.s32 $0x80  }
0xb9: {  	[tilespmem:s12], [sflag:$0x2] =	stream.indirect.gather [hbm4b:s14+s11], $0x80, s24, s11, $0xb8;
	[tilespmem:$0x1E800] =	vst v63  }
0xba: {  	_ =	swait.ge [sflag:s13], $0x4000  }
0xbb: {  	[sflag:s13] =	ssyncset.done $0x0  }
0xbc: {  	s25 =	simm.s32 $0x1400;
	[sflag:s13] =	ssyncadd.s32 $0xFFFFC000  }
0xbd: {  	[spmem:s16] =	stream.indirect.scatter.add.f32 [tilespmem:s8], [sflag:$0x3], $0x80, s25, s11, $0xb8;
	[tilespmem:$0x1E800] =	vst v63  }
0xbe: {  	_ =	swait.ge [sflag:s9], $0x4000  }
0xbf: {  	[sflag:s9] =	ssyncset.done $0x0  }
0xc0: {  	s26 =	simm.s32 $0x100;
	[sflag:s9] =	ssyncadd.s32 $0xFFFFC000  }
0xc1: {  	[tilespmem:s8], [sflag:$0x1] =	stream.indirect.gather [hbm4b:s14+s11], $0x80, s26, s11, $0xb8;
	[tilespmem:$0x1E800] =	vst v63  }
0xc2: {  	_ =	swait.ge [sflag:s17], $0x4000  }
0xc3: {  	[sflag:s17] =	ssyncset.done $0x0  }
0xc4: {  	s28 =	simm.s32 $0x1480;
	[sflag:s17] =	ssyncadd.s32 $0xFFFFC000  }
0xc5: {  	[spmem:s16] =	stream.indirect.scatter.add.f32 [tilespmem:s12], [sflag:$0x3], $0x80, s28, s11, $0xb8;
	[tilespmem:$0x1E800] =	vst v63  }
0xc6: {  	_ =	swait.ge [sflag:s9], $0x4000  }
0xc7: {  	s23 =	simm.s32 $0x100;
	s24 =	simm.s32 $0x800;
	[sflag:s9] =	ssyncset.done $0x0  }
.LBB2_6:
0xc8: {  	s25 =	sadd.s32 $0x80, s23  }
0xc9: {  	[sflag:s9] =	ssyncadd.s32 $0xFFFFC000;
	s26 =	smov.u32 s24;
	s28 =	sadd.s32 $0x400, s24  }
0xca: {  	[tilespmem:s12], [sflag:$0x2] =	stream.indirect.gather [hbm4b:s14+s11], $0x80, s25, s11, $0xb8;
	[tilespmem:$0x1E800] =	vst v63  }
0xcb: {  	p0 =	sne.s32 s24, $0x4800;
	_ =	swait.ge [sflag:s13], $0x4000  }
0xcc: {  	[sflag:s13] =	ssyncset.done $0x0  }
0xcd: {  	s24 =	sadd.s32 $0x1400, s23;
	[sflag:s13] =	ssyncadd.s32 $0xFFFFC000  }
0xce: {  	[spmem:s16] =	stream.indirect.scatter.add.f32 [tilespmem:s8], [sflag:$0x3], $0x80, s24, s11, $0xb8;
	[tilespmem:$0x1E800] =	vst v63  }
0xcf: {  	_ =	swait.ge [sflag:s9], $0x4000  }
0xd0: {  	[sflag:s9] =	ssyncset.done $0x0  }
0xd1: {  	s24 =	sadd.s32 $0x100, s23;
	[sflag:s9] =	ssyncadd.s32 $0xFFFFC000  }
0xd2: {  	[tilespmem:s8], [sflag:$0x1] =	stream.indirect.gather [hbm4b:s14+s11], $0x80, s24, s11, $0xb8;
	[tilespmem:$0x1E800] =	vst v63  }
0xd3: {  	_ =	swait.ge [sflag:s17], $0x4000  }
.Ltmp2:
0xd4: {  	[sflag:s17] =	ssyncset.done $0x0;
	(pc) =	sbr.rel @p0 .LBB2_6-.Ltmp2, $4  }
0xd5: {  	s23 =	sadd.s32 $0x1480, s23;
	[sflag:s17] =	ssyncadd.s32 $0xFFFFC000  }
0xd6: {  	[spmem:s16] =	stream.indirect.scatter.add.f32 [tilespmem:s12], [sflag:$0x3], $0x80, s23, s11, $0xb8;
	[tilespmem:$0x1E800] =	vst v63  }
0xd7: {  	_ =	swait.ge [sflag:s9], $0x4000  }
0xd8: {  	s24 =	smov.u32 s28;
	s23 =	sshra.s32 s26, $0x2;
	[sflag:s9] =	ssyncset.done $0x0  }
0xd9: {  	s24 =	sadd.s32 $0x80, s23;
	[sflag:s9] =	ssyncadd.s32 $0xFFFFC000  }
0xda: {  	[tilespmem:s12], [sflag:$0x2] =	stream.indirect.gather [hbm4b:s14+s11], $0x80, s24, s11, $0xb8;
	[tilespmem:$0x1E800] =	vst v63  }
0xdb: {  	_ =	swait.ge [sflag:s13], $0x4000  }
0xdc: {  	[sflag:s13] =	ssyncset.done $0x0  }
0xdd: {  	s26 =	sadd.s32 $0x1400, s23;
	[sflag:s13] =	ssyncadd.s32 $0xFFFFC000  }
0xde: {  	[spmem:s16] =	stream.indirect.scatter.add.f32 [tilespmem:s8], [sflag:$0x3], $0x80, s26, s11, $0xb8;
	[tilespmem:$0x1E800] =	vst v63  }
0xdf: {  	_ =	swait.ge [sflag:s9], $0x4000  }
0xe0: {  	[sflag:s9] =	ssyncset.done $0x0  }
0xe1: {  	s28 =	sadd.s32 $0x100, s23;
	[sflag:s9] =	ssyncadd.s32 $0xFFFFC000  }
0xe2: {  	[tilespmem:s8], [sflag:$0x1] =	stream.indirect.gather [hbm4b:s14+s11], $0x80, s28, s11, $0xb8;
	[tilespmem:$0x1E800] =	vst v63  }
0xe3: {  	_ =	swait.ge [sflag:s17], $0x4000  }
0xe4: {  	[sflag:s17] =	ssyncset.done $0x0  }
0xe5: {  	s25 =	sadd.s32 $0x1480, s23;
	[sflag:s17] =	ssyncadd.s32 $0xFFFFC000  }
0xe6: {  	[spmem:s16] =	stream.indirect.scatter.add.f32 [tilespmem:s12], [sflag:$0x3], $0x80, s25, s11, $0xb8;
	[tilespmem:$0x1E800] =	vst v63  }
0xe7: {  	_ =	swait.ge [sflag:s9], $0x4000  }
0xe8: {  	[sflag:s9] =	ssyncset.done $0x0  }
0xe9: {  	[sflag:s9] =	ssyncadd.s32 $0xFFFFC000  }
0xea: {  	[tilespmem:s12], [sflag:$0x2] =	stream.indirect.gather [hbm4b:s14+s11], $0x80, s18, s11, $0xb8;
	[tilespmem:$0x1E800] =	vst v63  }
0xeb: {  	_ =	swait.ge [sflag:s13], $0x4000  }
0xec: {  	[sflag:s13] =	ssyncset.done $0x0  }
0xed: {  	[sflag:s13] =	ssyncadd.s32 $0xFFFFC000  }
0xee: {  	[spmem:s16] =	stream.indirect.scatter.add.f32 [tilespmem:s8], [sflag:$0x3], $0x80, s20, s11, $0xb8;
	[tilespmem:$0x1E800] =	vst v63  }
0xef: {  	_ =	swait.ge [sflag:s9], $0x4000  }
0xf0: {  	[sflag:s9] =	ssyncset.done $0x0  }
0xf1: {  	[sflag:s9] =	ssyncadd.s32 $0xFFFFC000  }
0xf2: {  	_ =	swait.ge [sflag:s17], $0x4000  }
0xf3: {  	[sflag:s17] =	ssyncset.done $0x0  }
0xf4: {  	[sflag:s17] =	ssyncadd.s32 $0xFFFFC000  }
0xf5: {  	[spmem:s16] =	stream.indirect.scatter.add.f32 [tilespmem:s12], [sflag:$0x3], $0x80, s21, s11, $0xb8;
	[tilespmem:$0x1E800] =	vst v63  }
0xf6: {  	_ =	swait.ge [sflag:s9], $0x4000  }
0xf7: {  	[sflag:s9] =	ssyncset.done $0x0  }
0xf8: {  	[sflag:s9] =	ssyncadd.s32 $0xFFFFC000  }
0xf9: {  	[bflag:$0x0] =	sbarrier.arrive $0xFFFF  }
0xfa: {  	[tilespmem:s8], [sflag:$0x3] =	stream.linear.gather [spmem:s19], $0x2000, $0x38;
	[tilespmem:$0x1E800] =	vst v63  }
0xfb: {  	_ =	swait.ge [sflag:s9], $0x2000  }
0xfc: {  	[sflag:s9] =	ssyncset.done $0x0  }
0xfd: {  	s26 =	rddreg [dreg:$0x9];
	[sflag:s9] =	ssyncadd.s32 $0xFFFFE000  }
0xfe: {  	[hbm4b:s26+s1] =	stream.linear.scatter [tilespmem:s8], [sflag:$0x3], $0x2000, $0x38;
	[tilespmem:$0x1E800] =	vst v63  }
0xff: {  	_ =	swait.ge [sflag:s9], $0x2000  }
0x100: {  	[sflag:s9] =	ssyncset.done $0x0  }
0x101: {  	s28 =	rddreg [dreg:$0x14];
	[sflag:s9] =	ssyncadd.s32 $0xFFFFE000  }
0x102: {  	[tilespmem:s8], [sflag:$0x3] =	stream.linear.gather [spmem:s28], $0x2000, $0x38;
	[tilespmem:$0x1E800] =	vst v63  }
0x103: {  	_ =	swait.ge [sflag:s9], $0x2000  }
0x104: {  	[sflag:s9] =	ssyncset.done $0x0  }
0x105: {  	s24 =	rddreg [dreg:$0xa];
	[sflag:s9] =	ssyncadd.s32 $0xFFFFE000  }
0x106: {  	[hbm4b:s24+s1] =	stream.linear.scatter [tilespmem:s8], [sflag:$0x3], $0x2000, $0x38;
	[tilespmem:$0x1E800] =	vst v63  }
0x107: {  	_ =	swait.ge [sflag:s9], $0x2000  }
0x108: {  	[sflag:s9] =	ssyncset.done $0x0  }
0x109: {  	s25 =	rddreg [dreg:$0x15];
	[sflag:s9] =	ssyncadd.s32 $0xFFFFE000  }
0x10a: {  	[tilespmem:s8], [sflag:$0x3] =	stream.linear.gather [spmem:s25], $0x2000, $0x38;
	[tilespmem:$0x1E800] =	vst v63  }
0x10b: {  	_ =	swait.ge [sflag:s9], $0x2000  }
0x10c: {  	[sflag:s9] =	ssyncset.done $0x0  }
0x10d: {  	s26 =	rddreg [dreg:$0xb];
	[sflag:s9] =	ssyncadd.s32 $0xFFFFE000  }
0x10e: {  	[hbm4b:s26+s1] =	stream.linear.scatter [tilespmem:s8], [sflag:$0x3], $0x2000, $0x38;
	[tilespmem:$0x1E800] =	vst v63  }
0x10f: {  	_ =	swait.ge [sflag:s9], $0x2000  }
0x110: {  	[sflag:s9] =	ssyncset.done $0x0  }
0x111: {  	s28 =	rddreg [dreg:$0x16];
	[sflag:s9] =	ssyncadd.s32 $0xFFFFE000  }
0x112: {  	[tilespmem:s8], [sflag:$0x3] =	stream.linear.gather [spmem:s28], $0x2000, $0x38;
	[tilespmem:$0x1E800] =	vst v63  }
0x113: {  	_ =	swait.ge [sflag:s9], $0x2000  }
0x114: {  	[sflag:s9] =	ssyncset.done $0x0  }
0x115: {  	s24 =	rddreg [dreg:$0xc];
	[sflag:s9] =	ssyncadd.s32 $0xFFFFE000  }
0x116: {  	[hbm4b:s24+s1] =	stream.linear.scatter [tilespmem:s8], [sflag:$0x3], $0x2000, $0x38;
	[tilespmem:$0x1E800] =	vst v63  }
0x117: {  	_ =	swait.ge [sflag:s9], $0x2000  }
0x118: {  	[sflag:s9] =	ssyncset.done $0x0  }
0x119: {  	s25 =	rddreg [dreg:$0x17];
	[sflag:s9] =	ssyncadd.s32 $0xFFFFE000  }
0x11a: {  	[tilespmem:s8], [sflag:$0x3] =	stream.linear.gather [spmem:s25], $0x2000, $0x38;
	[tilespmem:$0x1E800] =	vst v63  }
0x11b: {  	_ =	swait.ge [sflag:s9], $0x2000  }
0x11c: {  	[sflag:s9] =	ssyncset.done $0x0  }
0x11d: {  	s26 =	rddreg [dreg:$0xd];
	[sflag:s9] =	ssyncadd.s32 $0xFFFFE000  }
0x11e: {  	[hbm4b:s26+s1] =	stream.linear.scatter [tilespmem:s8], [sflag:$0x3], $0x2000, $0x38;
	[tilespmem:$0x1E800] =	vst v63  }
0x11f: {  	_ =	swait.ge [sflag:s9], $0x2000  }
0x120: {  	[sflag:s9] =	ssyncset.done $0x0  }
0x121: {  	s28 =	rddreg [dreg:$0x18];
	[sflag:s9] =	ssyncadd.s32 $0xFFFFE000  }
0x122: {  	[tilespmem:s8], [sflag:$0x3] =	stream.linear.gather [spmem:s28], $0x2000, $0x38;
	[tilespmem:$0x1E800] =	vst v63  }
0x123: {  	_ =	swait.ge [sflag:s9], $0x2000  }
0x124: {  	[sflag:s9] =	ssyncset.done $0x0  }
0x125: {  	s24 =	rddreg [dreg:$0xe];
	[sflag:s9] =	ssyncadd.s32 $0xFFFFE000  }
0x126: {  	[hbm4b:s24+s1] =	stream.linear.scatter [tilespmem:s8], [sflag:$0x3], $0x2000, $0x38;
	[tilespmem:$0x1E800] =	vst v63  }
0x127: {  	_ =	swait.ge [sflag:s9], $0x2000  }
0x128: {  	[sflag:s9] =	ssyncset.done $0x0  }
0x129: {  	s25 =	rddreg [dreg:$0x19];
	[sflag:s9] =	ssyncadd.s32 $0xFFFFE000  }
0x12a: {  	[tilespmem:s8], [sflag:$0x3] =	stream.linear.gather [spmem:s25], $0x2000, $0x38;
	[tilespmem:$0x1E800] =	vst v63  }
0x12b: {  	_ =	swait.ge [sflag:s9], $0x2000  }
0x12c: {  	[sflag:s9] =	ssyncset.done $0x0  }
0x12d: {  	s26 =	rddreg [dreg:$0xf];
	[sflag:s9] =	ssyncadd.s32 $0xFFFFE000  }
0x12e: {  	[hbm4b:s26+s1] =	stream.linear.scatter [tilespmem:s8], [sflag:$0x3], $0x2000, $0x38;
	[tilespmem:$0x1E800] =	vst v63  }
0x12f: {  	_ =	swait.ge [sflag:s9], $0x2000  }
0x130: {  	[sflag:s9] =	ssyncset.done $0x0  }
0x131: {  	s28 =	rddreg [dreg:$0x1a];
	[sflag:s9] =	ssyncadd.s32 $0xFFFFE000  }
0x132: {  	[tilespmem:s8], [sflag:$0x3] =	stream.linear.gather [spmem:s28], $0x2000, $0x38;
	[tilespmem:$0x1E800] =	vst v63  }
0x133: {  	_ =	swait.ge [sflag:s9], $0x2000  }
0x134: {  	[sflag:s9] =	ssyncset.done $0x0  }
0x135: {  	s24 =	rddreg [dreg:$0x10];
	[sflag:s9] =	ssyncadd.s32 $0xFFFFE000  }
0x136: {  	[hbm4b:s24+s1] =	stream.linear.scatter [tilespmem:s8], [sflag:$0x3], $0x2000, $0x38;
	[tilespmem:$0x1E800] =	vst v63  }
0x137: {  	_ =	swait.ge [sflag:s9], $0x2000  }
0x138: {  	[sflag:s9] =	ssyncset.done $0x0  }
0x139: {  	[sflag:s9] =	ssyncadd.s32 $0xFFFFE000  }
0x13a: {  	[tilespmem:s8], [sflag:$0x3] =	stream.linear.gather [spmem:s29], $0x2000, $0x38;
	[tilespmem:$0x1E800] =	vst v63  }
0x13b: {  	_ =	swait.ge [sflag:s9], $0x2000  }
0x13c: {  	[sflag:s9] =	ssyncset.done $0x0  }
0x13d: {  	s25 =	rddreg [dreg:$0x11];
	[sflag:s9] =	ssyncadd.s32 $0xFFFFE000  }
0x13e: {  	[hbm4b:s25+s1] =	stream.linear.scatter [tilespmem:s8], [sflag:$0x3], $0x2000, $0x38;
	[tilespmem:$0x1E800] =	vst v63  }
0x13f: {  	_ =	swait.ge [sflag:s9], $0x2000  }
0x140: {  	[sflag:s9] =	ssyncset.done $0x0  }
0x141: {  	[sflag:s9] =	ssyncadd.s32 $0xFFFFE000  }
0x142: {  	[tilespmem:s8], [sflag:$0x3] =	stream.linear.gather [spmem:s30], $0x2000, $0x38;
	[tilespmem:$0x1E800] =	vst v63  }
0x143: {  	_ =	swait.ge [sflag:s9], $0x2000  }
0x144: {  	[sflag:s9] =	ssyncset.done $0x0  }
0x145: {  	s26 =	rddreg [dreg:$0x12];
	[sflag:s9] =	ssyncadd.s32 $0xFFFFE000  }
0x146: {  	[hbm4b:s26+s1] =	stream.linear.scatter [tilespmem:s8], [sflag:$0x3], $0x2000, $0x38;
	[tilespmem:$0x1E800] =	vst v63  }
0x147: {  	_ =	swait.ge [sflag:s9], $0x2000  }
0x148: {  	s22 =	sadd.s32 $0x1, s22;
	s28 =	rddreg [dreg:$0x13]  }
0x149: {  	p0 =	sne.s32 s22, s28  }
.Ltmp3:
0x14a: {  	_ = 	snop;
	(pc) =	sbr.rel @p0 .LBB2_1-.Ltmp3, $3  }
0x14b: {  	_ =	sdelay $0x1  }
0x14c: {  	[sflag:s9] =	ssyncset.done $0x0  }
0x14d: {  	[sflag:s9] =	ssyncadd.s32 $0xFFFFE000  }
0x14e: {  	_ =	sfence.sel $0x180000  }
0x14f: {  	[bflag:$0x0] =	sbarrier.arrive $0xFFFF  }
0x150: {  	_ =	strace $0x90000053  }
0x151: {  	s0 =	stileid.u32;
	[bflag:$0x2] =	sbarrier.arrive $0xFFFF  }
0x152: {  	p0 =	sne.s32 s0, $0x0;
	s0 =	rddreg [dreg:$0x4]  }
0x153: {  	s0 =	sadd.s32 @!p0 $0x100000, s0  }
0x154: {  	[sflag:s0] =	ssyncadd.tile.s32 @!p0 $0x1;
	_ =	shalt  }
.Lfunc_end2:
_tile_overlayer_lowered:
.L_overlay_start_2:
0x155: {  	(tag) =	ssettag $0x2  }
0x156: {  	s0 =	rddreg [dreg:$0x0];
	s2 =	stileid.u32  }
0x157: {  	s1 =	rddreg [dreg:$0x1];
	p0 =	sne.s32 s2, $0x0  }
0x158: {  	s3 =	rddreg [dreg:$0x2];
	[bflag:$0x3] =	sbarrier.arrive $0xFFFF;
	s2 =	simm.s32 @!p0 $0x1C03  }
0x159: {  	[timem:s3], [sflag:s2] =	dma.local @!p0 [hbm:s0], s1  }
0x15a: {  	s0 =	simm.s32 @!p0 $0x3  }
0x15b: {  	_ =	swait.ge @!p0 [sflag:s0], s1  }
0x15c: {  	s1 =	ssub.s32 @!p0 $0x0, s1;
	[sflag:s0] =	ssyncset.done @!p0 $0x0  }
0x15d: {  	[sflag:s0] =	ssyncadd.s32 @!p0 s1  }
0x15e: {  	[bflag:$0x3] =	sbarrier.arrive $0xFFFF  }
0x15f: {  	_ =	shalt  }

</sc_bundles>
